<compile_context>
chip_gen: v7x
topology: tpu7x:2x2x1
jax: 0.10.2.dev20260603
libtpu: 0.0.44.dev20260713+nightly
codegen_flags: <defaults>
</compile_context>

<pallas_src>
import jax
import jax.numpy as jnp
from jax import lax
from jax.experimental import pallas as pl
from jax.experimental.pallas import tpu as pltpu
from jax.experimental.pallas import tpu_sc as plsc

N_FEAT = 1000000
N_DIM = 16
BATCH = 16384

_info = plsc.get_sparse_core_info()
_NC, _NS, _NL = _info.num_cores, _info.num_subcores, _info.num_lanes
_NW = _NC * _NS
_BPW = BATCH // _NW
_HG = 4
_NH = _BPW // _HG
_NSET = 6
_LAG = 4
_SETW = _HG * 128


def _sc_body(idx_hbm, mu_hbm, lv_hbm, bias_hbm, eps_hbm,
             bias_out, vec_out,
             idx_v, idx_pad, eps_v, vec_v, mu_buf, lv_buf, bias_v,
             sem_b, sem_mu0, sem_mu1, sem_mu2, sem_mu3, sem_mu4, sem_mu5,
             sem_lv0, sem_lv1, sem_lv2, sem_lv3, sem_lv4, sem_lv5):
    sems_mu = (sem_mu0, sem_mu1, sem_mu2, sem_mu3, sem_mu4, sem_mu5)
    sems_lv = (sem_lv0, sem_lv1, sem_lv2, sem_lv3, sem_lv4, sem_lv5)
    wid = lax.axis_index("s") * _NC + lax.axis_index("c")
    base = pl.multiple_of(wid * _BPW, _BPW)
    pltpu.sync_copy(idx_hbm.at[pl.ds(base, _BPW)], idx_v)
    pltpu.sync_copy(idx_hbm.at[pl.ds(base, _BPW)], idx_pad.at[pl.ds(0, _BPW)])
    idx_pad[pl.ds(_BPW, _NL)] = jnp.zeros((_NL,), jnp.int32)
    cp_b = pltpu.async_copy(bias_hbm.at[idx_v], bias_v, sem_b)
    pltpu.sync_copy(eps_hbm.at[:, pl.ds(base, _BPW)], eps_v)

    iota = lax.iota(jnp.int32, _NL)

    def issue(h, p):
        off = p * _SETW
        ivec = idx_pad[pl.ds(h * _HG, _NL)]
        for j in range(_HG):
            col = ivec[j]
            col_al = pl.multiple_of((col // 128) * 128, 128)
            pltpu.async_copy(mu_hbm.at[:, pl.ds(col_al, 128)],
                             mu_buf.at[:, pl.ds(off + j * 128, 128)],
                             sems_mu[p])
            pltpu.async_copy(lv_hbm.at[:, pl.ds(col_al, 128)],
                             lv_buf.at[:, pl.ds(off + j * 128, 128)],
                             sems_lv[p])

    def extract(h, p):
        off = p * _SETW
        pltpu.make_async_copy(mu_hbm.at[:, pl.ds(0, _SETW)],
                              mu_buf.at[:, pl.ds(off, _SETW)],
                              sems_mu[p]).wait()
        pltpu.make_async_copy(lv_hbm.at[:, pl.ds(0, _SETW)],
                              lv_buf.at[:, pl.ds(off, _SETW)],
                              sems_lv[p]).wait()
        ivec = idx_pad[pl.ds(h * _HG, _NL)]
        for j in range(_HG):
            pos_s = h * _HG + j
            col = ivec[j]
            rem = col - (col // 128) * 128
            cidx = jnp.full((_NL,), off + j * 128, jnp.int32) + rem
            mu_col = plsc.load_gather(mu_buf, [iota, cidx])
            lv_col = plsc.load_gather(lv_buf, [iota, cidx])
            pos = jnp.full((_NL,), pos_s, jnp.int32)
            eps_col = plsc.load_gather(eps_v, [iota, pos])
            val = eps_col * jnp.exp(lv_col * 0.5) + mu_col
            plsc.store_scatter(vec_v, [iota, pos], val)

    def step(u, carry):
        for p in range(_NSET):
            h = u * _NSET + p

            @pl.when(h < _NH)
            def _():
                issue(h, p)

            he = h - _LAG
            pe = (p + _NSET - _LAG) % _NSET

            @pl.when(jnp.logical_and(he >= 0, he < _NH))
            def _():
                extract(he, pe)
        return carry

    lax.fori_loop(0, (_NH + _LAG + _NSET - 1) // _NSET, step, 0)
    pltpu.sync_copy(vec_v, vec_out.at[:, pl.ds(base, _BPW)])
    cp_b.wait()
    pltpu.sync_copy(bias_v, bias_out.at[pl.ds(base, _BPW)])


def kernel(index, mu_w, lv_w, bias_w, eps):
    idx = index.astype(jnp.int32)
    f = pl.kernel(
        _sc_body,
        out_type=(
            jax.ShapeDtypeStruct((BATCH,), jnp.float32),
            jax.ShapeDtypeStruct((N_DIM, BATCH), jnp.float32),
        ),
        mesh=plsc.VectorSubcoreMesh(core_axis_name="c", subcore_axis_name="s"),
        compiler_params=pltpu.CompilerParams(
            needs_layout_passes=False, skip_device_barrier=True),
        scratch_types=[
            pltpu.VMEM((_BPW,), jnp.int32),
            pltpu.VMEM((_BPW + _NL,), jnp.int32),
            pltpu.VMEM((N_DIM, _BPW), jnp.float32),
            pltpu.VMEM((N_DIM, _BPW), jnp.float32),
            pltpu.VMEM((N_DIM, _NSET * _SETW), jnp.float32),
            pltpu.VMEM((N_DIM, _NSET * _SETW), jnp.float32),
            pltpu.VMEM((_BPW,), jnp.float32),
        ] + [pltpu.SemaphoreType.DMA] * 13,
    )
    bias, vec_t = f(idx, mu_w.T, lv_w.T, bias_w.reshape(N_FEAT), eps.T)
    return bias, vec_t.T

# --- scband reference (transcript-rebuilt; emitter-appended) ---
"""Pipeline reference for scband-variational-biased-embedding-32014686224538 (READ-ONLY COPY).

The authoritative reference and input builder live on the scoring server;
editing this copy changes nothing except your own understanding.
"""

import jax, jax.numpy as jnp
import numpy as np

N_FEAT = 1000000
N_DIM = 16
BATCH = 16384


def setup_inputs(seed: int = 0) -> dict:
    key = jax.random.key(seed)
    k_idx, k_mu, k_lv, k_b, k_eps = jax.random.split(key, 5)
    index = jax.random.randint(k_idx, (BATCH,), 0, N_FEAT, dtype=jnp.int64 if jax.config.jax_enable_x64 else jnp.int32)
    # xavier_normal init: std = sqrt(2 / (fan_in + fan_out))
    std_vec = np.sqrt(2.0 / (N_FEAT + N_DIM))
    std_b = np.sqrt(2.0 / (N_FEAT + 1))
    mu_w = jax.random.normal(k_mu, (N_FEAT, N_DIM), dtype=jnp.float32) * std_vec
    lv_w = jax.random.normal(k_lv, (N_FEAT, N_DIM), dtype=jnp.float32) * std_vec - 3.0
    bias_w = jax.random.normal(k_b, (N_FEAT, 1), dtype=jnp.float32) * std_b
    # eps is the reparameterization noise (torch draws it inside forward; we
    # materialize it here so the reference is deterministic)
    eps = jax.random.normal(k_eps, (BATCH, N_DIM), dtype=jnp.float32)
    return {"index": index, "mu_w": mu_w, "lv_w": lv_w, "bias_w": bias_w, "eps": eps}


def reference(index, mu_w, lv_w, bias_w, eps):
    mu = jnp.take(mu_w, index, axis=0)
    lv = jnp.take(lv_w, index, axis=0)
    # reparameterize: z = eps * exp(0.5 * logvar) + mu
    std = jnp.exp(lv * 0.5)
    vec = eps * std + mu
    bias = jnp.take(bias_w, index, axis=0)[:, 0]  # squeeze
    return (bias, vec)

if __name__ == "__main__":
    import jax
    _d = setup_inputs()
    print(jax.jit(kernel)(*tuple(_d.values())))

</pallas_src>

<mosaic_0001>
#map = affine_map<(d0, d1) -> (0)>
#map1 = affine_map<(d0, d1) -> (0, 0)>
module attributes {stable_mosaic.version = 14 : i64} {
  func.func @_sc_body(%arg0: i32, %arg1: i32, %arg2: memref<16384xi32, #tpu.memory_space<hbm>>, %arg3: memref<16x1000000xf32, #tpu.memory_space<hbm>>, %arg4: memref<16x1000000xf32, #tpu.memory_space<hbm>>, %arg5: memref<1000000xf32, #tpu.memory_space<hbm>>, %arg6: memref<16x16384xf32, #tpu.memory_space<hbm>>, %arg7: memref<16384xf32, #tpu.memory_space<hbm>>, %arg8: memref<16x16384xf32, #tpu.memory_space<hbm>>, %arg9: memref<512xi32, #tpu.memory_space<vmem>>, %arg10: memref<528xi32, #tpu.memory_space<vmem>>, %arg11: memref<16x512xf32, #tpu.memory_space<vmem>>, %arg12: memref<16x512xf32, #tpu.memory_space<vmem>>, %arg13: memref<16x3072xf32, #tpu.memory_space<vmem>>, %arg14: memref<16x3072xf32, #tpu.memory_space<vmem>>, %arg15: memref<512xf32, #tpu.memory_space<vmem>>, %arg16: memref<!tpu.dma_semaphore, #tpu.memory_space<semaphore_mem>>, %arg17: memref<!tpu.dma_semaphore, #tpu.memory_space<semaphore_mem>>, %arg18: memref<!tpu.dma_semaphore, #tpu.memory_space<semaphore_mem>>, %arg19: memref<!tpu.dma_semaphore, #tpu.memory_space<semaphore_mem>>, %arg20: memref<!tpu.dma_semaphore, #tpu.memory_space<semaphore_mem>>, %arg21: memref<!tpu.dma_semaphore, #tpu.memory_space<semaphore_mem>>, %arg22: memref<!tpu.dma_semaphore, #tpu.memory_space<semaphore_mem>>, %arg23: memref<!tpu.dma_semaphore, #tpu.memory_space<semaphore_mem>>, %arg24: memref<!tpu.dma_semaphore, #tpu.memory_space<semaphore_mem>>, %arg25: memref<!tpu.dma_semaphore, #tpu.memory_space<semaphore_mem>>, %arg26: memref<!tpu.dma_semaphore, #tpu.memory_space<semaphore_mem>>, %arg27: memref<!tpu.dma_semaphore, #tpu.memory_space<semaphore_mem>>, %arg28: memref<!tpu.dma_semaphore, #tpu.memory_space<semaphore_mem>>) attributes {dimension_semantics = [#tpu.dimension_semantics<core_parallel>, #tpu.dimension_semantics<subcore_parallel>], iteration_bounds = array<i64: 2, 16>, scalar_prefetch = 0 : i64, scratch_operands = 20 : i64, tpu.core_type = #tpu.core_type<sc_vector_subcore>, window_params = [{transform_indices = #map}, {transform_indices = #map1}, {transform_indices = #map1}, {transform_indices = #map}, {transform_indices = #map1}, {transform_indices = #map}, {transform_indices = #map1}]} {
    %mul3A = arith.constant 2 : i32
    %mul3A_0 = arith.muli %arg1, %mul3A : i32
    %add3A = arith.addi %mul3A_0, %arg0 : i32
    %mul3A_1 = arith.constant 512 : i32
    %mul3A_2 = arith.muli %add3A, %mul3A_1 : i32
    %multiple_of3A = tpu.assume_multiple %mul3A_2, 512 : i32
    "tpu.region"() ({
      %run_scoped3A = tpu.sem_alloc : memref<!tpu.dma_semaphore, #tpu.memory_space<semaphore_mem>>
      %dma_start3A_12 = tpu.memref_slice %arg2[%multiple_of3A] : memref<16384xi32, #tpu.memory_space<hbm>> -> memref<512xi32, #tpu.memory_space<hbm>>
      %dma_start3A_13 = tpu.memref_slice %arg2[%multiple_of3A] : memref<16384xi32, #tpu.memory_space<hbm>> -> memref<512xi32, #tpu.memory_space<hbm>>
      tpu.enqueue_dma source(%dma_start3A_13 : memref<512xi32, #tpu.memory_space<hbm>>) target(%arg9 : memref<512xi32, #tpu.memory_space<vmem>>) target_semaphore(%run_scoped3A : memref<!tpu.dma_semaphore, #tpu.memory_space<semaphore_mem>>)
      %dma_wait3A_14 = tpu.memref_slice %arg2[%multiple_of3A] : memref<16384xi32, #tpu.memory_space<hbm>> -> memref<512xi32, #tpu.memory_space<hbm>>
      %dma_wait3A_15 = tpu.memref_slice %arg2[%multiple_of3A] : memref<16384xi32, #tpu.memory_space<hbm>> -> memref<512xi32, #tpu.memory_space<hbm>>
      tpu.wait_dma2 semaphore(%run_scoped3A : memref<!tpu.dma_semaphore, #tpu.memory_space<semaphore_mem>>) src(%dma_wait3A_15 : memref<512xi32, #tpu.memory_space<hbm>>) dst(%arg9 : memref<512xi32, #tpu.memory_space<vmem>>)
      tpu.yield
    }) : () -> ()
    "tpu.region"() ({
      %run_scoped3A = tpu.sem_alloc : memref<!tpu.dma_semaphore, #tpu.memory_space<semaphore_mem>>
      %dma_start3A_12 = arith.constant 0 : i32
      %dma_start3A_13 = tpu.memref_slice %arg10[%dma_start3A_12] : memref<528xi32, #tpu.memory_space<vmem>> -> memref<512xi32, #tpu.memory_space<vmem>>
      %dma_start3A_14 = tpu.memref_slice %arg2[%multiple_of3A] : memref<16384xi32, #tpu.memory_space<hbm>> -> memref<512xi32, #tpu.memory_space<hbm>>
      %dma_start3A_15 = arith.constant 0 : i32
      %dma_start3A_16 = tpu.memref_slice %arg10[%dma_start3A_15] : memref<528xi32, #tpu.memory_space<vmem>> -> memref<512xi32, #tpu.memory_space<vmem>>
      %dma_start3A_17 = tpu.memref_slice %arg2[%multiple_of3A] : memref<16384xi32, #tpu.memory_space<hbm>> -> memref<512xi32, #tpu.memory_space<hbm>>
      tpu.enqueue_dma source(%dma_start3A_17 : memref<512xi32, #tpu.memory_space<hbm>>) target(%dma_start3A_16 : memref<512xi32, #tpu.memory_space<vmem>>) target_semaphore(%run_scoped3A : memref<!tpu.dma_semaphore, #tpu.memory_space<semaphore_mem>>)
      %dma_wait3A_18 = arith.constant 0 : i32
      %dma_wait3A_19 = tpu.memref_slice %arg10[%dma_wait3A_18] : memref<528xi32, #tpu.memory_space<vmem>> -> memref<512xi32, #tpu.memory_space<vmem>>
      %dma_wait3A_20 = tpu.memref_slice %arg2[%multiple_of3A] : memref<16384xi32, #tpu.memory_space<hbm>> -> memref<512xi32, #tpu.memory_space<hbm>>
      %dma_wait3A_21 = arith.constant 0 : i32
      %dma_wait3A_22 = tpu.memref_slice %arg10[%dma_wait3A_21] : memref<528xi32, #tpu.memory_space<vmem>> -> memref<512xi32, #tpu.memory_space<vmem>>
      %dma_wait3A_23 = tpu.memref_slice %arg2[%multiple_of3A] : memref<16384xi32, #tpu.memory_space<hbm>> -> memref<512xi32, #tpu.memory_space<hbm>>
      tpu.wait_dma2 semaphore(%run_scoped3A : memref<!tpu.dma_semaphore, #tpu.memory_space<semaphore_mem>>) src(%dma_wait3A_23 : memref<512xi32, #tpu.memory_space<hbm>>) dst(%dma_wait3A_22 : memref<512xi32, #tpu.memory_space<vmem>>)
      tpu.yield
    }) : () -> ()
    %broadcast_in_dim3A = arith.constant 0 : i32
    %broadcast_in_dim3A_3 = vector.broadcast %broadcast_in_dim3A : i32 to vector<16xi32>
    %swap3A = arith.constant 512 : index
    %swap3A_4 = tpu.vector_load %arg10[%swap3A] {strides = array<i32>} : memref<528xi32, #tpu.memory_space<vmem>>, vector<16xi32>,
    tpu.vector_store %arg10[%swap3A], %broadcast_in_dim3A_3 {strides = array<i32>} : memref<528xi32, #tpu.memory_space<vmem>>, vector<16xi32>,
    %dma_start3A = arith.constant 0 : i32
    %dma_start3A_5 = tpu.memref_slice %arg5[%dma_start3A] : memref<1000000xf32, #tpu.memory_space<hbm>> -> memref<1000000xf32, #tpu.memory_space<hbm>>
    tpu.enqueue_indirect_dma source(%dma_start3A_5 : memref<1000000xf32, #tpu.memory_space<hbm>>) target(%arg15 : memref<512xf32, #tpu.memory_space<vmem>>) offsets(%arg9 : memref<512xi32, #tpu.memory_space<vmem>>) semaphore(%arg16 : memref<!tpu.dma_semaphore, #tpu.memory_space<semaphore_mem>>)
    "tpu.region"() ({
      %run_scoped3A = tpu.sem_alloc : memref<!tpu.dma_semaphore, #tpu.memory_space<semaphore_mem>>
      %dma_start3A_12 = arith.constant 0 : i32
      %dma_start3A_13 = tpu.memref_slice %arg6[%dma_start3A_12, %multiple_of3A] : memref<16x16384xf32, #tpu.memory_space<hbm>> -> memref<16x512xf32, #tpu.memory_space<hbm>>
      %dma_start3A_14 = arith.constant 0 : i32
      %dma_start3A_15 = tpu.memref_slice %arg6[%dma_start3A_14, %multiple_of3A] : memref<16x16384xf32, #tpu.memory_space<hbm>> -> memref<16x512xf32, #tpu.memory_space<hbm>>
      tpu.enqueue_dma source(%dma_start3A_15 : memref<16x512xf32, #tpu.memory_space<hbm>>) target(%arg11 : memref<16x512xf32, #tpu.memory_space<vmem>>) target_semaphore(%run_scoped3A : memref<!tpu.dma_semaphore, #tpu.memory_space<semaphore_mem>>)
      %dma_wait3A_16 = arith.constant 0 : i32
      %dma_wait3A_17 = tpu.memref_slice %arg6[%dma_wait3A_16, %multiple_of3A] : memref<16x16384xf32, #tpu.memory_space<hbm>> -> memref<16x512xf32, #tpu.memory_space<hbm>>
      %dma_wait3A_18 = arith.constant 0 : i32
      %dma_wait3A_19 = tpu.memref_slice %arg6[%dma_wait3A_18, %multiple_of3A] : memref<16x16384xf32, #tpu.memory_space<hbm>> -> memref<16x512xf32, #tpu.memory_space<hbm>>
      tpu.wait_dma2 semaphore(%run_scoped3A : memref<!tpu.dma_semaphore, #tpu.memory_space<semaphore_mem>>) src(%dma_wait3A_19 : memref<16x512xf32, #tpu.memory_space<hbm>>) dst(%arg11 : memref<16x512xf32, #tpu.memory_space<vmem>>)
      tpu.yield
    }) : () -> ()
    %iota3A = tpu.iota {dimensions = array<i32: 0>} : vector<16xi32>
    %scan3A = arith.constant 0 : i32
    %scan3A_6 = arith.constant 0 : i32
    %scan3A_7 = arith.constant 22 : i32
    %scan3A_8 = arith.addi %scan3A_6, %scan3A_7 : i32
    %scan3A_9 = arith.constant 1 : i32
    scf.for %scan3A_12 = %scan3A_6 to %scan3A_8 step %scan3A_9  : i32 {
      %mul3A_13 = arith.constant 6 : i32
      %mul3A_14 = arith.muli %scan3A_12, %mul3A_13 : i32
      %add3A_15 = arith.constant 0 : i32
      %add3A_16 = arith.addi %mul3A_14, %add3A_15 : i32
      %lt3A = arith.constant 128 : i32
      %lt3A_17 = arith.cmpi slt, %add3A_16, %lt3A : i32
      %convert_element_type3A = arith.extui %lt3A_17 : i1 to i32
      %cond3A = arith.constant 0 : i32
      %cond3A_18 = arith.cmpi ne, %convert_element_type3A, %cond3A : i32
      scf.if %cond3A_18 {
        %mul3A_121 = arith.constant 4 : i32
        %mul3A_122 = arith.muli %add3A_16, %mul3A_121 : i32
        %get3A = arith.index_cast %mul3A_122 : i32 to index
        %get3A_123 = tpu.vector_load %arg10[%get3A] {strides = array<i32>} : memref<528xi32, #tpu.memory_space<vmem>>, vector<16xi32>,
        %slice3A = vector.extract_strided_slice %get3A_123 {offsets = [0], sizes = [1], strides = [1]} : vector<16xi32> to vector<1xi32>
        %squeeze3A = vector.extract %slice3A[0] : i32 from vector<1xi32>
        %jit3A = arith.constant 128 : i32
        %div3A = arith.divsi %squeeze3A, %jit3A : i32
        %sign3A = arith.constant 0 : i32
        %sign3A_124 = arith.cmpi sgt, %squeeze3A, %sign3A : i32
        %sign3A_125 = arith.extui %sign3A_124 : i1 to i32
        %sign3A_126 = arith.constant 0 : i32
        %sign3A_127 = arith.cmpi slt, %squeeze3A, %sign3A_126 : i32
        %sign3A_128 = arith.extui %sign3A_127 : i1 to i32
        %sign3A_129 = arith.subi %sign3A_125, %sign3A_128 : i32
        %sign3A_130 = arith.constant 0 : i32
        %sign3A_131 = arith.cmpi sgt, %jit3A, %sign3A_130 : i32
        %sign3A_132 = arith.extui %sign3A_131 : i1 to i32
        %sign3A_133 = arith.constant 0 : i32
        %sign3A_134 = arith.cmpi slt, %jit3A, %sign3A_133 : i32
        %sign3A_135 = arith.extui %sign3A_134 : i1 to i32
        %sign3A_136 = arith.subi %sign3A_132, %sign3A_135 : i32
        %ne3A = arith.cmpi ne, %sign3A_129, %sign3A_136 : i32
        %rem3A = arith.remsi %squeeze3A, %jit3A : i32
        %ne3A_137 = arith.constant 0 : i32
        %ne3A_138 = arith.cmpi ne, %rem3A, %ne3A_137 : i32
        %and3A_139 = arith.andi %ne3A, %ne3A_138 : i1
        %sub3A_140 = arith.constant 1 : i32
        %sub3A_141 = arith.subi %div3A, %sub3A_140 : i32
        %select_n3A = arith.select %and3A_139, %sub3A_141, %div3A : i32
        %mul3A_142 = arith.constant 128 : i32
        %mul3A_143 = arith.muli %select_n3A, %mul3A_142 : i32
        %multiple_of3A_144 = tpu.assume_multiple %mul3A_143, 128 : i32
        %dma_start3A_145 = arith.constant 0 : i32
        %dma_start3A_146 = arith.constant 0 : i32
        %dma_start3A_147 = tpu.memref_slice %arg13[%dma_start3A_145, %dma_start3A_146] : memref<16x3072xf32, #tpu.memory_space<vmem>> -> memref<16x128xf32, #tpu.memory_space<vmem>>
        %dma_start3A_148 = arith.constant 0 : i32
        %dma_start3A_149 = tpu.memref_slice %arg3[%dma_start3A_148, %multiple_of3A_144] : memref<16x1000000xf32, #tpu.memory_space<hbm>> -> memref<16x128xf32, #tpu.memory_space<hbm>>
        %dma_start3A_150 = arith.constant 0 : i32
        %dma_start3A_151 = arith.constant 0 : i32
        %dma_start3A_152 = tpu.memref_slice %arg13[%dma_start3A_150, %dma_start3A_151] : memref<16x3072xf32, #tpu.memory_space<vmem>> -> memref<16x128xf32, #tpu.memory_space<vmem>>
        %dma_start3A_153 = arith.constant 0 : i32
        %dma_start3A_154 = tpu.memref_slice %arg3[%dma_start3A_153, %multiple_of3A_144] : memref<16x1000000xf32, #tpu.memory_space<hbm>> -> memref<16x128xf32, #tpu.memory_space<hbm>>
        tpu.enqueue_dma source(%dma_start3A_154 : memref<16x128xf32, #tpu.memory_space<hbm>>) target(%dma_start3A_152 : memref<16x128xf32, #tpu.memory_space<vmem>>) target_semaphore(%arg17 : memref<!tpu.dma_semaphore, #tpu.memory_space<semaphore_mem>>)
        %dma_start3A_155 = arith.constant 0 : i32
        %dma_start3A_156 = arith.constant 0 : i32
        %dma_start3A_157 = tpu.memref_slice %arg14[%dma_start3A_155, %dma_start3A_156] : memref<16x3072xf32, #tpu.memory_space<vmem>> -> memref<16x128xf32, #tpu.memory_space<vmem>>
        %dma_start3A_158 = arith.constant 0 : i32
        %dma_start3A_159 = tpu.memref_slice %arg4[%dma_start3A_158, %multiple_of3A_144] : memref<16x1000000xf32, #tpu.memory_space<hbm>> -> memref<16x128xf32, #tpu.memory_space<hbm>>
        %dma_start3A_160 = arith.constant 0 : i32
        %dma_start3A_161 = arith.constant 0 : i32
        %dma_start3A_162 = tpu.memref_slice %arg14[%dma_start3A_160, %dma_start3A_161] : memref<16x3072xf32, #tpu.memory_space<vmem>> -> memref<16x128xf32, #tpu.memory_space<vmem>>
        %dma_start3A_163 = arith.constant 0 : i32
        %dma_start3A_164 = tpu.memref_slice %arg4[%dma_start3A_163, %multiple_of3A_144] : memref<16x1000000xf32, #tpu.memory_space<hbm>> -> memref<16x128xf32, #tpu.memory_space<hbm>>
        tpu.enqueue_dma source(%dma_start3A_164 : memref<16x128xf32, #tpu.memory_space<hbm>>) target(%dma_start3A_162 : memref<16x128xf32, #tpu.memory_space<vmem>>) target_semaphore(%arg23 : memref<!tpu.dma_semaphore, #tpu.memory_space<semaphore_mem>>)
        %slice3A_165 = vector.extract_strided_slice %get3A_123 {offsets = [1], sizes = [1], strides = [1]} : vector<16xi32> to vector<1xi32>
        %squeeze3A_166 = vector.extract %slice3A_165[0] : i32 from vector<1xi32>
        %jit3A_167 = arith.constant 128 : i32
        %div3A_168 = arith.divsi %squeeze3A_166, %jit3A_167 : i32
        %sign3A_169 = arith.constant 0 : i32
        %sign3A_170 = arith.cmpi sgt, %squeeze3A_166, %sign3A_169 : i32
        %sign3A_171 = arith.extui %sign3A_170 : i1 to i32
        %sign3A_172 = arith.constant 0 : i32
        %sign3A_173 = arith.cmpi slt, %squeeze3A_166, %sign3A_172 : i32
        %sign3A_174 = arith.extui %sign3A_173 : i1 to i32
        %sign3A_175 = arith.subi %sign3A_171, %sign3A_174 : i32
        %sign3A_176 = arith.constant 0 : i32
        %sign3A_177 = arith.cmpi sgt, %jit3A_167, %sign3A_176 : i32
        %sign3A_178 = arith.extui %sign3A_177 : i1 to i32
        %sign3A_179 = arith.constant 0 : i32
        %sign3A_180 = arith.cmpi slt, %jit3A_167, %sign3A_179 : i32
        %sign3A_181 = arith.extui %sign3A_180 : i1 to i32
        %sign3A_182 = arith.subi %sign3A_178, %sign3A_181 : i32
        %ne3A_183 = arith.cmpi ne, %sign3A_175, %sign3A_182 : i32
        %rem3A_184 = arith.remsi %squeeze3A_166, %jit3A_167 : i32
        %ne3A_185 = arith.constant 0 : i32
        %ne3A_186 = arith.cmpi ne, %rem3A_184, %ne3A_185 : i32
        %and3A_187 = arith.andi %ne3A_183, %ne3A_186 : i1
        %sub3A_188 = arith.constant 1 : i32
        %sub3A_189 = arith.subi %div3A_168, %sub3A_188 : i32
        %select_n3A_190 = arith.select %and3A_187, %sub3A_189, %div3A_168 : i32
        %mul3A_191 = arith.constant 128 : i32
        %mul3A_192 = arith.muli %select_n3A_190, %mul3A_191 : i32
        %multiple_of3A_193 = tpu.assume_multiple %mul3A_192, 128 : i32
        %dma_start3A_194 = arith.constant 0 : i32
        %dma_start3A_195 = arith.constant 128 : i32
        %dma_start3A_196 = tpu.memref_slice %arg13[%dma_start3A_194, %dma_start3A_195] : memref<16x3072xf32, #tpu.memory_space<vmem>> -> memref<16x128xf32, #tpu.memory_space<vmem>>
        %dma_start3A_197 = arith.constant 0 : i32
        %dma_start3A_198 = tpu.memref_slice %arg3[%dma_start3A_197, %multiple_of3A_193] : memref<16x1000000xf32, #tpu.memory_space<hbm>> -> memref<16x128xf32, #tpu.memory_space<hbm>>
        %dma_start3A_199 = arith.constant 0 : i32
        %dma_start3A_200 = arith.constant 128 : i32
        %dma_start3A_201 = tpu.memref_slice %arg13[%dma_start3A_199, %dma_start3A_200] : memref<16x3072xf32, #tpu.memory_space<vmem>> -> memref<16x128xf32, #tpu.memory_space<vmem>>
        %dma_start3A_202 = arith.constant 0 : i32
        %dma_start3A_203 = tpu.memref_slice %arg3[%dma_start3A_202, %multiple_of3A_193] : memref<16x1000000xf32, #tpu.memory_space<hbm>> -> memref<16x128xf32, #tpu.memory_space<hbm>>
        tpu.enqueue_dma source(%dma_start3A_203 : memref<16x128xf32, #tpu.memory_space<hbm>>) target(%dma_start3A_201 : memref<16x128xf32, #tpu.memory_space<vmem>>) target_semaphore(%arg17 : memref<!tpu.dma_semaphore, #tpu.memory_space<semaphore_mem>>)
        %dma_start3A_204 = arith.constant 0 : i32
        %dma_start3A_205 = arith.constant 128 : i32
        %dma_start3A_206 = tpu.memref_slice %arg14[%dma_start3A_204, %dma_start3A_205] : memref<16x3072xf32, #tpu.memory_space<vmem>> -> memref<16x128xf32, #tpu.memory_space<vmem>>
        %dma_start3A_207 = arith.constant 0 : i32
        %dma_start3A_208 = tpu.memref_slice %arg4[%dma_start3A_207, %multiple_of3A_193] : memref<16x1000000xf32, #tpu.memory_space<hbm>> -> memref<16x128xf32, #tpu.memory_space<hbm>>
        %dma_start3A_209 = arith.constant 0 : i32
        %dma_start3A_210 = arith.constant 128 : i32
        %dma_start3A_211 = tpu.memref_slice %arg14[%dma_start3A_209, %dma_start3A_210] : memref<16x3072xf32, #tpu.memory_space<vmem>> -> memref<16x128xf32, #tpu.memory_space<vmem>>
        %dma_start3A_212 = arith.constant 0 : i32
        %dma_start3A_213 = tpu.memref_slice %arg4[%dma_start3A_212, %multiple_of3A_193] : memref<16x1000000xf32, #tpu.memory_space<hbm>> -> memref<16x128xf32, #tpu.memory_space<hbm>>
        tpu.enqueue_dma source(%dma_start3A_213 : memref<16x128xf32, #tpu.memory_space<hbm>>) target(%dma_start3A_211 : memref<16x128xf32, #tpu.memory_space<vmem>>) target_semaphore(%arg23 : memref<!tpu.dma_semaphore, #tpu.memory_space<semaphore_mem>>)
        %slice3A_214 = vector.extract_strided_slice %get3A_123 {offsets = [2], sizes = [1], strides = [1]} : vector<16xi32> to vector<1xi32>
        %squeeze3A_215 = vector.extract %slice3A_214[0] : i32 from vector<1xi32>
        %jit3A_216 = arith.constant 128 : i32
        %div3A_217 = arith.divsi %squeeze3A_215, %jit3A_216 : i32
        %sign3A_218 = arith.constant 0 : i32
        %sign3A_219 = arith.cmpi sgt, %squeeze3A_215, %sign3A_218 : i32
        %sign3A_220 = arith.extui %sign3A_219 : i1 to i32
        %sign3A_221 = arith.constant 0 : i32
        %sign3A_222 = arith.cmpi slt, %squeeze3A_215, %sign3A_221 : i32
        %sign3A_223 = arith.extui %sign3A_222 : i1 to i32
        %sign3A_224 = arith.subi %sign3A_220, %sign3A_223 : i32
        %sign3A_225 = arith.constant 0 : i32
        %sign3A_226 = arith.cmpi sgt, %jit3A_216, %sign3A_225 : i32
        %sign3A_227 = arith.extui %sign3A_226 : i1 to i32
        %sign3A_228 = arith.constant 0 : i32
        %sign3A_229 = arith.cmpi slt, %jit3A_216, %sign3A_228 : i32
        %sign3A_230 = arith.extui %sign3A_229 : i1 to i32
        %sign3A_231 = arith.subi %sign3A_227, %sign3A_230 : i32
        %ne3A_232 = arith.cmpi ne, %sign3A_224, %sign3A_231 : i32
        %rem3A_233 = arith.remsi %squeeze3A_215, %jit3A_216 : i32
        %ne3A_234 = arith.constant 0 : i32
        %ne3A_235 = arith.cmpi ne, %rem3A_233, %ne3A_234 : i32
        %and3A_236 = arith.andi %ne3A_232, %ne3A_235 : i1
        %sub3A_237 = arith.constant 1 : i32
        %sub3A_238 = arith.subi %div3A_217, %sub3A_237 : i32
        %select_n3A_239 = arith.select %and3A_236, %sub3A_238, %div3A_217 : i32
        %mul3A_240 = arith.constant 128 : i32
        %mul3A_241 = arith.muli %select_n3A_239, %mul3A_240 : i32
        %multiple_of3A_242 = tpu.assume_multiple %mul3A_241, 128 : i32
        %dma_start3A_243 = arith.constant 0 : i32
        %dma_start3A_244 = arith.constant 256 : i32
        %dma_start3A_245 = tpu.memref_slice %arg13[%dma_start3A_243, %dma_start3A_244] : memref<16x3072xf32, #tpu.memory_space<vmem>> -> memref<16x128xf32, #tpu.memory_space<vmem>>
        %dma_start3A_246 = arith.constant 0 : i32
        %dma_start3A_247 = tpu.memref_slice %arg3[%dma_start3A_246, %multiple_of3A_242] : memref<16x1000000xf32, #tpu.memory_space<hbm>> -> memref<16x128xf32, #tpu.memory_space<hbm>>
        %dma_start3A_248 = arith.constant 0 : i32
        %dma_start3A_249 = arith.constant 256 : i32
        %dma_start3A_250 = tpu.memref_slice %arg13[%dma_start3A_248, %dma_start3A_249] : memref<16x3072xf32, #tpu.memory_space<vmem>> -> memref<16x128xf32, #tpu.memory_space<vmem>>
        %dma_start3A_251 = arith.constant 0 : i32
        %dma_start3A_252 = tpu.memref_slice %arg3[%dma_start3A_251, %multiple_of3A_242] : memref<16x1000000xf32, #tpu.memory_space<hbm>> -> memref<16x128xf32, #tpu.memory_space<hbm>>
        tpu.enqueue_dma source(%dma_start3A_252 : memref<16x128xf32, #tpu.memory_space<hbm>>) target(%dma_start3A_250 : memref<16x128xf32, #tpu.memory_space<vmem>>) target_semaphore(%arg17 : memref<!tpu.dma_semaphore, #tpu.memory_space<semaphore_mem>>)
        %dma_start3A_253 = arith.constant 0 : i32
        %dma_start3A_254 = arith.constant 256 : i32
        %dma_start3A_255 = tpu.memref_slice %arg14[%dma_start3A_253, %dma_start3A_254] : memref<16x3072xf32, #tpu.memory_space<vmem>> -> memref<16x128xf32, #tpu.memory_space<vmem>>
        %dma_start3A_256 = arith.constant 0 : i32
        %dma_start3A_257 = tpu.memref_slice %arg4[%dma_start3A_256, %multiple_of3A_242] : memref<16x1000000xf32, #tpu.memory_space<hbm>> -> memref<16x128xf32, #tpu.memory_space<hbm>>
        %dma_start3A_258 = arith.constant 0 : i32
        %dma_start3A_259 = arith.constant 256 : i32
        %dma_start3A_260 = tpu.memref_slice %arg14[%dma_start3A_258, %dma_start3A_259] : memref<16x3072xf32, #tpu.memory_space<vmem>> -> memref<16x128xf32, #tpu.memory_space<vmem>>
        %dma_start3A_261 = arith.constant 0 : i32
        %dma_start3A_262 = tpu.memref_slice %arg4[%dma_start3A_261, %multiple_of3A_242] : memref<16x1000000xf32, #tpu.memory_space<hbm>> -> memref<16x128xf32, #tpu.memory_space<hbm>>
        tpu.enqueue_dma source(%dma_start3A_262 : memref<16x128xf32, #tpu.memory_space<hbm>>) target(%dma_start3A_260 : memref<16x128xf32, #tpu.memory_space<vmem>>) target_semaphore(%arg23 : memref<!tpu.dma_semaphore, #tpu.memory_space<semaphore_mem>>)
        %slice3A_263 = vector.extract_strided_slice %get3A_123 {offsets = [3], sizes = [1], strides = [1]} : vector<16xi32> to vector<1xi32>
        %squeeze3A_264 = vector.extract %slice3A_263[0] : i32 from vector<1xi32>
        %jit3A_265 = arith.constant 128 : i32
        %div3A_266 = arith.divsi %squeeze3A_264, %jit3A_265 : i32
        %sign3A_267 = arith.constant 0 : i32
        %sign3A_268 = arith.cmpi sgt, %squeeze3A_264, %sign3A_267 : i32
        %sign3A_269 = arith.extui %sign3A_268 : i1 to i32
        %sign3A_270 = arith.constant 0 : i32
        %sign3A_271 = arith.cmpi slt, %squeeze3A_264, %sign3A_270 : i32
        %sign3A_272 = arith.extui %sign3A_271 : i1 to i32
        %sign3A_273 = arith.subi %sign3A_269, %sign3A_272 : i32
        %sign3A_274 = arith.constant 0 : i32
        %sign3A_275 = arith.cmpi sgt, %jit3A_265, %sign3A_274 : i32
        %sign3A_276 = arith.extui %sign3A_275 : i1 to i32
        %sign3A_277 = arith.constant 0 : i32
        %sign3A_278 = arith.cmpi slt, %jit3A_265, %sign3A_277 : i32
        %sign3A_279 = arith.extui %sign3A_278 : i1 to i32
        %sign3A_280 = arith.subi %sign3A_276, %sign3A_279 : i32
        %ne3A_281 = arith.cmpi ne, %sign3A_273, %sign3A_280 : i32
        %rem3A_282 = arith.remsi %squeeze3A_264, %jit3A_265 : i32
        %ne3A_283 = arith.constant 0 : i32
        %ne3A_284 = arith.cmpi ne, %rem3A_282, %ne3A_283 : i32
        %and3A_285 = arith.andi %ne3A_281, %ne3A_284 : i1
        %sub3A_286 = arith.constant 1 : i32
        %sub3A_287 = arith.subi %div3A_266, %sub3A_286 : i32
        %select_n3A_288 = arith.select %and3A_285, %sub3A_287, %div3A_266 : i32
        %mul3A_289 = arith.constant 128 : i32
        %mul3A_290 = arith.muli %select_n3A_288, %mul3A_289 : i32
        %multiple_of3A_291 = tpu.assume_multiple %mul3A_290, 128 : i32
        %dma_start3A_292 = arith.constant 0 : i32
        %dma_start3A_293 = arith.constant 384 : i32
        %dma_start3A_294 = tpu.memref_slice %arg13[%dma_start3A_292, %dma_start3A_293] : memref<16x3072xf32, #tpu.memory_space<vmem>> -> memref<16x128xf32, #tpu.memory_space<vmem>>
        %dma_start3A_295 = arith.constant 0 : i32
        %dma_start3A_296 = tpu.memref_slice %arg3[%dma_start3A_295, %multiple_of3A_291] : memref<16x1000000xf32, #tpu.memory_space<hbm>> -> memref<16x128xf32, #tpu.memory_space<hbm>>
        %dma_start3A_297 = arith.constant 0 : i32
        %dma_start3A_298 = arith.constant 384 : i32
        %dma_start3A_299 = tpu.memref_slice %arg13[%dma_start3A_297, %dma_start3A_298] : memref<16x3072xf32, #tpu.memory_space<vmem>> -> memref<16x128xf32, #tpu.memory_space<vmem>>
        %dma_start3A_300 = arith.constant 0 : i32
        %dma_start3A_301 = tpu.memref_slice %arg3[%dma_start3A_300, %multiple_of3A_291] : memref<16x1000000xf32, #tpu.memory_space<hbm>> -> memref<16x128xf32, #tpu.memory_space<hbm>>
        tpu.enqueue_dma source(%dma_start3A_301 : memref<16x128xf32, #tpu.memory_space<hbm>>) target(%dma_start3A_299 : memref<16x128xf32, #tpu.memory_space<vmem>>) target_semaphore(%arg17 : memref<!tpu.dma_semaphore, #tpu.memory_space<semaphore_mem>>)
        %dma_start3A_302 = arith.constant 0 : i32
        %dma_start3A_303 = arith.constant 384 : i32
        %dma_start3A_304 = tpu.memref_slice %arg14[%dma_start3A_302, %dma_start3A_303] : memref<16x3072xf32, #tpu.memory_space<vmem>> -> memref<16x128xf32, #tpu.memory_space<vmem>>
        %dma_start3A_305 = arith.constant 0 : i32
        %dma_start3A_306 = tpu.memref_slice %arg4[%dma_start3A_305, %multiple_of3A_291] : memref<16x1000000xf32, #tpu.memory_space<hbm>> -> memref<16x128xf32, #tpu.memory_space<hbm>>
        %dma_start3A_307 = arith.constant 0 : i32
        %dma_start3A_308 = arith.constant 384 : i32
        %dma_start3A_309 = tpu.memref_slice %arg14[%dma_start3A_307, %dma_start3A_308] : memref<16x3072xf32, #tpu.memory_space<vmem>> -> memref<16x128xf32, #tpu.memory_space<vmem>>
        %dma_start3A_310 = arith.constant 0 : i32
        %dma_start3A_311 = tpu.memref_slice %arg4[%dma_start3A_310, %multiple_of3A_291] : memref<16x1000000xf32, #tpu.memory_space<hbm>> -> memref<16x128xf32, #tpu.memory_space<hbm>>
        tpu.enqueue_dma source(%dma_start3A_311 : memref<16x128xf32, #tpu.memory_space<hbm>>) target(%dma_start3A_309 : memref<16x128xf32, #tpu.memory_space<vmem>>) target_semaphore(%arg23 : memref<!tpu.dma_semaphore, #tpu.memory_space<semaphore_mem>>)
      } else {
      }
      %sub3A = arith.constant 4 : i32
      %sub3A_19 = arith.subi %add3A_16, %sub3A : i32
      %ge3A = arith.constant 0 : i32
      %ge3A_20 = arith.cmpi sge, %sub3A_19, %ge3A : i32
      %lt3A_21 = arith.constant 128 : i32
      %lt3A_22 = arith.cmpi slt, %sub3A_19, %lt3A_21 : i32
      %and3A = arith.andi %ge3A_20, %lt3A_22 : i1
      %convert_element_type3A_23 = arith.extui %and3A : i1 to i32
      %cond3A_24 = arith.constant 0 : i32
      %cond3A_25 = arith.cmpi ne, %convert_element_type3A_23, %cond3A_24 : i32
      scf.if %cond3A_25 {
        %dma_wait3A_121 = arith.constant 0 : i32
        %dma_wait3A_122 = arith.constant 1024 : i32
        %dma_wait3A_123 = tpu.memref_slice %arg13[%dma_wait3A_121, %dma_wait3A_122] : memref<16x3072xf32, #tpu.memory_space<vmem>> -> memref<16x512xf32, #tpu.memory_space<vmem>>
        %dma_wait3A_124 = arith.constant 0 : i32
        %dma_wait3A_125 = arith.constant 0 : i32
        %dma_wait3A_126 = tpu.memref_slice %arg3[%dma_wait3A_124, %dma_wait3A_125] : memref<16x1000000xf32, #tpu.memory_space<hbm>> -> memref<16x512xf32, #tpu.memory_space<hbm>>
        %dma_wait3A_127 = arith.constant 0 : i32
        %dma_wait3A_128 = arith.constant 1024 : i32
        %dma_wait3A_129 = tpu.memref_slice %arg13[%dma_wait3A_127, %dma_wait3A_128] : memref<16x3072xf32, #tpu.memory_space<vmem>> -> memref<16x512xf32, #tpu.memory_space<vmem>>
        %dma_wait3A_130 = arith.constant 0 : i32
        %dma_wait3A_131 = arith.constant 0 : i32
        %dma_wait3A_132 = tpu.memref_slice %arg3[%dma_wait3A_130, %dma_wait3A_131] : memref<16x1000000xf32, #tpu.memory_space<hbm>> -> memref<16x512xf32, #tpu.memory_space<hbm>>
        tpu.wait_dma2 semaphore(%arg19 : memref<!tpu.dma_semaphore, #tpu.memory_space<semaphore_mem>>) src(%dma_wait3A_132 : memref<16x512xf32, #tpu.memory_space<hbm>>) dst(%dma_wait3A_129 : memref<16x512xf32, #tpu.memory_space<vmem>>)
        %dma_wait3A_133 = arith.constant 0 : i32
        %dma_wait3A_134 = arith.constant 1024 : i32
        %dma_wait3A_135 = tpu.memref_slice %arg14[%dma_wait3A_133, %dma_wait3A_134] : memref<16x3072xf32, #tpu.memory_space<vmem>> -> memref<16x512xf32, #tpu.memory_space<vmem>>
        %dma_wait3A_136 = arith.constant 0 : i32
        %dma_wait3A_137 = arith.constant 0 : i32
        %dma_wait3A_138 = tpu.memref_slice %arg4[%dma_wait3A_136, %dma_wait3A_137] : memref<16x1000000xf32, #tpu.memory_space<hbm>> -> memref<16x512xf32, #tpu.memory_space<hbm>>
        %dma_wait3A_139 = arith.constant 0 : i32
        %dma_wait3A_140 = arith.constant 1024 : i32
        %dma_wait3A_141 = tpu.memref_slice %arg14[%dma_wait3A_139, %dma_wait3A_140] : memref<16x3072xf32, #tpu.memory_space<vmem>> -> memref<16x512xf32, #tpu.memory_space<vmem>>
        %dma_wait3A_142 = arith.constant 0 : i32
        %dma_wait3A_143 = arith.constant 0 : i32
        %dma_wait3A_144 = tpu.memref_slice %arg4[%dma_wait3A_142, %dma_wait3A_143] : memref<16x1000000xf32, #tpu.memory_space<hbm>> -> memref<16x512xf32, #tpu.memory_space<hbm>>
        tpu.wait_dma2 semaphore(%arg25 : memref<!tpu.dma_semaphore, #tpu.memory_space<semaphore_mem>>) src(%dma_wait3A_144 : memref<16x512xf32, #tpu.memory_space<hbm>>) dst(%dma_wait3A_141 : memref<16x512xf32, #tpu.memory_space<vmem>>)
        %mul3A_145 = arith.constant 4 : i32
        %mul3A_146 = arith.muli %sub3A_19, %mul3A_145 : i32
        %get3A = arith.index_cast %mul3A_146 : i32 to index
        %get3A_147 = tpu.vector_load %arg10[%get3A] {strides = array<i32>} : memref<528xi32, #tpu.memory_space<vmem>>, vector<16xi32>,
        %mul3A_148 = arith.constant 4 : i32
        %mul3A_149 = arith.muli %sub3A_19, %mul3A_148 : i32
        %add3A_150 = arith.constant 0 : i32
        %add3A_151 = arith.addi %mul3A_149, %add3A_150 : i32
        %slice3A = vector.extract_strided_slice %get3A_147 {offsets = [0], sizes = [1], strides = [1]} : vector<16xi32> to vector<1xi32>
        %squeeze3A = vector.extract %slice3A[0] : i32 from vector<1xi32>
        %jit3A = arith.constant 128 : i32
        %div3A = arith.divsi %squeeze3A, %jit3A : i32
        %sign3A = arith.constant 0 : i32
        %sign3A_152 = arith.cmpi sgt, %squeeze3A, %sign3A : i32
        %sign3A_153 = arith.extui %sign3A_152 : i1 to i32
        %sign3A_154 = arith.constant 0 : i32
        %sign3A_155 = arith.cmpi slt, %squeeze3A, %sign3A_154 : i32
        %sign3A_156 = arith.extui %sign3A_155 : i1 to i32
        %sign3A_157 = arith.subi %sign3A_153, %sign3A_156 : i32
        %sign3A_158 = arith.constant 0 : i32
        %sign3A_159 = arith.cmpi sgt, %jit3A, %sign3A_158 : i32
        %sign3A_160 = arith.extui %sign3A_159 : i1 to i32
        %sign3A_161 = arith.constant 0 : i32
        %sign3A_162 = arith.cmpi slt, %jit3A, %sign3A_161 : i32
        %sign3A_163 = arith.extui %sign3A_162 : i1 to i32
        %sign3A_164 = arith.subi %sign3A_160, %sign3A_163 : i32
        %ne3A = arith.cmpi ne, %sign3A_157, %sign3A_164 : i32
        %rem3A = arith.remsi %squeeze3A, %jit3A : i32
        %ne3A_165 = arith.constant 0 : i32
        %ne3A_166 = arith.cmpi ne, %rem3A, %ne3A_165 : i32
        %and3A_167 = arith.andi %ne3A, %ne3A_166 : i1
        %sub3A_168 = arith.constant 1 : i32
        %sub3A_169 = arith.subi %div3A, %sub3A_168 : i32
        %select_n3A = arith.select %and3A_167, %sub3A_169, %div3A : i32
        %mul3A_170 = arith.constant 128 : i32
        %mul3A_171 = arith.muli %select_n3A, %mul3A_170 : i32
        %sub3A_172 = arith.subi %squeeze3A, %mul3A_171 : i32
        %broadcast_in_dim3A_173 = arith.constant 1024 : i32
        %broadcast_in_dim3A_174 = vector.broadcast %broadcast_in_dim3A_173 : i32 to vector<16xi32>
        %add3A_175 = vector.broadcast %sub3A_172 : i32 to vector<16xi32>
        %add3A_176 = arith.addi %broadcast_in_dim3A_174, %add3A_175 : vector<16xi32>
        %gather3A = tpu.vector_load_idx %arg13[%iota3A, %add3A_176] : memref<16x3072xf32, #tpu.memory_space<vmem>>[vector<16xi32>, vector<16xi32>], vector<16xf32>,
        %gather3A_177 = tpu.vector_load_idx %arg14[%iota3A, %add3A_176] : memref<16x3072xf32, #tpu.memory_space<vmem>>[vector<16xi32>, vector<16xi32>], vector<16xf32>,
        %broadcast_in_dim3A_178 = vector.broadcast %add3A_151 : i32 to vector<16xi32>
        %gather3A_179 = tpu.vector_load_idx %arg11[%iota3A, %broadcast_in_dim3A_178] : memref<16x512xf32, #tpu.memory_space<vmem>>[vector<16xi32>, vector<16xi32>], vector<16xf32>,
        %mul3A_180 = arith.constant 5.000000e-01 : f32
        %mul3A_181 = vector.broadcast %mul3A_180 : f32 to vector<16xf32>
        %mul3A_182 = arith.mulf %gather3A_177, %mul3A_181 : vector<16xf32>
        %exp3A = math.exp %mul3A_182 : vector<16xf32>
        %mul3A_183 = arith.mulf %gather3A_179, %exp3A : vector<16xf32>
        %add3A_184 = arith.addf %mul3A_183, %gather3A : vector<16xf32>
        tpu.vector_store_idx %arg12[%iota3A, %broadcast_in_dim3A_178], %add3A_184 : memref<16x512xf32, #tpu.memory_space<vmem>>[vector<16xi32>, vector<16xi32>], vector<16xf32>,
        %mul3A_185 = arith.constant 4 : i32
        %mul3A_186 = arith.muli %sub3A_19, %mul3A_185 : i32
        %add3A_187 = arith.constant 1 : i32
        %add3A_188 = arith.addi %mul3A_186, %add3A_187 : i32
        %slice3A_189 = vector.extract_strided_slice %get3A_147 {offsets = [1], sizes = [1], strides = [1]} : vector<16xi32> to vector<1xi32>
        %squeeze3A_190 = vector.extract %slice3A_189[0] : i32 from vector<1xi32>
        %jit3A_191 = arith.constant 128 : i32
        %div3A_192 = arith.divsi %squeeze3A_190, %jit3A_191 : i32
        %sign3A_193 = arith.constant 0 : i32
        %sign3A_194 = arith.cmpi sgt, %squeeze3A_190, %sign3A_193 : i32
        %sign3A_195 = arith.extui %sign3A_194 : i1 to i32
        %sign3A_196 = arith.constant 0 : i32
        %sign3A_197 = arith.cmpi slt, %squeeze3A_190, %sign3A_196 : i32
        %sign3A_198 = arith.extui %sign3A_197 : i1 to i32
        %sign3A_199 = arith.subi %sign3A_195, %sign3A_198 : i32
        %sign3A_200 = arith.constant 0 : i32
        %sign3A_201 = arith.cmpi sgt, %jit3A_191, %sign3A_200 : i32
        %sign3A_202 = arith.extui %sign3A_201 : i1 to i32
        %sign3A_203 = arith.constant 0 : i32
        %sign3A_204 = arith.cmpi slt, %jit3A_191, %sign3A_203 : i32
        %sign3A_205 = arith.extui %sign3A_204 : i1 to i32
        %sign3A_206 = arith.subi %sign3A_202, %sign3A_205 : i32
        %ne3A_207 = arith.cmpi ne, %sign3A_199, %sign3A_206 : i32
        %rem3A_208 = arith.remsi %squeeze3A_190, %jit3A_191 : i32
        %ne3A_209 = arith.constant 0 : i32
        %ne3A_210 = arith.cmpi ne, %rem3A_208, %ne3A_209 : i32
        %and3A_211 = arith.andi %ne3A_207, %ne3A_210 : i1
        %sub3A_212 = arith.constant 1 : i32
        %sub3A_213 = arith.subi %div3A_192, %sub3A_212 : i32
        %select_n3A_214 = arith.select %and3A_211, %sub3A_213, %div3A_192 : i32
        %mul3A_215 = arith.constant 128 : i32
        %mul3A_216 = arith.muli %select_n3A_214, %mul3A_215 : i32
        %sub3A_217 = arith.subi %squeeze3A_190, %mul3A_216 : i32
        %broadcast_in_dim3A_218 = arith.constant 1152 : i32
        %broadcast_in_dim3A_219 = vector.broadcast %broadcast_in_dim3A_218 : i32 to vector<16xi32>
        %add3A_220 = vector.broadcast %sub3A_217 : i32 to vector<16xi32>
        %add3A_221 = arith.addi %broadcast_in_dim3A_219, %add3A_220 : vector<16xi32>
        %gather3A_222 = tpu.vector_load_idx %arg13[%iota3A, %add3A_221] : memref<16x3072xf32, #tpu.memory_space<vmem>>[vector<16xi32>, vector<16xi32>], vector<16xf32>,
        %gather3A_223 = tpu.vector_load_idx %arg14[%iota3A, %add3A_221] : memref<16x3072xf32, #tpu.memory_space<vmem>>[vector<16xi32>, vector<16xi32>], vector<16xf32>,
        %broadcast_in_dim3A_224 = vector.broadcast %add3A_188 : i32 to vector<16xi32>
        %gather3A_225 = tpu.vector_load_idx %arg11[%iota3A, %broadcast_in_dim3A_224] : memref<16x512xf32, #tpu.memory_space<vmem>>[vector<16xi32>, vector<16xi32>], vector<16xf32>,
        %mul3A_226 = arith.constant 5.000000e-01 : f32
        %mul3A_227 = vector.broadcast %mul3A_226 : f32 to vector<16xf32>
        %mul3A_228 = arith.mulf %gather3A_223, %mul3A_227 : vector<16xf32>
        %exp3A_229 = math.exp %mul3A_228 : vector<16xf32>
        %mul3A_230 = arith.mulf %gather3A_225, %exp3A_229 : vector<16xf32>
        %add3A_231 = arith.addf %mul3A_230, %gather3A_222 : vector<16xf32>
        tpu.vector_store_idx %arg12[%iota3A, %broadcast_in_dim3A_224], %add3A_231 : memref<16x512xf32, #tpu.memory_space<vmem>>[vector<16xi32>, vector<16xi32>], vector<16xf32>,
        %mul3A_232 = arith.constant 4 : i32
        %mul3A_233 = arith.muli %sub3A_19, %mul3A_232 : i32
        %add3A_234 = arith.constant 2 : i32
        %add3A_235 = arith.addi %mul3A_233, %add3A_234 : i32
        %slice3A_236 = vector.extract_strided_slice %get3A_147 {offsets = [2], sizes = [1], strides = [1]} : vector<16xi32> to vector<1xi32>
        %squeeze3A_237 = vector.extract %slice3A_236[0] : i32 from vector<1xi32>
        %jit3A_238 = arith.constant 128 : i32
        %div3A_239 = arith.divsi %squeeze3A_237, %jit3A_238 : i32
        %sign3A_240 = arith.constant 0 : i32
        %sign3A_241 = arith.cmpi sgt, %squeeze3A_237, %sign3A_240 : i32
        %sign3A_242 = arith.extui %sign3A_241 : i1 to i32
        %sign3A_243 = arith.constant 0 : i32
        %sign3A_244 = arith.cmpi slt, %squeeze3A_237, %sign3A_243 : i32
        %sign3A_245 = arith.extui %sign3A_244 : i1 to i32
        %sign3A_246 = arith.subi %sign3A_242, %sign3A_245 : i32
        %sign3A_247 = arith.constant 0 : i32
        %sign3A_248 = arith.cmpi sgt, %jit3A_238, %sign3A_247 : i32
        %sign3A_249 = arith.extui %sign3A_248 : i1 to i32
        %sign3A_250 = arith.constant 0 : i32
        %sign3A_251 = arith.cmpi slt, %jit3A_238, %sign3A_250 : i32
        %sign3A_252 = arith.extui %sign3A_251 : i1 to i32
        %sign3A_253 = arith.subi %sign3A_249, %sign3A_252 : i32
        %ne3A_254 = arith.cmpi ne, %sign3A_246, %sign3A_253 : i32
        %rem3A_255 = arith.remsi %squeeze3A_237, %jit3A_238 : i32
        %ne3A_256 = arith.constant 0 : i32
        %ne3A_257 = arith.cmpi ne, %rem3A_255, %ne3A_256 : i32
        %and3A_258 = arith.andi %ne3A_254, %ne3A_257 : i1
        %sub3A_259 = arith.constant 1 : i32
        %sub3A_260 = arith.subi %div3A_239, %sub3A_259 : i32
        %select_n3A_261 = arith.select %and3A_258, %sub3A_260, %div3A_239 : i32
        %mul3A_262 = arith.constant 128 : i32
        %mul3A_263 = arith.muli %select_n3A_261, %mul3A_262 : i32
        %sub3A_264 = arith.subi %squeeze3A_237, %mul3A_263 : i32
        %broadcast_in_dim3A_265 = arith.constant 1280 : i32
        %broadcast_in_dim3A_266 = vector.broadcast %broadcast_in_dim3A_265 : i32 to vector<16xi32>
        %add3A_267 = vector.broadcast %sub3A_264 : i32 to vector<16xi32>
        %add3A_268 = arith.addi %broadcast_in_dim3A_266, %add3A_267 : vector<16xi32>
        %gather3A_269 = tpu.vector_load_idx %arg13[%iota3A, %add3A_268] : memref<16x3072xf32, #tpu.memory_space<vmem>>[vector<16xi32>, vector<16xi32>], vector<16xf32>,
        %gather3A_270 = tpu.vector_load_idx %arg14[%iota3A, %add3A_268] : memref<16x3072xf32, #tpu.memory_space<vmem>>[vector<16xi32>, vector<16xi32>], vector<16xf32>,
        %broadcast_in_dim3A_271 = vector.broadcast %add3A_235 : i32 to vector<16xi32>
        %gather3A_272 = tpu.vector_load_idx %arg11[%iota3A, %broadcast_in_dim3A_271] : memref<16x512xf32, #tpu.memory_space<vmem>>[vector<16xi32>, vector<16xi32>], vector<16xf32>,
        %mul3A_273 = arith.constant 5.000000e-01 : f32
        %mul3A_274 = vector.broadcast %mul3A_273 : f32 to vector<16xf32>
        %mul3A_275 = arith.mulf %gather3A_270, %mul3A_274 : vector<16xf32>
        %exp3A_276 = math.exp %mul3A_275 : vector<16xf32>
        %mul3A_277 = arith.mulf %gather3A_272, %exp3A_276 : vector<16xf32>
        %add3A_278 = arith.addf %mul3A_277, %gather3A_269 : vector<16xf32>
        tpu.vector_store_idx %arg12[%iota3A, %broadcast_in_dim3A_271], %add3A_278 : memref<16x512xf32, #tpu.memory_space<vmem>>[vector<16xi32>, vector<16xi32>], vector<16xf32>,
        %mul3A_279 = arith.constant 4 : i32
        %mul3A_280 = arith.muli %sub3A_19, %mul3A_279 : i32
        %add3A_281 = arith.constant 3 : i32
        %add3A_282 = arith.addi %mul3A_280, %add3A_281 : i32
        %slice3A_283 = vector.extract_strided_slice %get3A_147 {offsets = [3], sizes = [1], strides = [1]} : vector<16xi32> to vector<1xi32>
        %squeeze3A_284 = vector.extract %slice3A_283[0] : i32 from vector<1xi32>
        %jit3A_285 = arith.constant 128 : i32
        %div3A_286 = arith.divsi %squeeze3A_284, %jit3A_285 : i32
        %sign3A_287 = arith.constant 0 : i32
        %sign3A_288 = arith.cmpi sgt, %squeeze3A_284, %sign3A_287 : i32
        %sign3A_289 = arith.extui %sign3A_288 : i1 to i32
        %sign3A_290 = arith.constant 0 : i32
        %sign3A_291 = arith.cmpi slt, %squeeze3A_284, %sign3A_290 : i32
        %sign3A_292 = arith.extui %sign3A_291 : i1 to i32
        %sign3A_293 = arith.subi %sign3A_289, %sign3A_292 : i32
        %sign3A_294 = arith.constant 0 : i32
        %sign3A_295 = arith.cmpi sgt, %jit3A_285, %sign3A_294 : i32
        %sign3A_296 = arith.extui %sign3A_295 : i1 to i32
        %sign3A_297 = arith.constant 0 : i32
        %sign3A_298 = arith.cmpi slt, %jit3A_285, %sign3A_297 : i32
        %sign3A_299 = arith.extui %sign3A_298 : i1 to i32
        %sign3A_300 = arith.subi %sign3A_296, %sign3A_299 : i32
        %ne3A_301 = arith.cmpi ne, %sign3A_293, %sign3A_300 : i32
        %rem3A_302 = arith.remsi %squeeze3A_284, %jit3A_285 : i32
        %ne3A_303 = arith.constant 0 : i32
        %ne3A_304 = arith.cmpi ne, %rem3A_302, %ne3A_303 : i32
        %and3A_305 = arith.andi %ne3A_301, %ne3A_304 : i1
        %sub3A_306 = arith.constant 1 : i32
        %sub3A_307 = arith.subi %div3A_286, %sub3A_306 : i32
        %select_n3A_308 = arith.select %and3A_305, %sub3A_307, %div3A_286 : i32
        %mul3A_309 = arith.constant 128 : i32
        %mul3A_310 = arith.muli %select_n3A_308, %mul3A_309 : i32
        %sub3A_311 = arith.subi %squeeze3A_284, %mul3A_310 : i32
        %broadcast_in_dim3A_312 = arith.constant 1408 : i32
        %broadcast_in_dim3A_313 = vector.broadcast %broadcast_in_dim3A_312 : i32 to vector<16xi32>
        %add3A_314 = vector.broadcast %sub3A_311 : i32 to vector<16xi32>
        %add3A_315 = arith.addi %broadcast_in_dim3A_313, %add3A_314 : vector<16xi32>
        %gather3A_316 = tpu.vector_load_idx %arg13[%iota3A, %add3A_315] : memref<16x3072xf32, #tpu.memory_space<vmem>>[vector<16xi32>, vector<16xi32>], vector<16xf32>,
        %gather3A_317 = tpu.vector_load_idx %arg14[%iota3A, %add3A_315] : memref<16x3072xf32, #tpu.memory_space<vmem>>[vector<16xi32>, vector<16xi32>], vector<16xf32>,
        %broadcast_in_dim3A_318 = vector.broadcast %add3A_282 : i32 to vector<16xi32>
        %gather3A_319 = tpu.vector_load_idx %arg11[%iota3A, %broadcast_in_dim3A_318] : memref<16x512xf32, #tpu.memory_space<vmem>>[vector<16xi32>, vector<16xi32>], vector<16xf32>,
        %mul3A_320 = arith.constant 5.000000e-01 : f32
        %mul3A_321 = vector.broadcast %mul3A_320 : f32 to vector<16xf32>
        %mul3A_322 = arith.mulf %gather3A_317, %mul3A_321 : vector<16xf32>
        %exp3A_323 = math.exp %mul3A_322 : vector<16xf32>
        %mul3A_324 = arith.mulf %gather3A_319, %exp3A_323 : vector<16xf32>
        %add3A_325 = arith.addf %mul3A_324, %gather3A_316 : vector<16xf32>
        tpu.vector_store_idx %arg12[%iota3A, %broadcast_in_dim3A_318], %add3A_325 : memref<16x512xf32, #tpu.memory_space<vmem>>[vector<16xi32>, vector<16xi32>], vector<16xf32>,
      } else {
      }
      %mul3A_26 = arith.constant 6 : i32
      %mul3A_27 = arith.muli %scan3A_12, %mul3A_26 : i32
      %add3A_28 = arith.constant 1 : i32
      %add3A_29 = arith.addi %mul3A_27, %add3A_28 : i32
      %lt3A_30 = arith.constant 128 : i32
      %lt3A_31 = arith.cmpi slt, %add3A_29, %lt3A_30 : i32
      %convert_element_type3A_32 = arith.extui %lt3A_31 : i1 to i32
      %cond3A_33 = arith.constant 0 : i32
      %cond3A_34 = arith.cmpi ne, %convert_element_type3A_32, %cond3A_33 : i32
      scf.if %cond3A_34 {
        %mul3A_121 = arith.constant 4 : i32
        %mul3A_122 = arith.muli %add3A_29, %mul3A_121 : i32
        %get3A = arith.index_cast %mul3A_122 : i32 to index
        %get3A_123 = tpu.vector_load %arg10[%get3A] {strides = array<i32>} : memref<528xi32, #tpu.memory_space<vmem>>, vector<16xi32>,
        %slice3A = vector.extract_strided_slice %get3A_123 {offsets = [0], sizes = [1], strides = [1]} : vector<16xi32> to vector<1xi32>
        %squeeze3A = vector.extract %slice3A[0] : i32 from vector<1xi32>
        %jit3A = arith.constant 128 : i32
        %div3A = arith.divsi %squeeze3A, %jit3A : i32
        %sign3A = arith.constant 0 : i32
        %sign3A_124 = arith.cmpi sgt, %squeeze3A, %sign3A : i32
        %sign3A_125 = arith.extui %sign3A_124 : i1 to i32
        %sign3A_126 = arith.constant 0 : i32
        %sign3A_127 = arith.cmpi slt, %squeeze3A, %sign3A_126 : i32
        %sign3A_128 = arith.extui %sign3A_127 : i1 to i32
        %sign3A_129 = arith.subi %sign3A_125, %sign3A_128 : i32
        %sign3A_130 = arith.constant 0 : i32
        %sign3A_131 = arith.cmpi sgt, %jit3A, %sign3A_130 : i32
        %sign3A_132 = arith.extui %sign3A_131 : i1 to i32
        %sign3A_133 = arith.constant 0 : i32
        %sign3A_134 = arith.cmpi slt, %jit3A, %sign3A_133 : i32
        %sign3A_135 = arith.extui %sign3A_134 : i1 to i32
        %sign3A_136 = arith.subi %sign3A_132, %sign3A_135 : i32
        %ne3A = arith.cmpi ne, %sign3A_129, %sign3A_136 : i32
        %rem3A = arith.remsi %squeeze3A, %jit3A : i32
        %ne3A_137 = arith.constant 0 : i32
        %ne3A_138 = arith.cmpi ne, %rem3A, %ne3A_137 : i32
        %and3A_139 = arith.andi %ne3A, %ne3A_138 : i1
        %sub3A_140 = arith.constant 1 : i32
        %sub3A_141 = arith.subi %div3A, %sub3A_140 : i32
        %select_n3A = arith.select %and3A_139, %sub3A_141, %div3A : i32
        %mul3A_142 = arith.constant 128 : i32
        %mul3A_143 = arith.muli %select_n3A, %mul3A_142 : i32
        %multiple_of3A_144 = tpu.assume_multiple %mul3A_143, 128 : i32
        %dma_start3A_145 = arith.constant 0 : i32
        %dma_start3A_146 = arith.constant 512 : i32
        %dma_start3A_147 = tpu.memref_slice %arg13[%dma_start3A_145, %dma_start3A_146] : memref<16x3072xf32, #tpu.memory_space<vmem>> -> memref<16x128xf32, #tpu.memory_space<vmem>>
        %dma_start3A_148 = arith.constant 0 : i32
        %dma_start3A_149 = tpu.memref_slice %arg3[%dma_start3A_148, %multiple_of3A_144] : memref<16x1000000xf32, #tpu.memory_space<hbm>> -> memref<16x128xf32, #tpu.memory_space<hbm>>
        %dma_start3A_150 = arith.constant 0 : i32
        %dma_start3A_151 = arith.constant 512 : i32
        %dma_start3A_152 = tpu.memref_slice %arg13[%dma_start3A_150, %dma_start3A_151] : memref<16x3072xf32, #tpu.memory_space<vmem>> -> memref<16x128xf32, #tpu.memory_space<vmem>>
        %dma_start3A_153 = arith.constant 0 : i32
        %dma_start3A_154 = tpu.memref_slice %arg3[%dma_start3A_153, %multiple_of3A_144] : memref<16x1000000xf32, #tpu.memory_space<hbm>> -> memref<16x128xf32, #tpu.memory_space<hbm>>
        tpu.enqueue_dma source(%dma_start3A_154 : memref<16x128xf32, #tpu.memory_space<hbm>>) target(%dma_start3A_152 : memref<16x128xf32, #tpu.memory_space<vmem>>) target_semaphore(%arg18 : memref<!tpu.dma_semaphore, #tpu.memory_space<semaphore_mem>>)
        %dma_start3A_155 = arith.constant 0 : i32
        %dma_start3A_156 = arith.constant 512 : i32
        %dma_start3A_157 = tpu.memref_slice %arg14[%dma_start3A_155, %dma_start3A_156] : memref<16x3072xf32, #tpu.memory_space<vmem>> -> memref<16x128xf32, #tpu.memory_space<vmem>>
        %dma_start3A_158 = arith.constant 0 : i32
        %dma_start3A_159 = tpu.memref_slice %arg4[%dma_start3A_158, %multiple_of3A_144] : memref<16x1000000xf32, #tpu.memory_space<hbm>> -> memref<16x128xf32, #tpu.memory_space<hbm>>
        %dma_start3A_160 = arith.constant 0 : i32
        %dma_start3A_161 = arith.constant 512 : i32
        %dma_start3A_162 = tpu.memref_slice %arg14[%dma_start3A_160, %dma_start3A_161] : memref<16x3072xf32, #tpu.memory_space<vmem>> -> memref<16x128xf32, #tpu.memory_space<vmem>>
        %dma_start3A_163 = arith.constant 0 : i32
        %dma_start3A_164 = tpu.memref_slice %arg4[%dma_start3A_163, %multiple_of3A_144] : memref<16x1000000xf32, #tpu.memory_space<hbm>> -> memref<16x128xf32, #tpu.memory_space<hbm>>
        tpu.enqueue_dma source(%dma_start3A_164 : memref<16x128xf32, #tpu.memory_space<hbm>>) target(%dma_start3A_162 : memref<16x128xf32, #tpu.memory_space<vmem>>) target_semaphore(%arg24 : memref<!tpu.dma_semaphore, #tpu.memory_space<semaphore_mem>>)
        %slice3A_165 = vector.extract_strided_slice %get3A_123 {offsets = [1], sizes = [1], strides = [1]} : vector<16xi32> to vector<1xi32>
        %squeeze3A_166 = vector.extract %slice3A_165[0] : i32 from vector<1xi32>
        %jit3A_167 = arith.constant 128 : i32
        %div3A_168 = arith.divsi %squeeze3A_166, %jit3A_167 : i32
        %sign3A_169 = arith.constant 0 : i32
        %sign3A_170 = arith.cmpi sgt, %squeeze3A_166, %sign3A_169 : i32
        %sign3A_171 = arith.extui %sign3A_170 : i1 to i32
        %sign3A_172 = arith.constant 0 : i32
        %sign3A_173 = arith.cmpi slt, %squeeze3A_166, %sign3A_172 : i32
        %sign3A_174 = arith.extui %sign3A_173 : i1 to i32
        %sign3A_175 = arith.subi %sign3A_171, %sign3A_174 : i32
        %sign3A_176 = arith.constant 0 : i32
        %sign3A_177 = arith.cmpi sgt, %jit3A_167, %sign3A_176 : i32
        %sign3A_178 = arith.extui %sign3A_177 : i1 to i32
        %sign3A_179 = arith.constant 0 : i32
        %sign3A_180 = arith.cmpi slt, %jit3A_167, %sign3A_179 : i32
        %sign3A_181 = arith.extui %sign3A_180 : i1 to i32
        %sign3A_182 = arith.subi %sign3A_178, %sign3A_181 : i32
        %ne3A_183 = arith.cmpi ne, %sign3A_175, %sign3A_182 : i32
        %rem3A_184 = arith.remsi %squeeze3A_166, %jit3A_167 : i32
        %ne3A_185 = arith.constant 0 : i32
        %ne3A_186 = arith.cmpi ne, %rem3A_184, %ne3A_185 : i32
        %and3A_187 = arith.andi %ne3A_183, %ne3A_186 : i1
        %sub3A_188 = arith.constant 1 : i32
        %sub3A_189 = arith.subi %div3A_168, %sub3A_188 : i32
        %select_n3A_190 = arith.select %and3A_187, %sub3A_189, %div3A_168 : i32
        %mul3A_191 = arith.constant 128 : i32
        %mul3A_192 = arith.muli %select_n3A_190, %mul3A_191 : i32
        %multiple_of3A_193 = tpu.assume_multiple %mul3A_192, 128 : i32
        %dma_start3A_194 = arith.constant 0 : i32
        %dma_start3A_195 = arith.constant 640 : i32
        %dma_start3A_196 = tpu.memref_slice %arg13[%dma_start3A_194, %dma_start3A_195] : memref<16x3072xf32, #tpu.memory_space<vmem>> -> memref<16x128xf32, #tpu.memory_space<vmem>>
        %dma_start3A_197 = arith.constant 0 : i32
        %dma_start3A_198 = tpu.memref_slice %arg3[%dma_start3A_197, %multiple_of3A_193] : memref<16x1000000xf32, #tpu.memory_space<hbm>> -> memref<16x128xf32, #tpu.memory_space<hbm>>
        %dma_start3A_199 = arith.constant 0 : i32
        %dma_start3A_200 = arith.constant 640 : i32
        %dma_start3A_201 = tpu.memref_slice %arg13[%dma_start3A_199, %dma_start3A_200] : memref<16x3072xf32, #tpu.memory_space<vmem>> -> memref<16x128xf32, #tpu.memory_space<vmem>>
        %dma_start3A_202 = arith.constant 0 : i32
        %dma_start3A_203 = tpu.memref_slice %arg3[%dma_start3A_202, %multiple_of3A_193] : memref<16x1000000xf32, #tpu.memory_space<hbm>> -> memref<16x128xf32, #tpu.memory_space<hbm>>
        tpu.enqueue_dma source(%dma_start3A_203 : memref<16x128xf32, #tpu.memory_space<hbm>>) target(%dma_start3A_201 : memref<16x128xf32, #tpu.memory_space<vmem>>) target_semaphore(%arg18 : memref<!tpu.dma_semaphore, #tpu.memory_space<semaphore_mem>>)
        %dma_start3A_204 = arith.constant 0 : i32
        %dma_start3A_205 = arith.constant 640 : i32
        %dma_start3A_206 = tpu.memref_slice %arg14[%dma_start3A_204, %dma_start3A_205] : memref<16x3072xf32, #tpu.memory_space<vmem>> -> memref<16x128xf32, #tpu.memory_space<vmem>>
        %dma_start3A_207 = arith.constant 0 : i32
        %dma_start3A_208 = tpu.memref_slice %arg4[%dma_start3A_207, %multiple_of3A_193] : memref<16x1000000xf32, #tpu.memory_space<hbm>> -> memref<16x128xf32, #tpu.memory_space<hbm>>
        %dma_start3A_209 = arith.constant 0 : i32
        %dma_start3A_210 = arith.constant 640 : i32
        %dma_start3A_211 = tpu.memref_slice %arg14[%dma_start3A_209, %dma_start3A_210] : memref<16x3072xf32, #tpu.memory_space<vmem>> -> memref<16x128xf32, #tpu.memory_space<vmem>>
        %dma_start3A_212 = arith.constant 0 : i32
        %dma_start3A_213 = tpu.memref_slice %arg4[%dma_start3A_212, %multiple_of3A_193] : memref<16x1000000xf32, #tpu.memory_space<hbm>> -> memref<16x128xf32, #tpu.memory_space<hbm>>
        tpu.enqueue_dma source(%dma_start3A_213 : memref<16x128xf32, #tpu.memory_space<hbm>>) target(%dma_start3A_211 : memref<16x128xf32, #tpu.memory_space<vmem>>) target_semaphore(%arg24 : memref<!tpu.dma_semaphore, #tpu.memory_space<semaphore_mem>>)
        %slice3A_214 = vector.extract_strided_slice %get3A_123 {offsets = [2], sizes = [1], strides = [1]} : vector<16xi32> to vector<1xi32>
        %squeeze3A_215 = vector.extract %slice3A_214[0] : i32 from vector<1xi32>
        %jit3A_216 = arith.constant 128 : i32
        %div3A_217 = arith.divsi %squeeze3A_215, %jit3A_216 : i32
        %sign3A_218 = arith.constant 0 : i32
        %sign3A_219 = arith.cmpi sgt, %squeeze3A_215, %sign3A_218 : i32
        %sign3A_220 = arith.extui %sign3A_219 : i1 to i32
        %sign3A_221 = arith.constant 0 : i32
        %sign3A_222 = arith.cmpi slt, %squeeze3A_215, %sign3A_221 : i32
        %sign3A_223 = arith.extui %sign3A_222 : i1 to i32
        %sign3A_224 = arith.subi %sign3A_220, %sign3A_223 : i32
        %sign3A_225 = arith.constant 0 : i32
        %sign3A_226 = arith.cmpi sgt, %jit3A_216, %sign3A_225 : i32
        %sign3A_227 = arith.extui %sign3A_226 : i1 to i32
        %sign3A_228 = arith.constant 0 : i32
        %sign3A_229 = arith.cmpi slt, %jit3A_216, %sign3A_228 : i32
        %sign3A_230 = arith.extui %sign3A_229 : i1 to i32
        %sign3A_231 = arith.subi %sign3A_227, %sign3A_230 : i32
        %ne3A_232 = arith.cmpi ne, %sign3A_224, %sign3A_231 : i32
        %rem3A_233 = arith.remsi %squeeze3A_215, %jit3A_216 : i32
        %ne3A_234 = arith.constant 0 : i32
        %ne3A_235 = arith.cmpi ne, %rem3A_233, %ne3A_234 : i32
        %and3A_236 = arith.andi %ne3A_232, %ne3A_235 : i1
        %sub3A_237 = arith.constant 1 : i32
        %sub3A_238 = arith.subi %div3A_217, %sub3A_237 : i32
        %select_n3A_239 = arith.select %and3A_236, %sub3A_238, %div3A_217 : i32
        %mul3A_240 = arith.constant 128 : i32
        %mul3A_241 = arith.muli %select_n3A_239, %mul3A_240 : i32
        %multiple_of3A_242 = tpu.assume_multiple %mul3A_241, 128 : i32
        %dma_start3A_243 = arith.constant 0 : i32
        %dma_start3A_244 = arith.constant 768 : i32
        %dma_start3A_245 = tpu.memref_slice %arg13[%dma_start3A_243, %dma_start3A_244] : memref<16x3072xf32, #tpu.memory_space<vmem>> -> memref<16x128xf32, #tpu.memory_space<vmem>>
        %dma_start3A_246 = arith.constant 0 : i32
        %dma_start3A_247 = tpu.memref_slice %arg3[%dma_start3A_246, %multiple_of3A_242] : memref<16x1000000xf32, #tpu.memory_space<hbm>> -> memref<16x128xf32, #tpu.memory_space<hbm>>
        %dma_start3A_248 = arith.constant 0 : i32
        %dma_start3A_249 = arith.constant 768 : i32
        %dma_start3A_250 = tpu.memref_slice %arg13[%dma_start3A_248, %dma_start3A_249] : memref<16x3072xf32, #tpu.memory_space<vmem>> -> memref<16x128xf32, #tpu.memory_space<vmem>>
        %dma_start3A_251 = arith.constant 0 : i32
        %dma_start3A_252 = tpu.memref_slice %arg3[%dma_start3A_251, %multiple_of3A_242] : memref<16x1000000xf32, #tpu.memory_space<hbm>> -> memref<16x128xf32, #tpu.memory_space<hbm>>
        tpu.enqueue_dma source(%dma_start3A_252 : memref<16x128xf32, #tpu.memory_space<hbm>>) target(%dma_start3A_250 : memref<16x128xf32, #tpu.memory_space<vmem>>) target_semaphore(%arg18 : memref<!tpu.dma_semaphore, #tpu.memory_space<semaphore_mem>>)
        %dma_start3A_253 = arith.constant 0 : i32
        %dma_start3A_254 = arith.constant 768 : i32
        %dma_start3A_255 = tpu.memref_slice %arg14[%dma_start3A_253, %dma_start3A_254] : memref<16x3072xf32, #tpu.memory_space<vmem>> -> memref<16x128xf32, #tpu.memory_space<vmem>>
        %dma_start3A_256 = arith.constant 0 : i32
        %dma_start3A_257 = tpu.memref_slice %arg4[%dma_start3A_256, %multiple_of3A_242] : memref<16x1000000xf32, #tpu.memory_space<hbm>> -> memref<16x128xf32, #tpu.memory_space<hbm>>
        %dma_start3A_258 = arith.constant 0 : i32
        %dma_start3A_259 = arith.constant 768 : i32
        %dma_start3A_260 = tpu.memref_slice %arg14[%dma_start3A_258, %dma_start3A_259] : memref<16x3072xf32, #tpu.memory_space<vmem>> -> memref<16x128xf32, #tpu.memory_space<vmem>>
        %dma_start3A_261 = arith.constant 0 : i32
        %dma_start3A_262 = tpu.memref_slice %arg4[%dma_start3A_261, %multiple_of3A_242] : memref<16x1000000xf32, #tpu.memory_space<hbm>> -> memref<16x128xf32, #tpu.memory_space<hbm>>
        tpu.enqueue_dma source(%dma_start3A_262 : memref<16x128xf32, #tpu.memory_space<hbm>>) target(%dma_start3A_260 : memref<16x128xf32, #tpu.memory_space<vmem>>) target_semaphore(%arg24 : memref<!tpu.dma_semaphore, #tpu.memory_space<semaphore_mem>>)
        %slice3A_263 = vector.extract_strided_slice %get3A_123 {offsets = [3], sizes = [1], strides = [1]} : vector<16xi32> to vector<1xi32>
        %squeeze3A_264 = vector.extract %slice3A_263[0] : i32 from vector<1xi32>
        %jit3A_265 = arith.constant 128 : i32
        %div3A_266 = arith.divsi %squeeze3A_264, %jit3A_265 : i32
        %sign3A_267 = arith.constant 0 : i32
        %sign3A_268 = arith.cmpi sgt, %squeeze3A_264, %sign3A_267 : i32
        %sign3A_269 = arith.extui %sign3A_268 : i1 to i32
        %sign3A_270 = arith.constant 0 : i32
        %sign3A_271 = arith.cmpi slt, %squeeze3A_264, %sign3A_270 : i32
        %sign3A_272 = arith.extui %sign3A_271 : i1 to i32
        %sign3A_273 = arith.subi %sign3A_269, %sign3A_272 : i32
        %sign3A_274 = arith.constant 0 : i32
        %sign3A_275 = arith.cmpi sgt, %jit3A_265, %sign3A_274 : i32
        %sign3A_276 = arith.extui %sign3A_275 : i1 to i32
        %sign3A_277 = arith.constant 0 : i32
        %sign3A_278 = arith.cmpi slt, %jit3A_265, %sign3A_277 : i32
        %sign3A_279 = arith.extui %sign3A_278 : i1 to i32
        %sign3A_280 = arith.subi %sign3A_276, %sign3A_279 : i32
        %ne3A_281 = arith.cmpi ne, %sign3A_273, %sign3A_280 : i32
        %rem3A_282 = arith.remsi %squeeze3A_264, %jit3A_265 : i32
        %ne3A_283 = arith.constant 0 : i32
        %ne3A_284 = arith.cmpi ne, %rem3A_282, %ne3A_283 : i32
        %and3A_285 = arith.andi %ne3A_281, %ne3A_284 : i1
        %sub3A_286 = arith.constant 1 : i32
        %sub3A_287 = arith.subi %div3A_266, %sub3A_286 : i32
        %select_n3A_288 = arith.select %and3A_285, %sub3A_287, %div3A_266 : i32
        %mul3A_289 = arith.constant 128 : i32
        %mul3A_290 = arith.muli %select_n3A_288, %mul3A_289 : i32
        %multiple_of3A_291 = tpu.assume_multiple %mul3A_290, 128 : i32
        %dma_start3A_292 = arith.constant 0 : i32
        %dma_start3A_293 = arith.constant 896 : i32
        %dma_start3A_294 = tpu.memref_slice %arg13[%dma_start3A_292, %dma_start3A_293] : memref<16x3072xf32, #tpu.memory_space<vmem>> -> memref<16x128xf32, #tpu.memory_space<vmem>>
        %dma_start3A_295 = arith.constant 0 : i32
        %dma_start3A_296 = tpu.memref_slice %arg3[%dma_start3A_295, %multiple_of3A_291] : memref<16x1000000xf32, #tpu.memory_space<hbm>> -> memref<16x128xf32, #tpu.memory_space<hbm>>
        %dma_start3A_297 = arith.constant 0 : i32
        %dma_start3A_298 = arith.constant 896 : i32
        %dma_start3A_299 = tpu.memref_slice %arg13[%dma_start3A_297, %dma_start3A_298] : memref<16x3072xf32, #tpu.memory_space<vmem>> -> memref<16x128xf32, #tpu.memory_space<vmem>>
        %dma_start3A_300 = arith.constant 0 : i32
        %dma_start3A_301 = tpu.memref_slice %arg3[%dma_start3A_300, %multiple_of3A_291] : memref<16x1000000xf32, #tpu.memory_space<hbm>> -> memref<16x128xf32, #tpu.memory_space<hbm>>
        tpu.enqueue_dma source(%dma_start3A_301 : memref<16x128xf32, #tpu.memory_space<hbm>>) target(%dma_start3A_299 : memref<16x128xf32, #tpu.memory_space<vmem>>) target_semaphore(%arg18 : memref<!tpu.dma_semaphore, #tpu.memory_space<semaphore_mem>>)
        %dma_start3A_302 = arith.constant 0 : i32
        %dma_start3A_303 = arith.constant 896 : i32
        %dma_start3A_304 = tpu.memref_slice %arg14[%dma_start3A_302, %dma_start3A_303] : memref<16x3072xf32, #tpu.memory_space<vmem>> -> memref<16x128xf32, #tpu.memory_space<vmem>>
        %dma_start3A_305 = arith.constant 0 : i32
        %dma_start3A_306 = tpu.memref_slice %arg4[%dma_start3A_305, %multiple_of3A_291] : memref<16x1000000xf32, #tpu.memory_space<hbm>> -> memref<16x128xf32, #tpu.memory_space<hbm>>
        %dma_start3A_307 = arith.constant 0 : i32
        %dma_start3A_308 = arith.constant 896 : i32
        %dma_start3A_309 = tpu.memref_slice %arg14[%dma_start3A_307, %dma_start3A_308] : memref<16x3072xf32, #tpu.memory_space<vmem>> -> memref<16x128xf32, #tpu.memory_space<vmem>>
        %dma_start3A_310 = arith.constant 0 : i32
        %dma_start3A_311 = tpu.memref_slice %arg4[%dma_start3A_310, %multiple_of3A_291] : memref<16x1000000xf32, #tpu.memory_space<hbm>> -> memref<16x128xf32, #tpu.memory_space<hbm>>
        tpu.enqueue_dma source(%dma_start3A_311 : memref<16x128xf32, #tpu.memory_space<hbm>>) target(%dma_start3A_309 : memref<16x128xf32, #tpu.memory_space<vmem>>) target_semaphore(%arg24 : memref<!tpu.dma_semaphore, #tpu.memory_space<semaphore_mem>>)
      } else {
      }
      %sub3A_35 = arith.constant 4 : i32
      %sub3A_36 = arith.subi %add3A_29, %sub3A_35 : i32
      %ge3A_37 = arith.constant 0 : i32
      %ge3A_38 = arith.cmpi sge, %sub3A_36, %ge3A_37 : i32
      %lt3A_39 = arith.constant 128 : i32
      %lt3A_40 = arith.cmpi slt, %sub3A_36, %lt3A_39 : i32
      %and3A_41 = arith.andi %ge3A_38, %lt3A_40 : i1
      %convert_element_type3A_42 = arith.extui %and3A_41 : i1 to i32
      %cond3A_43 = arith.constant 0 : i32
      %cond3A_44 = arith.cmpi ne, %convert_element_type3A_42, %cond3A_43 : i32
      scf.if %cond3A_44 {
        %dma_wait3A_121 = arith.constant 0 : i32
        %dma_wait3A_122 = arith.constant 1536 : i32
        %dma_wait3A_123 = tpu.memref_slice %arg13[%dma_wait3A_121, %dma_wait3A_122] : memref<16x3072xf32, #tpu.memory_space<vmem>> -> memref<16x512xf32, #tpu.memory_space<vmem>>
        %dma_wait3A_124 = arith.constant 0 : i32
        %dma_wait3A_125 = arith.constant 0 : i32
        %dma_wait3A_126 = tpu.memref_slice %arg3[%dma_wait3A_124, %dma_wait3A_125] : memref<16x1000000xf32, #tpu.memory_space<hbm>> -> memref<16x512xf32, #tpu.memory_space<hbm>>
        %dma_wait3A_127 = arith.constant 0 : i32
        %dma_wait3A_128 = arith.constant 1536 : i32
        %dma_wait3A_129 = tpu.memref_slice %arg13[%dma_wait3A_127, %dma_wait3A_128] : memref<16x3072xf32, #tpu.memory_space<vmem>> -> memref<16x512xf32, #tpu.memory_space<vmem>>
        %dma_wait3A_130 = arith.constant 0 : i32
        %dma_wait3A_131 = arith.constant 0 : i32
        %dma_wait3A_132 = tpu.memref_slice %arg3[%dma_wait3A_130, %dma_wait3A_131] : memref<16x1000000xf32, #tpu.memory_space<hbm>> -> memref<16x512xf32, #tpu.memory_space<hbm>>
        tpu.wait_dma2 semaphore(%arg20 : memref<!tpu.dma_semaphore, #tpu.memory_space<semaphore_mem>>) src(%dma_wait3A_132 : memref<16x512xf32, #tpu.memory_space<hbm>>) dst(%dma_wait3A_129 : memref<16x512xf32, #tpu.memory_space<vmem>>)
        %dma_wait3A_133 = arith.constant 0 : i32
        %dma_wait3A_134 = arith.constant 1536 : i32
        %dma_wait3A_135 = tpu.memref_slice %arg14[%dma_wait3A_133, %dma_wait3A_134] : memref<16x3072xf32, #tpu.memory_space<vmem>> -> memref<16x512xf32, #tpu.memory_space<vmem>>
        %dma_wait3A_136 = arith.constant 0 : i32
        %dma_wait3A_137 = arith.constant 0 : i32
        %dma_wait3A_138 = tpu.memref_slice %arg4[%dma_wait3A_136, %dma_wait3A_137] : memref<16x1000000xf32, #tpu.memory_space<hbm>> -> memref<16x512xf32, #tpu.memory_space<hbm>>
        %dma_wait3A_139 = arith.constant 0 : i32
        %dma_wait3A_140 = arith.constant 1536 : i32
        %dma_wait3A_141 = tpu.memref_slice %arg14[%dma_wait3A_139, %dma_wait3A_140] : memref<16x3072xf32, #tpu.memory_space<vmem>> -> memref<16x512xf32, #tpu.memory_space<vmem>>
        %dma_wait3A_142 = arith.constant 0 : i32
        %dma_wait3A_143 = arith.constant 0 : i32
        %dma_wait3A_144 = tpu.memref_slice %arg4[%dma_wait3A_142, %dma_wait3A_143] : memref<16x1000000xf32, #tpu.memory_space<hbm>> -> memref<16x512xf32, #tpu.memory_space<hbm>>
        tpu.wait_dma2 semaphore(%arg26 : memref<!tpu.dma_semaphore, #tpu.memory_space<semaphore_mem>>) src(%dma_wait3A_144 : memref<16x512xf32, #tpu.memory_space<hbm>>) dst(%dma_wait3A_141 : memref<16x512xf32, #tpu.memory_space<vmem>>)
        %mul3A_145 = arith.constant 4 : i32
        %mul3A_146 = arith.muli %sub3A_36, %mul3A_145 : i32
        %get3A = arith.index_cast %mul3A_146 : i32 to index
        %get3A_147 = tpu.vector_load %arg10[%get3A] {strides = array<i32>} : memref<528xi32, #tpu.memory_space<vmem>>, vector<16xi32>,
        %mul3A_148 = arith.constant 4 : i32
        %mul3A_149 = arith.muli %sub3A_36, %mul3A_148 : i32
        %add3A_150 = arith.constant 0 : i32
        %add3A_151 = arith.addi %mul3A_149, %add3A_150 : i32
        %slice3A = vector.extract_strided_slice %get3A_147 {offsets = [0], sizes = [1], strides = [1]} : vector<16xi32> to vector<1xi32>
        %squeeze3A = vector.extract %slice3A[0] : i32 from vector<1xi32>
        %jit3A = arith.constant 128 : i32
        %div3A = arith.divsi %squeeze3A, %jit3A : i32
        %sign3A = arith.constant 0 : i32
        %sign3A_152 = arith.cmpi sgt, %squeeze3A, %sign3A : i32
        %sign3A_153 = arith.extui %sign3A_152 : i1 to i32
        %sign3A_154 = arith.constant 0 : i32
        %sign3A_155 = arith.cmpi slt, %squeeze3A, %sign3A_154 : i32
        %sign3A_156 = arith.extui %sign3A_155 : i1 to i32
        %sign3A_157 = arith.subi %sign3A_153, %sign3A_156 : i32
        %sign3A_158 = arith.constant 0 : i32
        %sign3A_159 = arith.cmpi sgt, %jit3A, %sign3A_158 : i32
        %sign3A_160 = arith.extui %sign3A_159 : i1 to i32
        %sign3A_161 = arith.constant 0 : i32
        %sign3A_162 = arith.cmpi slt, %jit3A, %sign3A_161 : i32
        %sign3A_163 = arith.extui %sign3A_162 : i1 to i32
        %sign3A_164 = arith.subi %sign3A_160, %sign3A_163 : i32
        %ne3A = arith.cmpi ne, %sign3A_157, %sign3A_164 : i32
        %rem3A = arith.remsi %squeeze3A, %jit3A : i32
        %ne3A_165 = arith.constant 0 : i32
        %ne3A_166 = arith.cmpi ne, %rem3A, %ne3A_165 : i32
        %and3A_167 = arith.andi %ne3A, %ne3A_166 : i1
        %sub3A_168 = arith.constant 1 : i32
        %sub3A_169 = arith.subi %div3A, %sub3A_168 : i32
        %select_n3A = arith.select %and3A_167, %sub3A_169, %div3A : i32
        %mul3A_170 = arith.constant 128 : i32
        %mul3A_171 = arith.muli %select_n3A, %mul3A_170 : i32
        %sub3A_172 = arith.subi %squeeze3A, %mul3A_171 : i32
        %broadcast_in_dim3A_173 = arith.constant 1536 : i32
        %broadcast_in_dim3A_174 = vector.broadcast %broadcast_in_dim3A_173 : i32 to vector<16xi32>
        %add3A_175 = vector.broadcast %sub3A_172 : i32 to vector<16xi32>
        %add3A_176 = arith.addi %broadcast_in_dim3A_174, %add3A_175 : vector<16xi32>
        %gather3A = tpu.vector_load_idx %arg13[%iota3A, %add3A_176] : memref<16x3072xf32, #tpu.memory_space<vmem>>[vector<16xi32>, vector<16xi32>], vector<16xf32>,
        %gather3A_177 = tpu.vector_load_idx %arg14[%iota3A, %add3A_176] : memref<16x3072xf32, #tpu.memory_space<vmem>>[vector<16xi32>, vector<16xi32>], vector<16xf32>,
        %broadcast_in_dim3A_178 = vector.broadcast %add3A_151 : i32 to vector<16xi32>
        %gather3A_179 = tpu.vector_load_idx %arg11[%iota3A, %broadcast_in_dim3A_178] : memref<16x512xf32, #tpu.memory_space<vmem>>[vector<16xi32>, vector<16xi32>], vector<16xf32>,
        %mul3A_180 = arith.constant 5.000000e-01 : f32
        %mul3A_181 = vector.broadcast %mul3A_180 : f32 to vector<16xf32>
        %mul3A_182 = arith.mulf %gather3A_177, %mul3A_181 : vector<16xf32>
        %exp3A = math.exp %mul3A_182 : vector<16xf32>
        %mul3A_183 = arith.mulf %gather3A_179, %exp3A : vector<16xf32>
        %add3A_184 = arith.addf %mul3A_183, %gather3A : vector<16xf32>
        tpu.vector_store_idx %arg12[%iota3A, %broadcast_in_dim3A_178], %add3A_184 : memref<16x512xf32, #tpu.memory_space<vmem>>[vector<16xi32>, vector<16xi32>], vector<16xf32>,
        %mul3A_185 = arith.constant 4 : i32
        %mul3A_186 = arith.muli %sub3A_36, %mul3A_185 : i32
        %add3A_187 = arith.constant 1 : i32
        %add3A_188 = arith.addi %mul3A_186, %add3A_187 : i32
        %slice3A_189 = vector.extract_strided_slice %get3A_147 {offsets = [1], sizes = [1], strides = [1]} : vector<16xi32> to vector<1xi32>
        %squeeze3A_190 = vector.extract %slice3A_189[0] : i32 from vector<1xi32>
        %jit3A_191 = arith.constant 128 : i32
        %div3A_192 = arith.divsi %squeeze3A_190, %jit3A_191 : i32
        %sign3A_193 = arith.constant 0 : i32
        %sign3A_194 = arith.cmpi sgt, %squeeze3A_190, %sign3A_193 : i32
        %sign3A_195 = arith.extui %sign3A_194 : i1 to i32
        %sign3A_196 = arith.constant 0 : i32
        %sign3A_197 = arith.cmpi slt, %squeeze3A_190, %sign3A_196 : i32
        %sign3A_198 = arith.extui %sign3A_197 : i1 to i32
        %sign3A_199 = arith.subi %sign3A_195, %sign3A_198 : i32
        %sign3A_200 = arith.constant 0 : i32
        %sign3A_201 = arith.cmpi sgt, %jit3A_191, %sign3A_200 : i32
        %sign3A_202 = arith.extui %sign3A_201 : i1 to i32
        %sign3A_203 = arith.constant 0 : i32
        %sign3A_204 = arith.cmpi slt, %jit3A_191, %sign3A_203 : i32
        %sign3A_205 = arith.extui %sign3A_204 : i1 to i32
        %sign3A_206 = arith.subi %sign3A_202, %sign3A_205 : i32
        %ne3A_207 = arith.cmpi ne, %sign3A_199, %sign3A_206 : i32
        %rem3A_208 = arith.remsi %squeeze3A_190, %jit3A_191 : i32
        %ne3A_209 = arith.constant 0 : i32
        %ne3A_210 = arith.cmpi ne, %rem3A_208, %ne3A_209 : i32
        %and3A_211 = arith.andi %ne3A_207, %ne3A_210 : i1
        %sub3A_212 = arith.constant 1 : i32
        %sub3A_213 = arith.subi %div3A_192, %sub3A_212 : i32
        %select_n3A_214 = arith.select %and3A_211, %sub3A_213, %div3A_192 : i32
        %mul3A_215 = arith.constant 128 : i32
        %mul3A_216 = arith.muli %select_n3A_214, %mul3A_215 : i32
        %sub3A_217 = arith.subi %squeeze3A_190, %mul3A_216 : i32
        %broadcast_in_dim3A_218 = arith.constant 1664 : i32
        %broadcast_in_dim3A_219 = vector.broadcast %broadcast_in_dim3A_218 : i32 to vector<16xi32>
        %add3A_220 = vector.broadcast %sub3A_217 : i32 to vector<16xi32>
        %add3A_221 = arith.addi %broadcast_in_dim3A_219, %add3A_220 : vector<16xi32>
        %gather3A_222 = tpu.vector_load_idx %arg13[%iota3A, %add3A_221] : memref<16x3072xf32, #tpu.memory_space<vmem>>[vector<16xi32>, vector<16xi32>], vector<16xf32>,
        %gather3A_223 = tpu.vector_load_idx %arg14[%iota3A, %add3A_221] : memref<16x3072xf32, #tpu.memory_space<vmem>>[vector<16xi32>, vector<16xi32>], vector<16xf32>,
        %broadcast_in_dim3A_224 = vector.broadcast %add3A_188 : i32 to vector<16xi32>
        %gather3A_225 = tpu.vector_load_idx %arg11[%iota3A, %broadcast_in_dim3A_224] : memref<16x512xf32, #tpu.memory_space<vmem>>[vector<16xi32>, vector<16xi32>], vector<16xf32>,
        %mul3A_226 = arith.constant 5.000000e-01 : f32
        %mul3A_227 = vector.broadcast %mul3A_226 : f32 to vector<16xf32>
        %mul3A_228 = arith.mulf %gather3A_223, %mul3A_227 : vector<16xf32>
        %exp3A_229 = math.exp %mul3A_228 : vector<16xf32>
        %mul3A_230 = arith.mulf %gather3A_225, %exp3A_229 : vector<16xf32>
        %add3A_231 = arith.addf %mul3A_230, %gather3A_222 : vector<16xf32>
        tpu.vector_store_idx %arg12[%iota3A, %broadcast_in_dim3A_224], %add3A_231 : memref<16x512xf32, #tpu.memory_space<vmem>>[vector<16xi32>, vector<16xi32>], vector<16xf32>,
        %mul3A_232 = arith.constant 4 : i32
        %mul3A_233 = arith.muli %sub3A_36, %mul3A_232 : i32
        %add3A_234 = arith.constant 2 : i32
        %add3A_235 = arith.addi %mul3A_233, %add3A_234 : i32
        %slice3A_236 = vector.extract_strided_slice %get3A_147 {offsets = [2], sizes = [1], strides = [1]} : vector<16xi32> to vector<1xi32>
        %squeeze3A_237 = vector.extract %slice3A_236[0] : i32 from vector<1xi32>
        %jit3A_238 = arith.constant 128 : i32
        %div3A_239 = arith.divsi %squeeze3A_237, %jit3A_238 : i32
        %sign3A_240 = arith.constant 0 : i32
        %sign3A_241 = arith.cmpi sgt, %squeeze3A_237, %sign3A_240 : i32
        %sign3A_242 = arith.extui %sign3A_241 : i1 to i32
        %sign3A_243 = arith.constant 0 : i32
        %sign3A_244 = arith.cmpi slt, %squeeze3A_237, %sign3A_243 : i32
        %sign3A_245 = arith.extui %sign3A_244 : i1 to i32
        %sign3A_246 = arith.subi %sign3A_242, %sign3A_245 : i32
        %sign3A_247 = arith.constant 0 : i32
        %sign3A_248 = arith.cmpi sgt, %jit3A_238, %sign3A_247 : i32
        %sign3A_249 = arith.extui %sign3A_248 : i1 to i32
        %sign3A_250 = arith.constant 0 : i32
        %sign3A_251 = arith.cmpi slt, %jit3A_238, %sign3A_250 : i32
        %sign3A_252 = arith.extui %sign3A_251 : i1 to i32
        %sign3A_253 = arith.subi %sign3A_249, %sign3A_252 : i32
        %ne3A_254 = arith.cmpi ne, %sign3A_246, %sign3A_253 : i32
        %rem3A_255 = arith.remsi %squeeze3A_237, %jit3A_238 : i32
        %ne3A_256 = arith.constant 0 : i32
        %ne3A_257 = arith.cmpi ne, %rem3A_255, %ne3A_256 : i32
        %and3A_258 = arith.andi %ne3A_254, %ne3A_257 : i1
        %sub3A_259 = arith.constant 1 : i32
        %sub3A_260 = arith.subi %div3A_239, %sub3A_259 : i32
        %select_n3A_261 = arith.select %and3A_258, %sub3A_260, %div3A_239 : i32
        %mul3A_262 = arith.constant 128 : i32
        %mul3A_263 = arith.muli %select_n3A_261, %mul3A_262 : i32
        %sub3A_264 = arith.subi %squeeze3A_237, %mul3A_263 : i32
        %broadcast_in_dim3A_265 = arith.constant 1792 : i32
        %broadcast_in_dim3A_266 = vector.broadcast %broadcast_in_dim3A_265 : i32 to vector<16xi32>
        %add3A_267 = vector.broadcast %sub3A_264 : i32 to vector<16xi32>
        %add3A_268 = arith.addi %broadcast_in_dim3A_266, %add3A_267 : vector<16xi32>
        %gather3A_269 = tpu.vector_load_idx %arg13[%iota3A, %add3A_268] : memref<16x3072xf32, #tpu.memory_space<vmem>>[vector<16xi32>, vector<16xi32>], vector<16xf32>,
        %gather3A_270 = tpu.vector_load_idx %arg14[%iota3A, %add3A_268] : memref<16x3072xf32, #tpu.memory_space<vmem>>[vector<16xi32>, vector<16xi32>], vector<16xf32>,
        %broadcast_in_dim3A_271 = vector.broadcast %add3A_235 : i32 to vector<16xi32>
        %gather3A_272 = tpu.vector_load_idx %arg11[%iota3A, %broadcast_in_dim3A_271] : memref<16x512xf32, #tpu.memory_space<vmem>>[vector<16xi32>, vector<16xi32>], vector<16xf32>,
        %mul3A_273 = arith.constant 5.000000e-01 : f32
        %mul3A_274 = vector.broadcast %mul3A_273 : f32 to vector<16xf32>
        %mul3A_275 = arith.mulf %gather3A_270, %mul3A_274 : vector<16xf32>
        %exp3A_276 = math.exp %mul3A_275 : vector<16xf32>
        %mul3A_277 = arith.mulf %gather3A_272, %exp3A_276 : vector<16xf32>
        %add3A_278 = arith.addf %mul3A_277, %gather3A_269 : vector<16xf32>
        tpu.vector_store_idx %arg12[%iota3A, %broadcast_in_dim3A_271], %add3A_278 : memref<16x512xf32, #tpu.memory_space<vmem>>[vector<16xi32>, vector<16xi32>], vector<16xf32>,
        %mul3A_279 = arith.constant 4 : i32
        %mul3A_280 = arith.muli %sub3A_36, %mul3A_279 : i32
        %add3A_281 = arith.constant 3 : i32
        %add3A_282 = arith.addi %mul3A_280, %add3A_281 : i32
        %slice3A_283 = vector.extract_strided_slice %get3A_147 {offsets = [3], sizes = [1], strides = [1]} : vector<16xi32> to vector<1xi32>
        %squeeze3A_284 = vector.extract %slice3A_283[0] : i32 from vector<1xi32>
        %jit3A_285 = arith.constant 128 : i32
        %div3A_286 = arith.divsi %squeeze3A_284, %jit3A_285 : i32
        %sign3A_287 = arith.constant 0 : i32
        %sign3A_288 = arith.cmpi sgt, %squeeze3A_284, %sign3A_287 : i32
        %sign3A_289 = arith.extui %sign3A_288 : i1 to i32
        %sign3A_290 = arith.constant 0 : i32
        %sign3A_291 = arith.cmpi slt, %squeeze3A_284, %sign3A_290 : i32
        %sign3A_292 = arith.extui %sign3A_291 : i1 to i32
        %sign3A_293 = arith.subi %sign3A_289, %sign3A_292 : i32
        %sign3A_294 = arith.constant 0 : i32
        %sign3A_295 = arith.cmpi sgt, %jit3A_285, %sign3A_294 : i32
        %sign3A_296 = arith.extui %sign3A_295 : i1 to i32
        %sign3A_297 = arith.constant 0 : i32
        %sign3A_298 = arith.cmpi slt, %jit3A_285, %sign3A_297 : i32
        %sign3A_299 = arith.extui %sign3A_298 : i1 to i32
        %sign3A_300 = arith.subi %sign3A_296, %sign3A_299 : i32
        %ne3A_301 = arith.cmpi ne, %sign3A_293, %sign3A_300 : i32
        %rem3A_302 = arith.remsi %squeeze3A_284, %jit3A_285 : i32
        %ne3A_303 = arith.constant 0 : i32
        %ne3A_304 = arith.cmpi ne, %rem3A_302, %ne3A_303 : i32
        %and3A_305 = arith.andi %ne3A_301, %ne3A_304 : i1
        %sub3A_306 = arith.constant 1 : i32
        %sub3A_307 = arith.subi %div3A_286, %sub3A_306 : i32
        %select_n3A_308 = arith.select %and3A_305, %sub3A_307, %div3A_286 : i32
        %mul3A_309 = arith.constant 128 : i32
        %mul3A_310 = arith.muli %select_n3A_308, %mul3A_309 : i32
        %sub3A_311 = arith.subi %squeeze3A_284, %mul3A_310 : i32
        %broadcast_in_dim3A_312 = arith.constant 1920 : i32
        %broadcast_in_dim3A_313 = vector.broadcast %broadcast_in_dim3A_312 : i32 to vector<16xi32>
        %add3A_314 = vector.broadcast %sub3A_311 : i32 to vector<16xi32>
        %add3A_315 = arith.addi %broadcast_in_dim3A_313, %add3A_314 : vector<16xi32>
        %gather3A_316 = tpu.vector_load_idx %arg13[%iota3A, %add3A_315] : memref<16x3072xf32, #tpu.memory_space<vmem>>[vector<16xi32>, vector<16xi32>], vector<16xf32>,
        %gather3A_317 = tpu.vector_load_idx %arg14[%iota3A, %add3A_315] : memref<16x3072xf32, #tpu.memory_space<vmem>>[vector<16xi32>, vector<16xi32>], vector<16xf32>,
        %broadcast_in_dim3A_318 = vector.broadcast %add3A_282 : i32 to vector<16xi32>
        %gather3A_319 = tpu.vector_load_idx %arg11[%iota3A, %broadcast_in_dim3A_318] : memref<16x512xf32, #tpu.memory_space<vmem>>[vector<16xi32>, vector<16xi32>], vector<16xf32>,
        %mul3A_320 = arith.constant 5.000000e-01 : f32
        %mul3A_321 = vector.broadcast %mul3A_320 : f32 to vector<16xf32>
        %mul3A_322 = arith.mulf %gather3A_317, %mul3A_321 : vector<16xf32>
        %exp3A_323 = math.exp %mul3A_322 : vector<16xf32>
        %mul3A_324 = arith.mulf %gather3A_319, %exp3A_323 : vector<16xf32>
        %add3A_325 = arith.addf %mul3A_324, %gather3A_316 : vector<16xf32>
        tpu.vector_store_idx %arg12[%iota3A, %broadcast_in_dim3A_318], %add3A_325 : memref<16x512xf32, #tpu.memory_space<vmem>>[vector<16xi32>, vector<16xi32>], vector<16xf32>,
      } else {
      }
      %mul3A_45 = arith.constant 6 : i32
      %mul3A_46 = arith.muli %scan3A_12, %mul3A_45 : i32
      %add3A_47 = arith.constant 2 : i32
      %add3A_48 = arith.addi %mul3A_46, %add3A_47 : i32
      %lt3A_49 = arith.constant 128 : i32
      %lt3A_50 = arith.cmpi slt, %add3A_48, %lt3A_49 : i32
      %convert_element_type3A_51 = arith.extui %lt3A_50 : i1 to i32
      %cond3A_52 = arith.constant 0 : i32
      %cond3A_53 = arith.cmpi ne, %convert_element_type3A_51, %cond3A_52 : i32
      scf.if %cond3A_53 {
        %mul3A_121 = arith.constant 4 : i32
        %mul3A_122 = arith.muli %add3A_48, %mul3A_121 : i32
        %get3A = arith.index_cast %mul3A_122 : i32 to index
        %get3A_123 = tpu.vector_load %arg10[%get3A] {strides = array<i32>} : memref<528xi32, #tpu.memory_space<vmem>>, vector<16xi32>,
        %slice3A = vector.extract_strided_slice %get3A_123 {offsets = [0], sizes = [1], strides = [1]} : vector<16xi32> to vector<1xi32>
        %squeeze3A = vector.extract %slice3A[0] : i32 from vector<1xi32>
        %jit3A = arith.constant 128 : i32
        %div3A = arith.divsi %squeeze3A, %jit3A : i32
        %sign3A = arith.constant 0 : i32
        %sign3A_124 = arith.cmpi sgt, %squeeze3A, %sign3A : i32
        %sign3A_125 = arith.extui %sign3A_124 : i1 to i32
        %sign3A_126 = arith.constant 0 : i32
        %sign3A_127 = arith.cmpi slt, %squeeze3A, %sign3A_126 : i32
        %sign3A_128 = arith.extui %sign3A_127 : i1 to i32
        %sign3A_129 = arith.subi %sign3A_125, %sign3A_128 : i32
        %sign3A_130 = arith.constant 0 : i32
        %sign3A_131 = arith.cmpi sgt, %jit3A, %sign3A_130 : i32
        %sign3A_132 = arith.extui %sign3A_131 : i1 to i32
        %sign3A_133 = arith.constant 0 : i32
        %sign3A_134 = arith.cmpi slt, %jit3A, %sign3A_133 : i32
        %sign3A_135 = arith.extui %sign3A_134 : i1 to i32
        %sign3A_136 = arith.subi %sign3A_132, %sign3A_135 : i32
        %ne3A = arith.cmpi ne, %sign3A_129, %sign3A_136 : i32
        %rem3A = arith.remsi %squeeze3A, %jit3A : i32
        %ne3A_137 = arith.constant 0 : i32
        %ne3A_138 = arith.cmpi ne, %rem3A, %ne3A_137 : i32
        %and3A_139 = arith.andi %ne3A, %ne3A_138 : i1
        %sub3A_140 = arith.constant 1 : i32
        %sub3A_141 = arith.subi %div3A, %sub3A_140 : i32
        %select_n3A = arith.select %and3A_139, %sub3A_141, %div3A : i32
        %mul3A_142 = arith.constant 128 : i32
        %mul3A_143 = arith.muli %select_n3A, %mul3A_142 : i32
        %multiple_of3A_144 = tpu.assume_multiple %mul3A_143, 128 : i32
        %dma_start3A_145 = arith.constant 0 : i32
        %dma_start3A_146 = arith.constant 1024 : i32
        %dma_start3A_147 = tpu.memref_slice %arg13[%dma_start3A_145, %dma_start3A_146] : memref<16x3072xf32, #tpu.memory_space<vmem>> -> memref<16x128xf32, #tpu.memory_space<vmem>>
        %dma_start3A_148 = arith.constant 0 : i32
        %dma_start3A_149 = tpu.memref_slice %arg3[%dma_start3A_148, %multiple_of3A_144] : memref<16x1000000xf32, #tpu.memory_space<hbm>> -> memref<16x128xf32, #tpu.memory_space<hbm>>
        %dma_start3A_150 = arith.constant 0 : i32
        %dma_start3A_151 = arith.constant 1024 : i32
        %dma_start3A_152 = tpu.memref_slice %arg13[%dma_start3A_150, %dma_start3A_151] : memref<16x3072xf32, #tpu.memory_space<vmem>> -> memref<16x128xf32, #tpu.memory_space<vmem>>
        %dma_start3A_153 = arith.constant 0 : i32
        %dma_start3A_154 = tpu.memref_slice %arg3[%dma_start3A_153, %multiple_of3A_144] : memref<16x1000000xf32, #tpu.memory_space<hbm>> -> memref<16x128xf32, #tpu.memory_space<hbm>>
        tpu.enqueue_dma source(%dma_start3A_154 : memref<16x128xf32, #tpu.memory_space<hbm>>) target(%dma_start3A_152 : memref<16x128xf32, #tpu.memory_space<vmem>>) target_semaphore(%arg19 : memref<!tpu.dma_semaphore, #tpu.memory_space<semaphore_mem>>)
        %dma_start3A_155 = arith.constant 0 : i32
        %dma_start3A_156 = arith.constant 1024 : i32
        %dma_start3A_157 = tpu.memref_slice %arg14[%dma_start3A_155, %dma_start3A_156] : memref<16x3072xf32, #tpu.memory_space<vmem>> -> memref<16x128xf32, #tpu.memory_space<vmem>>
        %dma_start3A_158 = arith.constant 0 : i32
        %dma_start3A_159 = tpu.memref_slice %arg4[%dma_start3A_158, %multiple_of3A_144] : memref<16x1000000xf32, #tpu.memory_space<hbm>> -> memref<16x128xf32, #tpu.memory_space<hbm>>
        %dma_start3A_160 = arith.constant 0 : i32
        %dma_start3A_161 = arith.constant 1024 : i32
        %dma_start3A_162 = tpu.memref_slice %arg14[%dma_start3A_160, %dma_start3A_161] : memref<16x3072xf32, #tpu.memory_space<vmem>> -> memref<16x128xf32, #tpu.memory_space<vmem>>
        %dma_start3A_163 = arith.constant 0 : i32
        %dma_start3A_164 = tpu.memref_slice %arg4[%dma_start3A_163, %multiple_of3A_144] : memref<16x1000000xf32, #tpu.memory_space<hbm>> -> memref<16x128xf32, #tpu.memory_space<hbm>>
        tpu.enqueue_dma source(%dma_start3A_164 : memref<16x128xf32, #tpu.memory_space<hbm>>) target(%dma_start3A_162 : memref<16x128xf32, #tpu.memory_space<vmem>>) target_semaphore(%arg25 : memref<!tpu.dma_semaphore, #tpu.memory_space<semaphore_mem>>)
        %slice3A_165 = vector.extract_strided_slice %get3A_123 {offsets = [1], sizes = [1], strides = [1]} : vector<16xi32> to vector<1xi32>
        %squeeze3A_166 = vector.extract %slice3A_165[0] : i32 from vector<1xi32>
        %jit3A_167 = arith.constant 128 : i32
        %div3A_168 = arith.divsi %squeeze3A_166, %jit3A_167 : i32
        %sign3A_169 = arith.constant 0 : i32
        %sign3A_170 = arith.cmpi sgt, %squeeze3A_166, %sign3A_169 : i32
        %sign3A_171 = arith.extui %sign3A_170 : i1 to i32
        %sign3A_172 = arith.constant 0 : i32
        %sign3A_173 = arith.cmpi slt, %squeeze3A_166, %sign3A_172 : i32
        %sign3A_174 = arith.extui %sign3A_173 : i1 to i32
        %sign3A_175 = arith.subi %sign3A_171, %sign3A_174 : i32
        %sign3A_176 = arith.constant 0 : i32
        %sign3A_177 = arith.cmpi sgt, %jit3A_167, %sign3A_176 : i32
        %sign3A_178 = arith.extui %sign3A_177 : i1 to i32
        %sign3A_179 = arith.constant 0 : i32
        %sign3A_180 = arith.cmpi slt, %jit3A_167, %sign3A_179 : i32
        %sign3A_181 = arith.extui %sign3A_180 : i1 to i32
        %sign3A_182 = arith.subi %sign3A_178, %sign3A_181 : i32
        %ne3A_183 = arith.cmpi ne, %sign3A_175, %sign3A_182 : i32
        %rem3A_184 = arith.remsi %squeeze3A_166, %jit3A_167 : i32
        %ne3A_185 = arith.constant 0 : i32
        %ne3A_186 = arith.cmpi ne, %rem3A_184, %ne3A_185 : i32
        %and3A_187 = arith.andi %ne3A_183, %ne3A_186 : i1
        %sub3A_188 = arith.constant 1 : i32
        %sub3A_189 = arith.subi %div3A_168, %sub3A_188 : i32
        %select_n3A_190 = arith.select %and3A_187, %sub3A_189, %div3A_168 : i32
        %mul3A_191 = arith.constant 128 : i32
        %mul3A_192 = arith.muli %select_n3A_190, %mul3A_191 : i32
        %multiple_of3A_193 = tpu.assume_multiple %mul3A_192, 128 : i32
        %dma_start3A_194 = arith.constant 0 : i32
        %dma_start3A_195 = arith.constant 1152 : i32
        %dma_start3A_196 = tpu.memref_slice %arg13[%dma_start3A_194, %dma_start3A_195] : memref<16x3072xf32, #tpu.memory_space<vmem>> -> memref<16x128xf32, #tpu.memory_space<vmem>>
        %dma_start3A_197 = arith.constant 0 : i32
        %dma_start3A_198 = tpu.memref_slice %arg3[%dma_start3A_197, %multiple_of3A_193] : memref<16x1000000xf32, #tpu.memory_space<hbm>> -> memref<16x128xf32, #tpu.memory_space<hbm>>
        %dma_start3A_199 = arith.constant 0 : i32
        %dma_start3A_200 = arith.constant 1152 : i32
        %dma_start3A_201 = tpu.memref_slice %arg13[%dma_start3A_199, %dma_start3A_200] : memref<16x3072xf32, #tpu.memory_space<vmem>> -> memref<16x128xf32, #tpu.memory_space<vmem>>
        %dma_start3A_202 = arith.constant 0 : i32
        %dma_start3A_203 = tpu.memref_slice %arg3[%dma_start3A_202, %multiple_of3A_193] : memref<16x1000000xf32, #tpu.memory_space<hbm>> -> memref<16x128xf32, #tpu.memory_space<hbm>>
        tpu.enqueue_dma source(%dma_start3A_203 : memref<16x128xf32, #tpu.memory_space<hbm>>) target(%dma_start3A_201 : memref<16x128xf32, #tpu.memory_space<vmem>>) target_semaphore(%arg19 : memref<!tpu.dma_semaphore, #tpu.memory_space<semaphore_mem>>)
        %dma_start3A_204 = arith.constant 0 : i32
        %dma_start3A_205 = arith.constant 1152 : i32
        %dma_start3A_206 = tpu.memref_slice %arg14[%dma_start3A_204, %dma_start3A_205] : memref<16x3072xf32, #tpu.memory_space<vmem>> -> memref<16x128xf32, #tpu.memory_space<vmem>>
        %dma_start3A_207 = arith.constant 0 : i32
        %dma_start3A_208 = tpu.memref_slice %arg4[%dma_start3A_207, %multiple_of3A_193] : memref<16x1000000xf32, #tpu.memory_space<hbm>> -> memref<16x128xf32, #tpu.memory_space<hbm>>
        %dma_start3A_209 = arith.constant 0 : i32
        %dma_start3A_210 = arith.constant 1152 : i32
        %dma_start3A_211 = tpu.memref_slice %arg14[%dma_start3A_209, %dma_start3A_210] : memref<16x3072xf32, #tpu.memory_space<vmem>> -> memref<16x128xf32, #tpu.memory_space<vmem>>
        %dma_start3A_212 = arith.constant 0 : i32
        %dma_start3A_213 = tpu.memref_slice %arg4[%dma_start3A_212, %multiple_of3A_193] : memref<16x1000000xf32, #tpu.memory_space<hbm>> -> memref<16x128xf32, #tpu.memory_space<hbm>>
        tpu.enqueue_dma source(%dma_start3A_213 : memref<16x128xf32, #tpu.memory_space<hbm>>) target(%dma_start3A_211 : memref<16x128xf32, #tpu.memory_space<vmem>>) target_semaphore(%arg25 : memref<!tpu.dma_semaphore, #tpu.memory_space<semaphore_mem>>)
        %slice3A_214 = vector.extract_strided_slice %get3A_123 {offsets = [2], sizes = [1], strides = [1]} : vector<16xi32> to vector<1xi32>
        %squeeze3A_215 = vector.extract %slice3A_214[0] : i32 from vector<1xi32>
        %jit3A_216 = arith.constant 128 : i32
        %div3A_217 = arith.divsi %squeeze3A_215, %jit3A_216 : i32
        %sign3A_218 = arith.constant 0 : i32
        %sign3A_219 = arith.cmpi sgt, %squeeze3A_215, %sign3A_218 : i32
        %sign3A_220 = arith.extui %sign3A_219 : i1 to i32
        %sign3A_221 = arith.constant 0 : i32
        %sign3A_222 = arith.cmpi slt, %squeeze3A_215, %sign3A_221 : i32
        %sign3A_223 = arith.extui %sign3A_222 : i1 to i32
        %sign3A_224 = arith.subi %sign3A_220, %sign3A_223 : i32
        %sign3A_225 = arith.constant 0 : i32
        %sign3A_226 = arith.cmpi sgt, %jit3A_216, %sign3A_225 : i32
        %sign3A_227 = arith.extui %sign3A_226 : i1 to i32
        %sign3A_228 = arith.constant 0 : i32
        %sign3A_229 = arith.cmpi slt, %jit3A_216, %sign3A_228 : i32
        %sign3A_230 = arith.extui %sign3A_229 : i1 to i32
        %sign3A_231 = arith.subi %sign3A_227, %sign3A_230 : i32
        %ne3A_232 = arith.cmpi ne, %sign3A_224, %sign3A_231 : i32
        %rem3A_233 = arith.remsi %squeeze3A_215, %jit3A_216 : i32
        %ne3A_234 = arith.constant 0 : i32
        %ne3A_235 = arith.cmpi ne, %rem3A_233, %ne3A_234 : i32
        %and3A_236 = arith.andi %ne3A_232, %ne3A_235 : i1
        %sub3A_237 = arith.constant 1 : i32
        %sub3A_238 = arith.subi %div3A_217, %sub3A_237 : i32
        %select_n3A_239 = arith.select %and3A_236, %sub3A_238, %div3A_217 : i32
        %mul3A_240 = arith.constant 128 : i32
        %mul3A_241 = arith.muli %select_n3A_239, %mul3A_240 : i32
        %multiple_of3A_242 = tpu.assume_multiple %mul3A_241, 128 : i32
        %dma_start3A_243 = arith.constant 0 : i32
        %dma_start3A_244 = arith.constant 1280 : i32
        %dma_start3A_245 = tpu.memref_slice %arg13[%dma_start3A_243, %dma_start3A_244] : memref<16x3072xf32, #tpu.memory_space<vmem>> -> memref<16x128xf32, #tpu.memory_space<vmem>>
        %dma_start3A_246 = arith.constant 0 : i32
        %dma_start3A_247 = tpu.memref_slice %arg3[%dma_start3A_246, %multiple_of3A_242] : memref<16x1000000xf32, #tpu.memory_space<hbm>> -> memref<16x128xf32, #tpu.memory_space<hbm>>
        %dma_start3A_248 = arith.constant 0 : i32
        %dma_start3A_249 = arith.constant 1280 : i32
        %dma_start3A_250 = tpu.memref_slice %arg13[%dma_start3A_248, %dma_start3A_249] : memref<16x3072xf32, #tpu.memory_space<vmem>> -> memref<16x128xf32, #tpu.memory_space<vmem>>
        %dma_start3A_251 = arith.constant 0 : i32
        %dma_start3A_252 = tpu.memref_slice %arg3[%dma_start3A_251, %multiple_of3A_242] : memref<16x1000000xf32, #tpu.memory_space<hbm>> -> memref<16x128xf32, #tpu.memory_space<hbm>>
        tpu.enqueue_dma source(%dma_start3A_252 : memref<16x128xf32, #tpu.memory_space<hbm>>) target(%dma_start3A_250 : memref<16x128xf32, #tpu.memory_space<vmem>>) target_semaphore(%arg19 : memref<!tpu.dma_semaphore, #tpu.memory_space<semaphore_mem>>)
        %dma_start3A_253 = arith.constant 0 : i32
        %dma_start3A_254 = arith.constant 1280 : i32
        %dma_start3A_255 = tpu.memref_slice %arg14[%dma_start3A_253, %dma_start3A_254] : memref<16x3072xf32, #tpu.memory_space<vmem>> -> memref<16x128xf32, #tpu.memory_space<vmem>>
        %dma_start3A_256 = arith.constant 0 : i32
        %dma_start3A_257 = tpu.memref_slice %arg4[%dma_start3A_256, %multiple_of3A_242] : memref<16x1000000xf32, #tpu.memory_space<hbm>> -> memref<16x128xf32, #tpu.memory_space<hbm>>
        %dma_start3A_258 = arith.constant 0 : i32
        %dma_start3A_259 = arith.constant 1280 : i32
        %dma_start3A_260 = tpu.memref_slice %arg14[%dma_start3A_258, %dma_start3A_259] : memref<16x3072xf32, #tpu.memory_space<vmem>> -> memref<16x128xf32, #tpu.memory_space<vmem>>
        %dma_start3A_261 = arith.constant 0 : i32
        %dma_start3A_262 = tpu.memref_slice %arg4[%dma_start3A_261, %multiple_of3A_242] : memref<16x1000000xf32, #tpu.memory_space<hbm>> -> memref<16x128xf32, #tpu.memory_space<hbm>>
        tpu.enqueue_dma source(%dma_start3A_262 : memref<16x128xf32, #tpu.memory_space<hbm>>) target(%dma_start3A_260 : memref<16x128xf32, #tpu.memory_space<vmem>>) target_semaphore(%arg25 : memref<!tpu.dma_semaphore, #tpu.memory_space<semaphore_mem>>)
        %slice3A_263 = vector.extract_strided_slice %get3A_123 {offsets = [3], sizes = [1], strides = [1]} : vector<16xi32> to vector<1xi32>
        %squeeze3A_264 = vector.extract %slice3A_263[0] : i32 from vector<1xi32>
        %jit3A_265 = arith.constant 128 : i32
        %div3A_266 = arith.divsi %squeeze3A_264, %jit3A_265 : i32
        %sign3A_267 = arith.constant 0 : i32
        %sign3A_268 = arith.cmpi sgt, %squeeze3A_264, %sign3A_267 : i32
        %sign3A_269 = arith.extui %sign3A_268 : i1 to i32
        %sign3A_270 = arith.constant 0 : i32
        %sign3A_271 = arith.cmpi slt, %squeeze3A_264, %sign3A_270 : i32
        %sign3A_272 = arith.extui %sign3A_271 : i1 to i32
        %sign3A_273 = arith.subi %sign3A_269, %sign3A_272 : i32
        %sign3A_274 = arith.constant 0 : i32
        %sign3A_275 = arith.cmpi sgt, %jit3A_265, %sign3A_274 : i32
        %sign3A_276 = arith.extui %sign3A_275 : i1 to i32
        %sign3A_277 = arith.constant 0 : i32
        %sign3A_278 = arith.cmpi slt, %jit3A_265, %sign3A_277 : i32
        %sign3A_279 = arith.extui %sign3A_278 : i1 to i32
        %sign3A_280 = arith.subi %sign3A_276, %sign3A_279 : i32
        %ne3A_281 = arith.cmpi ne, %sign3A_273, %sign3A_280 : i32
        %rem3A_282 = arith.remsi %squeeze3A_264, %jit3A_265 : i32
        %ne3A_283 = arith.constant 0 : i32
        %ne3A_284 = arith.cmpi ne, %rem3A_282, %ne3A_283 : i32
        %and3A_285 = arith.andi %ne3A_281, %ne3A_284 : i1
        %sub3A_286 = arith.constant 1 : i32
        %sub3A_287 = arith.subi %div3A_266, %sub3A_286 : i32
        %select_n3A_288 = arith.select %and3A_285, %sub3A_287, %div3A_266 : i32
        %mul3A_289 = arith.constant 128 : i32
        %mul3A_290 = arith.muli %select_n3A_288, %mul3A_289 : i32
        %multiple_of3A_291 = tpu.assume_multiple %mul3A_290, 128 : i32
        %dma_start3A_292 = arith.constant 0 : i32
        %dma_start3A_293 = arith.constant 1408 : i32
        %dma_start3A_294 = tpu.memref_slice %arg13[%dma_start3A_292, %dma_start3A_293] : memref<16x3072xf32, #tpu.memory_space<vmem>> -> memref<16x128xf32, #tpu.memory_space<vmem>>
        %dma_start3A_295 = arith.constant 0 : i32
        %dma_start3A_296 = tpu.memref_slice %arg3[%dma_start3A_295, %multiple_of3A_291] : memref<16x1000000xf32, #tpu.memory_space<hbm>> -> memref<16x128xf32, #tpu.memory_space<hbm>>
        %dma_start3A_297 = arith.constant 0 : i32
        %dma_start3A_298 = arith.constant 1408 : i32
        %dma_start3A_299 = tpu.memref_slice %arg13[%dma_start3A_297, %dma_start3A_298] : memref<16x3072xf32, #tpu.memory_space<vmem>> -> memref<16x128xf32, #tpu.memory_space<vmem>>
        %dma_start3A_300 = arith.constant 0 : i32
        %dma_start3A_301 = tpu.memref_slice %arg3[%dma_start3A_300, %multiple_of3A_291] : memref<16x1000000xf32, #tpu.memory_space<hbm>> -> memref<16x128xf32, #tpu.memory_space<hbm>>
        tpu.enqueue_dma source(%dma_start3A_301 : memref<16x128xf32, #tpu.memory_space<hbm>>) target(%dma_start3A_299 : memref<16x128xf32, #tpu.memory_space<vmem>>) target_semaphore(%arg19 : memref<!tpu.dma_semaphore, #tpu.memory_space<semaphore_mem>>)
        %dma_start3A_302 = arith.constant 0 : i32
        %dma_start3A_303 = arith.constant 1408 : i32
        %dma_start3A_304 = tpu.memref_slice %arg14[%dma_start3A_302, %dma_start3A_303] : memref<16x3072xf32, #tpu.memory_space<vmem>> -> memref<16x128xf32, #tpu.memory_space<vmem>>
        %dma_start3A_305 = arith.constant 0 : i32
        %dma_start3A_306 = tpu.memref_slice %arg4[%dma_start3A_305, %multiple_of3A_291] : memref<16x1000000xf32, #tpu.memory_space<hbm>> -> memref<16x128xf32, #tpu.memory_space<hbm>>
        %dma_start3A_307 = arith.constant 0 : i32
        %dma_start3A_308 = arith.constant 1408 : i32
        %dma_start3A_309 = tpu.memref_slice %arg14[%dma_start3A_307, %dma_start3A_308] : memref<16x3072xf32, #tpu.memory_space<vmem>> -> memref<16x128xf32, #tpu.memory_space<vmem>>
        %dma_start3A_310 = arith.constant 0 : i32
        %dma_start3A_311 = tpu.memref_slice %arg4[%dma_start3A_310, %multiple_of3A_291] : memref<16x1000000xf32, #tpu.memory_space<hbm>> -> memref<16x128xf32, #tpu.memory_space<hbm>>
        tpu.enqueue_dma source(%dma_start3A_311 : memref<16x128xf32, #tpu.memory_space<hbm>>) target(%dma_start3A_309 : memref<16x128xf32, #tpu.memory_space<vmem>>) target_semaphore(%arg25 : memref<!tpu.dma_semaphore, #tpu.memory_space<semaphore_mem>>)
      } else {
      }
      %sub3A_54 = arith.constant 4 : i32
      %sub3A_55 = arith.subi %add3A_48, %sub3A_54 : i32
      %ge3A_56 = arith.constant 0 : i32
      %ge3A_57 = arith.cmpi sge, %sub3A_55, %ge3A_56 : i32
      %lt3A_58 = arith.constant 128 : i32
      %lt3A_59 = arith.cmpi slt, %sub3A_55, %lt3A_58 : i32
      %and3A_60 = arith.andi %ge3A_57, %lt3A_59 : i1
      %convert_element_type3A_61 = arith.extui %and3A_60 : i1 to i32
      %cond3A_62 = arith.constant 0 : i32
      %cond3A_63 = arith.cmpi ne, %convert_element_type3A_61, %cond3A_62 : i32
      scf.if %cond3A_63 {
        %dma_wait3A_121 = arith.constant 0 : i32
        %dma_wait3A_122 = arith.constant 2048 : i32
        %dma_wait3A_123 = tpu.memref_slice %arg13[%dma_wait3A_121, %dma_wait3A_122] : memref<16x3072xf32, #tpu.memory_space<vmem>> -> memref<16x512xf32, #tpu.memory_space<vmem>>
        %dma_wait3A_124 = arith.constant 0 : i32
        %dma_wait3A_125 = arith.constant 0 : i32
        %dma_wait3A_126 = tpu.memref_slice %arg3[%dma_wait3A_124, %dma_wait3A_125] : memref<16x1000000xf32, #tpu.memory_space<hbm>> -> memref<16x512xf32, #tpu.memory_space<hbm>>
        %dma_wait3A_127 = arith.constant 0 : i32
        %dma_wait3A_128 = arith.constant 2048 : i32
        %dma_wait3A_129 = tpu.memref_slice %arg13[%dma_wait3A_127, %dma_wait3A_128] : memref<16x3072xf32, #tpu.memory_space<vmem>> -> memref<16x512xf32, #tpu.memory_space<vmem>>
        %dma_wait3A_130 = arith.constant 0 : i32
        %dma_wait3A_131 = arith.constant 0 : i32
        %dma_wait3A_132 = tpu.memref_slice %arg3[%dma_wait3A_130, %dma_wait3A_131] : memref<16x1000000xf32, #tpu.memory_space<hbm>> -> memref<16x512xf32, #tpu.memory_space<hbm>>
        tpu.wait_dma2 semaphore(%arg21 : memref<!tpu.dma_semaphore, #tpu.memory_space<semaphore_mem>>) src(%dma_wait3A_132 : memref<16x512xf32, #tpu.memory_space<hbm>>) dst(%dma_wait3A_129 : memref<16x512xf32, #tpu.memory_space<vmem>>)
        %dma_wait3A_133 = arith.constant 0 : i32
        %dma_wait3A_134 = arith.constant 2048 : i32
        %dma_wait3A_135 = tpu.memref_slice %arg14[%dma_wait3A_133, %dma_wait3A_134] : memref<16x3072xf32, #tpu.memory_space<vmem>> -> memref<16x512xf32, #tpu.memory_space<vmem>>
        %dma_wait3A_136 = arith.constant 0 : i32
        %dma_wait3A_137 = arith.constant 0 : i32
        %dma_wait3A_138 = tpu.memref_slice %arg4[%dma_wait3A_136, %dma_wait3A_137] : memref<16x1000000xf32, #tpu.memory_space<hbm>> -> memref<16x512xf32, #tpu.memory_space<hbm>>
        %dma_wait3A_139 = arith.constant 0 : i32
        %dma_wait3A_140 = arith.constant 2048 : i32
        %dma_wait3A_141 = tpu.memref_slice %arg14[%dma_wait3A_139, %dma_wait3A_140] : memref<16x3072xf32, #tpu.memory_space<vmem>> -> memref<16x512xf32, #tpu.memory_space<vmem>>
        %dma_wait3A_142 = arith.constant 0 : i32
        %dma_wait3A_143 = arith.constant 0 : i32
        %dma_wait3A_144 = tpu.memref_slice %arg4[%dma_wait3A_142, %dma_wait3A_143] : memref<16x1000000xf32, #tpu.memory_space<hbm>> -> memref<16x512xf32, #tpu.memory_space<hbm>>
        tpu.wait_dma2 semaphore(%arg27 : memref<!tpu.dma_semaphore, #tpu.memory_space<semaphore_mem>>) src(%dma_wait3A_144 : memref<16x512xf32, #tpu.memory_space<hbm>>) dst(%dma_wait3A_141 : memref<16x512xf32, #tpu.memory_space<vmem>>)
        %mul3A_145 = arith.constant 4 : i32
        %mul3A_146 = arith.muli %sub3A_55, %mul3A_145 : i32
        %get3A = arith.index_cast %mul3A_146 : i32 to index
        %get3A_147 = tpu.vector_load %arg10[%get3A] {strides = array<i32>} : memref<528xi32, #tpu.memory_space<vmem>>, vector<16xi32>,
        %mul3A_148 = arith.constant 4 : i32
        %mul3A_149 = arith.muli %sub3A_55, %mul3A_148 : i32
        %add3A_150 = arith.constant 0 : i32
        %add3A_151 = arith.addi %mul3A_149, %add3A_150 : i32
        %slice3A = vector.extract_strided_slice %get3A_147 {offsets = [0], sizes = [1], strides = [1]} : vector<16xi32> to vector<1xi32>
        %squeeze3A = vector.extract %slice3A[0] : i32 from vector<1xi32>
        %jit3A = arith.constant 128 : i32
        %div3A = arith.divsi %squeeze3A, %jit3A : i32
        %sign3A = arith.constant 0 : i32
        %sign3A_152 = arith.cmpi sgt, %squeeze3A, %sign3A : i32
        %sign3A_153 = arith.extui %sign3A_152 : i1 to i32
        %sign3A_154 = arith.constant 0 : i32
        %sign3A_155 = arith.cmpi slt, %squeeze3A, %sign3A_154 : i32
        %sign3A_156 = arith.extui %sign3A_155 : i1 to i32
        %sign3A_157 = arith.subi %sign3A_153, %sign3A_156 : i32
        %sign3A_158 = arith.constant 0 : i32
        %sign3A_159 = arith.cmpi sgt, %jit3A, %sign3A_158 : i32
        %sign3A_160 = arith.extui %sign3A_159 : i1 to i32
        %sign3A_161 = arith.constant 0 : i32
        %sign3A_162 = arith.cmpi slt, %jit3A, %sign3A_161 : i32
        %sign3A_163 = arith.extui %sign3A_162 : i1 to i32
        %sign3A_164 = arith.subi %sign3A_160, %sign3A_163 : i32
        %ne3A = arith.cmpi ne, %sign3A_157, %sign3A_164 : i32
        %rem3A = arith.remsi %squeeze3A, %jit3A : i32
        %ne3A_165 = arith.constant 0 : i32
        %ne3A_166 = arith.cmpi ne, %rem3A, %ne3A_165 : i32
        %and3A_167 = arith.andi %ne3A, %ne3A_166 : i1
        %sub3A_168 = arith.constant 1 : i32
        %sub3A_169 = arith.subi %div3A, %sub3A_168 : i32
        %select_n3A = arith.select %and3A_167, %sub3A_169, %div3A : i32
        %mul3A_170 = arith.constant 128 : i32
        %mul3A_171 = arith.muli %select_n3A, %mul3A_170 : i32
        %sub3A_172 = arith.subi %squeeze3A, %mul3A_171 : i32
        %broadcast_in_dim3A_173 = arith.constant 2048 : i32
        %broadcast_in_dim3A_174 = vector.broadcast %broadcast_in_dim3A_173 : i32 to vector<16xi32>
        %add3A_175 = vector.broadcast %sub3A_172 : i32 to vector<16xi32>
        %add3A_176 = arith.addi %broadcast_in_dim3A_174, %add3A_175 : vector<16xi32>
        %gather3A = tpu.vector_load_idx %arg13[%iota3A, %add3A_176] : memref<16x3072xf32, #tpu.memory_space<vmem>>[vector<16xi32>, vector<16xi32>], vector<16xf32>,
        %gather3A_177 = tpu.vector_load_idx %arg14[%iota3A, %add3A_176] : memref<16x3072xf32, #tpu.memory_space<vmem>>[vector<16xi32>, vector<16xi32>], vector<16xf32>,
        %broadcast_in_dim3A_178 = vector.broadcast %add3A_151 : i32 to vector<16xi32>
        %gather3A_179 = tpu.vector_load_idx %arg11[%iota3A, %broadcast_in_dim3A_178] : memref<16x512xf32, #tpu.memory_space<vmem>>[vector<16xi32>, vector<16xi32>], vector<16xf32>,
        %mul3A_180 = arith.constant 5.000000e-01 : f32
        %mul3A_181 = vector.broadcast %mul3A_180 : f32 to vector<16xf32>
        %mul3A_182 = arith.mulf %gather3A_177, %mul3A_181 : vector<16xf32>
        %exp3A = math.exp %mul3A_182 : vector<16xf32>
        %mul3A_183 = arith.mulf %gather3A_179, %exp3A : vector<16xf32>
        %add3A_184 = arith.addf %mul3A_183, %gather3A : vector<16xf32>
        tpu.vector_store_idx %arg12[%iota3A, %broadcast_in_dim3A_178], %add3A_184 : memref<16x512xf32, #tpu.memory_space<vmem>>[vector<16xi32>, vector<16xi32>], vector<16xf32>,
        %mul3A_185 = arith.constant 4 : i32
        %mul3A_186 = arith.muli %sub3A_55, %mul3A_185 : i32
        %add3A_187 = arith.constant 1 : i32
        %add3A_188 = arith.addi %mul3A_186, %add3A_187 : i32
        %slice3A_189 = vector.extract_strided_slice %get3A_147 {offsets = [1], sizes = [1], strides = [1]} : vector<16xi32> to vector<1xi32>
        %squeeze3A_190 = vector.extract %slice3A_189[0] : i32 from vector<1xi32>
        %jit3A_191 = arith.constant 128 : i32
        %div3A_192 = arith.divsi %squeeze3A_190, %jit3A_191 : i32
        %sign3A_193 = arith.constant 0 : i32
        %sign3A_194 = arith.cmpi sgt, %squeeze3A_190, %sign3A_193 : i32
        %sign3A_195 = arith.extui %sign3A_194 : i1 to i32
        %sign3A_196 = arith.constant 0 : i32
        %sign3A_197 = arith.cmpi slt, %squeeze3A_190, %sign3A_196 : i32
        %sign3A_198 = arith.extui %sign3A_197 : i1 to i32
        %sign3A_199 = arith.subi %sign3A_195, %sign3A_198 : i32
        %sign3A_200 = arith.constant 0 : i32
        %sign3A_201 = arith.cmpi sgt, %jit3A_191, %sign3A_200 : i32
        %sign3A_202 = arith.extui %sign3A_201 : i1 to i32
        %sign3A_203 = arith.constant 0 : i32
        %sign3A_204 = arith.cmpi slt, %jit3A_191, %sign3A_203 : i32
        %sign3A_205 = arith.extui %sign3A_204 : i1 to i32
        %sign3A_206 = arith.subi %sign3A_202, %sign3A_205 : i32
        %ne3A_207 = arith.cmpi ne, %sign3A_199, %sign3A_206 : i32
        %rem3A_208 = arith.remsi %squeeze3A_190, %jit3A_191 : i32
        %ne3A_209 = arith.constant 0 : i32
        %ne3A_210 = arith.cmpi ne, %rem3A_208, %ne3A_209 : i32
        %and3A_211 = arith.andi %ne3A_207, %ne3A_210 : i1
        %sub3A_212 = arith.constant 1 : i32
        %sub3A_213 = arith.subi %div3A_192, %sub3A_212 : i32
        %select_n3A_214 = arith.select %and3A_211, %sub3A_213, %div3A_192 : i32
        %mul3A_215 = arith.constant 128 : i32
        %mul3A_216 = arith.muli %select_n3A_214, %mul3A_215 : i32
        %sub3A_217 = arith.subi %squeeze3A_190, %mul3A_216 : i32
        %broadcast_in_dim3A_218 = arith.constant 2176 : i32
        %broadcast_in_dim3A_219 = vector.broadcast %broadcast_in_dim3A_218 : i32 to vector<16xi32>
        %add3A_220 = vector.broadcast %sub3A_217 : i32 to vector<16xi32>
        %add3A_221 = arith.addi %broadcast_in_dim3A_219, %add3A_220 : vector<16xi32>
        %gather3A_222 = tpu.vector_load_idx %arg13[%iota3A, %add3A_221] : memref<16x3072xf32, #tpu.memory_space<vmem>>[vector<16xi32>, vector<16xi32>], vector<16xf32>,
        %gather3A_223 = tpu.vector_load_idx %arg14[%iota3A, %add3A_221] : memref<16x3072xf32, #tpu.memory_space<vmem>>[vector<16xi32>, vector<16xi32>], vector<16xf32>,
        %broadcast_in_dim3A_224 = vector.broadcast %add3A_188 : i32 to vector<16xi32>
        %gather3A_225 = tpu.vector_load_idx %arg11[%iota3A, %broadcast_in_dim3A_224] : memref<16x512xf32, #tpu.memory_space<vmem>>[vector<16xi32>, vector<16xi32>], vector<16xf32>,
        %mul3A_226 = arith.constant 5.000000e-01 : f32
        %mul3A_227 = vector.broadcast %mul3A_226 : f32 to vector<16xf32>
        %mul3A_228 = arith.mulf %gather3A_223, %mul3A_227 : vector<16xf32>
        %exp3A_229 = math.exp %mul3A_228 : vector<16xf32>
        %mul3A_230 = arith.mulf %gather3A_225, %exp3A_229 : vector<16xf32>
        %add3A_231 = arith.addf %mul3A_230, %gather3A_222 : vector<16xf32>
        tpu.vector_store_idx %arg12[%iota3A, %broadcast_in_dim3A_224], %add3A_231 : memref<16x512xf32, #tpu.memory_space<vmem>>[vector<16xi32>, vector<16xi32>], vector<16xf32>,
        %mul3A_232 = arith.constant 4 : i32
        %mul3A_233 = arith.muli %sub3A_55, %mul3A_232 : i32
        %add3A_234 = arith.constant 2 : i32
        %add3A_235 = arith.addi %mul3A_233, %add3A_234 : i32
        %slice3A_236 = vector.extract_strided_slice %get3A_147 {offsets = [2], sizes = [1], strides = [1]} : vector<16xi32> to vector<1xi32>
        %squeeze3A_237 = vector.extract %slice3A_236[0] : i32 from vector<1xi32>
        %jit3A_238 = arith.constant 128 : i32
        %div3A_239 = arith.divsi %squeeze3A_237, %jit3A_238 : i32
        %sign3A_240 = arith.constant 0 : i32
        %sign3A_241 = arith.cmpi sgt, %squeeze3A_237, %sign3A_240 : i32
        %sign3A_242 = arith.extui %sign3A_241 : i1 to i32
        %sign3A_243 = arith.constant 0 : i32
        %sign3A_244 = arith.cmpi slt, %squeeze3A_237, %sign3A_243 : i32
        %sign3A_245 = arith.extui %sign3A_244 : i1 to i32
        %sign3A_246 = arith.subi %sign3A_242, %sign3A_245 : i32
        %sign3A_247 = arith.constant 0 : i32
        %sign3A_248 = arith.cmpi sgt, %jit3A_238, %sign3A_247 : i32
        %sign3A_249 = arith.extui %sign3A_248 : i1 to i32
        %sign3A_250 = arith.constant 0 : i32
        %sign3A_251 = arith.cmpi slt, %jit3A_238, %sign3A_250 : i32
        %sign3A_252 = arith.extui %sign3A_251 : i1 to i32
        %sign3A_253 = arith.subi %sign3A_249, %sign3A_252 : i32
        %ne3A_254 = arith.cmpi ne, %sign3A_246, %sign3A_253 : i32
        %rem3A_255 = arith.remsi %squeeze3A_237, %jit3A_238 : i32
        %ne3A_256 = arith.constant 0 : i32
        %ne3A_257 = arith.cmpi ne, %rem3A_255, %ne3A_256 : i32
        %and3A_258 = arith.andi %ne3A_254, %ne3A_257 : i1
        %sub3A_259 = arith.constant 1 : i32
        %sub3A_260 = arith.subi %div3A_239, %sub3A_259 : i32
        %select_n3A_261 = arith.select %and3A_258, %sub3A_260, %div3A_239 : i32
        %mul3A_262 = arith.constant 128 : i32
        %mul3A_263 = arith.muli %select_n3A_261, %mul3A_262 : i32
        %sub3A_264 = arith.subi %squeeze3A_237, %mul3A_263 : i32
        %broadcast_in_dim3A_265 = arith.constant 2304 : i32
        %broadcast_in_dim3A_266 = vector.broadcast %broadcast_in_dim3A_265 : i32 to vector<16xi32>
        %add3A_267 = vector.broadcast %sub3A_264 : i32 to vector<16xi32>
        %add3A_268 = arith.addi %broadcast_in_dim3A_266, %add3A_267 : vector<16xi32>
        %gather3A_269 = tpu.vector_load_idx %arg13[%iota3A, %add3A_268] : memref<16x3072xf32, #tpu.memory_space<vmem>>[vector<16xi32>, vector<16xi32>], vector<16xf32>,
        %gather3A_270 = tpu.vector_load_idx %arg14[%iota3A, %add3A_268] : memref<16x3072xf32, #tpu.memory_space<vmem>>[vector<16xi32>, vector<16xi32>], vector<16xf32>,
        %broadcast_in_dim3A_271 = vector.broadcast %add3A_235 : i32 to vector<16xi32>
        %gather3A_272 = tpu.vector_load_idx %arg11[%iota3A, %broadcast_in_dim3A_271] : memref<16x512xf32, #tpu.memory_space<vmem>>[vector<16xi32>, vector<16xi32>], vector<16xf32>,
        %mul3A_273 = arith.constant 5.000000e-01 : f32
        %mul3A_274 = vector.broadcast %mul3A_273 : f32 to vector<16xf32>
        %mul3A_275 = arith.mulf %gather3A_270, %mul3A_274 : vector<16xf32>
        %exp3A_276 = math.exp %mul3A_275 : vector<16xf32>
        %mul3A_277 = arith.mulf %gather3A_272, %exp3A_276 : vector<16xf32>
        %add3A_278 = arith.addf %mul3A_277, %gather3A_269 : vector<16xf32>
        tpu.vector_store_idx %arg12[%iota3A, %broadcast_in_dim3A_271], %add3A_278 : memref<16x512xf32, #tpu.memory_space<vmem>>[vector<16xi32>, vector<16xi32>], vector<16xf32>,
        %mul3A_279 = arith.constant 4 : i32
        %mul3A_280 = arith.muli %sub3A_55, %mul3A_279 : i32
        %add3A_281 = arith.constant 3 : i32
        %add3A_282 = arith.addi %mul3A_280, %add3A_281 : i32
        %slice3A_283 = vector.extract_strided_slice %get3A_147 {offsets = [3], sizes = [1], strides = [1]} : vector<16xi32> to vector<1xi32>
        %squeeze3A_284 = vector.extract %slice3A_283[0] : i32 from vector<1xi32>
        %jit3A_285 = arith.constant 128 : i32
        %div3A_286 = arith.divsi %squeeze3A_284, %jit3A_285 : i32
        %sign3A_287 = arith.constant 0 : i32
        %sign3A_288 = arith.cmpi sgt, %squeeze3A_284, %sign3A_287 : i32
        %sign3A_289 = arith.extui %sign3A_288 : i1 to i32
        %sign3A_290 = arith.constant 0 : i32
        %sign3A_291 = arith.cmpi slt, %squeeze3A_284, %sign3A_290 : i32
        %sign3A_292 = arith.extui %sign3A_291 : i1 to i32
        %sign3A_293 = arith.subi %sign3A_289, %sign3A_292 : i32
        %sign3A_294 = arith.constant 0 : i32
        %sign3A_295 = arith.cmpi sgt, %jit3A_285, %sign3A_294 : i32
        %sign3A_296 = arith.extui %sign3A_295 : i1 to i32
        %sign3A_297 = arith.constant 0 : i32
        %sign3A_298 = arith.cmpi slt, %jit3A_285, %sign3A_297 : i32
        %sign3A_299 = arith.extui %sign3A_298 : i1 to i32
        %sign3A_300 = arith.subi %sign3A_296, %sign3A_299 : i32
        %ne3A_301 = arith.cmpi ne, %sign3A_293, %sign3A_300 : i32
        %rem3A_302 = arith.remsi %squeeze3A_284, %jit3A_285 : i32
        %ne3A_303 = arith.constant 0 : i32
        %ne3A_304 = arith.cmpi ne, %rem3A_302, %ne3A_303 : i32
        %and3A_305 = arith.andi %ne3A_301, %ne3A_304 : i1
        %sub3A_306 = arith.constant 1 : i32
        %sub3A_307 = arith.subi %div3A_286, %sub3A_306 : i32
        %select_n3A_308 = arith.select %and3A_305, %sub3A_307, %div3A_286 : i32
        %mul3A_309 = arith.constant 128 : i32
        %mul3A_310 = arith.muli %select_n3A_308, %mul3A_309 : i32
        %sub3A_311 = arith.subi %squeeze3A_284, %mul3A_310 : i32
        %broadcast_in_dim3A_312 = arith.constant 2432 : i32
        %broadcast_in_dim3A_313 = vector.broadcast %broadcast_in_dim3A_312 : i32 to vector<16xi32>
        %add3A_314 = vector.broadcast %sub3A_311 : i32 to vector<16xi32>
        %add3A_315 = arith.addi %broadcast_in_dim3A_313, %add3A_314 : vector<16xi32>
        %gather3A_316 = tpu.vector_load_idx %arg13[%iota3A, %add3A_315] : memref<16x3072xf32, #tpu.memory_space<vmem>>[vector<16xi32>, vector<16xi32>], vector<16xf32>,
        %gather3A_317 = tpu.vector_load_idx %arg14[%iota3A, %add3A_315] : memref<16x3072xf32, #tpu.memory_space<vmem>>[vector<16xi32>, vector<16xi32>], vector<16xf32>,
        %broadcast_in_dim3A_318 = vector.broadcast %add3A_282 : i32 to vector<16xi32>
        %gather3A_319 = tpu.vector_load_idx %arg11[%iota3A, %broadcast_in_dim3A_318] : memref<16x512xf32, #tpu.memory_space<vmem>>[vector<16xi32>, vector<16xi32>], vector<16xf32>,
        %mul3A_320 = arith.constant 5.000000e-01 : f32
        %mul3A_321 = vector.broadcast %mul3A_320 : f32 to vector<16xf32>
        %mul3A_322 = arith.mulf %gather3A_317, %mul3A_321 : vector<16xf32>
        %exp3A_323 = math.exp %mul3A_322 : vector<16xf32>
        %mul3A_324 = arith.mulf %gather3A_319, %exp3A_323 : vector<16xf32>
        %add3A_325 = arith.addf %mul3A_324, %gather3A_316 : vector<16xf32>
        tpu.vector_store_idx %arg12[%iota3A, %broadcast_in_dim3A_318], %add3A_325 : memref<16x512xf32, #tpu.memory_space<vmem>>[vector<16xi32>, vector<16xi32>], vector<16xf32>,
      } else {
      }
      %mul3A_64 = arith.constant 6 : i32
      %mul3A_65 = arith.muli %scan3A_12, %mul3A_64 : i32
      %add3A_66 = arith.constant 3 : i32
      %add3A_67 = arith.addi %mul3A_65, %add3A_66 : i32
      %lt3A_68 = arith.constant 128 : i32
      %lt3A_69 = arith.cmpi slt, %add3A_67, %lt3A_68 : i32
      %convert_element_type3A_70 = arith.extui %lt3A_69 : i1 to i32
      %cond3A_71 = arith.constant 0 : i32
      %cond3A_72 = arith.cmpi ne, %convert_element_type3A_70, %cond3A_71 : i32
      scf.if %cond3A_72 {
        %mul3A_121 = arith.constant 4 : i32
        %mul3A_122 = arith.muli %add3A_67, %mul3A_121 : i32
        %get3A = arith.index_cast %mul3A_122 : i32 to index
        %get3A_123 = tpu.vector_load %arg10[%get3A] {strides = array<i32>} : memref<528xi32, #tpu.memory_space<vmem>>, vector<16xi32>,
        %slice3A = vector.extract_strided_slice %get3A_123 {offsets = [0], sizes = [1], strides = [1]} : vector<16xi32> to vector<1xi32>
        %squeeze3A = vector.extract %slice3A[0] : i32 from vector<1xi32>
        %jit3A = arith.constant 128 : i32
        %div3A = arith.divsi %squeeze3A, %jit3A : i32
        %sign3A = arith.constant 0 : i32
        %sign3A_124 = arith.cmpi sgt, %squeeze3A, %sign3A : i32
        %sign3A_125 = arith.extui %sign3A_124 : i1 to i32
        %sign3A_126 = arith.constant 0 : i32
        %sign3A_127 = arith.cmpi slt, %squeeze3A, %sign3A_126 : i32
        %sign3A_128 = arith.extui %sign3A_127 : i1 to i32
        %sign3A_129 = arith.subi %sign3A_125, %sign3A_128 : i32
        %sign3A_130 = arith.constant 0 : i32
        %sign3A_131 = arith.cmpi sgt, %jit3A, %sign3A_130 : i32
        %sign3A_132 = arith.extui %sign3A_131 : i1 to i32
        %sign3A_133 = arith.constant 0 : i32
        %sign3A_134 = arith.cmpi slt, %jit3A, %sign3A_133 : i32
        %sign3A_135 = arith.extui %sign3A_134 : i1 to i32
        %sign3A_136 = arith.subi %sign3A_132, %sign3A_135 : i32
        %ne3A = arith.cmpi ne, %sign3A_129, %sign3A_136 : i32
        %rem3A = arith.remsi %squeeze3A, %jit3A : i32
        %ne3A_137 = arith.constant 0 : i32
        %ne3A_138 = arith.cmpi ne, %rem3A, %ne3A_137 : i32
        %and3A_139 = arith.andi %ne3A, %ne3A_138 : i1
        %sub3A_140 = arith.constant 1 : i32
        %sub3A_141 = arith.subi %div3A, %sub3A_140 : i32
        %select_n3A = arith.select %and3A_139, %sub3A_141, %div3A : i32
        %mul3A_142 = arith.constant 128 : i32
        %mul3A_143 = arith.muli %select_n3A, %mul3A_142 : i32
        %multiple_of3A_144 = tpu.assume_multiple %mul3A_143, 128 : i32
        %dma_start3A_145 = arith.constant 0 : i32
        %dma_start3A_146 = arith.constant 1536 : i32
        %dma_start3A_147 = tpu.memref_slice %arg13[%dma_start3A_145, %dma_start3A_146] : memref<16x3072xf32, #tpu.memory_space<vmem>> -> memref<16x128xf32, #tpu.memory_space<vmem>>
        %dma_start3A_148 = arith.constant 0 : i32
        %dma_start3A_149 = tpu.memref_slice %arg3[%dma_start3A_148, %multiple_of3A_144] : memref<16x1000000xf32, #tpu.memory_space<hbm>> -> memref<16x128xf32, #tpu.memory_space<hbm>>
        %dma_start3A_150 = arith.constant 0 : i32
        %dma_start3A_151 = arith.constant 1536 : i32
        %dma_start3A_152 = tpu.memref_slice %arg13[%dma_start3A_150, %dma_start3A_151] : memref<16x3072xf32, #tpu.memory_space<vmem>> -> memref<16x128xf32, #tpu.memory_space<vmem>>
        %dma_start3A_153 = arith.constant 0 : i32
        %dma_start3A_154 = tpu.memref_slice %arg3[%dma_start3A_153, %multiple_of3A_144] : memref<16x1000000xf32, #tpu.memory_space<hbm>> -> memref<16x128xf32, #tpu.memory_space<hbm>>
        tpu.enqueue_dma source(%dma_start3A_154 : memref<16x128xf32, #tpu.memory_space<hbm>>) target(%dma_start3A_152 : memref<16x128xf32, #tpu.memory_space<vmem>>) target_semaphore(%arg20 : memref<!tpu.dma_semaphore, #tpu.memory_space<semaphore_mem>>)
        %dma_start3A_155 = arith.constant 0 : i32
        %dma_start3A_156 = arith.constant 1536 : i32
        %dma_start3A_157 = tpu.memref_slice %arg14[%dma_start3A_155, %dma_start3A_156] : memref<16x3072xf32, #tpu.memory_space<vmem>> -> memref<16x128xf32, #tpu.memory_space<vmem>>
        %dma_start3A_158 = arith.constant 0 : i32
        %dma_start3A_159 = tpu.memref_slice %arg4[%dma_start3A_158, %multiple_of3A_144] : memref<16x1000000xf32, #tpu.memory_space<hbm>> -> memref<16x128xf32, #tpu.memory_space<hbm>>
        %dma_start3A_160 = arith.constant 0 : i32
        %dma_start3A_161 = arith.constant 1536 : i32
        %dma_start3A_162 = tpu.memref_slice %arg14[%dma_start3A_160, %dma_start3A_161] : memref<16x3072xf32, #tpu.memory_space<vmem>> -> memref<16x128xf32, #tpu.memory_space<vmem>>
        %dma_start3A_163 = arith.constant 0 : i32
        %dma_start3A_164 = tpu.memref_slice %arg4[%dma_start3A_163, %multiple_of3A_144] : memref<16x1000000xf32, #tpu.memory_space<hbm>> -> memref<16x128xf32, #tpu.memory_space<hbm>>
        tpu.enqueue_dma source(%dma_start3A_164 : memref<16x128xf32, #tpu.memory_space<hbm>>) target(%dma_start3A_162 : memref<16x128xf32, #tpu.memory_space<vmem>>) target_semaphore(%arg26 : memref<!tpu.dma_semaphore, #tpu.memory_space<semaphore_mem>>)
        %slice3A_165 = vector.extract_strided_slice %get3A_123 {offsets = [1], sizes = [1], strides = [1]} : vector<16xi32> to vector<1xi32>
        %squeeze3A_166 = vector.extract %slice3A_165[0] : i32 from vector<1xi32>
        %jit3A_167 = arith.constant 128 : i32
        %div3A_168 = arith.divsi %squeeze3A_166, %jit3A_167 : i32
        %sign3A_169 = arith.constant 0 : i32
        %sign3A_170 = arith.cmpi sgt, %squeeze3A_166, %sign3A_169 : i32
        %sign3A_171 = arith.extui %sign3A_170 : i1 to i32
        %sign3A_172 = arith.constant 0 : i32
        %sign3A_173 = arith.cmpi slt, %squeeze3A_166, %sign3A_172 : i32
        %sign3A_174 = arith.extui %sign3A_173 : i1 to i32
        %sign3A_175 = arith.subi %sign3A_171, %sign3A_174 : i32
        %sign3A_176 = arith.constant 0 : i32
        %sign3A_177 = arith.cmpi sgt, %jit3A_167, %sign3A_176 : i32
        %sign3A_178 = arith.extui %sign3A_177 : i1 to i32
        %sign3A_179 = arith.constant 0 : i32
        %sign3A_180 = arith.cmpi slt, %jit3A_167, %sign3A_179 : i32
        %sign3A_181 = arith.extui %sign3A_180 : i1 to i32
        %sign3A_182 = arith.subi %sign3A_178, %sign3A_181 : i32
        %ne3A_183 = arith.cmpi ne, %sign3A_175, %sign3A_182 : i32
        %rem3A_184 = arith.remsi %squeeze3A_166, %jit3A_167 : i32
        %ne3A_185 = arith.constant 0 : i32
        %ne3A_186 = arith.cmpi ne, %rem3A_184, %ne3A_185 : i32
        %and3A_187 = arith.andi %ne3A_183, %ne3A_186 : i1
        %sub3A_188 = arith.constant 1 : i32
        %sub3A_189 = arith.subi %div3A_168, %sub3A_188 : i32
        %select_n3A_190 = arith.select %and3A_187, %sub3A_189, %div3A_168 : i32
        %mul3A_191 = arith.constant 128 : i32
        %mul3A_192 = arith.muli %select_n3A_190, %mul3A_191 : i32
        %multiple_of3A_193 = tpu.assume_multiple %mul3A_192, 128 : i32
        %dma_start3A_194 = arith.constant 0 : i32
        %dma_start3A_195 = arith.constant 1664 : i32
        %dma_start3A_196 = tpu.memref_slice %arg13[%dma_start3A_194, %dma_start3A_195] : memref<16x3072xf32, #tpu.memory_space<vmem>> -> memref<16x128xf32, #tpu.memory_space<vmem>>
        %dma_start3A_197 = arith.constant 0 : i32
        %dma_start3A_198 = tpu.memref_slice %arg3[%dma_start3A_197, %multiple_of3A_193] : memref<16x1000000xf32, #tpu.memory_space<hbm>> -> memref<16x128xf32, #tpu.memory_space<hbm>>
        %dma_start3A_199 = arith.constant 0 : i32
        %dma_start3A_200 = arith.constant 1664 : i32
        %dma_start3A_201 = tpu.memref_slice %arg13[%dma_start3A_199, %dma_start3A_200] : memref<16x3072xf32, #tpu.memory_space<vmem>> -> memref<16x128xf32, #tpu.memory_space<vmem>>
        %dma_start3A_202 = arith.constant 0 : i32
        %dma_start3A_203 = tpu.memref_slice %arg3[%dma_start3A_202, %multiple_of3A_193] : memref<16x1000000xf32, #tpu.memory_space<hbm>> -> memref<16x128xf32, #tpu.memory_space<hbm>>
        tpu.enqueue_dma source(%dma_start3A_203 : memref<16x128xf32, #tpu.memory_space<hbm>>) target(%dma_start3A_201 : memref<16x128xf32, #tpu.memory_space<vmem>>) target_semaphore(%arg20 : memref<!tpu.dma_semaphore, #tpu.memory_space<semaphore_mem>>)
        %dma_start3A_204 = arith.constant 0 : i32
        %dma_start3A_205 = arith.constant 1664 : i32
        %dma_start3A_206 = tpu.memref_slice %arg14[%dma_start3A_204, %dma_start3A_205] : memref<16x3072xf32, #tpu.memory_space<vmem>> -> memref<16x128xf32, #tpu.memory_space<vmem>>
        %dma_start3A_207 = arith.constant 0 : i32
        %dma_start3A_208 = tpu.memref_slice %arg4[%dma_start3A_207, %multiple_of3A_193] : memref<16x1000000xf32, #tpu.memory_space<hbm>> -> memref<16x128xf32, #tpu.memory_space<hbm>>
        %dma_start3A_209 = arith.constant 0 : i32
        %dma_start3A_210 = arith.constant 1664 : i32
        %dma_start3A_211 = tpu.memref_slice %arg14[%dma_start3A_209, %dma_start3A_210] : memref<16x3072xf32, #tpu.memory_space<vmem>> -> memref<16x128xf32, #tpu.memory_space<vmem>>
        %dma_start3A_212 = arith.constant 0 : i32
        %dma_start3A_213 = tpu.memref_slice %arg4[%dma_start3A_212, %multiple_of3A_193] : memref<16x1000000xf32, #tpu.memory_space<hbm>> -> memref<16x128xf32, #tpu.memory_space<hbm>>
        tpu.enqueue_dma source(%dma_start3A_213 : memref<16x128xf32, #tpu.memory_space<hbm>>) target(%dma_start3A_211 : memref<16x128xf32, #tpu.memory_space<vmem>>) target_semaphore(%arg26 : memref<!tpu.dma_semaphore, #tpu.memory_space<semaphore_mem>>)
        %slice3A_214 = vector.extract_strided_slice %get3A_123 {offsets = [2], sizes = [1], strides = [1]} : vector<16xi32> to vector<1xi32>
        %squeeze3A_215 = vector.extract %slice3A_214[0] : i32 from vector<1xi32>
        %jit3A_216 = arith.constant 128 : i32
        %div3A_217 = arith.divsi %squeeze3A_215, %jit3A_216 : i32
        %sign3A_218 = arith.constant 0 : i32
        %sign3A_219 = arith.cmpi sgt, %squeeze3A_215, %sign3A_218 : i32
        %sign3A_220 = arith.extui %sign3A_219 : i1 to i32
        %sign3A_221 = arith.constant 0 : i32
        %sign3A_222 = arith.cmpi slt, %squeeze3A_215, %sign3A_221 : i32
        %sign3A_223 = arith.extui %sign3A_222 : i1 to i32
        %sign3A_224 = arith.subi %sign3A_220, %sign3A_223 : i32
        %sign3A_225 = arith.constant 0 : i32
        %sign3A_226 = arith.cmpi sgt, %jit3A_216, %sign3A_225 : i32
        %sign3A_227 = arith.extui %sign3A_226 : i1 to i32
        %sign3A_228 = arith.constant 0 : i32
        %sign3A_229 = arith.cmpi slt, %jit3A_216, %sign3A_228 : i32
        %sign3A_230 = arith.extui %sign3A_229 : i1 to i32
        %sign3A_231 = arith.subi %sign3A_227, %sign3A_230 : i32
        %ne3A_232 = arith.cmpi ne, %sign3A_224, %sign3A_231 : i32
        %rem3A_233 = arith.remsi %squeeze3A_215, %jit3A_216 : i32
        %ne3A_234 = arith.constant 0 : i32
        %ne3A_235 = arith.cmpi ne, %rem3A_233, %ne3A_234 : i32
        %and3A_236 = arith.andi %ne3A_232, %ne3A_235 : i1
        %sub3A_237 = arith.constant 1 : i32
        %sub3A_238 = arith.subi %div3A_217, %sub3A_237 : i32
        %select_n3A_239 = arith.select %and3A_236, %sub3A_238, %div3A_217 : i32
        %mul3A_240 = arith.constant 128 : i32
        %mul3A_241 = arith.muli %select_n3A_239, %mul3A_240 : i32
        %multiple_of3A_242 = tpu.assume_multiple %mul3A_241, 128 : i32
        %dma_start3A_243 = arith.constant 0 : i32
        %dma_start3A_244 = arith.constant 1792 : i32
        %dma_start3A_245 = tpu.memref_slice %arg13[%dma_start3A_243, %dma_start3A_244] : memref<16x3072xf32, #tpu.memory_space<vmem>> -> memref<16x128xf32, #tpu.memory_space<vmem>>
        %dma_start3A_246 = arith.constant 0 : i32
        %dma_start3A_247 = tpu.memref_slice %arg3[%dma_start3A_246, %multiple_of3A_242] : memref<16x1000000xf32, #tpu.memory_space<hbm>> -> memref<16x128xf32, #tpu.memory_space<hbm>>
        %dma_start3A_248 = arith.constant 0 : i32
        %dma_start3A_249 = arith.constant 1792 : i32
        %dma_start3A_250 = tpu.memref_slice %arg13[%dma_start3A_248, %dma_start3A_249] : memref<16x3072xf32, #tpu.memory_space<vmem>> -> memref<16x128xf32, #tpu.memory_space<vmem>>
        %dma_start3A_251 = arith.constant 0 : i32
        %dma_start3A_252 = tpu.memref_slice %arg3[%dma_start3A_251, %multiple_of3A_242] : memref<16x1000000xf32, #tpu.memory_space<hbm>> -> memref<16x128xf32, #tpu.memory_space<hbm>>
        tpu.enqueue_dma source(%dma_start3A_252 : memref<16x128xf32, #tpu.memory_space<hbm>>) target(%dma_start3A_250 : memref<16x128xf32, #tpu.memory_space<vmem>>) target_semaphore(%arg20 : memref<!tpu.dma_semaphore, #tpu.memory_space<semaphore_mem>>)
        %dma_start3A_253 = arith.constant 0 : i32
        %dma_start3A_254 = arith.constant 1792 : i32
        %dma_start3A_255 = tpu.memref_slice %arg14[%dma_start3A_253, %dma_start3A_254] : memref<16x3072xf32, #tpu.memory_space<vmem>> -> memref<16x128xf32, #tpu.memory_space<vmem>>
        %dma_start3A_256 = arith.constant 0 : i32
        %dma_start3A_257 = tpu.memref_slice %arg4[%dma_start3A_256, %multiple_of3A_242] : memref<16x1000000xf32, #tpu.memory_space<hbm>> -> memref<16x128xf32, #tpu.memory_space<hbm>>
        %dma_start3A_258 = arith.constant 0 : i32
        %dma_start3A_259 = arith.constant 1792 : i32
        %dma_start3A_260 = tpu.memref_slice %arg14[%dma_start3A_258, %dma_start3A_259] : memref<16x3072xf32, #tpu.memory_space<vmem>> -> memref<16x128xf32, #tpu.memory_space<vmem>>
        %dma_start3A_261 = arith.constant 0 : i32
        %dma_start3A_262 = tpu.memref_slice %arg4[%dma_start3A_261, %multiple_of3A_242] : memref<16x1000000xf32, #tpu.memory_space<hbm>> -> memref<16x128xf32, #tpu.memory_space<hbm>>
        tpu.enqueue_dma source(%dma_start3A_262 : memref<16x128xf32, #tpu.memory_space<hbm>>) target(%dma_start3A_260 : memref<16x128xf32, #tpu.memory_space<vmem>>) target_semaphore(%arg26 : memref<!tpu.dma_semaphore, #tpu.memory_space<semaphore_mem>>)
        %slice3A_263 = vector.extract_strided_slice %get3A_123 {offsets = [3], sizes = [1], strides = [1]} : vector<16xi32> to vector<1xi32>
        %squeeze3A_264 = vector.extract %slice3A_263[0] : i32 from vector<1xi32>
        %jit3A_265 = arith.constant 128 : i32
        %div3A_266 = arith.divsi %squeeze3A_264, %jit3A_265 : i32
        %sign3A_267 = arith.constant 0 : i32
        %sign3A_268 = arith.cmpi sgt, %squeeze3A_264, %sign3A_267 : i32
        %sign3A_269 = arith.extui %sign3A_268 : i1 to i32
        %sign3A_270 = arith.constant 0 : i32
        %sign3A_271 = arith.cmpi slt, %squeeze3A_264, %sign3A_270 : i32
        %sign3A_272 = arith.extui %sign3A_271 : i1 to i32
        %sign3A_273 = arith.subi %sign3A_269, %sign3A_272 : i32
        %sign3A_274 = arith.constant 0 : i32
        %sign3A_275 = arith.cmpi sgt, %jit3A_265, %sign3A_274 : i32
        %sign3A_276 = arith.extui %sign3A_275 : i1 to i32
        %sign3A_277 = arith.constant 0 : i32
        %sign3A_278 = arith.cmpi slt, %jit3A_265, %sign3A_277 : i32
        %sign3A_279 = arith.extui %sign3A_278 : i1 to i32
        %sign3A_280 = arith.subi %sign3A_276, %sign3A_279 : i32
        %ne3A_281 = arith.cmpi ne, %sign3A_273, %sign3A_280 : i32
        %rem3A_282 = arith.remsi %squeeze3A_264, %jit3A_265 : i32
        %ne3A_283 = arith.constant 0 : i32
        %ne3A_284 = arith.cmpi ne, %rem3A_282, %ne3A_283 : i32
        %and3A_285 = arith.andi %ne3A_281, %ne3A_284 : i1
        %sub3A_286 = arith.constant 1 : i32
        %sub3A_287 = arith.subi %div3A_266, %sub3A_286 : i32
        %select_n3A_288 = arith.select %and3A_285, %sub3A_287, %div3A_266 : i32
        %mul3A_289 = arith.constant 128 : i32
        %mul3A_290 = arith.muli %select_n3A_288, %mul3A_289 : i32
        %multiple_of3A_291 = tpu.assume_multiple %mul3A_290, 128 : i32
        %dma_start3A_292 = arith.constant 0 : i32
        %dma_start3A_293 = arith.constant 1920 : i32
        %dma_start3A_294 = tpu.memref_slice %arg13[%dma_start3A_292, %dma_start3A_293] : memref<16x3072xf32, #tpu.memory_space<vmem>> -> memref<16x128xf32, #tpu.memory_space<vmem>>
        %dma_start3A_295 = arith.constant 0 : i32
        %dma_start3A_296 = tpu.memref_slice %arg3[%dma_start3A_295, %multiple_of3A_291] : memref<16x1000000xf32, #tpu.memory_space<hbm>> -> memref<16x128xf32, #tpu.memory_space<hbm>>
        %dma_start3A_297 = arith.constant 0 : i32
        %dma_start3A_298 = arith.constant 1920 : i32
        %dma_start3A_299 = tpu.memref_slice %arg13[%dma_start3A_297, %dma_start3A_298] : memref<16x3072xf32, #tpu.memory_space<vmem>> -> memref<16x128xf32, #tpu.memory_space<vmem>>
        %dma_start3A_300 = arith.constant 0 : i32
        %dma_start3A_301 = tpu.memref_slice %arg3[%dma_start3A_300, %multiple_of3A_291] : memref<16x1000000xf32, #tpu.memory_space<hbm>> -> memref<16x128xf32, #tpu.memory_space<hbm>>
        tpu.enqueue_dma source(%dma_start3A_301 : memref<16x128xf32, #tpu.memory_space<hbm>>) target(%dma_start3A_299 : memref<16x128xf32, #tpu.memory_space<vmem>>) target_semaphore(%arg20 : memref<!tpu.dma_semaphore, #tpu.memory_space<semaphore_mem>>)
        %dma_start3A_302 = arith.constant 0 : i32
        %dma_start3A_303 = arith.constant 1920 : i32
        %dma_start3A_304 = tpu.memref_slice %arg14[%dma_start3A_302, %dma_start3A_303] : memref<16x3072xf32, #tpu.memory_space<vmem>> -> memref<16x128xf32, #tpu.memory_space<vmem>>
        %dma_start3A_305 = arith.constant 0 : i32
        %dma_start3A_306 = tpu.memref_slice %arg4[%dma_start3A_305, %multiple_of3A_291] : memref<16x1000000xf32, #tpu.memory_space<hbm>> -> memref<16x128xf32, #tpu.memory_space<hbm>>
        %dma_start3A_307 = arith.constant 0 : i32
        %dma_start3A_308 = arith.constant 1920 : i32
        %dma_start3A_309 = tpu.memref_slice %arg14[%dma_start3A_307, %dma_start3A_308] : memref<16x3072xf32, #tpu.memory_space<vmem>> -> memref<16x128xf32, #tpu.memory_space<vmem>>
        %dma_start3A_310 = arith.constant 0 : i32
        %dma_start3A_311 = tpu.memref_slice %arg4[%dma_start3A_310, %multiple_of3A_291] : memref<16x1000000xf32, #tpu.memory_space<hbm>> -> memref<16x128xf32, #tpu.memory_space<hbm>>
        tpu.enqueue_dma source(%dma_start3A_311 : memref<16x128xf32, #tpu.memory_space<hbm>>) target(%dma_start3A_309 : memref<16x128xf32, #tpu.memory_space<vmem>>) target_semaphore(%arg26 : memref<!tpu.dma_semaphore, #tpu.memory_space<semaphore_mem>>)
      } else {
      }
      %sub3A_73 = arith.constant 4 : i32
      %sub3A_74 = arith.subi %add3A_67, %sub3A_73 : i32
      %ge3A_75 = arith.constant 0 : i32
      %ge3A_76 = arith.cmpi sge, %sub3A_74, %ge3A_75 : i32
      %lt3A_77 = arith.constant 128 : i32
      %lt3A_78 = arith.cmpi slt, %sub3A_74, %lt3A_77 : i32
      %and3A_79 = arith.andi %ge3A_76, %lt3A_78 : i1
      %convert_element_type3A_80 = arith.extui %and3A_79 : i1 to i32
      %cond3A_81 = arith.constant 0 : i32
      %cond3A_82 = arith.cmpi ne, %convert_element_type3A_80, %cond3A_81 : i32
      scf.if %cond3A_82 {
        %dma_wait3A_121 = arith.constant 0 : i32
        %dma_wait3A_122 = arith.constant 2560 : i32
        %dma_wait3A_123 = tpu.memref_slice %arg13[%dma_wait3A_121, %dma_wait3A_122] : memref<16x3072xf32, #tpu.memory_space<vmem>> -> memref<16x512xf32, #tpu.memory_space<vmem>>
        %dma_wait3A_124 = arith.constant 0 : i32
        %dma_wait3A_125 = arith.constant 0 : i32
        %dma_wait3A_126 = tpu.memref_slice %arg3[%dma_wait3A_124, %dma_wait3A_125] : memref<16x1000000xf32, #tpu.memory_space<hbm>> -> memref<16x512xf32, #tpu.memory_space<hbm>>
        %dma_wait3A_127 = arith.constant 0 : i32
        %dma_wait3A_128 = arith.constant 2560 : i32
        %dma_wait3A_129 = tpu.memref_slice %arg13[%dma_wait3A_127, %dma_wait3A_128] : memref<16x3072xf32, #tpu.memory_space<vmem>> -> memref<16x512xf32, #tpu.memory_space<vmem>>
        %dma_wait3A_130 = arith.constant 0 : i32
        %dma_wait3A_131 = arith.constant 0 : i32
        %dma_wait3A_132 = tpu.memref_slice %arg3[%dma_wait3A_130, %dma_wait3A_131] : memref<16x1000000xf32, #tpu.memory_space<hbm>> -> memref<16x512xf32, #tpu.memory_space<hbm>>
        tpu.wait_dma2 semaphore(%arg22 : memref<!tpu.dma_semaphore, #tpu.memory_space<semaphore_mem>>) src(%dma_wait3A_132 : memref<16x512xf32, #tpu.memory_space<hbm>>) dst(%dma_wait3A_129 : memref<16x512xf32, #tpu.memory_space<vmem>>)
        %dma_wait3A_133 = arith.constant 0 : i32
        %dma_wait3A_134 = arith.constant 2560 : i32
        %dma_wait3A_135 = tpu.memref_slice %arg14[%dma_wait3A_133, %dma_wait3A_134] : memref<16x3072xf32, #tpu.memory_space<vmem>> -> memref<16x512xf32, #tpu.memory_space<vmem>>
        %dma_wait3A_136 = arith.constant 0 : i32
        %dma_wait3A_137 = arith.constant 0 : i32
        %dma_wait3A_138 = tpu.memref_slice %arg4[%dma_wait3A_136, %dma_wait3A_137] : memref<16x1000000xf32, #tpu.memory_space<hbm>> -> memref<16x512xf32, #tpu.memory_space<hbm>>
        %dma_wait3A_139 = arith.constant 0 : i32
        %dma_wait3A_140 = arith.constant 2560 : i32
        %dma_wait3A_141 = tpu.memref_slice %arg14[%dma_wait3A_139, %dma_wait3A_140] : memref<16x3072xf32, #tpu.memory_space<vmem>> -> memref<16x512xf32, #tpu.memory_space<vmem>>
        %dma_wait3A_142 = arith.constant 0 : i32
        %dma_wait3A_143 = arith.constant 0 : i32
        %dma_wait3A_144 = tpu.memref_slice %arg4[%dma_wait3A_142, %dma_wait3A_143] : memref<16x1000000xf32, #tpu.memory_space<hbm>> -> memref<16x512xf32, #tpu.memory_space<hbm>>
        tpu.wait_dma2 semaphore(%arg28 : memref<!tpu.dma_semaphore, #tpu.memory_space<semaphore_mem>>) src(%dma_wait3A_144 : memref<16x512xf32, #tpu.memory_space<hbm>>) dst(%dma_wait3A_141 : memref<16x512xf32, #tpu.memory_space<vmem>>)
        %mul3A_145 = arith.constant 4 : i32
        %mul3A_146 = arith.muli %sub3A_74, %mul3A_145 : i32
        %get3A = arith.index_cast %mul3A_146 : i32 to index
        %get3A_147 = tpu.vector_load %arg10[%get3A] {strides = array<i32>} : memref<528xi32, #tpu.memory_space<vmem>>, vector<16xi32>,
        %mul3A_148 = arith.constant 4 : i32
        %mul3A_149 = arith.muli %sub3A_74, %mul3A_148 : i32
        %add3A_150 = arith.constant 0 : i32
        %add3A_151 = arith.addi %mul3A_149, %add3A_150 : i32
        %slice3A = vector.extract_strided_slice %get3A_147 {offsets = [0], sizes = [1], strides = [1]} : vector<16xi32> to vector<1xi32>
        %squeeze3A = vector.extract %slice3A[0] : i32 from vector<1xi32>
        %jit3A = arith.constant 128 : i32
        %div3A = arith.divsi %squeeze3A, %jit3A : i32
        %sign3A = arith.constant 0 : i32
        %sign3A_152 = arith.cmpi sgt, %squeeze3A, %sign3A : i32
        %sign3A_153 = arith.extui %sign3A_152 : i1 to i32
        %sign3A_154 = arith.constant 0 : i32
        %sign3A_155 = arith.cmpi slt, %squeeze3A, %sign3A_154 : i32
        %sign3A_156 = arith.extui %sign3A_155 : i1 to i32
        %sign3A_157 = arith.subi %sign3A_153, %sign3A_156 : i32
        %sign3A_158 = arith.constant 0 : i32
        %sign3A_159 = arith.cmpi sgt, %jit3A, %sign3A_158 : i32
        %sign3A_160 = arith.extui %sign3A_159 : i1 to i32
        %sign3A_161 = arith.constant 0 : i32
        %sign3A_162 = arith.cmpi slt, %jit3A, %sign3A_161 : i32
        %sign3A_163 = arith.extui %sign3A_162 : i1 to i32
        %sign3A_164 = arith.subi %sign3A_160, %sign3A_163 : i32
        %ne3A = arith.cmpi ne, %sign3A_157, %sign3A_164 : i32
        %rem3A = arith.remsi %squeeze3A, %jit3A : i32
        %ne3A_165 = arith.constant 0 : i32
        %ne3A_166 = arith.cmpi ne, %rem3A, %ne3A_165 : i32
        %and3A_167 = arith.andi %ne3A, %ne3A_166 : i1
        %sub3A_168 = arith.constant 1 : i32
        %sub3A_169 = arith.subi %div3A, %sub3A_168 : i32
        %select_n3A = arith.select %and3A_167, %sub3A_169, %div3A : i32
        %mul3A_170 = arith.constant 128 : i32
        %mul3A_171 = arith.muli %select_n3A, %mul3A_170 : i32
        %sub3A_172 = arith.subi %squeeze3A, %mul3A_171 : i32
        %broadcast_in_dim3A_173 = arith.constant 2560 : i32
        %broadcast_in_dim3A_174 = vector.broadcast %broadcast_in_dim3A_173 : i32 to vector<16xi32>
        %add3A_175 = vector.broadcast %sub3A_172 : i32 to vector<16xi32>
        %add3A_176 = arith.addi %broadcast_in_dim3A_174, %add3A_175 : vector<16xi32>
        %gather3A = tpu.vector_load_idx %arg13[%iota3A, %add3A_176] : memref<16x3072xf32, #tpu.memory_space<vmem>>[vector<16xi32>, vector<16xi32>], vector<16xf32>,
        %gather3A_177 = tpu.vector_load_idx %arg14[%iota3A, %add3A_176] : memref<16x3072xf32, #tpu.memory_space<vmem>>[vector<16xi32>, vector<16xi32>], vector<16xf32>,
        %broadcast_in_dim3A_178 = vector.broadcast %add3A_151 : i32 to vector<16xi32>
        %gather3A_179 = tpu.vector_load_idx %arg11[%iota3A, %broadcast_in_dim3A_178] : memref<16x512xf32, #tpu.memory_space<vmem>>[vector<16xi32>, vector<16xi32>], vector<16xf32>,
        %mul3A_180 = arith.constant 5.000000e-01 : f32
        %mul3A_181 = vector.broadcast %mul3A_180 : f32 to vector<16xf32>
        %mul3A_182 = arith.mulf %gather3A_177, %mul3A_181 : vector<16xf32>
        %exp3A = math.exp %mul3A_182 : vector<16xf32>
        %mul3A_183 = arith.mulf %gather3A_179, %exp3A : vector<16xf32>
        %add3A_184 = arith.addf %mul3A_183, %gather3A : vector<16xf32>
        tpu.vector_store_idx %arg12[%iota3A, %broadcast_in_dim3A_178], %add3A_184 : memref<16x512xf32, #tpu.memory_space<vmem>>[vector<16xi32>, vector<16xi32>], vector<16xf32>,
        %mul3A_185 = arith.constant 4 : i32
        %mul3A_186 = arith.muli %sub3A_74, %mul3A_185 : i32
        %add3A_187 = arith.constant 1 : i32
        %add3A_188 = arith.addi %mul3A_186, %add3A_187 : i32
        %slice3A_189 = vector.extract_strided_slice %get3A_147 {offsets = [1], sizes = [1], strides = [1]} : vector<16xi32> to vector<1xi32>
        %squeeze3A_190 = vector.extract %slice3A_189[0] : i32 from vector<1xi32>
        %jit3A_191 = arith.constant 128 : i32
        %div3A_192 = arith.divsi %squeeze3A_190, %jit3A_191 : i32
        %sign3A_193 = arith.constant 0 : i32
        %sign3A_194 = arith.cmpi sgt, %squeeze3A_190, %sign3A_193 : i32
        %sign3A_195 = arith.extui %sign3A_194 : i1 to i32
        %sign3A_196 = arith.constant 0 : i32
        %sign3A_197 = arith.cmpi slt, %squeeze3A_190, %sign3A_196 : i32
        %sign3A_198 = arith.extui %sign3A_197 : i1 to i32
        %sign3A_199 = arith.subi %sign3A_195, %sign3A_198 : i32
        %sign3A_200 = arith.constant 0 : i32
        %sign3A_201 = arith.cmpi sgt, %jit3A_191, %sign3A_200 : i32
        %sign3A_202 = arith.extui %sign3A_201 : i1 to i32
        %sign3A_203 = arith.constant 0 : i32
        %sign3A_204 = arith.cmpi slt, %jit3A_191, %sign3A_203 : i32
        %sign3A_205 = arith.extui %sign3A_204 : i1 to i32
        %sign3A_206 = arith.subi %sign3A_202, %sign3A_205 : i32
        %ne3A_207 = arith.cmpi ne, %sign3A_199, %sign3A_206 : i32
        %rem3A_208 = arith.remsi %squeeze3A_190, %jit3A_191 : i32
        %ne3A_209 = arith.constant 0 : i32
        %ne3A_210 = arith.cmpi ne, %rem3A_208, %ne3A_209 : i32
        %and3A_211 = arith.andi %ne3A_207, %ne3A_210 : i1
        %sub3A_212 = arith.constant 1 : i32
        %sub3A_213 = arith.subi %div3A_192, %sub3A_212 : i32
        %select_n3A_214 = arith.select %and3A_211, %sub3A_213, %div3A_192 : i32
        %mul3A_215 = arith.constant 128 : i32
        %mul3A_216 = arith.muli %select_n3A_214, %mul3A_215 : i32
        %sub3A_217 = arith.subi %squeeze3A_190, %mul3A_216 : i32
        %broadcast_in_dim3A_218 = arith.constant 2688 : i32
        %broadcast_in_dim3A_219 = vector.broadcast %broadcast_in_dim3A_218 : i32 to vector<16xi32>
        %add3A_220 = vector.broadcast %sub3A_217 : i32 to vector<16xi32>
        %add3A_221 = arith.addi %broadcast_in_dim3A_219, %add3A_220 : vector<16xi32>
        %gather3A_222 = tpu.vector_load_idx %arg13[%iota3A, %add3A_221] : memref<16x3072xf32, #tpu.memory_space<vmem>>[vector<16xi32>, vector<16xi32>], vector<16xf32>,
        %gather3A_223 = tpu.vector_load_idx %arg14[%iota3A, %add3A_221] : memref<16x3072xf32, #tpu.memory_space<vmem>>[vector<16xi32>, vector<16xi32>], vector<16xf32>,
        %broadcast_in_dim3A_224 = vector.broadcast %add3A_188 : i32 to vector<16xi32>
        %gather3A_225 = tpu.vector_load_idx %arg11[%iota3A, %broadcast_in_dim3A_224] : memref<16x512xf32, #tpu.memory_space<vmem>>[vector<16xi32>, vector<16xi32>], vector<16xf32>,
        %mul3A_226 = arith.constant 5.000000e-01 : f32
        %mul3A_227 = vector.broadcast %mul3A_226 : f32 to vector<16xf32>
        %mul3A_228 = arith.mulf %gather3A_223, %mul3A_227 : vector<16xf32>
        %exp3A_229 = math.exp %mul3A_228 : vector<16xf32>
        %mul3A_230 = arith.mulf %gather3A_225, %exp3A_229 : vector<16xf32>
        %add3A_231 = arith.addf %mul3A_230, %gather3A_222 : vector<16xf32>
        tpu.vector_store_idx %arg12[%iota3A, %broadcast_in_dim3A_224], %add3A_231 : memref<16x512xf32, #tpu.memory_space<vmem>>[vector<16xi32>, vector<16xi32>], vector<16xf32>,
        %mul3A_232 = arith.constant 4 : i32
        %mul3A_233 = arith.muli %sub3A_74, %mul3A_232 : i32
        %add3A_234 = arith.constant 2 : i32
        %add3A_235 = arith.addi %mul3A_233, %add3A_234 : i32
        %slice3A_236 = vector.extract_strided_slice %get3A_147 {offsets = [2], sizes = [1], strides = [1]} : vector<16xi32> to vector<1xi32>
        %squeeze3A_237 = vector.extract %slice3A_236[0] : i32 from vector<1xi32>
        %jit3A_238 = arith.constant 128 : i32
        %div3A_239 = arith.divsi %squeeze3A_237, %jit3A_238 : i32
        %sign3A_240 = arith.constant 0 : i32
        %sign3A_241 = arith.cmpi sgt, %squeeze3A_237, %sign3A_240 : i32
        %sign3A_242 = arith.extui %sign3A_241 : i1 to i32
        %sign3A_243 = arith.constant 0 : i32
        %sign3A_244 = arith.cmpi slt, %squeeze3A_237, %sign3A_243 : i32
        %sign3A_245 = arith.extui %sign3A_244 : i1 to i32
        %sign3A_246 = arith.subi %sign3A_242, %sign3A_245 : i32
        %sign3A_247 = arith.constant 0 : i32
        %sign3A_248 = arith.cmpi sgt, %jit3A_238, %sign3A_247 : i32
        %sign3A_249 = arith.extui %sign3A_248 : i1 to i32
        %sign3A_250 = arith.constant 0 : i32
        %sign3A_251 = arith.cmpi slt, %jit3A_238, %sign3A_250 : i32
        %sign3A_252 = arith.extui %sign3A_251 : i1 to i32
        %sign3A_253 = arith.subi %sign3A_249, %sign3A_252 : i32
        %ne3A_254 = arith.cmpi ne, %sign3A_246, %sign3A_253 : i32
        %rem3A_255 = arith.remsi %squeeze3A_237, %jit3A_238 : i32
        %ne3A_256 = arith.constant 0 : i32
        %ne3A_257 = arith.cmpi ne, %rem3A_255, %ne3A_256 : i32
        %and3A_258 = arith.andi %ne3A_254, %ne3A_257 : i1
        %sub3A_259 = arith.constant 1 : i32
        %sub3A_260 = arith.subi %div3A_239, %sub3A_259 : i32
        %select_n3A_261 = arith.select %and3A_258, %sub3A_260, %div3A_239 : i32
        %mul3A_262 = arith.constant 128 : i32
        %mul3A_263 = arith.muli %select_n3A_261, %mul3A_262 : i32
        %sub3A_264 = arith.subi %squeeze3A_237, %mul3A_263 : i32
        %broadcast_in_dim3A_265 = arith.constant 2816 : i32
        %broadcast_in_dim3A_266 = vector.broadcast %broadcast_in_dim3A_265 : i32 to vector<16xi32>
        %add3A_267 = vector.broadcast %sub3A_264 : i32 to vector<16xi32>
        %add3A_268 = arith.addi %broadcast_in_dim3A_266, %add3A_267 : vector<16xi32>
        %gather3A_269 = tpu.vector_load_idx %arg13[%iota3A, %add3A_268] : memref<16x3072xf32, #tpu.memory_space<vmem>>[vector<16xi32>, vector<16xi32>], vector<16xf32>,
        %gather3A_270 = tpu.vector_load_idx %arg14[%iota3A, %add3A_268] : memref<16x3072xf32, #tpu.memory_space<vmem>>[vector<16xi32>, vector<16xi32>], vector<16xf32>,
        %broadcast_in_dim3A_271 = vector.broadcast %add3A_235 : i32 to vector<16xi32>
        %gather3A_272 = tpu.vector_load_idx %arg11[%iota3A, %broadcast_in_dim3A_271] : memref<16x512xf32, #tpu.memory_space<vmem>>[vector<16xi32>, vector<16xi32>], vector<16xf32>,
        %mul3A_273 = arith.constant 5.000000e-01 : f32
        %mul3A_274 = vector.broadcast %mul3A_273 : f32 to vector<16xf32>
        %mul3A_275 = arith.mulf %gather3A_270, %mul3A_274 : vector<16xf32>
        %exp3A_276 = math.exp %mul3A_275 : vector<16xf32>
        %mul3A_277 = arith.mulf %gather3A_272, %exp3A_276 : vector<16xf32>
        %add3A_278 = arith.addf %mul3A_277, %gather3A_269 : vector<16xf32>
        tpu.vector_store_idx %arg12[%iota3A, %broadcast_in_dim3A_271], %add3A_278 : memref<16x512xf32, #tpu.memory_space<vmem>>[vector<16xi32>, vector<16xi32>], vector<16xf32>,
        %mul3A_279 = arith.constant 4 : i32
        %mul3A_280 = arith.muli %sub3A_74, %mul3A_279 : i32
        %add3A_281 = arith.constant 3 : i32
        %add3A_282 = arith.addi %mul3A_280, %add3A_281 : i32
        %slice3A_283 = vector.extract_strided_slice %get3A_147 {offsets = [3], sizes = [1], strides = [1]} : vector<16xi32> to vector<1xi32>
        %squeeze3A_284 = vector.extract %slice3A_283[0] : i32 from vector<1xi32>
        %jit3A_285 = arith.constant 128 : i32
        %div3A_286 = arith.divsi %squeeze3A_284, %jit3A_285 : i32
        %sign3A_287 = arith.constant 0 : i32
        %sign3A_288 = arith.cmpi sgt, %squeeze3A_284, %sign3A_287 : i32
        %sign3A_289 = arith.extui %sign3A_288 : i1 to i32
        %sign3A_290 = arith.constant 0 : i32
        %sign3A_291 = arith.cmpi slt, %squeeze3A_284, %sign3A_290 : i32
        %sign3A_292 = arith.extui %sign3A_291 : i1 to i32
        %sign3A_293 = arith.subi %sign3A_289, %sign3A_292 : i32
        %sign3A_294 = arith.constant 0 : i32
        %sign3A_295 = arith.cmpi sgt, %jit3A_285, %sign3A_294 : i32
        %sign3A_296 = arith.extui %sign3A_295 : i1 to i32
        %sign3A_297 = arith.constant 0 : i32
        %sign3A_298 = arith.cmpi slt, %jit3A_285, %sign3A_297 : i32
        %sign3A_299 = arith.extui %sign3A_298 : i1 to i32
        %sign3A_300 = arith.subi %sign3A_296, %sign3A_299 : i32
        %ne3A_301 = arith.cmpi ne, %sign3A_293, %sign3A_300 : i32
        %rem3A_302 = arith.remsi %squeeze3A_284, %jit3A_285 : i32
        %ne3A_303 = arith.constant 0 : i32
        %ne3A_304 = arith.cmpi ne, %rem3A_302, %ne3A_303 : i32
        %and3A_305 = arith.andi %ne3A_301, %ne3A_304 : i1
        %sub3A_306 = arith.constant 1 : i32
        %sub3A_307 = arith.subi %div3A_286, %sub3A_306 : i32
        %select_n3A_308 = arith.select %and3A_305, %sub3A_307, %div3A_286 : i32
        %mul3A_309 = arith.constant 128 : i32
        %mul3A_310 = arith.muli %select_n3A_308, %mul3A_309 : i32
        %sub3A_311 = arith.subi %squeeze3A_284, %mul3A_310 : i32
        %broadcast_in_dim3A_312 = arith.constant 2944 : i32
        %broadcast_in_dim3A_313 = vector.broadcast %broadcast_in_dim3A_312 : i32 to vector<16xi32>
        %add3A_314 = vector.broadcast %sub3A_311 : i32 to vector<16xi32>
        %add3A_315 = arith.addi %broadcast_in_dim3A_313, %add3A_314 : vector<16xi32>
        %gather3A_316 = tpu.vector_load_idx %arg13[%iota3A, %add3A_315] : memref<16x3072xf32, #tpu.memory_space<vmem>>[vector<16xi32>, vector<16xi32>], vector<16xf32>,
        %gather3A_317 = tpu.vector_load_idx %arg14[%iota3A, %add3A_315] : memref<16x3072xf32, #tpu.memory_space<vmem>>[vector<16xi32>, vector<16xi32>], vector<16xf32>,
        %broadcast_in_dim3A_318 = vector.broadcast %add3A_282 : i32 to vector<16xi32>
        %gather3A_319 = tpu.vector_load_idx %arg11[%iota3A, %broadcast_in_dim3A_318] : memref<16x512xf32, #tpu.memory_space<vmem>>[vector<16xi32>, vector<16xi32>], vector<16xf32>,
        %mul3A_320 = arith.constant 5.000000e-01 : f32
        %mul3A_321 = vector.broadcast %mul3A_320 : f32 to vector<16xf32>
        %mul3A_322 = arith.mulf %gather3A_317, %mul3A_321 : vector<16xf32>
        %exp3A_323 = math.exp %mul3A_322 : vector<16xf32>
        %mul3A_324 = arith.mulf %gather3A_319, %exp3A_323 : vector<16xf32>
        %add3A_325 = arith.addf %mul3A_324, %gather3A_316 : vector<16xf32>
        tpu.vector_store_idx %arg12[%iota3A, %broadcast_in_dim3A_318], %add3A_325 : memref<16x512xf32, #tpu.memory_space<vmem>>[vector<16xi32>, vector<16xi32>], vector<16xf32>,
      } else {
      }
      %mul3A_83 = arith.constant 6 : i32
      %mul3A_84 = arith.muli %scan3A_12, %mul3A_83 : i32
      %add3A_85 = arith.constant 4 : i32
      %add3A_86 = arith.addi %mul3A_84, %add3A_85 : i32
      %lt3A_87 = arith.constant 128 : i32
      %lt3A_88 = arith.cmpi slt, %add3A_86, %lt3A_87 : i32
      %convert_element_type3A_89 = arith.extui %lt3A_88 : i1 to i32
      %cond3A_90 = arith.constant 0 : i32
      %cond3A_91 = arith.cmpi ne, %convert_element_type3A_89, %cond3A_90 : i32
      scf.if %cond3A_91 {
        %mul3A_121 = arith.constant 4 : i32
        %mul3A_122 = arith.muli %add3A_86, %mul3A_121 : i32
        %get3A = arith.index_cast %mul3A_122 : i32 to index
        %get3A_123 = tpu.vector_load %arg10[%get3A] {strides = array<i32>} : memref<528xi32, #tpu.memory_space<vmem>>, vector<16xi32>,
        %slice3A = vector.extract_strided_slice %get3A_123 {offsets = [0], sizes = [1], strides = [1]} : vector<16xi32> to vector<1xi32>
        %squeeze3A = vector.extract %slice3A[0] : i32 from vector<1xi32>
        %jit3A = arith.constant 128 : i32
        %div3A = arith.divsi %squeeze3A, %jit3A : i32
        %sign3A = arith.constant 0 : i32
        %sign3A_124 = arith.cmpi sgt, %squeeze3A, %sign3A : i32
        %sign3A_125 = arith.extui %sign3A_124 : i1 to i32
        %sign3A_126 = arith.constant 0 : i32
        %sign3A_127 = arith.cmpi slt, %squeeze3A, %sign3A_126 : i32
        %sign3A_128 = arith.extui %sign3A_127 : i1 to i32
        %sign3A_129 = arith.subi %sign3A_125, %sign3A_128 : i32
        %sign3A_130 = arith.constant 0 : i32
        %sign3A_131 = arith.cmpi sgt, %jit3A, %sign3A_130 : i32
        %sign3A_132 = arith.extui %sign3A_131 : i1 to i32
        %sign3A_133 = arith.constant 0 : i32
        %sign3A_134 = arith.cmpi slt, %jit3A, %sign3A_133 : i32
        %sign3A_135 = arith.extui %sign3A_134 : i1 to i32
        %sign3A_136 = arith.subi %sign3A_132, %sign3A_135 : i32
        %ne3A = arith.cmpi ne, %sign3A_129, %sign3A_136 : i32
        %rem3A = arith.remsi %squeeze3A, %jit3A : i32
        %ne3A_137 = arith.constant 0 : i32
        %ne3A_138 = arith.cmpi ne, %rem3A, %ne3A_137 : i32
        %and3A_139 = arith.andi %ne3A, %ne3A_138 : i1
        %sub3A_140 = arith.constant 1 : i32
        %sub3A_141 = arith.subi %div3A, %sub3A_140 : i32
        %select_n3A = arith.select %and3A_139, %sub3A_141, %div3A : i32
        %mul3A_142 = arith.constant 128 : i32
        %mul3A_143 = arith.muli %select_n3A, %mul3A_142 : i32
        %multiple_of3A_144 = tpu.assume_multiple %mul3A_143, 128 : i32
        %dma_start3A_145 = arith.constant 0 : i32
        %dma_start3A_146 = arith.constant 2048 : i32
        %dma_start3A_147 = tpu.memref_slice %arg13[%dma_start3A_145, %dma_start3A_146] : memref<16x3072xf32, #tpu.memory_space<vmem>> -> memref<16x128xf32, #tpu.memory_space<vmem>>
        %dma_start3A_148 = arith.constant 0 : i32
        %dma_start3A_149 = tpu.memref_slice %arg3[%dma_start3A_148, %multiple_of3A_144] : memref<16x1000000xf32, #tpu.memory_space<hbm>> -> memref<16x128xf32, #tpu.memory_space<hbm>>
        %dma_start3A_150 = arith.constant 0 : i32
        %dma_start3A_151 = arith.constant 2048 : i32
        %dma_start3A_152 = tpu.memref_slice %arg13[%dma_start3A_150, %dma_start3A_151] : memref<16x3072xf32, #tpu.memory_space<vmem>> -> memref<16x128xf32, #tpu.memory_space<vmem>>
        %dma_start3A_153 = arith.constant 0 : i32
        %dma_start3A_154 = tpu.memref_slice %arg3[%dma_start3A_153, %multiple_of3A_144] : memref<16x1000000xf32, #tpu.memory_space<hbm>> -> memref<16x128xf32, #tpu.memory_space<hbm>>
        tpu.enqueue_dma source(%dma_start3A_154 : memref<16x128xf32, #tpu.memory_space<hbm>>) target(%dma_start3A_152 : memref<16x128xf32, #tpu.memory_space<vmem>>) target_semaphore(%arg21 : memref<!tpu.dma_semaphore, #tpu.memory_space<semaphore_mem>>)
        %dma_start3A_155 = arith.constant 0 : i32
        %dma_start3A_156 = arith.constant 2048 : i32
        %dma_start3A_157 = tpu.memref_slice %arg14[%dma_start3A_155, %dma_start3A_156] : memref<16x3072xf32, #tpu.memory_space<vmem>> -> memref<16x128xf32, #tpu.memory_space<vmem>>
        %dma_start3A_158 = arith.constant 0 : i32
        %dma_start3A_159 = tpu.memref_slice %arg4[%dma_start3A_158, %multiple_of3A_144] : memref<16x1000000xf32, #tpu.memory_space<hbm>> -> memref<16x128xf32, #tpu.memory_space<hbm>>
        %dma_start3A_160 = arith.constant 0 : i32
        %dma_start3A_161 = arith.constant 2048 : i32
        %dma_start3A_162 = tpu.memref_slice %arg14[%dma_start3A_160, %dma_start3A_161] : memref<16x3072xf32, #tpu.memory_space<vmem>> -> memref<16x128xf32, #tpu.memory_space<vmem>>
        %dma_start3A_163 = arith.constant 0 : i32
        %dma_start3A_164 = tpu.memref_slice %arg4[%dma_start3A_163, %multiple_of3A_144] : memref<16x1000000xf32, #tpu.memory_space<hbm>> -> memref<16x128xf32, #tpu.memory_space<hbm>>
        tpu.enqueue_dma source(%dma_start3A_164 : memref<16x128xf32, #tpu.memory_space<hbm>>) target(%dma_start3A_162 : memref<16x128xf32, #tpu.memory_space<vmem>>) target_semaphore(%arg27 : memref<!tpu.dma_semaphore, #tpu.memory_space<semaphore_mem>>)
        %slice3A_165 = vector.extract_strided_slice %get3A_123 {offsets = [1], sizes = [1], strides = [1]} : vector<16xi32> to vector<1xi32>
        %squeeze3A_166 = vector.extract %slice3A_165[0] : i32 from vector<1xi32>
        %jit3A_167 = arith.constant 128 : i32
        %div3A_168 = arith.divsi %squeeze3A_166, %jit3A_167 : i32
        %sign3A_169 = arith.constant 0 : i32
        %sign3A_170 = arith.cmpi sgt, %squeeze3A_166, %sign3A_169 : i32
        %sign3A_171 = arith.extui %sign3A_170 : i1 to i32
        %sign3A_172 = arith.constant 0 : i32
        %sign3A_173 = arith.cmpi slt, %squeeze3A_166, %sign3A_172 : i32
        %sign3A_174 = arith.extui %sign3A_173 : i1 to i32
        %sign3A_175 = arith.subi %sign3A_171, %sign3A_174 : i32
        %sign3A_176 = arith.constant 0 : i32
        %sign3A_177 = arith.cmpi sgt, %jit3A_167, %sign3A_176 : i32
        %sign3A_178 = arith.extui %sign3A_177 : i1 to i32
        %sign3A_179 = arith.constant 0 : i32
        %sign3A_180 = arith.cmpi slt, %jit3A_167, %sign3A_179 : i32
        %sign3A_181 = arith.extui %sign3A_180 : i1 to i32
        %sign3A_182 = arith.subi %sign3A_178, %sign3A_181 : i32
        %ne3A_183 = arith.cmpi ne, %sign3A_175, %sign3A_182 : i32
        %rem3A_184 = arith.remsi %squeeze3A_166, %jit3A_167 : i32
        %ne3A_185 = arith.constant 0 : i32
        %ne3A_186 = arith.cmpi ne, %rem3A_184, %ne3A_185 : i32
        %and3A_187 = arith.andi %ne3A_183, %ne3A_186 : i1
        %sub3A_188 = arith.constant 1 : i32
        %sub3A_189 = arith.subi %div3A_168, %sub3A_188 : i32
        %select_n3A_190 = arith.select %and3A_187, %sub3A_189, %div3A_168 : i32
        %mul3A_191 = arith.constant 128 : i32
        %mul3A_192 = arith.muli %select_n3A_190, %mul3A_191 : i32
        %multiple_of3A_193 = tpu.assume_multiple %mul3A_192, 128 : i32
        %dma_start3A_194 = arith.constant 0 : i32
        %dma_start3A_195 = arith.constant 2176 : i32
        %dma_start3A_196 = tpu.memref_slice %arg13[%dma_start3A_194, %dma_start3A_195] : memref<16x3072xf32, #tpu.memory_space<vmem>> -> memref<16x128xf32, #tpu.memory_space<vmem>>
        %dma_start3A_197 = arith.constant 0 : i32
        %dma_start3A_198 = tpu.memref_slice %arg3[%dma_start3A_197, %multiple_of3A_193] : memref<16x1000000xf32, #tpu.memory_space<hbm>> -> memref<16x128xf32, #tpu.memory_space<hbm>>
        %dma_start3A_199 = arith.constant 0 : i32
        %dma_start3A_200 = arith.constant 2176 : i32
        %dma_start3A_201 = tpu.memref_slice %arg13[%dma_start3A_199, %dma_start3A_200] : memref<16x3072xf32, #tpu.memory_space<vmem>> -> memref<16x128xf32, #tpu.memory_space<vmem>>
        %dma_start3A_202 = arith.constant 0 : i32
        %dma_start3A_203 = tpu.memref_slice %arg3[%dma_start3A_202, %multiple_of3A_193] : memref<16x1000000xf32, #tpu.memory_space<hbm>> -> memref<16x128xf32, #tpu.memory_space<hbm>>
        tpu.enqueue_dma source(%dma_start3A_203 : memref<16x128xf32, #tpu.memory_space<hbm>>) target(%dma_start3A_201 : memref<16x128xf32, #tpu.memory_space<vmem>>) target_semaphore(%arg21 : memref<!tpu.dma_semaphore, #tpu.memory_space<semaphore_mem>>)
        %dma_start3A_204 = arith.constant 0 : i32
        %dma_start3A_205 = arith.constant 2176 : i32
        %dma_start3A_206 = tpu.memref_slice %arg14[%dma_start3A_204, %dma_start3A_205] : memref<16x3072xf32, #tpu.memory_space<vmem>> -> memref<16x128xf32, #tpu.memory_space<vmem>>
        %dma_start3A_207 = arith.constant 0 : i32
        %dma_start3A_208 = tpu.memref_slice %arg4[%dma_start3A_207, %multiple_of3A_193] : memref<16x1000000xf32, #tpu.memory_space<hbm>> -> memref<16x128xf32, #tpu.memory_space<hbm>>
        %dma_start3A_209 = arith.constant 0 : i32
        %dma_start3A_210 = arith.constant 2176 : i32
        %dma_start3A_211 = tpu.memref_slice %arg14[%dma_start3A_209, %dma_start3A_210] : memref<16x3072xf32, #tpu.memory_space<vmem>> -> memref<16x128xf32, #tpu.memory_space<vmem>>
        %dma_start3A_212 = arith.constant 0 : i32
        %dma_start3A_213 = tpu.memref_slice %arg4[%dma_start3A_212, %multiple_of3A_193] : memref<16x1000000xf32, #tpu.memory_space<hbm>> -> memref<16x128xf32, #tpu.memory_space<hbm>>
        tpu.enqueue_dma source(%dma_start3A_213 : memref<16x128xf32, #tpu.memory_space<hbm>>) target(%dma_start3A_211 : memref<16x128xf32, #tpu.memory_space<vmem>>) target_semaphore(%arg27 : memref<!tpu.dma_semaphore, #tpu.memory_space<semaphore_mem>>)
        %slice3A_214 = vector.extract_strided_slice %get3A_123 {offsets = [2], sizes = [1], strides = [1]} : vector<16xi32> to vector<1xi32>
        %squeeze3A_215 = vector.extract %slice3A_214[0] : i32 from vector<1xi32>
        %jit3A_216 = arith.constant 128 : i32
        %div3A_217 = arith.divsi %squeeze3A_215, %jit3A_216 : i32
        %sign3A_218 = arith.constant 0 : i32
        %sign3A_219 = arith.cmpi sgt, %squeeze3A_215, %sign3A_218 : i32
        %sign3A_220 = arith.extui %sign3A_219 : i1 to i32
        %sign3A_221 = arith.constant 0 : i32
        %sign3A_222 = arith.cmpi slt, %squeeze3A_215, %sign3A_221 : i32
        %sign3A_223 = arith.extui %sign3A_222 : i1 to i32
        %sign3A_224 = arith.subi %sign3A_220, %sign3A_223 : i32
        %sign3A_225 = arith.constant 0 : i32
        %sign3A_226 = arith.cmpi sgt, %jit3A_216, %sign3A_225 : i32
        %sign3A_227 = arith.extui %sign3A_226 : i1 to i32
        %sign3A_228 = arith.constant 0 : i32
        %sign3A_229 = arith.cmpi slt, %jit3A_216, %sign3A_228 : i32
        %sign3A_230 = arith.extui %sign3A_229 : i1 to i32
        %sign3A_231 = arith.subi %sign3A_227, %sign3A_230 : i32
        %ne3A_232 = arith.cmpi ne, %sign3A_224, %sign3A_231 : i32
        %rem3A_233 = arith.remsi %squeeze3A_215, %jit3A_216 : i32
        %ne3A_234 = arith.constant 0 : i32
        %ne3A_235 = arith.cmpi ne, %rem3A_233, %ne3A_234 : i32
        %and3A_236 = arith.andi %ne3A_232, %ne3A_235 : i1
        %sub3A_237 = arith.constant 1 : i32
        %sub3A_238 = arith.subi %div3A_217, %sub3A_237 : i32
        %select_n3A_239 = arith.select %and3A_236, %sub3A_238, %div3A_217 : i32
        %mul3A_240 = arith.constant 128 : i32
        %mul3A_241 = arith.muli %select_n3A_239, %mul3A_240 : i32
        %multiple_of3A_242 = tpu.assume_multiple %mul3A_241, 128 : i32
        %dma_start3A_243 = arith.constant 0 : i32
        %dma_start3A_244 = arith.constant 2304 : i32
        %dma_start3A_245 = tpu.memref_slice %arg13[%dma_start3A_243, %dma_start3A_244] : memref<16x3072xf32, #tpu.memory_space<vmem>> -> memref<16x128xf32, #tpu.memory_space<vmem>>
        %dma_start3A_246 = arith.constant 0 : i32
        %dma_start3A_247 = tpu.memref_slice %arg3[%dma_start3A_246, %multiple_of3A_242] : memref<16x1000000xf32, #tpu.memory_space<hbm>> -> memref<16x128xf32, #tpu.memory_space<hbm>>
        %dma_start3A_248 = arith.constant 0 : i32
        %dma_start3A_249 = arith.constant 2304 : i32
        %dma_start3A_250 = tpu.memref_slice %arg13[%dma_start3A_248, %dma_start3A_249] : memref<16x3072xf32, #tpu.memory_space<vmem>> -> memref<16x128xf32, #tpu.memory_space<vmem>>
        %dma_start3A_251 = arith.constant 0 : i32
        %dma_start3A_252 = tpu.memref_slice %arg3[%dma_start3A_251, %multiple_of3A_242] : memref<16x1000000xf32, #tpu.memory_space<hbm>> -> memref<16x128xf32, #tpu.memory_space<hbm>>
        tpu.enqueue_dma source(%dma_start3A_252 : memref<16x128xf32, #tpu.memory_space<hbm>>) target(%dma_start3A_250 : memref<16x128xf32, #tpu.memory_space<vmem>>) target_semaphore(%arg21 : memref<!tpu.dma_semaphore, #tpu.memory_space<semaphore_mem>>)
        %dma_start3A_253 = arith.constant 0 : i32
        %dma_start3A_254 = arith.constant 2304 : i32
        %dma_start3A_255 = tpu.memref_slice %arg14[%dma_start3A_253, %dma_start3A_254] : memref<16x3072xf32, #tpu.memory_space<vmem>> -> memref<16x128xf32, #tpu.memory_space<vmem>>
        %dma_start3A_256 = arith.constant 0 : i32
        %dma_start3A_257 = tpu.memref_slice %arg4[%dma_start3A_256, %multiple_of3A_242] : memref<16x1000000xf32, #tpu.memory_space<hbm>> -> memref<16x128xf32, #tpu.memory_space<hbm>>
        %dma_start3A_258 = arith.constant 0 : i32
        %dma_start3A_259 = arith.constant 2304 : i32
        %dma_start3A_260 = tpu.memref_slice %arg14[%dma_start3A_258, %dma_start3A_259] : memref<16x3072xf32, #tpu.memory_space<vmem>> -> memref<16x128xf32, #tpu.memory_space<vmem>>
        %dma_start3A_261 = arith.constant 0 : i32
        %dma_start3A_262 = tpu.memref_slice %arg4[%dma_start3A_261, %multiple_of3A_242] : memref<16x1000000xf32, #tpu.memory_space<hbm>> -> memref<16x128xf32, #tpu.memory_space<hbm>>
        tpu.enqueue_dma source(%dma_start3A_262 : memref<16x128xf32, #tpu.memory_space<hbm>>) target(%dma_start3A_260 : memref<16x128xf32, #tpu.memory_space<vmem>>) target_semaphore(%arg27 : memref<!tpu.dma_semaphore, #tpu.memory_space<semaphore_mem>>)
        %slice3A_263 = vector.extract_strided_slice %get3A_123 {offsets = [3], sizes = [1], strides = [1]} : vector<16xi32> to vector<1xi32>
        %squeeze3A_264 = vector.extract %slice3A_263[0] : i32 from vector<1xi32>
        %jit3A_265 = arith.constant 128 : i32
        %div3A_266 = arith.divsi %squeeze3A_264, %jit3A_265 : i32
        %sign3A_267 = arith.constant 0 : i32
        %sign3A_268 = arith.cmpi sgt, %squeeze3A_264, %sign3A_267 : i32
        %sign3A_269 = arith.extui %sign3A_268 : i1 to i32
        %sign3A_270 = arith.constant 0 : i32
        %sign3A_271 = arith.cmpi slt, %squeeze3A_264, %sign3A_270 : i32
        %sign3A_272 = arith.extui %sign3A_271 : i1 to i32
        %sign3A_273 = arith.subi %sign3A_269, %sign3A_272 : i32
        %sign3A_274 = arith.constant 0 : i32
        %sign3A_275 = arith.cmpi sgt, %jit3A_265, %sign3A_274 : i32
        %sign3A_276 = arith.extui %sign3A_275 : i1 to i32
        %sign3A_277 = arith.constant 0 : i32
        %sign3A_278 = arith.cmpi slt, %jit3A_265, %sign3A_277 : i32
        %sign3A_279 = arith.extui %sign3A_278 : i1 to i32
        %sign3A_280 = arith.subi %sign3A_276, %sign3A_279 : i32
        %ne3A_281 = arith.cmpi ne, %sign3A_273, %sign3A_280 : i32
        %rem3A_282 = arith.remsi %squeeze3A_264, %jit3A_265 : i32
        %ne3A_283 = arith.constant 0 : i32
        %ne3A_284 = arith.cmpi ne, %rem3A_282, %ne3A_283 : i32
        %and3A_285 = arith.andi %ne3A_281, %ne3A_284 : i1
        %sub3A_286 = arith.constant 1 : i32
        %sub3A_287 = arith.subi %div3A_266, %sub3A_286 : i32
        %select_n3A_288 = arith.select %and3A_285, %sub3A_287, %div3A_266 : i32
        %mul3A_289 = arith.constant 128 : i32
        %mul3A_290 = arith.muli %select_n3A_288, %mul3A_289 : i32
        %multiple_of3A_291 = tpu.assume_multiple %mul3A_290, 128 : i32
        %dma_start3A_292 = arith.constant 0 : i32
        %dma_start3A_293 = arith.constant 2432 : i32
        %dma_start3A_294 = tpu.memref_slice %arg13[%dma_start3A_292, %dma_start3A_293] : memref<16x3072xf32, #tpu.memory_space<vmem>> -> memref<16x128xf32, #tpu.memory_space<vmem>>
        %dma_start3A_295 = arith.constant 0 : i32
        %dma_start3A_296 = tpu.memref_slice %arg3[%dma_start3A_295, %multiple_of3A_291] : memref<16x1000000xf32, #tpu.memory_space<hbm>> -> memref<16x128xf32, #tpu.memory_space<hbm>>
        %dma_start3A_297 = arith.constant 0 : i32
        %dma_start3A_298 = arith.constant 2432 : i32
        %dma_start3A_299 = tpu.memref_slice %arg13[%dma_start3A_297, %dma_start3A_298] : memref<16x3072xf32, #tpu.memory_space<vmem>> -> memref<16x128xf32, #tpu.memory_space<vmem>>
        %dma_start3A_300 = arith.constant 0 : i32
        %dma_start3A_301 = tpu.memref_slice %arg3[%dma_start3A_300, %multiple_of3A_291] : memref<16x1000000xf32, #tpu.memory_space<hbm>> -> memref<16x128xf32, #tpu.memory_space<hbm>>
        tpu.enqueue_dma source(%dma_start3A_301 : memref<16x128xf32, #tpu.memory_space<hbm>>) target(%dma_start3A_299 : memref<16x128xf32, #tpu.memory_space<vmem>>) target_semaphore(%arg21 : memref<!tpu.dma_semaphore, #tpu.memory_space<semaphore_mem>>)
        %dma_start3A_302 = arith.constant 0 : i32
        %dma_start3A_303 = arith.constant 2432 : i32
        %dma_start3A_304 = tpu.memref_slice %arg14[%dma_start3A_302, %dma_start3A_303] : memref<16x3072xf32, #tpu.memory_space<vmem>> -> memref<16x128xf32, #tpu.memory_space<vmem>>
        %dma_start3A_305 = arith.constant 0 : i32
        %dma_start3A_306 = tpu.memref_slice %arg4[%dma_start3A_305, %multiple_of3A_291] : memref<16x1000000xf32, #tpu.memory_space<hbm>> -> memref<16x128xf32, #tpu.memory_space<hbm>>
        %dma_start3A_307 = arith.constant 0 : i32
        %dma_start3A_308 = arith.constant 2432 : i32
        %dma_start3A_309 = tpu.memref_slice %arg14[%dma_start3A_307, %dma_start3A_308] : memref<16x3072xf32, #tpu.memory_space<vmem>> -> memref<16x128xf32, #tpu.memory_space<vmem>>
        %dma_start3A_310 = arith.constant 0 : i32
        %dma_start3A_311 = tpu.memref_slice %arg4[%dma_start3A_310, %multiple_of3A_291] : memref<16x1000000xf32, #tpu.memory_space<hbm>> -> memref<16x128xf32, #tpu.memory_space<hbm>>
        tpu.enqueue_dma source(%dma_start3A_311 : memref<16x128xf32, #tpu.memory_space<hbm>>) target(%dma_start3A_309 : memref<16x128xf32, #tpu.memory_space<vmem>>) target_semaphore(%arg27 : memref<!tpu.dma_semaphore, #tpu.memory_space<semaphore_mem>>)
      } else {
      }
      %sub3A_92 = arith.constant 4 : i32
      %sub3A_93 = arith.subi %add3A_86, %sub3A_92 : i32
      %ge3A_94 = arith.constant 0 : i32
      %ge3A_95 = arith.cmpi sge, %sub3A_93, %ge3A_94 : i32
      %lt3A_96 = arith.constant 128 : i32
      %lt3A_97 = arith.cmpi slt, %sub3A_93, %lt3A_96 : i32
      %and3A_98 = arith.andi %ge3A_95, %lt3A_97 : i1
      %convert_element_type3A_99 = arith.extui %and3A_98 : i1 to i32
      %cond3A_100 = arith.constant 0 : i32
      %cond3A_101 = arith.cmpi ne, %convert_element_type3A_99, %cond3A_100 : i32
      scf.if %cond3A_101 {
        %dma_wait3A_121 = arith.constant 0 : i32
        %dma_wait3A_122 = arith.constant 0 : i32
        %dma_wait3A_123 = tpu.memref_slice %arg13[%dma_wait3A_121, %dma_wait3A_122] : memref<16x3072xf32, #tpu.memory_space<vmem>> -> memref<16x512xf32, #tpu.memory_space<vmem>>
        %dma_wait3A_124 = arith.constant 0 : i32
        %dma_wait3A_125 = arith.constant 0 : i32
        %dma_wait3A_126 = tpu.memref_slice %arg3[%dma_wait3A_124, %dma_wait3A_125] : memref<16x1000000xf32, #tpu.memory_space<hbm>> -> memref<16x512xf32, #tpu.memory_space<hbm>>
        %dma_wait3A_127 = arith.constant 0 : i32
        %dma_wait3A_128 = arith.constant 0 : i32
        %dma_wait3A_129 = tpu.memref_slice %arg13[%dma_wait3A_127, %dma_wait3A_128] : memref<16x3072xf32, #tpu.memory_space<vmem>> -> memref<16x512xf32, #tpu.memory_space<vmem>>
        %dma_wait3A_130 = arith.constant 0 : i32
        %dma_wait3A_131 = arith.constant 0 : i32
        %dma_wait3A_132 = tpu.memref_slice %arg3[%dma_wait3A_130, %dma_wait3A_131] : memref<16x1000000xf32, #tpu.memory_space<hbm>> -> memref<16x512xf32, #tpu.memory_space<hbm>>
        tpu.wait_dma2 semaphore(%arg17 : memref<!tpu.dma_semaphore, #tpu.memory_space<semaphore_mem>>) src(%dma_wait3A_132 : memref<16x512xf32, #tpu.memory_space<hbm>>) dst(%dma_wait3A_129 : memref<16x512xf32, #tpu.memory_space<vmem>>)
        %dma_wait3A_133 = arith.constant 0 : i32
        %dma_wait3A_134 = arith.constant 0 : i32
        %dma_wait3A_135 = tpu.memref_slice %arg14[%dma_wait3A_133, %dma_wait3A_134] : memref<16x3072xf32, #tpu.memory_space<vmem>> -> memref<16x512xf32, #tpu.memory_space<vmem>>
        %dma_wait3A_136 = arith.constant 0 : i32
        %dma_wait3A_137 = arith.constant 0 : i32
        %dma_wait3A_138 = tpu.memref_slice %arg4[%dma_wait3A_136, %dma_wait3A_137] : memref<16x1000000xf32, #tpu.memory_space<hbm>> -> memref<16x512xf32, #tpu.memory_space<hbm>>
        %dma_wait3A_139 = arith.constant 0 : i32
        %dma_wait3A_140 = arith.constant 0 : i32
        %dma_wait3A_141 = tpu.memref_slice %arg14[%dma_wait3A_139, %dma_wait3A_140] : memref<16x3072xf32, #tpu.memory_space<vmem>> -> memref<16x512xf32, #tpu.memory_space<vmem>>
        %dma_wait3A_142 = arith.constant 0 : i32
        %dma_wait3A_143 = arith.constant 0 : i32
        %dma_wait3A_144 = tpu.memref_slice %arg4[%dma_wait3A_142, %dma_wait3A_143] : memref<16x1000000xf32, #tpu.memory_space<hbm>> -> memref<16x512xf32, #tpu.memory_space<hbm>>
        tpu.wait_dma2 semaphore(%arg23 : memref<!tpu.dma_semaphore, #tpu.memory_space<semaphore_mem>>) src(%dma_wait3A_144 : memref<16x512xf32, #tpu.memory_space<hbm>>) dst(%dma_wait3A_141 : memref<16x512xf32, #tpu.memory_space<vmem>>)
        %mul3A_145 = arith.constant 4 : i32
        %mul3A_146 = arith.muli %sub3A_93, %mul3A_145 : i32
        %get3A = arith.index_cast %mul3A_146 : i32 to index
        %get3A_147 = tpu.vector_load %arg10[%get3A] {strides = array<i32>} : memref<528xi32, #tpu.memory_space<vmem>>, vector<16xi32>,
        %mul3A_148 = arith.constant 4 : i32
        %mul3A_149 = arith.muli %sub3A_93, %mul3A_148 : i32
        %add3A_150 = arith.constant 0 : i32
        %add3A_151 = arith.addi %mul3A_149, %add3A_150 : i32
        %slice3A = vector.extract_strided_slice %get3A_147 {offsets = [0], sizes = [1], strides = [1]} : vector<16xi32> to vector<1xi32>
        %squeeze3A = vector.extract %slice3A[0] : i32 from vector<1xi32>
        %jit3A = arith.constant 128 : i32
        %div3A = arith.divsi %squeeze3A, %jit3A : i32
        %sign3A = arith.constant 0 : i32
        %sign3A_152 = arith.cmpi sgt, %squeeze3A, %sign3A : i32
        %sign3A_153 = arith.extui %sign3A_152 : i1 to i32
        %sign3A_154 = arith.constant 0 : i32
        %sign3A_155 = arith.cmpi slt, %squeeze3A, %sign3A_154 : i32
        %sign3A_156 = arith.extui %sign3A_155 : i1 to i32
        %sign3A_157 = arith.subi %sign3A_153, %sign3A_156 : i32
        %sign3A_158 = arith.constant 0 : i32
        %sign3A_159 = arith.cmpi sgt, %jit3A, %sign3A_158 : i32
        %sign3A_160 = arith.extui %sign3A_159 : i1 to i32
        %sign3A_161 = arith.constant 0 : i32
        %sign3A_162 = arith.cmpi slt, %jit3A, %sign3A_161 : i32
        %sign3A_163 = arith.extui %sign3A_162 : i1 to i32
        %sign3A_164 = arith.subi %sign3A_160, %sign3A_163 : i32
        %ne3A = arith.cmpi ne, %sign3A_157, %sign3A_164 : i32
        %rem3A = arith.remsi %squeeze3A, %jit3A : i32
        %ne3A_165 = arith.constant 0 : i32
        %ne3A_166 = arith.cmpi ne, %rem3A, %ne3A_165 : i32
        %and3A_167 = arith.andi %ne3A, %ne3A_166 : i1
        %sub3A_168 = arith.constant 1 : i32
        %sub3A_169 = arith.subi %div3A, %sub3A_168 : i32
        %select_n3A = arith.select %and3A_167, %sub3A_169, %div3A : i32
        %mul3A_170 = arith.constant 128 : i32
        %mul3A_171 = arith.muli %select_n3A, %mul3A_170 : i32
        %sub3A_172 = arith.subi %squeeze3A, %mul3A_171 : i32
        %broadcast_in_dim3A_173 = arith.constant 0 : i32
        %broadcast_in_dim3A_174 = vector.broadcast %broadcast_in_dim3A_173 : i32 to vector<16xi32>
        %add3A_175 = vector.broadcast %sub3A_172 : i32 to vector<16xi32>
        %add3A_176 = arith.addi %broadcast_in_dim3A_174, %add3A_175 : vector<16xi32>
        %gather3A = tpu.vector_load_idx %arg13[%iota3A, %add3A_176] : memref<16x3072xf32, #tpu.memory_space<vmem>>[vector<16xi32>, vector<16xi32>], vector<16xf32>,
        %gather3A_177 = tpu.vector_load_idx %arg14[%iota3A, %add3A_176] : memref<16x3072xf32, #tpu.memory_space<vmem>>[vector<16xi32>, vector<16xi32>], vector<16xf32>,
        %broadcast_in_dim3A_178 = vector.broadcast %add3A_151 : i32 to vector<16xi32>
        %gather3A_179 = tpu.vector_load_idx %arg11[%iota3A, %broadcast_in_dim3A_178] : memref<16x512xf32, #tpu.memory_space<vmem>>[vector<16xi32>, vector<16xi32>], vector<16xf32>,
        %mul3A_180 = arith.constant 5.000000e-01 : f32
        %mul3A_181 = vector.broadcast %mul3A_180 : f32 to vector<16xf32>
        %mul3A_182 = arith.mulf %gather3A_177, %mul3A_181 : vector<16xf32>
        %exp3A = math.exp %mul3A_182 : vector<16xf32>
        %mul3A_183 = arith.mulf %gather3A_179, %exp3A : vector<16xf32>
        %add3A_184 = arith.addf %mul3A_183, %gather3A : vector<16xf32>
        tpu.vector_store_idx %arg12[%iota3A, %broadcast_in_dim3A_178], %add3A_184 : memref<16x512xf32, #tpu.memory_space<vmem>>[vector<16xi32>, vector<16xi32>], vector<16xf32>,
        %mul3A_185 = arith.constant 4 : i32
        %mul3A_186 = arith.muli %sub3A_93, %mul3A_185 : i32
        %add3A_187 = arith.constant 1 : i32
        %add3A_188 = arith.addi %mul3A_186, %add3A_187 : i32
        %slice3A_189 = vector.extract_strided_slice %get3A_147 {offsets = [1], sizes = [1], strides = [1]} : vector<16xi32> to vector<1xi32>
        %squeeze3A_190 = vector.extract %slice3A_189[0] : i32 from vector<1xi32>
        %jit3A_191 = arith.constant 128 : i32
        %div3A_192 = arith.divsi %squeeze3A_190, %jit3A_191 : i32
        %sign3A_193 = arith.constant 0 : i32
        %sign3A_194 = arith.cmpi sgt, %squeeze3A_190, %sign3A_193 : i32
        %sign3A_195 = arith.extui %sign3A_194 : i1 to i32
        %sign3A_196 = arith.constant 0 : i32
        %sign3A_197 = arith.cmpi slt, %squeeze3A_190, %sign3A_196 : i32
        %sign3A_198 = arith.extui %sign3A_197 : i1 to i32
        %sign3A_199 = arith.subi %sign3A_195, %sign3A_198 : i32
        %sign3A_200 = arith.constant 0 : i32
        %sign3A_201 = arith.cmpi sgt, %jit3A_191, %sign3A_200 : i32
        %sign3A_202 = arith.extui %sign3A_201 : i1 to i32
        %sign3A_203 = arith.constant 0 : i32
        %sign3A_204 = arith.cmpi slt, %jit3A_191, %sign3A_203 : i32
        %sign3A_205 = arith.extui %sign3A_204 : i1 to i32
        %sign3A_206 = arith.subi %sign3A_202, %sign3A_205 : i32
        %ne3A_207 = arith.cmpi ne, %sign3A_199, %sign3A_206 : i32
        %rem3A_208 = arith.remsi %squeeze3A_190, %jit3A_191 : i32
        %ne3A_209 = arith.constant 0 : i32
        %ne3A_210 = arith.cmpi ne, %rem3A_208, %ne3A_209 : i32
        %and3A_211 = arith.andi %ne3A_207, %ne3A_210 : i1
        %sub3A_212 = arith.constant 1 : i32
        %sub3A_213 = arith.subi %div3A_192, %sub3A_212 : i32
        %select_n3A_214 = arith.select %and3A_211, %sub3A_213, %div3A_192 : i32
        %mul3A_215 = arith.constant 128 : i32
        %mul3A_216 = arith.muli %select_n3A_214, %mul3A_215 : i32
        %sub3A_217 = arith.subi %squeeze3A_190, %mul3A_216 : i32
        %broadcast_in_dim3A_218 = arith.constant 128 : i32
        %broadcast_in_dim3A_219 = vector.broadcast %broadcast_in_dim3A_218 : i32 to vector<16xi32>
        %add3A_220 = vector.broadcast %sub3A_217 : i32 to vector<16xi32>
        %add3A_221 = arith.addi %broadcast_in_dim3A_219, %add3A_220 : vector<16xi32>
        %gather3A_222 = tpu.vector_load_idx %arg13[%iota3A, %add3A_221] : memref<16x3072xf32, #tpu.memory_space<vmem>>[vector<16xi32>, vector<16xi32>], vector<16xf32>,
        %gather3A_223 = tpu.vector_load_idx %arg14[%iota3A, %add3A_221] : memref<16x3072xf32, #tpu.memory_space<vmem>>[vector<16xi32>, vector<16xi32>], vector<16xf32>,
        %broadcast_in_dim3A_224 = vector.broadcast %add3A_188 : i32 to vector<16xi32>
        %gather3A_225 = tpu.vector_load_idx %arg11[%iota3A, %broadcast_in_dim3A_224] : memref<16x512xf32, #tpu.memory_space<vmem>>[vector<16xi32>, vector<16xi32>], vector<16xf32>,
        %mul3A_226 = arith.constant 5.000000e-01 : f32
        %mul3A_227 = vector.broadcast %mul3A_226 : f32 to vector<16xf32>
        %mul3A_228 = arith.mulf %gather3A_223, %mul3A_227 : vector<16xf32>
        %exp3A_229 = math.exp %mul3A_228 : vector<16xf32>
        %mul3A_230 = arith.mulf %gather3A_225, %exp3A_229 : vector<16xf32>
        %add3A_231 = arith.addf %mul3A_230, %gather3A_222 : vector<16xf32>
        tpu.vector_store_idx %arg12[%iota3A, %broadcast_in_dim3A_224], %add3A_231 : memref<16x512xf32, #tpu.memory_space<vmem>>[vector<16xi32>, vector<16xi32>], vector<16xf32>,
        %mul3A_232 = arith.constant 4 : i32
        %mul3A_233 = arith.muli %sub3A_93, %mul3A_232 : i32
        %add3A_234 = arith.constant 2 : i32
        %add3A_235 = arith.addi %mul3A_233, %add3A_234 : i32
        %slice3A_236 = vector.extract_strided_slice %get3A_147 {offsets = [2], sizes = [1], strides = [1]} : vector<16xi32> to vector<1xi32>
        %squeeze3A_237 = vector.extract %slice3A_236[0] : i32 from vector<1xi32>
        %jit3A_238 = arith.constant 128 : i32
        %div3A_239 = arith.divsi %squeeze3A_237, %jit3A_238 : i32
        %sign3A_240 = arith.constant 0 : i32
        %sign3A_241 = arith.cmpi sgt, %squeeze3A_237, %sign3A_240 : i32
        %sign3A_242 = arith.extui %sign3A_241 : i1 to i32
        %sign3A_243 = arith.constant 0 : i32
        %sign3A_244 = arith.cmpi slt, %squeeze3A_237, %sign3A_243 : i32
        %sign3A_245 = arith.extui %sign3A_244 : i1 to i32
        %sign3A_246 = arith.subi %sign3A_242, %sign3A_245 : i32
        %sign3A_247 = arith.constant 0 : i32
        %sign3A_248 = arith.cmpi sgt, %jit3A_238, %sign3A_247 : i32
        %sign3A_249 = arith.extui %sign3A_248 : i1 to i32
        %sign3A_250 = arith.constant 0 : i32
        %sign3A_251 = arith.cmpi slt, %jit3A_238, %sign3A_250 : i32
        %sign3A_252 = arith.extui %sign3A_251 : i1 to i32
        %sign3A_253 = arith.subi %sign3A_249, %sign3A_252 : i32
        %ne3A_254 = arith.cmpi ne, %sign3A_246, %sign3A_253 : i32
        %rem3A_255 = arith.remsi %squeeze3A_237, %jit3A_238 : i32
        %ne3A_256 = arith.constant 0 : i32
        %ne3A_257 = arith.cmpi ne, %rem3A_255, %ne3A_256 : i32
        %and3A_258 = arith.andi %ne3A_254, %ne3A_257 : i1
        %sub3A_259 = arith.constant 1 : i32
        %sub3A_260 = arith.subi %div3A_239, %sub3A_259 : i32
        %select_n3A_261 = arith.select %and3A_258, %sub3A_260, %div3A_239 : i32
        %mul3A_262 = arith.constant 128 : i32
        %mul3A_263 = arith.muli %select_n3A_261, %mul3A_262 : i32
        %sub3A_264 = arith.subi %squeeze3A_237, %mul3A_263 : i32
        %broadcast_in_dim3A_265 = arith.constant 256 : i32
        %broadcast_in_dim3A_266 = vector.broadcast %broadcast_in_dim3A_265 : i32 to vector<16xi32>
        %add3A_267 = vector.broadcast %sub3A_264 : i32 to vector<16xi32>
        %add3A_268 = arith.addi %broadcast_in_dim3A_266, %add3A_267 : vector<16xi32>
        %gather3A_269 = tpu.vector_load_idx %arg13[%iota3A, %add3A_268] : memref<16x3072xf32, #tpu.memory_space<vmem>>[vector<16xi32>, vector<16xi32>], vector<16xf32>,
        %gather3A_270 = tpu.vector_load_idx %arg14[%iota3A, %add3A_268] : memref<16x3072xf32, #tpu.memory_space<vmem>>[vector<16xi32>, vector<16xi32>], vector<16xf32>,
        %broadcast_in_dim3A_271 = vector.broadcast %add3A_235 : i32 to vector<16xi32>
        %gather3A_272 = tpu.vector_load_idx %arg11[%iota3A, %broadcast_in_dim3A_271] : memref<16x512xf32, #tpu.memory_space<vmem>>[vector<16xi32>, vector<16xi32>], vector<16xf32>,
        %mul3A_273 = arith.constant 5.000000e-01 : f32
        %mul3A_274 = vector.broadcast %mul3A_273 : f32 to vector<16xf32>
        %mul3A_275 = arith.mulf %gather3A_270, %mul3A_274 : vector<16xf32>
        %exp3A_276 = math.exp %mul3A_275 : vector<16xf32>
        %mul3A_277 = arith.mulf %gather3A_272, %exp3A_276 : vector<16xf32>
        %add3A_278 = arith.addf %mul3A_277, %gather3A_269 : vector<16xf32>
        tpu.vector_store_idx %arg12[%iota3A, %broadcast_in_dim3A_271], %add3A_278 : memref<16x512xf32, #tpu.memory_space<vmem>>[vector<16xi32>, vector<16xi32>], vector<16xf32>,
        %mul3A_279 = arith.constant 4 : i32
        %mul3A_280 = arith.muli %sub3A_93, %mul3A_279 : i32
        %add3A_281 = arith.constant 3 : i32
        %add3A_282 = arith.addi %mul3A_280, %add3A_281 : i32
        %slice3A_283 = vector.extract_strided_slice %get3A_147 {offsets = [3], sizes = [1], strides = [1]} : vector<16xi32> to vector<1xi32>
        %squeeze3A_284 = vector.extract %slice3A_283[0] : i32 from vector<1xi32>
        %jit3A_285 = arith.constant 128 : i32
        %div3A_286 = arith.divsi %squeeze3A_284, %jit3A_285 : i32
        %sign3A_287 = arith.constant 0 : i32
        %sign3A_288 = arith.cmpi sgt, %squeeze3A_284, %sign3A_287 : i32
        %sign3A_289 = arith.extui %sign3A_288 : i1 to i32
        %sign3A_290 = arith.constant 0 : i32
        %sign3A_291 = arith.cmpi slt, %squeeze3A_284, %sign3A_290 : i32
        %sign3A_292 = arith.extui %sign3A_291 : i1 to i32
        %sign3A_293 = arith.subi %sign3A_289, %sign3A_292 : i32
        %sign3A_294 = arith.constant 0 : i32
        %sign3A_295 = arith.cmpi sgt, %jit3A_285, %sign3A_294 : i32
        %sign3A_296 = arith.extui %sign3A_295 : i1 to i32
        %sign3A_297 = arith.constant 0 : i32
        %sign3A_298 = arith.cmpi slt, %jit3A_285, %sign3A_297 : i32
        %sign3A_299 = arith.extui %sign3A_298 : i1 to i32
        %sign3A_300 = arith.subi %sign3A_296, %sign3A_299 : i32
        %ne3A_301 = arith.cmpi ne, %sign3A_293, %sign3A_300 : i32
        %rem3A_302 = arith.remsi %squeeze3A_284, %jit3A_285 : i32
        %ne3A_303 = arith.constant 0 : i32
        %ne3A_304 = arith.cmpi ne, %rem3A_302, %ne3A_303 : i32
        %and3A_305 = arith.andi %ne3A_301, %ne3A_304 : i1
        %sub3A_306 = arith.constant 1 : i32
        %sub3A_307 = arith.subi %div3A_286, %sub3A_306 : i32
        %select_n3A_308 = arith.select %and3A_305, %sub3A_307, %div3A_286 : i32
        %mul3A_309 = arith.constant 128 : i32
        %mul3A_310 = arith.muli %select_n3A_308, %mul3A_309 : i32
        %sub3A_311 = arith.subi %squeeze3A_284, %mul3A_310 : i32
        %broadcast_in_dim3A_312 = arith.constant 384 : i32
        %broadcast_in_dim3A_313 = vector.broadcast %broadcast_in_dim3A_312 : i32 to vector<16xi32>
        %add3A_314 = vector.broadcast %sub3A_311 : i32 to vector<16xi32>
        %add3A_315 = arith.addi %broadcast_in_dim3A_313, %add3A_314 : vector<16xi32>
        %gather3A_316 = tpu.vector_load_idx %arg13[%iota3A, %add3A_315] : memref<16x3072xf32, #tpu.memory_space<vmem>>[vector<16xi32>, vector<16xi32>], vector<16xf32>,
        %gather3A_317 = tpu.vector_load_idx %arg14[%iota3A, %add3A_315] : memref<16x3072xf32, #tpu.memory_space<vmem>>[vector<16xi32>, vector<16xi32>], vector<16xf32>,
        %broadcast_in_dim3A_318 = vector.broadcast %add3A_282 : i32 to vector<16xi32>
        %gather3A_319 = tpu.vector_load_idx %arg11[%iota3A, %broadcast_in_dim3A_318] : memref<16x512xf32, #tpu.memory_space<vmem>>[vector<16xi32>, vector<16xi32>], vector<16xf32>,
        %mul3A_320 = arith.constant 5.000000e-01 : f32
        %mul3A_321 = vector.broadcast %mul3A_320 : f32 to vector<16xf32>
        %mul3A_322 = arith.mulf %gather3A_317, %mul3A_321 : vector<16xf32>
        %exp3A_323 = math.exp %mul3A_322 : vector<16xf32>
        %mul3A_324 = arith.mulf %gather3A_319, %exp3A_323 : vector<16xf32>
        %add3A_325 = arith.addf %mul3A_324, %gather3A_316 : vector<16xf32>
        tpu.vector_store_idx %arg12[%iota3A, %broadcast_in_dim3A_318], %add3A_325 : memref<16x512xf32, #tpu.memory_space<vmem>>[vector<16xi32>, vector<16xi32>], vector<16xf32>,
      } else {
      }
      %mul3A_102 = arith.constant 6 : i32
      %mul3A_103 = arith.muli %scan3A_12, %mul3A_102 : i32
      %add3A_104 = arith.constant 5 : i32
      %add3A_105 = arith.addi %mul3A_103, %add3A_104 : i32
      %lt3A_106 = arith.constant 128 : i32
      %lt3A_107 = arith.cmpi slt, %add3A_105, %lt3A_106 : i32
      %convert_element_type3A_108 = arith.extui %lt3A_107 : i1 to i32
      %cond3A_109 = arith.constant 0 : i32
      %cond3A_110 = arith.cmpi ne, %convert_element_type3A_108, %cond3A_109 : i32
      scf.if %cond3A_110 {
        %mul3A_121 = arith.constant 4 : i32
        %mul3A_122 = arith.muli %add3A_105, %mul3A_121 : i32
        %get3A = arith.index_cast %mul3A_122 : i32 to index
        %get3A_123 = tpu.vector_load %arg10[%get3A] {strides = array<i32>} : memref<528xi32, #tpu.memory_space<vmem>>, vector<16xi32>,
        %slice3A = vector.extract_strided_slice %get3A_123 {offsets = [0], sizes = [1], strides = [1]} : vector<16xi32> to vector<1xi32>
        %squeeze3A = vector.extract %slice3A[0] : i32 from vector<1xi32>
        %jit3A = arith.constant 128 : i32
        %div3A = arith.divsi %squeeze3A, %jit3A : i32
        %sign3A = arith.constant 0 : i32
        %sign3A_124 = arith.cmpi sgt, %squeeze3A, %sign3A : i32
        %sign3A_125 = arith.extui %sign3A_124 : i1 to i32
        %sign3A_126 = arith.constant 0 : i32
        %sign3A_127 = arith.cmpi slt, %squeeze3A, %sign3A_126 : i32
        %sign3A_128 = arith.extui %sign3A_127 : i1 to i32
        %sign3A_129 = arith.subi %sign3A_125, %sign3A_128 : i32
        %sign3A_130 = arith.constant 0 : i32
        %sign3A_131 = arith.cmpi sgt, %jit3A, %sign3A_130 : i32
        %sign3A_132 = arith.extui %sign3A_131 : i1 to i32
        %sign3A_133 = arith.constant 0 : i32
        %sign3A_134 = arith.cmpi slt, %jit3A, %sign3A_133 : i32
        %sign3A_135 = arith.extui %sign3A_134 : i1 to i32
        %sign3A_136 = arith.subi %sign3A_132, %sign3A_135 : i32
        %ne3A = arith.cmpi ne, %sign3A_129, %sign3A_136 : i32
        %rem3A = arith.remsi %squeeze3A, %jit3A : i32
        %ne3A_137 = arith.constant 0 : i32
        %ne3A_138 = arith.cmpi ne, %rem3A, %ne3A_137 : i32
        %and3A_139 = arith.andi %ne3A, %ne3A_138 : i1
        %sub3A_140 = arith.constant 1 : i32
        %sub3A_141 = arith.subi %div3A, %sub3A_140 : i32
        %select_n3A = arith.select %and3A_139, %sub3A_141, %div3A : i32
        %mul3A_142 = arith.constant 128 : i32
        %mul3A_143 = arith.muli %select_n3A, %mul3A_142 : i32
        %multiple_of3A_144 = tpu.assume_multiple %mul3A_143, 128 : i32
        %dma_start3A_145 = arith.constant 0 : i32
        %dma_start3A_146 = arith.constant 2560 : i32
        %dma_start3A_147 = tpu.memref_slice %arg13[%dma_start3A_145, %dma_start3A_146] : memref<16x3072xf32, #tpu.memory_space<vmem>> -> memref<16x128xf32, #tpu.memory_space<vmem>>
        %dma_start3A_148 = arith.constant 0 : i32
        %dma_start3A_149 = tpu.memref_slice %arg3[%dma_start3A_148, %multiple_of3A_144] : memref<16x1000000xf32, #tpu.memory_space<hbm>> -> memref<16x128xf32, #tpu.memory_space<hbm>>
        %dma_start3A_150 = arith.constant 0 : i32
        %dma_start3A_151 = arith.constant 2560 : i32
        %dma_start3A_152 = tpu.memref_slice %arg13[%dma_start3A_150, %dma_start3A_151] : memref<16x3072xf32, #tpu.memory_space<vmem>> -> memref<16x128xf32, #tpu.memory_space<vmem>>
        %dma_start3A_153 = arith.constant 0 : i32
        %dma_start3A_154 = tpu.memref_slice %arg3[%dma_start3A_153, %multiple_of3A_144] : memref<16x1000000xf32, #tpu.memory_space<hbm>> -> memref<16x128xf32, #tpu.memory_space<hbm>>
        tpu.enqueue_dma source(%dma_start3A_154 : memref<16x128xf32, #tpu.memory_space<hbm>>) target(%dma_start3A_152 : memref<16x128xf32, #tpu.memory_space<vmem>>) target_semaphore(%arg22 : memref<!tpu.dma_semaphore, #tpu.memory_space<semaphore_mem>>)
        %dma_start3A_155 = arith.constant 0 : i32
        %dma_start3A_156 = arith.constant 2560 : i32
        %dma_start3A_157 = tpu.memref_slice %arg14[%dma_start3A_155, %dma_start3A_156] : memref<16x3072xf32, #tpu.memory_space<vmem>> -> memref<16x128xf32, #tpu.memory_space<vmem>>
        %dma_start3A_158 = arith.constant 0 : i32
        %dma_start3A_159 = tpu.memref_slice %arg4[%dma_start3A_158, %multiple_of3A_144] : memref<16x1000000xf32, #tpu.memory_space<hbm>> -> memref<16x128xf32, #tpu.memory_space<hbm>>
        %dma_start3A_160 = arith.constant 0 : i32
        %dma_start3A_161 = arith.constant 2560 : i32
        %dma_start3A_162 = tpu.memref_slice %arg14[%dma_start3A_160, %dma_start3A_161] : memref<16x3072xf32, #tpu.memory_space<vmem>> -> memref<16x128xf32, #tpu.memory_space<vmem>>
        %dma_start3A_163 = arith.constant 0 : i32
        %dma_start3A_164 = tpu.memref_slice %arg4[%dma_start3A_163, %multiple_of3A_144] : memref<16x1000000xf32, #tpu.memory_space<hbm>> -> memref<16x128xf32, #tpu.memory_space<hbm>>
        tpu.enqueue_dma source(%dma_start3A_164 : memref<16x128xf32, #tpu.memory_space<hbm>>) target(%dma_start3A_162 : memref<16x128xf32, #tpu.memory_space<vmem>>) target_semaphore(%arg28 : memref<!tpu.dma_semaphore, #tpu.memory_space<semaphore_mem>>)
        %slice3A_165 = vector.extract_strided_slice %get3A_123 {offsets = [1], sizes = [1], strides = [1]} : vector<16xi32> to vector<1xi32>
        %squeeze3A_166 = vector.extract %slice3A_165[0] : i32 from vector<1xi32>
        %jit3A_167 = arith.constant 128 : i32
        %div3A_168 = arith.divsi %squeeze3A_166, %jit3A_167 : i32
        %sign3A_169 = arith.constant 0 : i32
        %sign3A_170 = arith.cmpi sgt, %squeeze3A_166, %sign3A_169 : i32
        %sign3A_171 = arith.extui %sign3A_170 : i1 to i32
        %sign3A_172 = arith.constant 0 : i32
        %sign3A_173 = arith.cmpi slt, %squeeze3A_166, %sign3A_172 : i32
        %sign3A_174 = arith.extui %sign3A_173 : i1 to i32
        %sign3A_175 = arith.subi %sign3A_171, %sign3A_174 : i32
        %sign3A_176 = arith.constant 0 : i32
        %sign3A_177 = arith.cmpi sgt, %jit3A_167, %sign3A_176 : i32
        %sign3A_178 = arith.extui %sign3A_177 : i1 to i32
        %sign3A_179 = arith.constant 0 : i32
        %sign3A_180 = arith.cmpi slt, %jit3A_167, %sign3A_179 : i32
        %sign3A_181 = arith.extui %sign3A_180 : i1 to i32
        %sign3A_182 = arith.subi %sign3A_178, %sign3A_181 : i32
        %ne3A_183 = arith.cmpi ne, %sign3A_175, %sign3A_182 : i32
        %rem3A_184 = arith.remsi %squeeze3A_166, %jit3A_167 : i32
        %ne3A_185 = arith.constant 0 : i32
        %ne3A_186 = arith.cmpi ne, %rem3A_184, %ne3A_185 : i32
        %and3A_187 = arith.andi %ne3A_183, %ne3A_186 : i1
        %sub3A_188 = arith.constant 1 : i32
        %sub3A_189 = arith.subi %div3A_168, %sub3A_188 : i32
        %select_n3A_190 = arith.select %and3A_187, %sub3A_189, %div3A_168 : i32
        %mul3A_191 = arith.constant 128 : i32
        %mul3A_192 = arith.muli %select_n3A_190, %mul3A_191 : i32
        %multiple_of3A_193 = tpu.assume_multiple %mul3A_192, 128 : i32
        %dma_start3A_194 = arith.constant 0 : i32
        %dma_start3A_195 = arith.constant 2688 : i32
        %dma_start3A_196 = tpu.memref_slice %arg13[%dma_start3A_194, %dma_start3A_195] : memref<16x3072xf32, #tpu.memory_space<vmem>> -> memref<16x128xf32, #tpu.memory_space<vmem>>
        %dma_start3A_197 = arith.constant 0 : i32
        %dma_start3A_198 = tpu.memref_slice %arg3[%dma_start3A_197, %multiple_of3A_193] : memref<16x1000000xf32, #tpu.memory_space<hbm>> -> memref<16x128xf32, #tpu.memory_space<hbm>>
        %dma_start3A_199 = arith.constant 0 : i32
        %dma_start3A_200 = arith.constant 2688 : i32
        %dma_start3A_201 = tpu.memref_slice %arg13[%dma_start3A_199, %dma_start3A_200] : memref<16x3072xf32, #tpu.memory_space<vmem>> -> memref<16x128xf32, #tpu.memory_space<vmem>>
        %dma_start3A_202 = arith.constant 0 : i32
        %dma_start3A_203 = tpu.memref_slice %arg3[%dma_start3A_202, %multiple_of3A_193] : memref<16x1000000xf32, #tpu.memory_space<hbm>> -> memref<16x128xf32, #tpu.memory_space<hbm>>
        tpu.enqueue_dma source(%dma_start3A_203 : memref<16x128xf32, #tpu.memory_space<hbm>>) target(%dma_start3A_201 : memref<16x128xf32, #tpu.memory_space<vmem>>) target_semaphore(%arg22 : memref<!tpu.dma_semaphore, #tpu.memory_space<semaphore_mem>>)
        %dma_start3A_204 = arith.constant 0 : i32
        %dma_start3A_205 = arith.constant 2688 : i32
        %dma_start3A_206 = tpu.memref_slice %arg14[%dma_start3A_204, %dma_start3A_205] : memref<16x3072xf32, #tpu.memory_space<vmem>> -> memref<16x128xf32, #tpu.memory_space<vmem>>
        %dma_start3A_207 = arith.constant 0 : i32
        %dma_start3A_208 = tpu.memref_slice %arg4[%dma_start3A_207, %multiple_of3A_193] : memref<16x1000000xf32, #tpu.memory_space<hbm>> -> memref<16x128xf32, #tpu.memory_space<hbm>>
        %dma_start3A_209 = arith.constant 0 : i32
        %dma_start3A_210 = arith.constant 2688 : i32
        %dma_start3A_211 = tpu.memref_slice %arg14[%dma_start3A_209, %dma_start3A_210] : memref<16x3072xf32, #tpu.memory_space<vmem>> -> memref<16x128xf32, #tpu.memory_space<vmem>>
        %dma_start3A_212 = arith.constant 0 : i32
        %dma_start3A_213 = tpu.memref_slice %arg4[%dma_start3A_212, %multiple_of3A_193] : memref<16x1000000xf32, #tpu.memory_space<hbm>> -> memref<16x128xf32, #tpu.memory_space<hbm>>
        tpu.enqueue_dma source(%dma_start3A_213 : memref<16x128xf32, #tpu.memory_space<hbm>>) target(%dma_start3A_211 : memref<16x128xf32, #tpu.memory_space<vmem>>) target_semaphore(%arg28 : memref<!tpu.dma_semaphore, #tpu.memory_space<semaphore_mem>>)
        %slice3A_214 = vector.extract_strided_slice %get3A_123 {offsets = [2], sizes = [1], strides = [1]} : vector<16xi32> to vector<1xi32>
        %squeeze3A_215 = vector.extract %slice3A_214[0] : i32 from vector<1xi32>
        %jit3A_216 = arith.constant 128 : i32
        %div3A_217 = arith.divsi %squeeze3A_215, %jit3A_216 : i32
        %sign3A_218 = arith.constant 0 : i32
        %sign3A_219 = arith.cmpi sgt, %squeeze3A_215, %sign3A_218 : i32
        %sign3A_220 = arith.extui %sign3A_219 : i1 to i32
        %sign3A_221 = arith.constant 0 : i32
        %sign3A_222 = arith.cmpi slt, %squeeze3A_215, %sign3A_221 : i32
        %sign3A_223 = arith.extui %sign3A_222 : i1 to i32
        %sign3A_224 = arith.subi %sign3A_220, %sign3A_223 : i32
        %sign3A_225 = arith.constant 0 : i32
        %sign3A_226 = arith.cmpi sgt, %jit3A_216, %sign3A_225 : i32
        %sign3A_227 = arith.extui %sign3A_226 : i1 to i32
        %sign3A_228 = arith.constant 0 : i32
        %sign3A_229 = arith.cmpi slt, %jit3A_216, %sign3A_228 : i32
        %sign3A_230 = arith.extui %sign3A_229 : i1 to i32
        %sign3A_231 = arith.subi %sign3A_227, %sign3A_230 : i32
        %ne3A_232 = arith.cmpi ne, %sign3A_224, %sign3A_231 : i32
        %rem3A_233 = arith.remsi %squeeze3A_215, %jit3A_216 : i32
        %ne3A_234 = arith.constant 0 : i32
        %ne3A_235 = arith.cmpi ne, %rem3A_233, %ne3A_234 : i32
        %and3A_236 = arith.andi %ne3A_232, %ne3A_235 : i1
        %sub3A_237 = arith.constant 1 : i32
        %sub3A_238 = arith.subi %div3A_217, %sub3A_237 : i32
        %select_n3A_239 = arith.select %and3A_236, %sub3A_238, %div3A_217 : i32
        %mul3A_240 = arith.constant 128 : i32
        %mul3A_241 = arith.muli %select_n3A_239, %mul3A_240 : i32
        %multiple_of3A_242 = tpu.assume_multiple %mul3A_241, 128 : i32
        %dma_start3A_243 = arith.constant 0 : i32
        %dma_start3A_244 = arith.constant 2816 : i32
        %dma_start3A_245 = tpu.memref_slice %arg13[%dma_start3A_243, %dma_start3A_244] : memref<16x3072xf32, #tpu.memory_space<vmem>> -> memref<16x128xf32, #tpu.memory_space<vmem>>
        %dma_start3A_246 = arith.constant 0 : i32
        %dma_start3A_247 = tpu.memref_slice %arg3[%dma_start3A_246, %multiple_of3A_242] : memref<16x1000000xf32, #tpu.memory_space<hbm>> -> memref<16x128xf32, #tpu.memory_space<hbm>>
        %dma_start3A_248 = arith.constant 0 : i32
        %dma_start3A_249 = arith.constant 2816 : i32
        %dma_start3A_250 = tpu.memref_slice %arg13[%dma_start3A_248, %dma_start3A_249] : memref<16x3072xf32, #tpu.memory_space<vmem>> -> memref<16x128xf32, #tpu.memory_space<vmem>>
        %dma_start3A_251 = arith.constant 0 : i32
        %dma_start3A_252 = tpu.memref_slice %arg3[%dma_start3A_251, %multiple_of3A_242] : memref<16x1000000xf32, #tpu.memory_space<hbm>> -> memref<16x128xf32, #tpu.memory_space<hbm>>
        tpu.enqueue_dma source(%dma_start3A_252 : memref<16x128xf32, #tpu.memory_space<hbm>>) target(%dma_start3A_250 : memref<16x128xf32, #tpu.memory_space<vmem>>) target_semaphore(%arg22 : memref<!tpu.dma_semaphore, #tpu.memory_space<semaphore_mem>>)
        %dma_start3A_253 = arith.constant 0 : i32
        %dma_start3A_254 = arith.constant 2816 : i32
        %dma_start3A_255 = tpu.memref_slice %arg14[%dma_start3A_253, %dma_start3A_254] : memref<16x3072xf32, #tpu.memory_space<vmem>> -> memref<16x128xf32, #tpu.memory_space<vmem>>
        %dma_start3A_256 = arith.constant 0 : i32
        %dma_start3A_257 = tpu.memref_slice %arg4[%dma_start3A_256, %multiple_of3A_242] : memref<16x1000000xf32, #tpu.memory_space<hbm>> -> memref<16x128xf32, #tpu.memory_space<hbm>>
        %dma_start3A_258 = arith.constant 0 : i32
        %dma_start3A_259 = arith.constant 2816 : i32
        %dma_start3A_260 = tpu.memref_slice %arg14[%dma_start3A_258, %dma_start3A_259] : memref<16x3072xf32, #tpu.memory_space<vmem>> -> memref<16x128xf32, #tpu.memory_space<vmem>>
        %dma_start3A_261 = arith.constant 0 : i32
        %dma_start3A_262 = tpu.memref_slice %arg4[%dma_start3A_261, %multiple_of3A_242] : memref<16x1000000xf32, #tpu.memory_space<hbm>> -> memref<16x128xf32, #tpu.memory_space<hbm>>
        tpu.enqueue_dma source(%dma_start3A_262 : memref<16x128xf32, #tpu.memory_space<hbm>>) target(%dma_start3A_260 : memref<16x128xf32, #tpu.memory_space<vmem>>) target_semaphore(%arg28 : memref<!tpu.dma_semaphore, #tpu.memory_space<semaphore_mem>>)
        %slice3A_263 = vector.extract_strided_slice %get3A_123 {offsets = [3], sizes = [1], strides = [1]} : vector<16xi32> to vector<1xi32>
        %squeeze3A_264 = vector.extract %slice3A_263[0] : i32 from vector<1xi32>
        %jit3A_265 = arith.constant 128 : i32
        %div3A_266 = arith.divsi %squeeze3A_264, %jit3A_265 : i32
        %sign3A_267 = arith.constant 0 : i32
        %sign3A_268 = arith.cmpi sgt, %squeeze3A_264, %sign3A_267 : i32
        %sign3A_269 = arith.extui %sign3A_268 : i1 to i32
        %sign3A_270 = arith.constant 0 : i32
        %sign3A_271 = arith.cmpi slt, %squeeze3A_264, %sign3A_270 : i32
        %sign3A_272 = arith.extui %sign3A_271 : i1 to i32
        %sign3A_273 = arith.subi %sign3A_269, %sign3A_272 : i32
        %sign3A_274 = arith.constant 0 : i32
        %sign3A_275 = arith.cmpi sgt, %jit3A_265, %sign3A_274 : i32
        %sign3A_276 = arith.extui %sign3A_275 : i1 to i32
        %sign3A_277 = arith.constant 0 : i32
        %sign3A_278 = arith.cmpi slt, %jit3A_265, %sign3A_277 : i32
        %sign3A_279 = arith.extui %sign3A_278 : i1 to i32
        %sign3A_280 = arith.subi %sign3A_276, %sign3A_279 : i32
        %ne3A_281 = arith.cmpi ne, %sign3A_273, %sign3A_280 : i32
        %rem3A_282 = arith.remsi %squeeze3A_264, %jit3A_265 : i32
        %ne3A_283 = arith.constant 0 : i32
        %ne3A_284 = arith.cmpi ne, %rem3A_282, %ne3A_283 : i32
        %and3A_285 = arith.andi %ne3A_281, %ne3A_284 : i1
        %sub3A_286 = arith.constant 1 : i32
        %sub3A_287 = arith.subi %div3A_266, %sub3A_286 : i32
        %select_n3A_288 = arith.select %and3A_285, %sub3A_287, %div3A_266 : i32
        %mul3A_289 = arith.constant 128 : i32
        %mul3A_290 = arith.muli %select_n3A_288, %mul3A_289 : i32
        %multiple_of3A_291 = tpu.assume_multiple %mul3A_290, 128 : i32
        %dma_start3A_292 = arith.constant 0 : i32
        %dma_start3A_293 = arith.constant 2944 : i32
        %dma_start3A_294 = tpu.memref_slice %arg13[%dma_start3A_292, %dma_start3A_293] : memref<16x3072xf32, #tpu.memory_space<vmem>> -> memref<16x128xf32, #tpu.memory_space<vmem>>
        %dma_start3A_295 = arith.constant 0 : i32
        %dma_start3A_296 = tpu.memref_slice %arg3[%dma_start3A_295, %multiple_of3A_291] : memref<16x1000000xf32, #tpu.memory_space<hbm>> -> memref<16x128xf32, #tpu.memory_space<hbm>>
        %dma_start3A_297 = arith.constant 0 : i32
        %dma_start3A_298 = arith.constant 2944 : i32
        %dma_start3A_299 = tpu.memref_slice %arg13[%dma_start3A_297, %dma_start3A_298] : memref<16x3072xf32, #tpu.memory_space<vmem>> -> memref<16x128xf32, #tpu.memory_space<vmem>>
        %dma_start3A_300 = arith.constant 0 : i32
        %dma_start3A_301 = tpu.memref_slice %arg3[%dma_start3A_300, %multiple_of3A_291] : memref<16x1000000xf32, #tpu.memory_space<hbm>> -> memref<16x128xf32, #tpu.memory_space<hbm>>
        tpu.enqueue_dma source(%dma_start3A_301 : memref<16x128xf32, #tpu.memory_space<hbm>>) target(%dma_start3A_299 : memref<16x128xf32, #tpu.memory_space<vmem>>) target_semaphore(%arg22 : memref<!tpu.dma_semaphore, #tpu.memory_space<semaphore_mem>>)
        %dma_start3A_302 = arith.constant 0 : i32
        %dma_start3A_303 = arith.constant 2944 : i32
        %dma_start3A_304 = tpu.memref_slice %arg14[%dma_start3A_302, %dma_start3A_303] : memref<16x3072xf32, #tpu.memory_space<vmem>> -> memref<16x128xf32, #tpu.memory_space<vmem>>
        %dma_start3A_305 = arith.constant 0 : i32
        %dma_start3A_306 = tpu.memref_slice %arg4[%dma_start3A_305, %multiple_of3A_291] : memref<16x1000000xf32, #tpu.memory_space<hbm>> -> memref<16x128xf32, #tpu.memory_space<hbm>>
        %dma_start3A_307 = arith.constant 0 : i32
        %dma_start3A_308 = arith.constant 2944 : i32
        %dma_start3A_309 = tpu.memref_slice %arg14[%dma_start3A_307, %dma_start3A_308] : memref<16x3072xf32, #tpu.memory_space<vmem>> -> memref<16x128xf32, #tpu.memory_space<vmem>>
        %dma_start3A_310 = arith.constant 0 : i32
        %dma_start3A_311 = tpu.memref_slice %arg4[%dma_start3A_310, %multiple_of3A_291] : memref<16x1000000xf32, #tpu.memory_space<hbm>> -> memref<16x128xf32, #tpu.memory_space<hbm>>
        tpu.enqueue_dma source(%dma_start3A_311 : memref<16x128xf32, #tpu.memory_space<hbm>>) target(%dma_start3A_309 : memref<16x128xf32, #tpu.memory_space<vmem>>) target_semaphore(%arg28 : memref<!tpu.dma_semaphore, #tpu.memory_space<semaphore_mem>>)
      } else {
      }
      %sub3A_111 = arith.constant 4 : i32
      %sub3A_112 = arith.subi %add3A_105, %sub3A_111 : i32
      %ge3A_113 = arith.constant 0 : i32
      %ge3A_114 = arith.cmpi sge, %sub3A_112, %ge3A_113 : i32
      %lt3A_115 = arith.constant 128 : i32
      %lt3A_116 = arith.cmpi slt, %sub3A_112, %lt3A_115 : i32
      %and3A_117 = arith.andi %ge3A_114, %lt3A_116 : i1
      %convert_element_type3A_118 = arith.extui %and3A_117 : i1 to i32
      %cond3A_119 = arith.constant 0 : i32
      %cond3A_120 = arith.cmpi ne, %convert_element_type3A_118, %cond3A_119 : i32
      scf.if %cond3A_120 {
        %dma_wait3A_121 = arith.constant 0 : i32
        %dma_wait3A_122 = arith.constant 512 : i32
        %dma_wait3A_123 = tpu.memref_slice %arg13[%dma_wait3A_121, %dma_wait3A_122] : memref<16x3072xf32, #tpu.memory_space<vmem>> -> memref<16x512xf32, #tpu.memory_space<vmem>>
        %dma_wait3A_124 = arith.constant 0 : i32
        %dma_wait3A_125 = arith.constant 0 : i32
        %dma_wait3A_126 = tpu.memref_slice %arg3[%dma_wait3A_124, %dma_wait3A_125] : memref<16x1000000xf32, #tpu.memory_space<hbm>> -> memref<16x512xf32, #tpu.memory_space<hbm>>
        %dma_wait3A_127 = arith.constant 0 : i32
        %dma_wait3A_128 = arith.constant 512 : i32
        %dma_wait3A_129 = tpu.memref_slice %arg13[%dma_wait3A_127, %dma_wait3A_128] : memref<16x3072xf32, #tpu.memory_space<vmem>> -> memref<16x512xf32, #tpu.memory_space<vmem>>
        %dma_wait3A_130 = arith.constant 0 : i32
        %dma_wait3A_131 = arith.constant 0 : i32
        %dma_wait3A_132 = tpu.memref_slice %arg3[%dma_wait3A_130, %dma_wait3A_131] : memref<16x1000000xf32, #tpu.memory_space<hbm>> -> memref<16x512xf32, #tpu.memory_space<hbm>>
        tpu.wait_dma2 semaphore(%arg18 : memref<!tpu.dma_semaphore, #tpu.memory_space<semaphore_mem>>) src(%dma_wait3A_132 : memref<16x512xf32, #tpu.memory_space<hbm>>) dst(%dma_wait3A_129 : memref<16x512xf32, #tpu.memory_space<vmem>>)
        %dma_wait3A_133 = arith.constant 0 : i32
        %dma_wait3A_134 = arith.constant 512 : i32
        %dma_wait3A_135 = tpu.memref_slice %arg14[%dma_wait3A_133, %dma_wait3A_134] : memref<16x3072xf32, #tpu.memory_space<vmem>> -> memref<16x512xf32, #tpu.memory_space<vmem>>
        %dma_wait3A_136 = arith.constant 0 : i32
        %dma_wait3A_137 = arith.constant 0 : i32
        %dma_wait3A_138 = tpu.memref_slice %arg4[%dma_wait3A_136, %dma_wait3A_137] : memref<16x1000000xf32, #tpu.memory_space<hbm>> -> memref<16x512xf32, #tpu.memory_space<hbm>>
        %dma_wait3A_139 = arith.constant 0 : i32
        %dma_wait3A_140 = arith.constant 512 : i32
        %dma_wait3A_141 = tpu.memref_slice %arg14[%dma_wait3A_139, %dma_wait3A_140] : memref<16x3072xf32, #tpu.memory_space<vmem>> -> memref<16x512xf32, #tpu.memory_space<vmem>>
        %dma_wait3A_142 = arith.constant 0 : i32
        %dma_wait3A_143 = arith.constant 0 : i32
        %dma_wait3A_144 = tpu.memref_slice %arg4[%dma_wait3A_142, %dma_wait3A_143] : memref<16x1000000xf32, #tpu.memory_space<hbm>> -> memref<16x512xf32, #tpu.memory_space<hbm>>
        tpu.wait_dma2 semaphore(%arg24 : memref<!tpu.dma_semaphore, #tpu.memory_space<semaphore_mem>>) src(%dma_wait3A_144 : memref<16x512xf32, #tpu.memory_space<hbm>>) dst(%dma_wait3A_141 : memref<16x512xf32, #tpu.memory_space<vmem>>)
        %mul3A_145 = arith.constant 4 : i32
        %mul3A_146 = arith.muli %sub3A_112, %mul3A_145 : i32
        %get3A = arith.index_cast %mul3A_146 : i32 to index
        %get3A_147 = tpu.vector_load %arg10[%get3A] {strides = array<i32>} : memref<528xi32, #tpu.memory_space<vmem>>, vector<16xi32>,
        %mul3A_148 = arith.constant 4 : i32
        %mul3A_149 = arith.muli %sub3A_112, %mul3A_148 : i32
        %add3A_150 = arith.constant 0 : i32
        %add3A_151 = arith.addi %mul3A_149, %add3A_150 : i32
        %slice3A = vector.extract_strided_slice %get3A_147 {offsets = [0], sizes = [1], strides = [1]} : vector<16xi32> to vector<1xi32>
        %squeeze3A = vector.extract %slice3A[0] : i32 from vector<1xi32>
        %jit3A = arith.constant 128 : i32
        %div3A = arith.divsi %squeeze3A, %jit3A : i32
        %sign3A = arith.constant 0 : i32
        %sign3A_152 = arith.cmpi sgt, %squeeze3A, %sign3A : i32
        %sign3A_153 = arith.extui %sign3A_152 : i1 to i32
        %sign3A_154 = arith.constant 0 : i32
        %sign3A_155 = arith.cmpi slt, %squeeze3A, %sign3A_154 : i32
        %sign3A_156 = arith.extui %sign3A_155 : i1 to i32
        %sign3A_157 = arith.subi %sign3A_153, %sign3A_156 : i32
        %sign3A_158 = arith.constant 0 : i32
        %sign3A_159 = arith.cmpi sgt, %jit3A, %sign3A_158 : i32
        %sign3A_160 = arith.extui %sign3A_159 : i1 to i32
        %sign3A_161 = arith.constant 0 : i32
        %sign3A_162 = arith.cmpi slt, %jit3A, %sign3A_161 : i32
        %sign3A_163 = arith.extui %sign3A_162 : i1 to i32
        %sign3A_164 = arith.subi %sign3A_160, %sign3A_163 : i32
        %ne3A = arith.cmpi ne, %sign3A_157, %sign3A_164 : i32
        %rem3A = arith.remsi %squeeze3A, %jit3A : i32
        %ne3A_165 = arith.constant 0 : i32
        %ne3A_166 = arith.cmpi ne, %rem3A, %ne3A_165 : i32
        %and3A_167 = arith.andi %ne3A, %ne3A_166 : i1
        %sub3A_168 = arith.constant 1 : i32
        %sub3A_169 = arith.subi %div3A, %sub3A_168 : i32
        %select_n3A = arith.select %and3A_167, %sub3A_169, %div3A : i32
        %mul3A_170 = arith.constant 128 : i32
        %mul3A_171 = arith.muli %select_n3A, %mul3A_170 : i32
        %sub3A_172 = arith.subi %squeeze3A, %mul3A_171 : i32
        %broadcast_in_dim3A_173 = arith.constant 512 : i32
        %broadcast_in_dim3A_174 = vector.broadcast %broadcast_in_dim3A_173 : i32 to vector<16xi32>
        %add3A_175 = vector.broadcast %sub3A_172 : i32 to vector<16xi32>
        %add3A_176 = arith.addi %broadcast_in_dim3A_174, %add3A_175 : vector<16xi32>
        %gather3A = tpu.vector_load_idx %arg13[%iota3A, %add3A_176] : memref<16x3072xf32, #tpu.memory_space<vmem>>[vector<16xi32>, vector<16xi32>], vector<16xf32>,
        %gather3A_177 = tpu.vector_load_idx %arg14[%iota3A, %add3A_176] : memref<16x3072xf32, #tpu.memory_space<vmem>>[vector<16xi32>, vector<16xi32>], vector<16xf32>,
        %broadcast_in_dim3A_178 = vector.broadcast %add3A_151 : i32 to vector<16xi32>
        %gather3A_179 = tpu.vector_load_idx %arg11[%iota3A, %broadcast_in_dim3A_178] : memref<16x512xf32, #tpu.memory_space<vmem>>[vector<16xi32>, vector<16xi32>], vector<16xf32>,
        %mul3A_180 = arith.constant 5.000000e-01 : f32
        %mul3A_181 = vector.broadcast %mul3A_180 : f32 to vector<16xf32>
        %mul3A_182 = arith.mulf %gather3A_177, %mul3A_181 : vector<16xf32>
        %exp3A = math.exp %mul3A_182 : vector<16xf32>
        %mul3A_183 = arith.mulf %gather3A_179, %exp3A : vector<16xf32>
        %add3A_184 = arith.addf %mul3A_183, %gather3A : vector<16xf32>
        tpu.vector_store_idx %arg12[%iota3A, %broadcast_in_dim3A_178], %add3A_184 : memref<16x512xf32, #tpu.memory_space<vmem>>[vector<16xi32>, vector<16xi32>], vector<16xf32>,
        %mul3A_185 = arith.constant 4 : i32
        %mul3A_186 = arith.muli %sub3A_112, %mul3A_185 : i32
        %add3A_187 = arith.constant 1 : i32
        %add3A_188 = arith.addi %mul3A_186, %add3A_187 : i32
        %slice3A_189 = vector.extract_strided_slice %get3A_147 {offsets = [1], sizes = [1], strides = [1]} : vector<16xi32> to vector<1xi32>
        %squeeze3A_190 = vector.extract %slice3A_189[0] : i32 from vector<1xi32>
        %jit3A_191 = arith.constant 128 : i32
        %div3A_192 = arith.divsi %squeeze3A_190, %jit3A_191 : i32
        %sign3A_193 = arith.constant 0 : i32
        %sign3A_194 = arith.cmpi sgt, %squeeze3A_190, %sign3A_193 : i32
        %sign3A_195 = arith.extui %sign3A_194 : i1 to i32
        %sign3A_196 = arith.constant 0 : i32
        %sign3A_197 = arith.cmpi slt, %squeeze3A_190, %sign3A_196 : i32
        %sign3A_198 = arith.extui %sign3A_197 : i1 to i32
        %sign3A_199 = arith.subi %sign3A_195, %sign3A_198 : i32
        %sign3A_200 = arith.constant 0 : i32
        %sign3A_201 = arith.cmpi sgt, %jit3A_191, %sign3A_200 : i32
        %sign3A_202 = arith.extui %sign3A_201 : i1 to i32
        %sign3A_203 = arith.constant 0 : i32
        %sign3A_204 = arith.cmpi slt, %jit3A_191, %sign3A_203 : i32
        %sign3A_205 = arith.extui %sign3A_204 : i1 to i32
        %sign3A_206 = arith.subi %sign3A_202, %sign3A_205 : i32
        %ne3A_207 = arith.cmpi ne, %sign3A_199, %sign3A_206 : i32
        %rem3A_208 = arith.remsi %squeeze3A_190, %jit3A_191 : i32
        %ne3A_209 = arith.constant 0 : i32
        %ne3A_210 = arith.cmpi ne, %rem3A_208, %ne3A_209 : i32
        %and3A_211 = arith.andi %ne3A_207, %ne3A_210 : i1
        %sub3A_212 = arith.constant 1 : i32
        %sub3A_213 = arith.subi %div3A_192, %sub3A_212 : i32
        %select_n3A_214 = arith.select %and3A_211, %sub3A_213, %div3A_192 : i32
        %mul3A_215 = arith.constant 128 : i32
        %mul3A_216 = arith.muli %select_n3A_214, %mul3A_215 : i32
        %sub3A_217 = arith.subi %squeeze3A_190, %mul3A_216 : i32
        %broadcast_in_dim3A_218 = arith.constant 640 : i32
        %broadcast_in_dim3A_219 = vector.broadcast %broadcast_in_dim3A_218 : i32 to vector<16xi32>
        %add3A_220 = vector.broadcast %sub3A_217 : i32 to vector<16xi32>
        %add3A_221 = arith.addi %broadcast_in_dim3A_219, %add3A_220 : vector<16xi32>
        %gather3A_222 = tpu.vector_load_idx %arg13[%iota3A, %add3A_221] : memref<16x3072xf32, #tpu.memory_space<vmem>>[vector<16xi32>, vector<16xi32>], vector<16xf32>,
        %gather3A_223 = tpu.vector_load_idx %arg14[%iota3A, %add3A_221] : memref<16x3072xf32, #tpu.memory_space<vmem>>[vector<16xi32>, vector<16xi32>], vector<16xf32>,
        %broadcast_in_dim3A_224 = vector.broadcast %add3A_188 : i32 to vector<16xi32>
        %gather3A_225 = tpu.vector_load_idx %arg11[%iota3A, %broadcast_in_dim3A_224] : memref<16x512xf32, #tpu.memory_space<vmem>>[vector<16xi32>, vector<16xi32>], vector<16xf32>,
        %mul3A_226 = arith.constant 5.000000e-01 : f32
        %mul3A_227 = vector.broadcast %mul3A_226 : f32 to vector<16xf32>
        %mul3A_228 = arith.mulf %gather3A_223, %mul3A_227 : vector<16xf32>
        %exp3A_229 = math.exp %mul3A_228 : vector<16xf32>
        %mul3A_230 = arith.mulf %gather3A_225, %exp3A_229 : vector<16xf32>
        %add3A_231 = arith.addf %mul3A_230, %gather3A_222 : vector<16xf32>
        tpu.vector_store_idx %arg12[%iota3A, %broadcast_in_dim3A_224], %add3A_231 : memref<16x512xf32, #tpu.memory_space<vmem>>[vector<16xi32>, vector<16xi32>], vector<16xf32>,
        %mul3A_232 = arith.constant 4 : i32
        %mul3A_233 = arith.muli %sub3A_112, %mul3A_232 : i32
        %add3A_234 = arith.constant 2 : i32
        %add3A_235 = arith.addi %mul3A_233, %add3A_234 : i32
        %slice3A_236 = vector.extract_strided_slice %get3A_147 {offsets = [2], sizes = [1], strides = [1]} : vector<16xi32> to vector<1xi32>
        %squeeze3A_237 = vector.extract %slice3A_236[0] : i32 from vector<1xi32>
        %jit3A_238 = arith.constant 128 : i32
        %div3A_239 = arith.divsi %squeeze3A_237, %jit3A_238 : i32
        %sign3A_240 = arith.constant 0 : i32
        %sign3A_241 = arith.cmpi sgt, %squeeze3A_237, %sign3A_240 : i32
        %sign3A_242 = arith.extui %sign3A_241 : i1 to i32
        %sign3A_243 = arith.constant 0 : i32
        %sign3A_244 = arith.cmpi slt, %squeeze3A_237, %sign3A_243 : i32
        %sign3A_245 = arith.extui %sign3A_244 : i1 to i32
        %sign3A_246 = arith.subi %sign3A_242, %sign3A_245 : i32
        %sign3A_247 = arith.constant 0 : i32
        %sign3A_248 = arith.cmpi sgt, %jit3A_238, %sign3A_247 : i32
        %sign3A_249 = arith.extui %sign3A_248 : i1 to i32
        %sign3A_250 = arith.constant 0 : i32
        %sign3A_251 = arith.cmpi slt, %jit3A_238, %sign3A_250 : i32
        %sign3A_252 = arith.extui %sign3A_251 : i1 to i32
        %sign3A_253 = arith.subi %sign3A_249, %sign3A_252 : i32
        %ne3A_254 = arith.cmpi ne, %sign3A_246, %sign3A_253 : i32
        %rem3A_255 = arith.remsi %squeeze3A_237, %jit3A_238 : i32
        %ne3A_256 = arith.constant 0 : i32
        %ne3A_257 = arith.cmpi ne, %rem3A_255, %ne3A_256 : i32
        %and3A_258 = arith.andi %ne3A_254, %ne3A_257 : i1
        %sub3A_259 = arith.constant 1 : i32
        %sub3A_260 = arith.subi %div3A_239, %sub3A_259 : i32
        %select_n3A_261 = arith.select %and3A_258, %sub3A_260, %div3A_239 : i32
        %mul3A_262 = arith.constant 128 : i32
        %mul3A_263 = arith.muli %select_n3A_261, %mul3A_262 : i32
        %sub3A_264 = arith.subi %squeeze3A_237, %mul3A_263 : i32
        %broadcast_in_dim3A_265 = arith.constant 768 : i32
        %broadcast_in_dim3A_266 = vector.broadcast %broadcast_in_dim3A_265 : i32 to vector<16xi32>
        %add3A_267 = vector.broadcast %sub3A_264 : i32 to vector<16xi32>
        %add3A_268 = arith.addi %broadcast_in_dim3A_266, %add3A_267 : vector<16xi32>
        %gather3A_269 = tpu.vector_load_idx %arg13[%iota3A, %add3A_268] : memref<16x3072xf32, #tpu.memory_space<vmem>>[vector<16xi32>, vector<16xi32>], vector<16xf32>,
        %gather3A_270 = tpu.vector_load_idx %arg14[%iota3A, %add3A_268] : memref<16x3072xf32, #tpu.memory_space<vmem>>[vector<16xi32>, vector<16xi32>], vector<16xf32>,
        %broadcast_in_dim3A_271 = vector.broadcast %add3A_235 : i32 to vector<16xi32>
        %gather3A_272 = tpu.vector_load_idx %arg11[%iota3A, %broadcast_in_dim3A_271] : memref<16x512xf32, #tpu.memory_space<vmem>>[vector<16xi32>, vector<16xi32>], vector<16xf32>,
        %mul3A_273 = arith.constant 5.000000e-01 : f32
        %mul3A_274 = vector.broadcast %mul3A_273 : f32 to vector<16xf32>
        %mul3A_275 = arith.mulf %gather3A_270, %mul3A_274 : vector<16xf32>
        %exp3A_276 = math.exp %mul3A_275 : vector<16xf32>
        %mul3A_277 = arith.mulf %gather3A_272, %exp3A_276 : vector<16xf32>
        %add3A_278 = arith.addf %mul3A_277, %gather3A_269 : vector<16xf32>
        tpu.vector_store_idx %arg12[%iota3A, %broadcast_in_dim3A_271], %add3A_278 : memref<16x512xf32, #tpu.memory_space<vmem>>[vector<16xi32>, vector<16xi32>], vector<16xf32>,
        %mul3A_279 = arith.constant 4 : i32
        %mul3A_280 = arith.muli %sub3A_112, %mul3A_279 : i32
        %add3A_281 = arith.constant 3 : i32
        %add3A_282 = arith.addi %mul3A_280, %add3A_281 : i32
        %slice3A_283 = vector.extract_strided_slice %get3A_147 {offsets = [3], sizes = [1], strides = [1]} : vector<16xi32> to vector<1xi32>
        %squeeze3A_284 = vector.extract %slice3A_283[0] : i32 from vector<1xi32>
        %jit3A_285 = arith.constant 128 : i32
        %div3A_286 = arith.divsi %squeeze3A_284, %jit3A_285 : i32
        %sign3A_287 = arith.constant 0 : i32
        %sign3A_288 = arith.cmpi sgt, %squeeze3A_284, %sign3A_287 : i32
        %sign3A_289 = arith.extui %sign3A_288 : i1 to i32
        %sign3A_290 = arith.constant 0 : i32
        %sign3A_291 = arith.cmpi slt, %squeeze3A_284, %sign3A_290 : i32
        %sign3A_292 = arith.extui %sign3A_291 : i1 to i32
        %sign3A_293 = arith.subi %sign3A_289, %sign3A_292 : i32
        %sign3A_294 = arith.constant 0 : i32
        %sign3A_295 = arith.cmpi sgt, %jit3A_285, %sign3A_294 : i32
        %sign3A_296 = arith.extui %sign3A_295 : i1 to i32
        %sign3A_297 = arith.constant 0 : i32
        %sign3A_298 = arith.cmpi slt, %jit3A_285, %sign3A_297 : i32
        %sign3A_299 = arith.extui %sign3A_298 : i1 to i32
        %sign3A_300 = arith.subi %sign3A_296, %sign3A_299 : i32
        %ne3A_301 = arith.cmpi ne, %sign3A_293, %sign3A_300 : i32
        %rem3A_302 = arith.remsi %squeeze3A_284, %jit3A_285 : i32
        %ne3A_303 = arith.constant 0 : i32
        %ne3A_304 = arith.cmpi ne, %rem3A_302, %ne3A_303 : i32
        %and3A_305 = arith.andi %ne3A_301, %ne3A_304 : i1
        %sub3A_306 = arith.constant 1 : i32
        %sub3A_307 = arith.subi %div3A_286, %sub3A_306 : i32
        %select_n3A_308 = arith.select %and3A_305, %sub3A_307, %div3A_286 : i32
        %mul3A_309 = arith.constant 128 : i32
        %mul3A_310 = arith.muli %select_n3A_308, %mul3A_309 : i32
        %sub3A_311 = arith.subi %squeeze3A_284, %mul3A_310 : i32
        %broadcast_in_dim3A_312 = arith.constant 896 : i32
        %broadcast_in_dim3A_313 = vector.broadcast %broadcast_in_dim3A_312 : i32 to vector<16xi32>
        %add3A_314 = vector.broadcast %sub3A_311 : i32 to vector<16xi32>
        %add3A_315 = arith.addi %broadcast_in_dim3A_313, %add3A_314 : vector<16xi32>
        %gather3A_316 = tpu.vector_load_idx %arg13[%iota3A, %add3A_315] : memref<16x3072xf32, #tpu.memory_space<vmem>>[vector<16xi32>, vector<16xi32>], vector<16xf32>,
        %gather3A_317 = tpu.vector_load_idx %arg14[%iota3A, %add3A_315] : memref<16x3072xf32, #tpu.memory_space<vmem>>[vector<16xi32>, vector<16xi32>], vector<16xf32>,
        %broadcast_in_dim3A_318 = vector.broadcast %add3A_282 : i32 to vector<16xi32>
        %gather3A_319 = tpu.vector_load_idx %arg11[%iota3A, %broadcast_in_dim3A_318] : memref<16x512xf32, #tpu.memory_space<vmem>>[vector<16xi32>, vector<16xi32>], vector<16xf32>,
        %mul3A_320 = arith.constant 5.000000e-01 : f32
        %mul3A_321 = vector.broadcast %mul3A_320 : f32 to vector<16xf32>
        %mul3A_322 = arith.mulf %gather3A_317, %mul3A_321 : vector<16xf32>
        %exp3A_323 = math.exp %mul3A_322 : vector<16xf32>
        %mul3A_324 = arith.mulf %gather3A_319, %exp3A_323 : vector<16xf32>
        %add3A_325 = arith.addf %mul3A_324, %gather3A_316 : vector<16xf32>
        tpu.vector_store_idx %arg12[%iota3A, %broadcast_in_dim3A_318], %add3A_325 : memref<16x512xf32, #tpu.memory_space<vmem>>[vector<16xi32>, vector<16xi32>], vector<16xf32>,
      } else {
      }
    }
    %scan3A_10 = arith.constant 22 : i32
    "tpu.region"() ({
      %run_scoped3A = tpu.sem_alloc : memref<!tpu.dma_semaphore, #tpu.memory_space<semaphore_mem>>
      %dma_start3A_12 = arith.constant 0 : i32
      %dma_start3A_13 = tpu.memref_slice %arg8[%dma_start3A_12, %multiple_of3A] : memref<16x16384xf32, #tpu.memory_space<hbm>> -> memref<16x512xf32, #tpu.memory_space<hbm>>
      %dma_start3A_14 = arith.constant 0 : i32
      %dma_start3A_15 = tpu.memref_slice %arg8[%dma_start3A_14, %multiple_of3A] : memref<16x16384xf32, #tpu.memory_space<hbm>> -> memref<16x512xf32, #tpu.memory_space<hbm>>
      tpu.enqueue_dma source(%arg12 : memref<16x512xf32, #tpu.memory_space<vmem>>) target(%dma_start3A_15 : memref<16x512xf32, #tpu.memory_space<hbm>>) target_semaphore(%run_scoped3A : memref<!tpu.dma_semaphore, #tpu.memory_space<semaphore_mem>>)
      %dma_wait3A_16 = arith.constant 0 : i32
      %dma_wait3A_17 = tpu.memref_slice %arg8[%dma_wait3A_16, %multiple_of3A] : memref<16x16384xf32, #tpu.memory_space<hbm>> -> memref<16x512xf32, #tpu.memory_space<hbm>>
      %dma_wait3A_18 = arith.constant 0 : i32
      %dma_wait3A_19 = tpu.memref_slice %arg8[%dma_wait3A_18, %multiple_of3A] : memref<16x16384xf32, #tpu.memory_space<hbm>> -> memref<16x512xf32, #tpu.memory_space<hbm>>
      tpu.wait_dma2 semaphore(%run_scoped3A : memref<!tpu.dma_semaphore, #tpu.memory_space<semaphore_mem>>) src(%arg12 : memref<16x512xf32, #tpu.memory_space<vmem>>) dst(%dma_wait3A_19 : memref<16x512xf32, #tpu.memory_space<hbm>>)
      tpu.yield
    }) : () -> ()
    %dma_wait3A = arith.constant 0 : i32
    %dma_wait3A_11 = tpu.memref_slice %arg5[%dma_wait3A] : memref<1000000xf32, #tpu.memory_space<hbm>> -> memref<1000000xf32, #tpu.memory_space<hbm>>
    tpu.wait_indirect_dma semaphore(%arg16 : memref<!tpu.dma_semaphore, #tpu.memory_space<semaphore_mem>>) src(%dma_wait3A_11 : memref<1000000xf32, #tpu.memory_space<hbm>>) dst(%arg15 : memref<512xf32, #tpu.memory_space<vmem>>)
    "tpu.region"() ({
      %run_scoped3A = tpu.sem_alloc : memref<!tpu.dma_semaphore, #tpu.memory_space<semaphore_mem>>
      %dma_start3A_12 = tpu.memref_slice %arg7[%multiple_of3A] : memref<16384xf32, #tpu.memory_space<hbm>> -> memref<512xf32, #tpu.memory_space<hbm>>
      %dma_start3A_13 = tpu.memref_slice %arg7[%multiple_of3A] : memref<16384xf32, #tpu.memory_space<hbm>> -> memref<512xf32, #tpu.memory_space<hbm>>
      tpu.enqueue_dma source(%arg15 : memref<512xf32, #tpu.memory_space<vmem>>) target(%dma_start3A_13 : memref<512xf32, #tpu.memory_space<hbm>>) target_semaphore(%run_scoped3A : memref<!tpu.dma_semaphore, #tpu.memory_space<semaphore_mem>>)
      %dma_wait3A_14 = tpu.memref_slice %arg7[%multiple_of3A] : memref<16384xf32, #tpu.memory_space<hbm>> -> memref<512xf32, #tpu.memory_space<hbm>>
      %dma_wait3A_15 = tpu.memref_slice %arg7[%multiple_of3A] : memref<16384xf32, #tpu.memory_space<hbm>> -> memref<512xf32, #tpu.memory_space<hbm>>
      tpu.wait_dma2 semaphore(%run_scoped3A : memref<!tpu.dma_semaphore, #tpu.memory_space<semaphore_mem>>) src(%arg15 : memref<512xf32, #tpu.memory_space<vmem>>) dst(%dma_wait3A_15 : memref<512xf32, #tpu.memory_space<hbm>>)
      tpu.yield
    }) : () -> ()
    return
  }
}

</mosaic_0001>

<sc_bundles>
// kernel: kernel.3.cloned.1.call-start
scs
__scs_entry_jumppad:
0x0: {  	(pc) =	sbr.rel $0x88, $3  }
0x1: {  	(tag) =	ssettag $0x0;
	lr =	simm.s32 $0x1  }
0x2: {  	[smem:$0x3F9C] =	sst lr;
	_ =	strace $0xD0000000  }
0x3: {  	_ = 	snop  }
0x4: {  	_ = 	snop  }
0x5: {  	_ = 	snop  }
0x6: {  	_ = 	snop  }
0x7: {  	_ = 	snop  }
__scs_overlays_trampoline_lowered:
0x8: {  	[smem:$0x3FAB] =	sst s0  }
0x9: {  	[smem:$0x3FAC] =	sst s1  }
0xa: {  	[smem:$0x3FAD] =	sst s2  }
0xb: {  	[smem:$0x3FAE] =	sst s3  }
0xc: {  	[smem:$0x3FAF] =	sst s4  }
0xd: {  	[smem:$0x3FB0] =	sst s5  }
0xe: {  	[smem:$0x3FB1] =	sst s6  }
0xf: {  	[smem:$0x3FB2] =	sst s7  }
0x10: {  	[smem:$0x3FB3] =	sst s8  }
0x11: {  	[smem:$0x3FB4] =	sst s9;
	s0 =	simm.s32 @!p0 $0x0  }
0x12: {  	s1 =	sld [smem:$0x3F9A];
	s0 =	simm.s32 @p0 $0x1  }
0x13: {  	[smem:$0x3FB5] =	sst s0;
	s0 =	simm.s32 @!p1 $0x0  }
0x14: {  	s2 =	sld [smem:$0x3F99];
	s0 =	simm.s32 @p1 $0x1  }
0x15: {  	[smem:$0x3FB6] =	sst s0;
	s0 =	simm.s32 @!p2 $0x0  }
0x16: {  	s3 =	sld [smem:$0x3FDB];
	s0 =	simm.s32 @p2 $0x1  }
0x17: {  	s4 =	simm.s32 $0x1BF5;
	[smem:$0x3FB8] =	sst s0  }
0x18: {  	s0 =	sld [smem:$0x3F9B];
	_ =	swait.ge [sflag:s4], $0x0  }
0x19: {  	s7 =	sld [smem:$0x3F9C]  }
0x1a: {  	s8 =	sadd.s32 $0xFFFFE003, lr  }
0x1b: {  	s9 =	sadd.s32 $0xFFFFFEF7, lr;
	s5 =	simm.s32 $0xFFFFFFFF;
	p2 =	slt.u32 s8, $0xFFFFF086  }
0x1c: {  	p1 =	slt.u32 s9, $0xF7A;
	s5 =	simm.s32 @!p2 $0x0  }
0x1d: {  	s5 =	simm.s32 @p1 $0x1;
	p0 =	seq.s32 s7, s2  }
0x1e: {  	s7 =	smul.u32 @!p0 $0xF7A, s2;
	p2 =	seq.s32 @!p0 s5, $0x0  }
0x1f: {  	s9 =	smul.u32 $0xF7A, s1;
	s8 =	simm.s32 @!p0 $0x1BF5;
	p2 =	por !p2, p0  }
0x20: {  	[sflag:s8] =	ssyncset.s32 @!p0 $0xFFFFF086;
	s6 =	sadd.s32 @!p0 s3, s7;
	s7 =	simm.s32 @!p0 $0x108  }
0x21: {  	s3 =	sadd.s32 s3, s9;
	s6 =	sadd.s32 @!p0 $0x88, s6;
	s7 =	simm.s32 @p2 $0x1082  }
0x22: {  	[simem:s7], [sflag:s8] =	dma.local @!p0 [hbm:s6], $0xF7A  }
0x23: {  	s9 =	sor.u32 $0xD0000000, s2;
	s6 =	simm.s32 $0x108;
	_ =	swait.ge @!p0 [sflag:s8], $0x0  }
0x24: {  	s3 =	sadd.s32 $0x88, s3;
	s6 =	simm.s32 @!p1 $0x1082;
	[sflag:s4] =	ssyncset.s32 $0xFFFFF086  }
0x25: {  	[simem:s6], [sflag:s4] =	dma.local [hbm:s3], $0xF7A  }
0x26: {  	[smem:$0x3F9C] =	sst s1;
	(tag) =	ssettag s2;
	_ =	strace s9  }
0x27: {  	s1 =	sld [smem:$0x3FAC]  }
0x28: {  	s2 =	sld [smem:$0x3FAD]  }
0x29: {  	s4 =	sld [smem:$0x3FAF]  }
0x2a: {  	p0 =	seq.s32 s5, $0x0;
	s5 =	sld [smem:$0x3FB0]  }
0x2b: {  	s6 =	sld [smem:$0x3FB1]  }
0x2c: {  	s7 =	sld [smem:$0x3FB2]  }
0x2d: {  	s3 =	simm.s32 $0x108;
	s8 =	sld [smem:$0x3FB3]  }
0x2e: {  	s3 =	simm.s32 @!p0 $0x1082;
	s9 =	sld [smem:$0x3FB4]  }
0x2f: {  	lr =	sadd.s32 s0, s3;
	s0 =	sld [smem:$0x3FAB]  }
0x30: {  	s3 =	sld [smem:$0x3FAE]  }
0x31: {  	[smem:$0x3FB7] =	sst s10  }
0x32: {  	s10 =	sld [smem:$0x3FB5];
	_ =	sdelay $0x3  }
0x33: {  	p0 =	seq.s32 s10, $0x1;
	s10 =	sld [smem:$0x3FB7];
	_ =	sdelay $0x3  }
0x34: {  	[smem:$0x3FB7] =	sst s10  }
0x35: {  	s10 =	sld [smem:$0x3FB6];
	_ =	sdelay $0x3  }
0x36: {  	p1 =	seq.s32 s10, $0x1;
	s10 =	sld [smem:$0x3FB7];
	_ =	sdelay $0x3  }
0x37: {  	[smem:$0x3FB7] =	sst s10  }
0x38: {  	s10 =	sld [smem:$0x3FB8]  }
0x39: {  	_ = 	snop;
	(pc) =	sbr.ind lr, $3  }
0x3a: {  	_ = 	snop  }
0x3b: {  	_ = 	snop  }
0x3c: {  	p2 =	seq.s32 s10, $0x1;
	s10 =	sld [smem:$0x3FB7]  }
0x3d: {  	_ =	shalt  }
0x3e: {  	_ =	shalt  }
0x3f: {  	_ =	shalt  }
0x40: {  	_ =	shalt  }
0x41: {  	_ =	shalt  }
0x42: {  	_ =	shalt  }
0x43: {  	_ =	shalt  }
0x44: {  	_ =	shalt  }
0x45: {  	_ =	shalt  }
0x46: {  	_ =	shalt  }
0x47: {  	_ =	shalt  }
0x48: {  	_ =	shalt  }
0x49: {  	_ =	shalt  }
0x4a: {  	_ =	shalt  }
0x4b: {  	_ =	shalt  }
0x4c: {  	_ =	shalt  }
0x4d: {  	_ =	shalt  }
0x4e: {  	_ =	shalt  }
0x4f: {  	_ =	shalt  }
0x50: {  	_ =	shalt  }
0x51: {  	_ =	shalt  }
0x52: {  	_ =	shalt  }
0x53: {  	_ =	shalt  }
0x54: {  	_ =	shalt  }
0x55: {  	_ =	shalt  }
0x56: {  	_ =	shalt  }
0x57: {  	_ =	shalt  }
0x58: {  	_ =	shalt  }
0x59: {  	_ =	shalt  }
0x5a: {  	_ =	shalt  }
0x5b: {  	_ =	shalt  }
0x5c: {  	_ =	shalt  }
0x5d: {  	_ =	shalt  }
0x5e: {  	_ =	shalt  }
0x5f: {  	_ =	shalt  }
0x60: {  	_ =	shalt  }
0x61: {  	_ =	shalt  }
0x62: {  	_ =	shalt  }
0x63: {  	_ =	shalt  }
0x64: {  	_ =	shalt  }
0x65: {  	_ =	shalt  }
0x66: {  	_ =	shalt  }
0x67: {  	_ =	shalt  }
0x68: {  	_ =	shalt  }
0x69: {  	_ =	shalt  }
0x6a: {  	_ =	shalt  }
0x6b: {  	_ =	shalt  }
0x6c: {  	_ =	shalt  }
0x6d: {  	_ =	shalt  }
0x6e: {  	_ =	shalt  }
0x6f: {  	_ =	shalt  }
0x70: {  	_ =	shalt  }
0x71: {  	_ =	shalt  }
0x72: {  	_ =	shalt  }
0x73: {  	_ =	shalt  }
0x74: {  	_ =	shalt  }
0x75: {  	_ =	shalt  }
0x76: {  	_ =	shalt  }
0x77: {  	_ =	shalt  }
0x78: {  	_ =	shalt  }
0x79: {  	_ =	shalt  }
0x7a: {  	_ =	shalt  }
0x7b: {  	_ =	shalt  }
0x7c: {  	_ =	shalt  }
0x7d: {  	_ =	shalt  }
0x7e: {  	_ =	shalt  }
0x7f: {  	_ =	shalt  }
0x80: {  	_ =	shalt  }
0x81: {  	_ =	shalt  }
0x82: {  	_ =	shalt  }
0x83: {  	_ =	shalt  }
0x84: {  	_ =	shalt  }
0x85: {  	_ =	shalt  }
0x86: {  	_ =	shalt  }
0x87: {  	_ =	shalt  }
.Lfunc_end0:
.L_simem_size_0:
called_computation_lowered:
.L_overlay_start_0:
0x88: {  	s2 =	sld [smem:$0x3FD9]  }
0x89: {  	s3 =	sld [smem:$0x3FFE];
	_ =	sdelay $0x1  }
0x8a: {  	s1 =	srdreg.scid  }
0x8b: {  	s0 =	sand.u32 $0x1, s1  }
0x8c: {  	s14 =	sshll.u32 s0, $0xA;
	s2 =	sadd.s32 s3, s2  }
0x8d: {  	s2 =	sadd.s32 s2, s14  }
0x8e: {  	[smem:$0x3FC3] =	sst s2  }
0x8f: {  	_ = 	snop  }
0x90: {  	s2 =	sld [smem:$0x3FC9]  }
0x91: {  	s15 =	sld [smem:$0x3FD0]  }
0x92: {  	s4 =	sld [smem:$0x3FC8]  }
0x93: {  	s5 =	sld [smem:$0x3FC7]  }
0x94: {  	s7 =	simm.s32 $0xA;
	s8 =	simm.s32 $0x10;
	s6 =	sld [smem:$0x3FC5]  }
0x95: {  	[smem:s8], [sflag:s7] =	dma.local [hbm:s15], $0x1  }
0x96: {  	_ =	swait.eq [sflag:s7], $0x1  }
0x97: {  	[sflag:s7] =	ssyncset.done $0x0  }
0x98: {  	s16 =	sld [smem:$0x10];
	[sflag:s7] =	ssyncadd.s32 $0xFFFFFFFF  }
0x99: {  	s17 =	sld [smem:$0x11];
	(tm) =	ssettm $0x1  }
0x9a: {  	s18 =	sld [smem:$0x3FFB];
	_ =	sdelay $0x3  }
0x9b: {  	_ =	strace s18  }
0x9c: {  	s8 =	sld [smem:$0x3FFC];
	_ =	sdelay $0x3  }
0x9d: {  	_ =	strace s8  }
0x9e: {  	s8 =	sld [smem:$0x3FFD];
	_ =	sdelay $0x3  }
0x9f: {  	_ =	strace s8  }
0xa0: {  	_ =	strace $0x8FFFFFFF  }
0xa1: {  	s19 =	sld [smem:$0x3FDB];
	_ =	sdelay $0x1  }
0xa2: {  	s9 =	simm.s32 $_scs_section_size  }
0xa3: {  	s10 =	simm.s32 $_size__tile_overlayer_lowered;
	s11 =	simm.s32 $_tile_overlayer_lowered  }
0xa4: {  	s22 =	simm.s32 $0x1BFF;
	s21 =	sshll.u32 s11, $0x1;
	s8 =	sadd.s32 s9, s19  }
0xa5: {  	s12 =	simm.s32 $0x0;
	s20 =	sshll.u32 s10, $0x1;
	s10 =	sadd.s32 s21, s8  }
0xa6: {  	[timem:s12], [sflag:s22] =	dma.local [hbm:s10], s20  }
0xa7: {  	_ =	swait.ge [sflag:s22], s20  }
0xa8: {  	s9 =	ssub.s32 $0x0, s20;
	[sflag:s22] =	ssyncset.done $0x0  }
0xa9: {  	[sflag:s22] =	ssyncadd.s32 s9;
	_ =	sdelay $0x1  }
0xaa: {  	s23 =	simm.s32 $0x1B8B  }
0xab: {  	_ =	swait.ge [sflag:s23], $0x1  }
0xac: {  	[sflag:s23] =	ssyncset.done $0x0  }
0xad: {  	s25 =	simm.s32 $0x1B8E;
	s24 =	sld [smem:$0x3FFE];
	[sflag:s23] =	ssyncadd.s32 $0xFFFFFFFF  }
0xae: {  	s26 =	simm.s32 $execute0_lowered;
	[smem:$0x3FD2] =	sst s25  }
0xaf: {  	s10 =	sshll.u32 s26, $0x1;
	_ =	strace $0x80000046;
	[dreg:$0x1] =	wrdreg $0xFFFFFFFF  }
0xb0: {  	s28 =	simm.s32 $_size_execute0_lowered;
	s8 =	sadd.s32 s8, s10;
	[dreg:$0x0] =	wrdreg $0x0  }
0xb1: {  	s10 =	sshll.u32 s28, $0x1;
	[dreg:$0x2] =	wrdreg s8  }
0xb2: {  	[dreg:$0x3] =	wrdreg s10  }
0xb3: {  	[dreg:$0x4] =	wrdreg $0xC0  }
0xb4: {  	_ =	task [dreg:s12], $0x5FFFF  }
0xb5: {  	[dreg:$0x1] =	wrdreg $0xFFFFFFFF  }
0xb6: {  	[dreg:$0x0] =	wrdreg $0x60  }
0xb7: {  	[dreg:$0x2] =	wrdreg s2  }
0xb8: {  	[dreg:$0x3] =	wrdreg s4  }
0xb9: {  	[dreg:$0x4] =	wrdreg s5  }
0xba: {  	[dreg:$0x5] =	wrdreg s24  }
0xbb: {  	[dreg:$0x6] =	wrdreg s6  }
0xbc: {  	[dreg:$0x7] =	wrdreg s16  }
0xbd: {  	[dreg:$0x8] =	wrdreg s17  }
0xbe: {  	[dreg:$0x9] =	wrdreg $0x9  }
0xbf: {  	_ =	task.clear_ibuf [dreg:s12], $0xAFFFF;
	_ =	strace $0x90000046  }
0xc0: {  	s29 =	simm.s32 $0x9;
	_ =	strace $0x80000048  }
0xc1: {  	_ =	swait.ge [sflag:s29], $0x1  }
0xc2: {  	[sflag:s29] =	ssyncadd.s32 $0xFFFFFFFF  }
0xc3: {  	_ =	strace $0x90000048  }
0xc4: {  	_ =	sfence  }
0xc5: {  	s30 =	sld [smem:$0x0];
	_ =	sdelay $0x2  }
0xc6: {  	s31 =	sshll.u32 s1, $0xD;
	s1 =	sshrl.u32 s1, $0x2  }
0xc7: {  	s3 =	sand.u32 $0x4000, s31;
	s1 =	sadd.s32 s1, s30  }
0xc8: {  	s0 =	sor.u32 s3, s0;
	s1 =	sshll.u32 s1, $0x11  }
0xc9: {  	s0 =	sor.u32 s1, s0  }
0xca: {  	s0 =	sadd.s32 $0x8F2B, s0  }
0xcb: {  	[sflag:s0] =	ssyncadd.remote.s32 $0x1  }
0xcc: {  	_ =	sfence.sel $0xFFFF  }
0xcd: {  	[dreg:$0x0] =	wrdreg $0xFFFFFFFF;
	(pc) =	sbr.abs _section_cstart, $3  }
0xce: {  	[dreg:$0x1] =	wrdreg $0xFFFFFFFF  }
0xcf: {  	_ =	task.clear_ibuf [dreg:s12], $0x2FFFF;
	_ =	strace $0x9FFFFFFF  }
0xd0: {  	(tm) =	ssettm $0x7FFFFFFF  }
0xd1: {  	_ =	shalt  }
tec
execute0_lowered:
.L_overlay_start_1:
0x0: {  	(tag) =	ssettag $0x1  }
0x1: {  	s0 =	rddreg [dreg:$0x0]  }
0x2: {  	s1 =	rddreg [dreg:$0x1]  }
0x3: {  	s2 =	rddreg [dreg:$0x2]  }
0x4: {  	s3 =	rddreg [dreg:$0x3]  }
0x5: {  	s5 =	rddreg [dreg:$0x4]  }
0x6: {  	s6 =	rddreg [dreg:$0x5]  }
0x7: {  	s7 =	rddreg [dreg:$0x6]  }
0x8: {  	s4 =	simm.s32 $0x0;
	s8 =	srdreg.scid;
	s10 =	stileid.u32  }
0x9: {  	s16 =	simm.s32 $0x1C480;
	s18 =	simm.s32 $0x1000;
	s20 =	simm.s32 $0x20000;
	v0 =	vimm.s32 $0x6380;
	vm0 =	vcmask $0x300;
	v1 =	vimm.s32 $0x1380  }
0xa: {  	s15 =	simm.s32 $0x480;
	s17 =	simm.s32 $0x4480;
	s19 =	simm.s32 $0x10480;
	vm1 =	vcmask $0x704;
	v0 =	vsel vm0, $0x0, v0;
	v1 =	vsel vm0, $0x0, v1  }
0xb: {  	s12 =	simm.s32 $0x4;
	s13 =	simm.s32 $0xA;
	s14 =	simm.s32 $0x2480;
	vm15 =	vcmask $0xB08;
	v0 =	vsel vm1, $0x80, v0;
	v1 =	vsel vm1, $0x80, v1  }
0xc: {  	s28 =	simm.s32 $0x5;
	s29 =	simm.s32 $0xB;
	s30 =	simm.s32 $0x6;
	vm4 =	vcmask $0xF0C;
	v0 =	vsel vm15, $0x100, v0;
	v1 =	vsel vm15, $0x100, v1  }
0xd: {  	s31 =	simm.s32 $0xC;
	vm5 =	vcmask $0x1310;
	[smem:$0x7FF] =	sst s4;
	s8 =	sand.u32 $0x1, s8;
	v0 =	vsel vm4, $0x180, v0;
	v1 =	vsel vm4, $0x180, v1  }
0xe: {  	vm6 =	vcmask $0x1714;
	s10 =	sshll.u32 s10, $0xA;
	s3 =	sadd.s32 $0x400, s3;
	s9 =	ssub.s32 $0x2, s8;
	v0 =	vsel vm5, $0x200, v0;
	v1 =	vsel vm5, $0x200, v1  }
0xf: {  	vm7 =	vcmask $0x1B18;
	s8 =	sshll.u32 s8, $0x9;
	_ =	strace $0x80000047;
	[dreg:$0x8] =	wrdreg s3;
	v0 =	vsel vm6, $0x280, v0;
	v1 =	vsel vm6, $0x280, v1  }
0x10: {  	vm8 =	vcmask $0x1F1C;
	s3 =	simm.s32 $0xD;
	s11 =	sshrl.u32 s9, $0x1;
	s8 =	sor.u32 s8, s10;
	v0 =	vsel vm7, $0x300, v0;
	v1 =	vsel vm7, $0x300, v1  }
0x11: {  	vm9 =	vcmask $0x2320;
	s10 =	simm.s32 $0x0;
	s21 =	ssub.s32 s9, s11;
	s22 =	sshrl.u32 s8, $0x3;
	v0 =	vsel vm8, $0x380, v0;
	v1 =	vsel vm8, $0x380, v1  }
0x12: {  	vm10 =	vcmask $0x2724;
	s23 =	sadd.s32 s5, s8;
	s24 =	sadd.s32 s7, s8;
	s11 =	simm.s32 $0xE;
	v0 =	vsel vm9, $0x6000, v0;
	v1 =	vsel vm9, $0x1000, v1  }
0x13: {  	vm11 =	vcmask $0x2B28;
	s5 =	simm.s32 $0x2;
	s7 =	simm.s32 $0x8;
	[dreg:$0xa] =	wrdreg s23;
	v0 =	vsel vm10, $0x6080, v0;
	v1 =	vsel vm10, $0x1080, v1  }
.Ltmp0:
0x14: {  	vm12 =	vcmask $0x2F2C;
	s0 =	sadd.s32 s0, s22;
	[dreg:$0xb] =	wrdreg s24;
	v0 =	vsel vm11, $0x6100, v0;
	v1 =	vsel vm11, $0x1100, v1;
	(pc) =	sbr.rel .LBB2_1-.Ltmp0, $4  }
0x15: {  	vm13 =	vcmask $0x3330;
	s8 =	simm.s32 $0x3;
	s25 =	sadd.s32 s6, s22;
	[dreg:$0x9] =	wrdreg s0;
	v0 =	vsel vm12, $0x6180, v0;
	v1 =	vsel vm12, $0x1180, v1  }
0x16: {  	vm14 =	vcmask $0x3734;
	s9 =	simm.s32 $0x9;
	s26 =	smax.u32 s21, $0x1;
	[dreg:$0xc] =	wrdreg s25;
	v0 =	vsel vm13, $0x6200, v0;
	v1 =	vsel vm13, $0x1200, v1  }
0x17: {  	vm15 =	vcmask $0x3B38;
	s23 =	simm.s32 $0x6080;
	s24 =	simm.s32 $0xC080;
	[dreg:$0xd] =	wrdreg s26;
	v2 =	vsel vm14, $0x6280, v0;
	v3 =	vsel vm14, $0x1280, v1  }
0x18: {  	s25 =	simm.s32 $0x12080;
	s26 =	simm.s32 $0x18080;
	s0 =	simm.s32 $0x7;
	v0 =	vimm.s32 $0x0;
	v1 =	vsel vm15, $0x6300, v2;
	v2 =	vsel vm15, $0x1300, v3  }
.LBB2_14:
0x19: {  	s6 =	rddreg [dreg:$0xb]  }
0x1a: {  	s18 =	simm.s32 $0x1000;
	s20 =	simm.s32 $0x20000;
	s11 =	simm.s32 $0xE  }
0x1b: {  	[hbm4b:s6+s18] =	stream.strided.scatter [tilespmem:s14], [sflag:$0xE], $0x2000, s20, s18, $0x38;
	[tilespmem:$0x1C680] =	vst v63  }
0x1c: {  	_ =	swait.ge [sflag:s11], $0x2000  }
0x1d: {  	[sflag:s11] =	ssyncset.done $0x0  }
0x1e: {  	s16 =	simm.s32 $0x1;
	[sflag:s11] =	ssyncadd.s32 $0xFFFFE000  }
0x1f: {  	_ =	swait.ge [sflag:s16], $0x200  }
0x20: {  	[sflag:s16] =	ssyncset.done $0x0  }
0x21: {  	s21 =	rddreg [dreg:$0xc];
	[sflag:s16] =	ssyncadd.s32 $0xFFFFFE00;
	s16 =	simm.s32 $0x1C480  }
0x22: {  	[hbm4b:s21+s4] =	stream.linear.scatter [tilespmem:s16], [sflag:$0xE], $0x200, $0x38;
	[tilespmem:$0x1C680] =	vst v63  }
0x23: {  	_ =	swait.ge [sflag:s11], $0x200  }
0x24: {  	s10 =	rddreg [dreg:$0xe]  }
0x25: {  	s22 =	rddreg [dreg:$0xd];
	s10 =	sadd.s32 $0x1, s10  }
0x26: {  	p0 =	sne.s32 s10, s22  }
.Ltmp1:
0x27: {  	_ = 	snop;
	(pc) =	sbr.rel @!p0 .LBB2_15-.Ltmp1, $3  }
0x28: {  	_ =	sdelay $0x1  }
0x29: {  	[sflag:s11] =	ssyncset.done $0x0  }
0x2a: {  	[sflag:s11] =	ssyncadd.s32 $0xFFFFFE00  }
.LBB2_1:
0x2b: {  	[dreg:$0xe] =	wrdreg s10  }
0x2c: {  	s6 =	rddreg [dreg:$0x9]  }
0x2d: {  	[tilespmem:s4], [sflag:$0xE] =	stream.linear.gather [hbm4b:s6+s4], $0x200, $0x38;
	[tilespmem:$0x1C680] =	vst v63  }
0x2e: {  	_ =	swait.ge [sflag:s11], $0x200  }
0x2f: {  	[sflag:s11] =	ssyncset.done $0x0  }
0x30: {  	s10 =	simm.s32 $0x200;
	[sflag:s11] =	ssyncadd.s32 $0xFFFFFE00  }
0x31: {  	[tilespmem:s10], [sflag:$0xE] =	stream.linear.gather [hbm4b:s6+s4], $0x200, $0x38;
	[tilespmem:$0x1C680] =	vst v63  }
0x32: {  	_ =	swait.ge [sflag:s11], $0x200  }
0x33: {  	[sflag:s11] =	ssyncset.done $0x0  }
0x34: {  	[sflag:s11] =	ssyncadd.s32 $0xFFFFFE00  }
0x35: {  	s21 =	rddreg [dreg:$0x8];
	[tilespmem:$0x400] =	vst v0  }
0x36: {  	[tilespmem:s16], [sflag:$0x1] =	stream.indirect.gather [hbm4b:s21+s10], $0x1, s4, s10, $0xb8;
	[tilespmem:$0x1C680] =	vst v63  }
.Ltmp2:
0x37: {  	s22 =	rddreg [dreg:$0xa];
	(pc) =	sbr.rel .LBB2_2-.Ltmp2, $4  }
0x38: {  	[tilespmem:s15], [sflag:$0xE] =	stream.strided.gather [hbm4b:s22+s18], $0x2000, s20, s18, $0x38;
	[tilespmem:$0x1C680] =	vst v63  }
0x39: {  	_ =	swait.ge [sflag:s11], $0x2000  }
0x3a: {  	[sflag:s11] =	ssyncset.done $0x0  }
0x3b: {  	s6 =	simm.s32 $0x0;
	s16 =	simm.s32 $0xFFFFFFFC;
	[sflag:s11] =	ssyncadd.s32 $0xFFFFE000  }
.LBB2_13:
0x3c: {  	_ =	swait.ge [sflag:s8], $0x2000  }
0x3d: {  	[sflag:s8] =	ssyncset.done $0x0  }
0x3e: {  	[sflag:s8] =	ssyncadd.s32 $0xFFFFE000  }
0x3f: {  	_ =	swait.ge [sflag:s9], $0x2000  }
0x40: {  	[sflag:s9] =	ssyncset.done $0x0  }
0x41: {  	[sflag:s9] =	ssyncadd.s32 $0xFFFFE000  }
0x42: {  	v3 =	vld [tilespmem:s10+$0x4];
	_ =	sdelay $0x4  }
0x43: {  	(v2sf) =	vpush v3, $0x0;
	_ =	sdelay $0xe  }
0x44: {  	s11 =	spop (v2sf)  }
0x45: {  	s18 =	sand.u32 $0x7F, s11  }
0x46: {  	s20 =	sshra.s32 s11, $0x1F;
	p0 =	slt.s32 s11, $0x1;
	p1 =	sne.s32 s18, $0x0  }
0x47: {  	s22 =	sshrl.u32 s20, $0x19;
	p0 =	por !p0, !p1  }
0x48: {  	s20 =	simm.s32 $0x1;
	s18 =	sadd.s32 s22, s11;
	p0 =	por !p0, !p0  }
0x49: {  	s18 =	sshrl.u32 s18, $0x7;
	s20 =	simm.s32 @!p0 $0x0  }
0x4a: {  	s18 =	ssub.s32 s20, s18  }
0x4b: {  	s18 =	sshll.u32 s18, $0x7  }
0x4c: {  	s11 =	sadd.s32 s11, s18  }
0x4d: {  	(v2sf) =	vpush v3, $0x1;
	v4 =	vmov s11  }
0x4e: {  	v4 =	vadd.s32 $0x200, v4  }
0x4f: {  	v4 =	vbroadcast v4, $0x0;
	_ =	sdelay $0x1  }
0x50: {  	v5 =	vshll.u32 v4, $0x3  }
0x51: {  	v4 =	vand.u32 $0x7F, v4;
	v5 =	vand.u32 $0xFFFFFC00, v5  }
0x52: {  	v4 =	vor.u32 v4, v5  }
0x53: {  	v4 =	vadd.s32 v1, v4;
	_ =	sdelay $0x4  }
0x54: {  	v45 =	vld.idx.msk [tilespmem:v4+s19+$0x0], $0xffff;
	_ =	sdelay $0x2  }
0x55: {  	s11 =	spop (v2sf)  }
0x56: {  	s20 =	sadd.s32 $0x4, s6;
	s21 =	sand.u32 $0x7F, s11  }
0x57: {  	v6 =	vmov s20;
	s22 =	sshra.s32 s11, $0x1F;
	p1 =	slt.s32 s11, $0x1;
	p2 =	sne.s32 s21, $0x0;
	v5 =	vmul.f32 $5.000000000e-01, v45  }
0x58: {  	v7 =	vshll.u32 v6, $0x3;
	s18 =	sshrl.u32 s22, $0x19;
	p0 =	por !p1, !p2  }
0x59: {  	s20 =	simm.s32 $0x1;
	v6 =	vand.u32 $0x7C, v6;
	v7 =	vand.u32 $0x7FFFFC00, v7;
	s18 =	sadd.s32 s18, s11;
	p0 =	por !p0, !p0;
	v5 =	vmul.f32 $1.442695020e+00, v5  }
0x5a: {  	v6 =	vor.u32 v6, v7;
	s18 =	sshrl.u32 s18, $0x7;
	s20 =	simm.s32 @!p0 $0x0  }
0x5b: {  	v6 =	vadd.s32 v2, v6;
	s18 =	ssub.s32 s20, s18;
	(erf) = vpow2.f32 v5  }
0x5c: {  	s18 =	sshll.u32 s18, $0x7  }
0x5d: {  	s11 =	sadd.s32 s11, s18  }
0x5e: {  	(v2sf) =	vpush v3, $0x2;
	v46 =	vmov s11  }
0x5f: {  	v5 =	vadd.s32 $0x280, v46  }
0x60: {  	v47 =	vld.idx.msk [tilespmem:v6+s15+$0x0], $0xffff;
	v5 =	vbroadcast v5, $0x0;
	_ =	sdelay $0x1  }
0x61: {  	v4 =	vld.idx.msk [tilespmem:v4+s17+$0x0], $0xffff;
	v8 =	vshll.u32 v5, $0x3  }
0x62: {  	v5 =	vand.u32 $0x7F, v5;
	v8 =	vand.u32 $0xFFFFFC00, v8  }
0x63: {  	v5 =	vor.u32 v5, v8;
	v48 =	vpop (erf)  }
0x64: {  	v5 =	vadd.s32 v1, v5;
	v7 =	vmul.f32 v48, v47;
	_ =	sdelay $0x1  }
0x65: {  	v4 =	vadd.f32 v7, v4;
	_ =	sdelay $0x1  }
0x66: {  	[tilespmem:v6+s14+$0x0] =	vst.idx.msk $0xffff, v4  }
0x67: {  	v4 =	vld.idx.msk [tilespmem:v5+s19+$0x0], $0xffff;
	_ =	sdelay $0x2  }
0x68: {  	s11 =	spop (v2sf)  }
0x69: {  	s20 =	sadd.s32 $0x5, s6;
	s21 =	sand.u32 $0x7F, s11  }
0x6a: {  	v49 =	vmov s20;
	s22 =	sshra.s32 s11, $0x1F;
	p3 =	slt.s32 s11, $0x1;
	p4 =	sne.s32 s21, $0x0;
	v4 =	vmul.f32 $5.000000000e-01, v4  }
0x6b: {  	v50 =	vshll.u32 v49, $0x3;
	s18 =	sshrl.u32 s22, $0x19;
	p0 =	por !p3, !p4  }
0x6c: {  	s20 =	simm.s32 $0x1;
	s18 =	sadd.s32 s18, s11;
	p0 =	por !p0, !p0;
	v7 =	vand.u32 $0x7FFFFC00, v50;
	v6 =	vand.u32 $0x7D, v49;
	v4 =	vmul.f32 $1.442695020e+00, v4  }
0x6d: {  	s18 =	sshrl.u32 s18, $0x7;
	s20 =	simm.s32 @!p0 $0x0;
	v6 =	vor.u32 v6, v7  }
0x6e: {  	s18 =	ssub.s32 s20, s18;
	v6 =	vadd.s32 v2, v6;
	(erf) = vpow2.f32 v4  }
0x6f: {  	s18 =	sshll.u32 s18, $0x7  }
0x70: {  	s11 =	sadd.s32 s11, s18  }
0x71: {  	(v2sf) =	vpush v3, $0x3;
	v51 =	vmov s11  }
0x72: {  	v3 =	vadd.s32 $0x300, v51  }
0x73: {  	v3 =	vbroadcast v3, $0x0;
	v52 =	vld.idx.msk [tilespmem:v6+s15+$0x0], $0xffff;
	_ =	sdelay $0x1  }
0x74: {  	v53 =	vshll.u32 v3, $0x3;
	v5 =	vld.idx.msk [tilespmem:v5+s17+$0x0], $0xffff  }
0x75: {  	v3 =	vand.u32 $0x7F, v3;
	v7 =	vand.u32 $0xFFFFFC00, v53  }
0x76: {  	v3 =	vor.u32 v3, v7;
	v54 =	vpop (erf)  }
0x77: {  	v3 =	vadd.s32 v1, v3;
	v4 =	vmul.f32 v54, v52;
	_ =	sdelay $0x1  }
0x78: {  	v4 =	vadd.f32 v4, v5;
	_ =	sdelay $0x1  }
0x79: {  	[tilespmem:v6+s14+$0x0] =	vst.idx.msk $0xffff, v4  }
0x7a: {  	v4 =	vld.idx.msk [tilespmem:v3+s19+$0x0], $0xffff;
	_ =	sdelay $0x2  }
0x7b: {  	s11 =	spop (v2sf)  }
0x7c: {  	s21 =	sadd.s32 $0x6, s6;
	s22 =	sand.u32 $0x7F, s11  }
0x7d: {  	v55 =	vmov s21;
	s21 =	sshra.s32 s11, $0x1F;
	p5 =	slt.s32 s11, $0x1;
	p6 =	sne.s32 s22, $0x0;
	v4 =	vmul.f32 $5.000000000e-01, v4  }
0x7e: {  	v56 =	vshll.u32 v55, $0x3;
	s18 =	sshrl.u32 s21, $0x19;
	p0 =	por !p5, !p6  }
0x7f: {  	s20 =	simm.s32 $0x1;
	s18 =	sadd.s32 s18, s11;
	p0 =	por !p0, !p0;
	v5 =	vand.u32 $0x7E, v55;
	v6 =	vand.u32 $0x7FFFFC00, v56;
	v4 =	vmul.f32 $1.442695020e+00, v4  }
0x80: {  	s18 =	sshrl.u32 s18, $0x7;
	s20 =	simm.s32 @!p0 $0x0;
	v5 =	vor.u32 v5, v6  }
0x81: {  	s18 =	ssub.s32 s20, s18;
	v5 =	vadd.s32 v2, v5;
	(erf) = vpow2.f32 v4  }
0x82: {  	s18 =	sshll.u32 s18, $0x7  }
0x83: {  	s11 =	sadd.s32 s11, s18  }
0x84: {  	v57 =	vmov s11  }
0x85: {  	v4 =	vadd.s32 $0x380, v57  }
0x86: {  	v58 =	vld.idx.msk [tilespmem:v5+s15+$0x0], $0xffff;
	v4 =	vbroadcast v4, $0x0;
	_ =	sdelay $0x1  }
0x87: {  	v3 =	vld.idx.msk [tilespmem:v3+s17+$0x0], $0xffff;
	v59 =	vshll.u32 v4, $0x3  }
0x88: {  	v4 =	vand.u32 $0x7F, v4;
	v7 =	vand.u32 $0xFFFFFC00, v59  }
0x89: {  	v4 =	vor.u32 v4, v7;
	v60 =	vpop (erf)  }
0x8a: {  	v4 =	vadd.s32 v1, v4;
	v6 =	vmul.f32 v60, v58;
	_ =	sdelay $0x1  }
0x8b: {  	v3 =	vadd.f32 v6, v3;
	_ =	sdelay $0x1  }
0x8c: {  	[tilespmem:v5+s14+$0x0] =	vst.idx.msk $0xffff, v3  }
0x8d: {  	v3 =	vld.idx.msk [tilespmem:v4+s19+$0x0], $0xffff;
	_ =	sdelay $0x3  }
0x8e: {  	s22 =	sadd.s32 $0x7, s6  }
0x8f: {  	v61 =	vmov s22;
	v3 =	vmul.f32 $5.000000000e-01, v3  }
0x90: {  	v62 =	vshll.u32 v61, $0x3  }
0x91: {  	v6 =	vand.u32 $0x7FFFFC00, v62;
	v5 =	vand.u32 $0x7F, v61;
	v3 =	vmul.f32 $1.442695020e+00, v3  }
0x92: {  	v5 =	vor.u32 v5, v6  }
0x93: {  	v5 =	vadd.s32 v2, v5;
	(erf) = vpow2.f32 v3;
	_ =	sdelay $0x4  }
0x94: {  	v3 =	vld.idx.msk [tilespmem:v5+s15+$0x0], $0xffff;
	_ =	sdelay $0x1  }
0x95: {  	v4 =	vld.idx.msk [tilespmem:v4+s17+$0x0], $0xffff  }
0x96: {  	s6 =	sadd.s32 $0x18, s6  }
0x97: {  	p0 =	sne.s32 s6, $0x210;
	v63 =	vpop (erf)  }
.Ltmp3:
0x98: {  	v3 =	vmul.f32 v63, v3;
	(pc) =	sbr.rel @!p0 .LBB2_14-.Ltmp3, $3  }
0x99: {  	_ = 	snop  }
0x9a: {  	v3 =	vadd.f32 v3, v4;
	_ =	sdelay $0x1  }
0x9b: {  	s16 =	sadd.s32 $0x6, s16;
	s10 =	sadd.s32 $0x18, s10;
	[tilespmem:v5+s14+$0x0] =	vst.idx.msk $0xffff, v3  }
.LBB2_2:
0x9c: {  	v3 =	vld [tilespmem:s10+$0x0];
	_ =	sdelay $0x4  }
0x9d: {  	(v2sf) =	vpush v3, $0x0;
	_ =	sdelay $0xe  }
0x9e: {  	s11 =	spop (v2sf);
	(v2sf) =	vpush v3, $0x1  }
0x9f: {  	s18 =	sand.u32 $0x7F, s11  }
0xa0: {  	s22 =	sshra.s32 s11, $0x1F;
	p1 =	slt.s32 s11, $0x1;
	p0 =	sne.s32 s18, $0x0  }
0xa1: {  	s18 =	sshrl.u32 s22, $0x19;
	p0 =	por !p1, !p0  }
0xa2: {  	s11 =	sadd.s32 s18, s11;
	s18 =	simm.s32 $0x1;
	p0 =	por !p0, !p0  }
0xa3: {  	s11 =	sshrl.u32 s11, $0x7;
	s18 =	simm.s32 @!p0 $0x0  }
0xa4: {  	s11 =	ssub.s32 s11, s18  }
0xa5: {  	s11 =	sshll.u32 s11, $0x7  }
0xa6: {  	s11 =	sand.u32 $0x1FFFFF80, s11  }
0xa7: {  	s20 =	sadd.s32 s1, s11  }
0xa8: {  	[tilespmem:s17], [sflag:$0x2] =	stream.linear.gather [hbm4b:s20+s4], $0x400, $0x38;
	[tilespmem:$0x1C680] =	vst v63  }
0xa9: {  	s18 =	sadd.s32 $0xF4280, s20;
	s20 =	simm.s32 $0xA480  }
0xaa: {  	[tilespmem:s20], [sflag:$0x2] =	stream.linear.gather [hbm4b:s18+s4], $0x400, $0x38;
	[tilespmem:$0x1C680] =	vst v63  }
0xab: {  	s11 =	sadd.s32 s2, s11  }
0xac: {  	[tilespmem:s19], [sflag:$0x8] =	stream.linear.gather [hbm4b:s11+s4], $0x400, $0x38;
	[tilespmem:$0x1C680] =	vst v63  }
0xad: {  	s21 =	simm.s32 $0x16480;
	s11 =	sadd.s32 $0xF4280, s11;
	s22 =	spop (v2sf)  }
0xae: {  	(v2sf) =	vpush v3, $0x2;
	[tilespmem:s21], [sflag:$0x8] =	stream.linear.gather [hbm4b:s11+s4], $0x400, $0x38;
	[tilespmem:$0x1C680] =	vst v63  }
0xaf: {  	s20 =	sand.u32 $0x7F, s22  }
0xb0: {  	s21 =	sshra.s32 s22, $0x1F;
	p2 =	slt.s32 s22, $0x1;
	p1 =	sne.s32 s20, $0x0  }
0xb1: {  	s18 =	sshrl.u32 s21, $0x19;
	p0 =	por !p2, !p1  }
0xb2: {  	s11 =	sadd.s32 s18, s22;
	s18 =	simm.s32 $0x1;
	p0 =	por !p0, !p0  }
0xb3: {  	s11 =	sshrl.u32 s11, $0x7;
	s18 =	simm.s32 @!p0 $0x0  }
0xb4: {  	s11 =	ssub.s32 s11, s18  }
0xb5: {  	s11 =	sshll.u32 s11, $0x7  }
0xb6: {  	s11 =	sand.u32 $0x1FFFFF80, s11  }
0xb7: {  	s21 =	simm.s32 $0x4880;
	s22 =	sadd.s32 s1, s11  }
0xb8: {  	[tilespmem:s21], [sflag:$0x2] =	stream.linear.gather [hbm4b:s22+s4], $0x400, $0x38;
	[tilespmem:$0x1C680] =	vst v63  }
0xb9: {  	s18 =	sadd.s32 $0xF4280, s22;
	s22 =	simm.s32 $0xA880  }
0xba: {  	[tilespmem:s22], [sflag:$0x2] =	stream.linear.gather [hbm4b:s18+s4], $0x400, $0x38;
	[tilespmem:$0x1C680] =	vst v63  }
0xbb: {  	s20 =	simm.s32 $0x10880;
	s11 =	sadd.s32 s2, s11  }
0xbc: {  	[tilespmem:s20], [sflag:$0x8] =	stream.linear.gather [hbm4b:s11+s4], $0x400, $0x38;
	[tilespmem:$0x1C680] =	vst v63  }
0xbd: {  	s21 =	simm.s32 $0x16880;
	s11 =	sadd.s32 $0xF4280, s11;
	s22 =	spop (v2sf)  }
0xbe: {  	(v2sf) =	vpush v3, $0x3;
	[tilespmem:s21], [sflag:$0x8] =	stream.linear.gather [hbm4b:s11+s4], $0x400, $0x38;
	[tilespmem:$0x1C680] =	vst v63  }
0xbf: {  	s20 =	sand.u32 $0x7F, s22  }
0xc0: {  	s21 =	sshra.s32 s22, $0x1F;
	p4 =	slt.s32 s22, $0x1;
	p3 =	sne.s32 s20, $0x0  }
0xc1: {  	s18 =	sshrl.u32 s21, $0x19;
	p0 =	por !p4, !p3  }
0xc2: {  	s11 =	sadd.s32 s18, s22;
	s18 =	simm.s32 $0x1;
	p0 =	por !p0, !p0  }
0xc3: {  	s11 =	sshrl.u32 s11, $0x7;
	s18 =	simm.s32 @!p0 $0x0  }
0xc4: {  	s11 =	ssub.s32 s11, s18  }
0xc5: {  	s11 =	sshll.u32 s11, $0x7  }
0xc6: {  	s11 =	sand.u32 $0x1FFFFF80, s11  }
0xc7: {  	s21 =	simm.s32 $0x4C80;
	s22 =	sadd.s32 s1, s11  }
0xc8: {  	[tilespmem:s21], [sflag:$0x2] =	stream.linear.gather [hbm4b:s22+s4], $0x400, $0x38;
	[tilespmem:$0x1C680] =	vst v63  }
0xc9: {  	s18 =	sadd.s32 $0xF4280, s22;
	s22 =	simm.s32 $0xAC80  }
0xca: {  	[tilespmem:s22], [sflag:$0x2] =	stream.linear.gather [hbm4b:s18+s4], $0x400, $0x38;
	[tilespmem:$0x1C680] =	vst v63  }
0xcb: {  	s20 =	simm.s32 $0x10C80;
	s11 =	sadd.s32 s2, s11  }
0xcc: {  	[tilespmem:s20], [sflag:$0x8] =	stream.linear.gather [hbm4b:s11+s4], $0x400, $0x38;
	[tilespmem:$0x1C680] =	vst v63  }
0xcd: {  	s21 =	simm.s32 $0x16C80;
	s11 =	sadd.s32 $0xF4280, s11;
	s22 =	spop (v2sf)  }
0xce: {  	[tilespmem:s21], [sflag:$0x8] =	stream.linear.gather [hbm4b:s11+s4], $0x400, $0x38;
	[tilespmem:$0x1C680] =	vst v63  }
0xcf: {  	s20 =	sand.u32 $0x7F, s22  }
0xd0: {  	s21 =	sshra.s32 s22, $0x1F;
	p6 =	slt.s32 s22, $0x1;
	p5 =	sne.s32 s20, $0x0  }
0xd1: {  	s18 =	sshrl.u32 s21, $0x19;
	p0 =	por !p6, !p5  }
0xd2: {  	s11 =	sadd.s32 s18, s22;
	s18 =	simm.s32 $0x1;
	p0 =	por !p0, !p0  }
0xd3: {  	s11 =	sshrl.u32 s11, $0x7;
	s18 =	simm.s32 @!p0 $0x0  }
0xd4: {  	s11 =	ssub.s32 s11, s18  }
0xd5: {  	s11 =	sshll.u32 s11, $0x7  }
0xd6: {  	s11 =	sand.u32 $0x1FFFFF80, s11  }
0xd7: {  	s21 =	simm.s32 $0x5080;
	s22 =	sadd.s32 s1, s11  }
0xd8: {  	[tilespmem:s21], [sflag:$0x2] =	stream.linear.gather [hbm4b:s22+s4], $0x400, $0x38;
	[tilespmem:$0x1C680] =	vst v63  }
0xd9: {  	p0 =	sgt.u32 s16, $0x7F;
	s18 =	sadd.s32 $0xF4280, s22;
	s22 =	simm.s32 $0xB080  }
0xda: {  	[tilespmem:s22], [sflag:$0x2] =	stream.linear.gather [hbm4b:s18+s4], $0x400, $0x38;
	[tilespmem:$0x1C680] =	vst v63  }
.Ltmp4:
0xdb: {  	_ = 	snop;
	(pc) =	sbr.rel @p0 .LBB2_4-.Ltmp4, $4  }
0xdc: {  	s11 =	sadd.s32 s2, s11;
	s21 =	simm.s32 $0x11080  }
0xdd: {  	[tilespmem:s21], [sflag:$0x8] =	stream.linear.gather [hbm4b:s11+s4], $0x400, $0x38;
	[tilespmem:$0x1C680] =	vst v63  }
0xde: {  	s22 =	simm.s32 $0x17080;
	s11 =	sadd.s32 $0xF4280, s11  }
0xdf: {  	[tilespmem:s22], [sflag:$0x8] =	stream.linear.gather [hbm4b:s11+s4], $0x400, $0x38;
	[tilespmem:$0x1C680] =	vst v63  }
0xe0: {  	_ =	swait.ge [sflag:s12], $0x2000  }
0xe1: {  	[sflag:s12] =	ssyncset.done $0x0  }
0xe2: {  	[sflag:s12] =	ssyncadd.s32 $0xFFFFE000  }
0xe3: {  	_ =	swait.ge [sflag:s13], $0x2000  }
0xe4: {  	s11 =	sadd.s32 $0xFFFFFFF0, s6;
	[sflag:s13] =	ssyncset.done $0x0  }
0xe5: {  	s18 =	sand.u32 $0x1F8, s11;
	[sflag:s13] =	ssyncadd.s32 $0xFFFFE000  }
0xe6: {  	v3 =	vld [tilespmem:s18+$0x200];
	_ =	sdelay $0x4  }
0xe7: {  	(v2sf) =	vpush v3, $0x0;
	_ =	sdelay $0xe  }
0xe8: {  	s18 =	spop (v2sf)  }
0xe9: {  	s20 =	sand.u32 $0x7F, s18  }
0xea: {  	s21 =	sshra.s32 s18, $0x1F;
	p0 =	slt.s32 s18, $0x1;
	p1 =	sne.s32 s20, $0x0  }
0xeb: {  	s22 =	sshrl.u32 s21, $0x19;
	p0 =	por !p0, !p1  }
0xec: {  	s21 =	simm.s32 $0x1;
	s20 =	sadd.s32 s22, s18;
	p0 =	por !p0, !p0  }
0xed: {  	s20 =	sshrl.u32 s20, $0x7;
	s21 =	simm.s32 @!p0 $0x0  }
0xee: {  	s20 =	ssub.s32 s21, s20  }
0xef: {  	s20 =	sshll.u32 s20, $0x7  }
0xf0: {  	s18 =	sadd.s32 s18, s20  }
0xf1: {  	(v2sf) =	vpush v3, $0x1;
	v4 =	vmov s18  }
0xf2: {  	v4 =	vadd.s32 $0x400, v4  }
0xf3: {  	v4 =	vbroadcast v4, $0x0;
	_ =	sdelay $0x1  }
0xf4: {  	v5 =	vshll.u32 v4, $0x3  }
0xf5: {  	v4 =	vand.u32 $0x7F, v4;
	v5 =	vand.u32 $0xFFFFFC00, v5  }
0xf6: {  	v4 =	vor.u32 v4, v5  }
0xf7: {  	v4 =	vadd.s32 v1, v4;
	_ =	sdelay $0x4  }
0xf8: {  	v45 =	vld.idx.msk [tilespmem:v4+s19+$0x0], $0xffff;
	_ =	sdelay $0x2  }
0xf9: {  	s18 =	spop (v2sf)  }
0xfa: {  	s21 =	sand.u32 $0x7F, s18  }
0xfb: {  	v6 =	vmov s11;
	s22 =	sshra.s32 s18, $0x1F;
	p1 =	slt.s32 s18, $0x1;
	p2 =	sne.s32 s21, $0x0;
	v5 =	vmul.f32 $5.000000000e-01, v45  }
0xfc: {  	v7 =	vshll.u32 v6, $0x3;
	s11 =	sshrl.u32 s22, $0x19;
	p0 =	por !p1, !p2  }
0xfd: {  	v6 =	vand.u32 $0x78, v6;
	v7 =	vand.u32 $0xC00, v7;
	s20 =	simm.s32 $0x1;
	s11 =	sadd.s32 s11, s18;
	p0 =	por !p0, !p0;
	v5 =	vmul.f32 $1.442695020e+00, v5  }
0xfe: {  	v6 =	vor.u32 v7, v6;
	s11 =	sshrl.u32 s11, $0x7;
	s20 =	simm.s32 @!p0 $0x0  }
0xff: {  	v6 =	vor.u32 v2, v6;
	s11 =	ssub.s32 s20, s11;
	(erf) = vpow2.f32 v5  }
0x100: {  	s11 =	sshll.u32 s11, $0x7  }
0x101: {  	s11 =	sadd.s32 s18, s11  }
0x102: {  	(v2sf) =	vpush v3, $0x2;
	v46 =	vmov s11  }
0x103: {  	v5 =	vadd.s32 $0x480, v46  }
0x104: {  	v47 =	vld.idx.msk [tilespmem:v6+s15+$0x0], $0xffff;
	v5 =	vbroadcast v5, $0x0;
	_ =	sdelay $0x1  }
0x105: {  	v4 =	vld.idx.msk [tilespmem:v4+s17+$0x0], $0xffff;
	v8 =	vshll.u32 v5, $0x3  }
0x106: {  	v5 =	vand.u32 $0x7F, v5;
	v8 =	vand.u32 $0xFFFFFC00, v8  }
0x107: {  	v5 =	vor.u32 v5, v8;
	v48 =	vpop (erf)  }
0x108: {  	v5 =	vadd.s32 v1, v5;
	v7 =	vmul.f32 v48, v47;
	_ =	sdelay $0x1  }
0x109: {  	v4 =	vadd.f32 v7, v4;
	_ =	sdelay $0x1  }
0x10a: {  	[tilespmem:v6+s14+$0x0] =	vst.idx.msk $0xffff, v4  }
0x10b: {  	v4 =	vld.idx.msk [tilespmem:v5+s19+$0x0], $0xffff;
	_ =	sdelay $0x2  }
0x10c: {  	s11 =	spop (v2sf)  }
0x10d: {  	s20 =	sadd.s32 $0xFFFFFFF1, s6;
	s21 =	sand.u32 $0x7F, s11  }
0x10e: {  	v49 =	vmov s20;
	s22 =	sshra.s32 s11, $0x1F;
	p3 =	slt.s32 s11, $0x1;
	p4 =	sne.s32 s21, $0x0;
	v4 =	vmul.f32 $5.000000000e-01, v4  }
0x10f: {  	v50 =	vshll.u32 v49, $0x3;
	s18 =	sshrl.u32 s22, $0x19;
	p0 =	por !p3, !p4  }
0x110: {  	s20 =	simm.s32 $0x1;
	s18 =	sadd.s32 s18, s11;
	p0 =	por !p0, !p0;
	v7 =	vand.u32 $0xC00, v50;
	v6 =	vand.u32 $0x79, v49;
	v4 =	vmul.f32 $1.442695020e+00, v4  }
0x111: {  	s18 =	sshrl.u32 s18, $0x7;
	s20 =	simm.s32 @!p0 $0x0;
	v6 =	vor.u32 v7, v6  }
0x112: {  	s18 =	ssub.s32 s20, s18;
	v6 =	vor.u32 v2, v6;
	(erf) = vpow2.f32 v4  }
0x113: {  	s18 =	sshll.u32 s18, $0x7  }
0x114: {  	s11 =	sadd.s32 s11, s18  }
0x115: {  	(v2sf) =	vpush v3, $0x3;
	v51 =	vmov s11  }
0x116: {  	v3 =	vadd.s32 $0x500, v51  }
0x117: {  	v3 =	vbroadcast v3, $0x0;
	v52 =	vld.idx.msk [tilespmem:v6+s15+$0x0], $0xffff;
	_ =	sdelay $0x1  }
0x118: {  	v53 =	vshll.u32 v3, $0x3;
	v5 =	vld.idx.msk [tilespmem:v5+s17+$0x0], $0xffff  }
0x119: {  	v3 =	vand.u32 $0x7F, v3;
	v7 =	vand.u32 $0xFFFFFC00, v53  }
0x11a: {  	v3 =	vor.u32 v3, v7;
	v54 =	vpop (erf)  }
0x11b: {  	v3 =	vadd.s32 v1, v3;
	v4 =	vmul.f32 v54, v52;
	_ =	sdelay $0x1  }
0x11c: {  	v4 =	vadd.f32 v4, v5;
	_ =	sdelay $0x1  }
0x11d: {  	[tilespmem:v6+s14+$0x0] =	vst.idx.msk $0xffff, v4  }
0x11e: {  	v4 =	vld.idx.msk [tilespmem:v3+s19+$0x0], $0xffff;
	_ =	sdelay $0x2  }
0x11f: {  	s11 =	spop (v2sf)  }
0x120: {  	s21 =	sadd.s32 $0xFFFFFFF2, s6;
	s22 =	sand.u32 $0x7F, s11  }
0x121: {  	v55 =	vmov s21;
	s21 =	sshra.s32 s11, $0x1F;
	p5 =	slt.s32 s11, $0x1;
	p6 =	sne.s32 s22, $0x0;
	v4 =	vmul.f32 $5.000000000e-01, v4  }
0x122: {  	v56 =	vshll.u32 v55, $0x3;
	s18 =	sshrl.u32 s21, $0x19;
	p0 =	por !p5, !p6  }
0x123: {  	s20 =	simm.s32 $0x1;
	s18 =	sadd.s32 s18, s11;
	p0 =	por !p0, !p0;
	v5 =	vand.u32 $0x7A, v55;
	v6 =	vand.u32 $0xC00, v56;
	v4 =	vmul.f32 $1.442695020e+00, v4  }
0x124: {  	s18 =	sshrl.u32 s18, $0x7;
	s20 =	simm.s32 @!p0 $0x0;
	v5 =	vor.u32 v6, v5  }
0x125: {  	s18 =	ssub.s32 s20, s18;
	v5 =	vor.u32 v2, v5;
	(erf) = vpow2.f32 v4  }
0x126: {  	s18 =	sshll.u32 s18, $0x7  }
0x127: {  	s11 =	sadd.s32 s11, s18  }
0x128: {  	v57 =	vmov s11  }
0x129: {  	v4 =	vadd.s32 $0x580, v57  }
0x12a: {  	v58 =	vld.idx.msk [tilespmem:v5+s15+$0x0], $0xffff;
	v4 =	vbroadcast v4, $0x0;
	_ =	sdelay $0x1  }
0x12b: {  	v3 =	vld.idx.msk [tilespmem:v3+s17+$0x0], $0xffff;
	v59 =	vshll.u32 v4, $0x3  }
0x12c: {  	v4 =	vand.u32 $0x7F, v4;
	v7 =	vand.u32 $0xFFFFFC00, v59  }
0x12d: {  	v4 =	vor.u32 v4, v7;
	v60 =	vpop (erf)  }
0x12e: {  	v4 =	vadd.s32 v1, v4;
	v6 =	vmul.f32 v60, v58;
	_ =	sdelay $0x1  }
0x12f: {  	v3 =	vadd.f32 v6, v3;
	_ =	sdelay $0x1  }
0x130: {  	[tilespmem:v5+s14+$0x0] =	vst.idx.msk $0xffff, v3  }
0x131: {  	v3 =	vld.idx.msk [tilespmem:v4+s19+$0x0], $0xffff;
	_ =	sdelay $0x3  }
0x132: {  	s22 =	sadd.s32 $0xFFFFFFF3, s6  }
0x133: {  	v61 =	vmov s22;
	v3 =	vmul.f32 $5.000000000e-01, v3  }
0x134: {  	v62 =	vshll.u32 v61, $0x3  }
0x135: {  	v6 =	vand.u32 $0xC00, v62;
	v5 =	vand.u32 $0x7B, v61;
	v3 =	vmul.f32 $1.442695020e+00, v3  }
0x136: {  	v5 =	vor.u32 v6, v5  }
0x137: {  	v5 =	vor.u32 v2, v5;
	(erf) = vpow2.f32 v3;
	_ =	sdelay $0x4  }
0x138: {  	v3 =	vld.idx.msk [tilespmem:v5+s15+$0x0], $0xffff;
	_ =	sdelay $0x1  }
0x139: {  	v4 =	vld.idx.msk [tilespmem:v4+s17+$0x0], $0xffff;
	_ =	sdelay $0x1  }
0x13a: {  	v63 =	vpop (erf)  }
0x13b: {  	v3 =	vmul.f32 v63, v3;
	_ =	sdelay $0x1  }
0x13c: {  	v3 =	vadd.f32 v3, v4;
	_ =	sdelay $0x1  }
0x13d: {  	[tilespmem:v5+s14+$0x0] =	vst.idx.msk $0xffff, v3  }
.LBB2_4:
0x13e: {  	v3 =	vld [tilespmem:s10+$0x4];
	_ =	sdelay $0x4  }
0x13f: {  	(v2sf) =	vpush v3, $0x0;
	_ =	sdelay $0xe  }
0x140: {  	s11 =	spop (v2sf);
	(v2sf) =	vpush v3, $0x1  }
0x141: {  	s18 =	sand.u32 $0x7F, s11  }
0x142: {  	s21 =	sshra.s32 s11, $0x1F;
	p1 =	slt.s32 s11, $0x1;
	p0 =	sne.s32 s18, $0x0  }
0x143: {  	s18 =	sshrl.u32 s21, $0x19;
	p0 =	por !p1, !p0  }
0x144: {  	s11 =	sadd.s32 s18, s11;
	s18 =	simm.s32 $0x1;
	p0 =	por !p0, !p0  }
0x145: {  	s11 =	sshrl.u32 s11, $0x7;
	s18 =	simm.s32 @!p0 $0x0  }
0x146: {  	s11 =	ssub.s32 s11, s18  }
0x147: {  	s11 =	sshll.u32 s11, $0x7  }
0x148: {  	s11 =	sand.u32 $0x1FFFFF80, s11  }
0x149: {  	s20 =	simm.s32 $0x5480;
	s22 =	sadd.s32 s1, s11  }
0x14a: {  	[tilespmem:s20], [sflag:$0x3] =	stream.linear.gather [hbm4b:s22+s4], $0x400, $0x38;
	[tilespmem:$0x1C680] =	vst v63  }
0x14b: {  	s21 =	simm.s32 $0xB480;
	s18 =	sadd.s32 $0xF4280, s22  }
0x14c: {  	[tilespmem:s21], [sflag:$0x3] =	stream.linear.gather [hbm4b:s18+s4], $0x400, $0x38;
	[tilespmem:$0x1C680] =	vst v63  }
0x14d: {  	s11 =	sadd.s32 s2, s11;
	s22 =	simm.s32 $0x11480  }
0x14e: {  	[tilespmem:s22], [sflag:$0x9] =	stream.linear.gather [hbm4b:s11+s4], $0x400, $0x38;
	[tilespmem:$0x1C680] =	vst v63  }
0x14f: {  	s20 =	simm.s32 $0x17480;
	s11 =	sadd.s32 $0xF4280, s11;
	s21 =	spop (v2sf)  }
0x150: {  	(v2sf) =	vpush v3, $0x2;
	[tilespmem:s20], [sflag:$0x9] =	stream.linear.gather [hbm4b:s11+s4], $0x400, $0x38;
	[tilespmem:$0x1C680] =	vst v63  }
0x151: {  	s22 =	sand.u32 $0x7F, s21  }
0x152: {  	s20 =	sshra.s32 s21, $0x1F;
	p2 =	slt.s32 s21, $0x1;
	p1 =	sne.s32 s22, $0x0  }
0x153: {  	s18 =	sshrl.u32 s20, $0x19;
	p0 =	por !p2, !p1  }
0x154: {  	s11 =	sadd.s32 s18, s21;
	s18 =	simm.s32 $0x1;
	p0 =	por !p0, !p0  }
0x155: {  	s11 =	sshrl.u32 s11, $0x7;
	s18 =	simm.s32 @!p0 $0x0  }
0x156: {  	s11 =	ssub.s32 s11, s18  }
0x157: {  	s11 =	sshll.u32 s11, $0x7  }
0x158: {  	s11 =	sand.u32 $0x1FFFFF80, s11  }
0x159: {  	s22 =	simm.s32 $0x5880;
	s21 =	sadd.s32 s1, s11  }
0x15a: {  	[tilespmem:s22], [sflag:$0x3] =	stream.linear.gather [hbm4b:s21+s4], $0x400, $0x38;
	[tilespmem:$0x1C680] =	vst v63  }
0x15b: {  	s18 =	sadd.s32 $0xF4280, s21;
	s21 =	simm.s32 $0xB880  }
0x15c: {  	[tilespmem:s21], [sflag:$0x3] =	stream.linear.gather [hbm4b:s18+s4], $0x400, $0x38;
	[tilespmem:$0x1C680] =	vst v63  }
0x15d: {  	s11 =	sadd.s32 s2, s11;
	s22 =	simm.s32 $0x11880  }
0x15e: {  	[tilespmem:s22], [sflag:$0x9] =	stream.linear.gather [hbm4b:s11+s4], $0x400, $0x38;
	[tilespmem:$0x1C680] =	vst v63  }
0x15f: {  	s20 =	simm.s32 $0x17880;
	s11 =	sadd.s32 $0xF4280, s11;
	s21 =	spop (v2sf)  }
0x160: {  	(v2sf) =	vpush v3, $0x3;
	[tilespmem:s20], [sflag:$0x9] =	stream.linear.gather [hbm4b:s11+s4], $0x400, $0x38;
	[tilespmem:$0x1C680] =	vst v63  }
0x161: {  	s22 =	sand.u32 $0x7F, s21  }
0x162: {  	s20 =	sshra.s32 s21, $0x1F;
	p4 =	slt.s32 s21, $0x1;
	p3 =	sne.s32 s22, $0x0  }
0x163: {  	s18 =	sshrl.u32 s20, $0x19;
	p0 =	por !p4, !p3  }
0x164: {  	s11 =	sadd.s32 s18, s21;
	s18 =	simm.s32 $0x1;
	p0 =	por !p0, !p0  }
0x165: {  	s11 =	sshrl.u32 s11, $0x7;
	s18 =	simm.s32 @!p0 $0x0  }
0x166: {  	s11 =	ssub.s32 s11, s18  }
0x167: {  	s11 =	sshll.u32 s11, $0x7  }
0x168: {  	s11 =	sand.u32 $0x1FFFFF80, s11  }
0x169: {  	s22 =	simm.s32 $0x5C80;
	s21 =	sadd.s32 s1, s11  }
0x16a: {  	[tilespmem:s22], [sflag:$0x3] =	stream.linear.gather [hbm4b:s21+s4], $0x400, $0x38;
	[tilespmem:$0x1C680] =	vst v63  }
0x16b: {  	s18 =	sadd.s32 $0xF4280, s21;
	s21 =	simm.s32 $0xBC80  }
0x16c: {  	[tilespmem:s21], [sflag:$0x3] =	stream.linear.gather [hbm4b:s18+s4], $0x400, $0x38;
	[tilespmem:$0x1C680] =	vst v63  }
0x16d: {  	s11 =	sadd.s32 s2, s11;
	s22 =	simm.s32 $0x11C80  }
0x16e: {  	[tilespmem:s22], [sflag:$0x9] =	stream.linear.gather [hbm4b:s11+s4], $0x400, $0x38;
	[tilespmem:$0x1C680] =	vst v63  }
0x16f: {  	s20 =	simm.s32 $0x17C80;
	s11 =	sadd.s32 $0xF4280, s11;
	s21 =	spop (v2sf)  }
0x170: {  	[tilespmem:s20], [sflag:$0x9] =	stream.linear.gather [hbm4b:s11+s4], $0x400, $0x38;
	[tilespmem:$0x1C680] =	vst v63  }
0x171: {  	s22 =	sand.u32 $0x7F, s21  }
0x172: {  	s20 =	sshra.s32 s21, $0x1F;
	p6 =	slt.s32 s21, $0x1;
	p5 =	sne.s32 s22, $0x0  }
0x173: {  	s18 =	sshrl.u32 s20, $0x19;
	p0 =	por !p6, !p5  }
0x174: {  	s11 =	sadd.s32 s18, s21;
	s18 =	simm.s32 $0x1;
	p0 =	por !p0, !p0  }
0x175: {  	s11 =	sshrl.u32 s11, $0x7;
	s18 =	simm.s32 @!p0 $0x0  }
0x176: {  	s11 =	ssub.s32 s11, s18  }
0x177: {  	s11 =	sshll.u32 s11, $0x7  }
0x178: {  	s11 =	sand.u32 $0x1FFFFF80, s11  }
0x179: {  	s22 =	sadd.s32 $0x1, s16;
	s21 =	sadd.s32 s1, s11  }
0x17a: {  	[tilespmem:s23], [sflag:$0x3] =	stream.linear.gather [hbm4b:s21+s4], $0x400, $0x38;
	[tilespmem:$0x1C680] =	vst v63  }
0x17b: {  	p0 =	sgt.u32 s22, $0x7F;
	s18 =	sadd.s32 $0xF4280, s21  }
0x17c: {  	[tilespmem:s24], [sflag:$0x3] =	stream.linear.gather [hbm4b:s18+s4], $0x400, $0x38;
	[tilespmem:$0x1C680] =	vst v63  }
.Ltmp5:
0x17d: {  	_ = 	snop;
	(pc) =	sbr.rel @p0 .LBB2_6-.Ltmp5, $4  }
0x17e: {  	s11 =	sadd.s32 s2, s11  }
0x17f: {  	[tilespmem:s25], [sflag:$0x9] =	stream.linear.gather [hbm4b:s11+s4], $0x400, $0x38;
	[tilespmem:$0x1C680] =	vst v63  }
0x180: {  	s11 =	sadd.s32 $0xF4280, s11  }
0x181: {  	[tilespmem:s26], [sflag:$0x9] =	stream.linear.gather [hbm4b:s11+s4], $0x400, $0x38;
	[tilespmem:$0x1C680] =	vst v63  }
0x182: {  	_ =	swait.ge [sflag:s28], $0x2000  }
0x183: {  	[sflag:s28] =	ssyncset.done $0x0  }
0x184: {  	[sflag:s28] =	ssyncadd.s32 $0xFFFFE000  }
0x185: {  	_ =	swait.ge [sflag:s29], $0x2000  }
0x186: {  	s11 =	sadd.s32 $0xFFFFFFF4, s6;
	[sflag:s29] =	ssyncset.done $0x0  }
0x187: {  	s18 =	sand.u32 $0x1FC, s11;
	[sflag:s29] =	ssyncadd.s32 $0xFFFFE000  }
0x188: {  	v3 =	vld [tilespmem:s18+$0x200];
	_ =	sdelay $0x4  }
0x189: {  	(v2sf) =	vpush v3, $0x0;
	_ =	sdelay $0xe  }
0x18a: {  	s18 =	spop (v2sf)  }
0x18b: {  	s20 =	sand.u32 $0x7F, s18  }
0x18c: {  	s21 =	sshra.s32 s18, $0x1F;
	p0 =	slt.s32 s18, $0x1;
	p1 =	sne.s32 s20, $0x0  }
0x18d: {  	s22 =	sshrl.u32 s21, $0x19;
	p0 =	por !p0, !p1  }
0x18e: {  	s21 =	simm.s32 $0x1;
	s20 =	sadd.s32 s22, s18;
	p0 =	por !p0, !p0  }
0x18f: {  	s20 =	sshrl.u32 s20, $0x7;
	s21 =	simm.s32 @!p0 $0x0  }
0x190: {  	s20 =	ssub.s32 s21, s20  }
0x191: {  	s20 =	sshll.u32 s20, $0x7  }
0x192: {  	s18 =	sadd.s32 s18, s20  }
0x193: {  	(v2sf) =	vpush v3, $0x1;
	v4 =	vmov s18  }
0x194: {  	v4 =	vadd.s32 $0x600, v4  }
0x195: {  	v4 =	vbroadcast v4, $0x0;
	_ =	sdelay $0x1  }
0x196: {  	v5 =	vshll.u32 v4, $0x3  }
0x197: {  	v4 =	vand.u32 $0x7F, v4;
	v5 =	vand.u32 $0xFFFFFC00, v5  }
0x198: {  	v4 =	vor.u32 v4, v5  }
0x199: {  	v4 =	vadd.s32 v1, v4;
	_ =	sdelay $0x4  }
0x19a: {  	v45 =	vld.idx.msk [tilespmem:v4+s19+$0x0], $0xffff;
	_ =	sdelay $0x2  }
0x19b: {  	s18 =	spop (v2sf)  }
0x19c: {  	s21 =	sand.u32 $0x7F, s18  }
0x19d: {  	v6 =	vmov s11;
	s22 =	sshra.s32 s18, $0x1F;
	p1 =	slt.s32 s18, $0x1;
	p2 =	sne.s32 s21, $0x0;
	v5 =	vmul.f32 $5.000000000e-01, v45  }
0x19e: {  	v7 =	vshll.u32 v6, $0x3;
	s11 =	sshrl.u32 s22, $0x19;
	p0 =	por !p1, !p2  }
0x19f: {  	v6 =	vand.u32 $0x7C, v6;
	v7 =	vand.u32 $0xC00, v7;
	s20 =	simm.s32 $0x1;
	s11 =	sadd.s32 s11, s18;
	p0 =	por !p0, !p0;
	v5 =	vmul.f32 $1.442695020e+00, v5  }
0x1a0: {  	v6 =	vor.u32 v7, v6;
	s11 =	sshrl.u32 s11, $0x7;
	s20 =	simm.s32 @!p0 $0x0  }
0x1a1: {  	v6 =	vor.u32 v2, v6;
	s11 =	ssub.s32 s20, s11;
	(erf) = vpow2.f32 v5  }
0x1a2: {  	s11 =	sshll.u32 s11, $0x7  }
0x1a3: {  	s11 =	sadd.s32 s18, s11  }
0x1a4: {  	(v2sf) =	vpush v3, $0x2;
	v46 =	vmov s11  }
0x1a5: {  	v5 =	vadd.s32 $0x680, v46  }
0x1a6: {  	v47 =	vld.idx.msk [tilespmem:v6+s15+$0x0], $0xffff;
	v5 =	vbroadcast v5, $0x0;
	_ =	sdelay $0x1  }
0x1a7: {  	v4 =	vld.idx.msk [tilespmem:v4+s17+$0x0], $0xffff;
	v8 =	vshll.u32 v5, $0x3  }
0x1a8: {  	v5 =	vand.u32 $0x7F, v5;
	v8 =	vand.u32 $0xFFFFFC00, v8  }
0x1a9: {  	v5 =	vor.u32 v5, v8;
	v48 =	vpop (erf)  }
0x1aa: {  	v5 =	vadd.s32 v1, v5;
	v7 =	vmul.f32 v48, v47;
	_ =	sdelay $0x1  }
0x1ab: {  	v4 =	vadd.f32 v7, v4;
	_ =	sdelay $0x1  }
0x1ac: {  	[tilespmem:v6+s14+$0x0] =	vst.idx.msk $0xffff, v4  }
0x1ad: {  	v4 =	vld.idx.msk [tilespmem:v5+s19+$0x0], $0xffff;
	_ =	sdelay $0x2  }
0x1ae: {  	s11 =	spop (v2sf)  }
0x1af: {  	s20 =	sadd.s32 $0xFFFFFFF5, s6;
	s21 =	sand.u32 $0x7F, s11  }
0x1b0: {  	v49 =	vmov s20;
	s22 =	sshra.s32 s11, $0x1F;
	p3 =	slt.s32 s11, $0x1;
	p4 =	sne.s32 s21, $0x0;
	v4 =	vmul.f32 $5.000000000e-01, v4  }
0x1b1: {  	v50 =	vshll.u32 v49, $0x3;
	s18 =	sshrl.u32 s22, $0x19;
	p0 =	por !p3, !p4  }
0x1b2: {  	s20 =	simm.s32 $0x1;
	s18 =	sadd.s32 s18, s11;
	p0 =	por !p0, !p0;
	v7 =	vand.u32 $0xC00, v50;
	v6 =	vand.u32 $0x7D, v49;
	v4 =	vmul.f32 $1.442695020e+00, v4  }
0x1b3: {  	s18 =	sshrl.u32 s18, $0x7;
	s20 =	simm.s32 @!p0 $0x0;
	v6 =	vor.u32 v7, v6  }
0x1b4: {  	s18 =	ssub.s32 s20, s18;
	v6 =	vor.u32 v2, v6;
	(erf) = vpow2.f32 v4  }
0x1b5: {  	s18 =	sshll.u32 s18, $0x7  }
0x1b6: {  	s11 =	sadd.s32 s11, s18  }
0x1b7: {  	(v2sf) =	vpush v3, $0x3;
	v51 =	vmov s11  }
0x1b8: {  	v3 =	vadd.s32 $0x700, v51  }
0x1b9: {  	v3 =	vbroadcast v3, $0x0;
	v52 =	vld.idx.msk [tilespmem:v6+s15+$0x0], $0xffff;
	_ =	sdelay $0x1  }
0x1ba: {  	v53 =	vshll.u32 v3, $0x3;
	v5 =	vld.idx.msk [tilespmem:v5+s17+$0x0], $0xffff  }
0x1bb: {  	v3 =	vand.u32 $0x7F, v3;
	v7 =	vand.u32 $0xFFFFFC00, v53  }
0x1bc: {  	v3 =	vor.u32 v3, v7;
	v54 =	vpop (erf)  }
0x1bd: {  	v3 =	vadd.s32 v1, v3;
	v4 =	vmul.f32 v54, v52;
	_ =	sdelay $0x1  }
0x1be: {  	v4 =	vadd.f32 v4, v5;
	_ =	sdelay $0x1  }
0x1bf: {  	[tilespmem:v6+s14+$0x0] =	vst.idx.msk $0xffff, v4  }
0x1c0: {  	v4 =	vld.idx.msk [tilespmem:v3+s19+$0x0], $0xffff;
	_ =	sdelay $0x2  }
0x1c1: {  	s11 =	spop (v2sf)  }
0x1c2: {  	s21 =	sadd.s32 $0xFFFFFFF6, s6;
	s22 =	sand.u32 $0x7F, s11  }
0x1c3: {  	v55 =	vmov s21;
	s21 =	sshra.s32 s11, $0x1F;
	p5 =	slt.s32 s11, $0x1;
	p6 =	sne.s32 s22, $0x0;
	v4 =	vmul.f32 $5.000000000e-01, v4  }
0x1c4: {  	v56 =	vshll.u32 v55, $0x3;
	s18 =	sshrl.u32 s21, $0x19;
	p0 =	por !p5, !p6  }
0x1c5: {  	s20 =	simm.s32 $0x1;
	s18 =	sadd.s32 s18, s11;
	p0 =	por !p0, !p0;
	v5 =	vand.u32 $0x7E, v55;
	v6 =	vand.u32 $0xC00, v56;
	v4 =	vmul.f32 $1.442695020e+00, v4  }
0x1c6: {  	s18 =	sshrl.u32 s18, $0x7;
	s20 =	simm.s32 @!p0 $0x0;
	v5 =	vor.u32 v6, v5  }
0x1c7: {  	s18 =	ssub.s32 s20, s18;
	v5 =	vor.u32 v2, v5;
	(erf) = vpow2.f32 v4  }
0x1c8: {  	s18 =	sshll.u32 s18, $0x7  }
0x1c9: {  	s11 =	sadd.s32 s11, s18  }
0x1ca: {  	v57 =	vmov s11  }
0x1cb: {  	v4 =	vadd.s32 $0x780, v57  }
0x1cc: {  	v58 =	vld.idx.msk [tilespmem:v5+s15+$0x0], $0xffff;
	v4 =	vbroadcast v4, $0x0;
	_ =	sdelay $0x1  }
0x1cd: {  	v3 =	vld.idx.msk [tilespmem:v3+s17+$0x0], $0xffff;
	v59 =	vshll.u32 v4, $0x3  }
0x1ce: {  	v4 =	vand.u32 $0x7F, v4;
	v7 =	vand.u32 $0xFFFFFC00, v59  }
0x1cf: {  	v4 =	vor.u32 v4, v7;
	v60 =	vpop (erf)  }
0x1d0: {  	v4 =	vadd.s32 v1, v4;
	v6 =	vmul.f32 v60, v58;
	_ =	sdelay $0x1  }
0x1d1: {  	v3 =	vadd.f32 v6, v3;
	_ =	sdelay $0x1  }
0x1d2: {  	[tilespmem:v5+s14+$0x0] =	vst.idx.msk $0xffff, v3  }
0x1d3: {  	v3 =	vld.idx.msk [tilespmem:v4+s19+$0x0], $0xffff;
	_ =	sdelay $0x3  }
0x1d4: {  	s22 =	sadd.s32 $0xFFFFFFF7, s6  }
0x1d5: {  	v61 =	vmov s22;
	v3 =	vmul.f32 $5.000000000e-01, v3  }
0x1d6: {  	v62 =	vshll.u32 v61, $0x3  }
0x1d7: {  	v6 =	vand.u32 $0xC00, v62;
	v5 =	vand.u32 $0x7F, v61;
	v3 =	vmul.f32 $1.442695020e+00, v3  }
0x1d8: {  	v5 =	vor.u32 v6, v5  }
0x1d9: {  	v5 =	vor.u32 v2, v5;
	(erf) = vpow2.f32 v3;
	_ =	sdelay $0x4  }
0x1da: {  	v3 =	vld.idx.msk [tilespmem:v5+s15+$0x0], $0xffff;
	_ =	sdelay $0x1  }
0x1db: {  	v4 =	vld.idx.msk [tilespmem:v4+s17+$0x0], $0xffff;
	_ =	sdelay $0x1  }
0x1dc: {  	v63 =	vpop (erf)  }
0x1dd: {  	v3 =	vmul.f32 v63, v3;
	_ =	sdelay $0x1  }
0x1de: {  	v3 =	vadd.f32 v3, v4;
	_ =	sdelay $0x1  }
0x1df: {  	[tilespmem:v5+s14+$0x0] =	vst.idx.msk $0xffff, v3  }
.LBB2_6:
0x1e0: {  	p0 =	seq.s32 s6, $0x1F8  }
0x1e1: {  	v3 =	vld @!p0 [tilespmem:s10+$0x8];
	_ =	sdelay $0x4  }
0x1e2: {  	(v2sf) =	vpush @!p0 v3, $0x0;
	_ =	sdelay $0xe  }
0x1e3: {  	s11 =	spop @!p0 (v2sf)  }
0x1e4: {  	s18 =	sand.u32 @!p0 $0x7F, s11  }
0x1e5: {  	p1 =	slt.s32 @!p0 s11, $0x1;
	p2 =	sne.s32 @!p0 s18, $0x0  }
0x1e6: {  	(v2sf) =	vpush @!p0 v3, $0x1;
	s18 =	sshra.s32 @!p0 s11, $0x1F;
	p1 =	por @!p0 !p1, !p2  }
0x1e7: {  	s18 =	sshrl.u32 @!p0 s18, $0x19;
	p1 =	por @!p0 !p1, !p1  }
0x1e8: {  	s11 =	sadd.s32 @!p0 s18, s11;
	s18 =	simm.s32 @!p0 $0x1;
	p1 =	por !p1, p0  }
0x1e9: {  	s11 =	sshrl.u32 @!p0 s11, $0x7;
	s18 =	simm.s32 @p1 $0x0  }
0x1ea: {  	s11 =	ssub.s32 @!p0 s11, s18  }
0x1eb: {  	s11 =	sshll.u32 @!p0 s11, $0x7  }
0x1ec: {  	s18 =	sand.u32 @!p0 $0x1FFFFF80, s11  }
0x1ed: {  	s21 =	simm.s32 @!p0 $0x6480;
	s11 =	simm.s32 @!p0 $0x0;
	s20 =	sadd.s32 @!p0 s1, s18  }
0x1ee: {  	[tilespmem:s21], [sflag:$0x4] =	stream.linear.gather @!p0 [hbm4b:s20+s11], $0x400, $0x38;
	[tilespmem:$0x1C680] =	vst v63  }
0x1ef: {  	s20 =	sadd.s32 @!p0 $0xF4280, s20;
	s21 =	simm.s32 @!p0 $0xC480  }
0x1f0: {  	[tilespmem:s21], [sflag:$0x4] =	stream.linear.gather @!p0 [hbm4b:s20+s11], $0x400, $0x38;
	[tilespmem:$0x1C680] =	vst v63  }
0x1f1: {  	s18 =	sadd.s32 @!p0 s2, s18;
	s20 =	simm.s32 @!p0 $0x12480  }
0x1f2: {  	[tilespmem:s20], [sflag:$0xA] =	stream.linear.gather @!p0 [hbm4b:s18+s11], $0x400, $0x38;
	[tilespmem:$0x1C680] =	vst v63  }
0x1f3: {  	s18 =	sadd.s32 @!p0 $0xF4280, s18;
	s20 =	simm.s32 @!p0 $0x18480  }
0x1f4: {  	[tilespmem:s20], [sflag:$0xA] =	stream.linear.gather @!p0 [hbm4b:s18+s11], $0x400, $0x38;
	[tilespmem:$0x1C680] =	vst v63  }
0x1f5: {  	s18 =	spop @!p0 (v2sf)  }
0x1f6: {  	s20 =	sand.u32 @!p0 $0x7F, s18  }
0x1f7: {  	p1 =	slt.s32 @!p0 s18, $0x1;
	p2 =	sne.s32 @!p0 s20, $0x0  }
0x1f8: {  	(v2sf) =	vpush @!p0 v3, $0x2;
	s20 =	sshra.s32 @!p0 s18, $0x1F;
	p1 =	por @!p0 !p1, !p2  }
0x1f9: {  	s20 =	sshrl.u32 @!p0 s20, $0x19;
	p1 =	por @!p0 !p1, !p1  }
0x1fa: {  	s18 =	sadd.s32 @!p0 s20, s18;
	s20 =	simm.s32 @!p0 $0x1;
	p1 =	por !p1, p0  }
0x1fb: {  	s18 =	sshrl.u32 @!p0 s18, $0x7;
	s20 =	simm.s32 @p1 $0x0  }
0x1fc: {  	s18 =	ssub.s32 @!p0 s18, s20  }
0x1fd: {  	s18 =	sshll.u32 @!p0 s18, $0x7  }
0x1fe: {  	s18 =	sand.u32 @!p0 $0x1FFFFF80, s18  }
0x1ff: {  	s21 =	simm.s32 @!p0 $0x6880;
	s20 =	sadd.s32 @!p0 s1, s18  }
0x200: {  	[tilespmem:s21], [sflag:$0x4] =	stream.linear.gather @!p0 [hbm4b:s20+s11], $0x400, $0x38;
	[tilespmem:$0x1C680] =	vst v63  }
0x201: {  	s20 =	sadd.s32 @!p0 $0xF4280, s20;
	s21 =	simm.s32 @!p0 $0xC880  }
0x202: {  	[tilespmem:s21], [sflag:$0x4] =	stream.linear.gather @!p0 [hbm4b:s20+s11], $0x400, $0x38;
	[tilespmem:$0x1C680] =	vst v63  }
0x203: {  	s18 =	sadd.s32 @!p0 s2, s18;
	s20 =	simm.s32 @!p0 $0x12880  }
0x204: {  	[tilespmem:s20], [sflag:$0xA] =	stream.linear.gather @!p0 [hbm4b:s18+s11], $0x400, $0x38;
	[tilespmem:$0x1C680] =	vst v63  }
0x205: {  	s18 =	sadd.s32 @!p0 $0xF4280, s18;
	s20 =	simm.s32 @!p0 $0x18880  }
0x206: {  	[tilespmem:s20], [sflag:$0xA] =	stream.linear.gather @!p0 [hbm4b:s18+s11], $0x400, $0x38;
	[tilespmem:$0x1C680] =	vst v63  }
0x207: {  	s18 =	spop @!p0 (v2sf)  }
0x208: {  	s20 =	sand.u32 @!p0 $0x7F, s18  }
0x209: {  	p1 =	slt.s32 @!p0 s18, $0x1;
	p2 =	sne.s32 @!p0 s20, $0x0  }
0x20a: {  	(v2sf) =	vpush @!p0 v3, $0x3;
	s20 =	sshra.s32 @!p0 s18, $0x1F;
	p1 =	por @!p0 !p1, !p2  }
0x20b: {  	s20 =	sshrl.u32 @!p0 s20, $0x19;
	p1 =	por @!p0 !p1, !p1  }
0x20c: {  	s18 =	sadd.s32 @!p0 s20, s18;
	s20 =	simm.s32 @!p0 $0x1;
	p1 =	por !p1, p0  }
0x20d: {  	s18 =	sshrl.u32 @!p0 s18, $0x7;
	s20 =	simm.s32 @p1 $0x0  }
0x20e: {  	s18 =	ssub.s32 @!p0 s18, s20  }
0x20f: {  	s18 =	sshll.u32 @!p0 s18, $0x7  }
0x210: {  	s18 =	sand.u32 @!p0 $0x1FFFFF80, s18  }
0x211: {  	s21 =	simm.s32 @!p0 $0x6C80;
	s20 =	sadd.s32 @!p0 s1, s18  }
0x212: {  	[tilespmem:s21], [sflag:$0x4] =	stream.linear.gather @!p0 [hbm4b:s20+s11], $0x400, $0x38;
	[tilespmem:$0x1C680] =	vst v63  }
0x213: {  	s20 =	sadd.s32 @!p0 $0xF4280, s20;
	s21 =	simm.s32 @!p0 $0xCC80  }
0x214: {  	[tilespmem:s21], [sflag:$0x4] =	stream.linear.gather @!p0 [hbm4b:s20+s11], $0x400, $0x38;
	[tilespmem:$0x1C680] =	vst v63  }
0x215: {  	s18 =	sadd.s32 @!p0 s2, s18;
	s20 =	simm.s32 @!p0 $0x12C80  }
0x216: {  	[tilespmem:s20], [sflag:$0xA] =	stream.linear.gather @!p0 [hbm4b:s18+s11], $0x400, $0x38;
	[tilespmem:$0x1C680] =	vst v63  }
0x217: {  	s18 =	sadd.s32 @!p0 $0xF4280, s18;
	s20 =	simm.s32 @!p0 $0x18C80  }
0x218: {  	[tilespmem:s20], [sflag:$0xA] =	stream.linear.gather @!p0 [hbm4b:s18+s11], $0x400, $0x38;
	[tilespmem:$0x1C680] =	vst v63  }
0x219: {  	s18 =	spop @!p0 (v2sf)  }
0x21a: {  	s20 =	sand.u32 @!p0 $0x7F, s18  }
0x21b: {  	p1 =	slt.s32 @!p0 s18, $0x1;
	p2 =	sne.s32 @!p0 s20, $0x0  }
0x21c: {  	s20 =	sshra.s32 @!p0 s18, $0x1F;
	p1 =	por @!p0 !p1, !p2  }
0x21d: {  	s20 =	sshrl.u32 @!p0 s20, $0x19;
	p1 =	por @!p0 !p1, !p1  }
0x21e: {  	s21 =	simm.s32 @!p0 $0x1;
	s18 =	sadd.s32 @!p0 s20, s18;
	p1 =	por !p1, p0  }
0x21f: {  	s18 =	sshrl.u32 @!p0 s18, $0x7;
	s21 =	simm.s32 @p1 $0x0  }
0x220: {  	s18 =	ssub.s32 @!p0 s18, s21  }
0x221: {  	s18 =	sshll.u32 @!p0 s18, $0x7  }
0x222: {  	s18 =	sand.u32 @!p0 $0x1FFFFF80, s18  }
0x223: {  	s21 =	simm.s32 @!p0 $0x7080;
	s20 =	sadd.s32 @!p0 s1, s18  }
0x224: {  	[tilespmem:s21], [sflag:$0x4] =	stream.linear.gather @!p0 [hbm4b:s20+s11], $0x400, $0x38;
	[tilespmem:$0x1C680] =	vst v63  }
0x225: {  	s20 =	sadd.s32 @!p0 $0xF4280, s20;
	s21 =	simm.s32 @!p0 $0xD080  }
0x226: {  	[tilespmem:s21], [sflag:$0x4] =	stream.linear.gather @!p0 [hbm4b:s20+s11], $0x400, $0x38;
	[tilespmem:$0x1C680] =	vst v63  }
0x227: {  	s18 =	sadd.s32 @!p0 s2, s18;
	s20 =	simm.s32 @!p0 $0x13080  }
0x228: {  	[tilespmem:s20], [sflag:$0xA] =	stream.linear.gather @!p0 [hbm4b:s18+s11], $0x400, $0x38;
	[tilespmem:$0x1C680] =	vst v63  }
0x229: {  	s18 =	sadd.s32 @!p0 $0xF4280, s18;
	s20 =	simm.s32 @!p0 $0x19080  }
0x22a: {  	[tilespmem:s20], [sflag:$0xA] =	stream.linear.gather @!p0 [hbm4b:s18+s11], $0x400, $0x38;
	[tilespmem:$0x1C680] =	vst v63  }
0x22b: {  	s11 =	sadd.s32 @!p0 $0x2, s16  }
0x22c: {  	p1 =	sgt.u32 @!p0 s11, $0x7F  }
0x22d: {  	p1 =	por p0, !p1  }
.Ltmp6:
0x22e: {  	_ = 	snop;
	(pc) =	sbr.rel @!p1 .LBB2_8-.Ltmp6, $1  }
0x22f: {  	_ =	sdelay $0x3  }
0x230: {  	_ =	swait.ge [sflag:s30], $0x2000  }
0x231: {  	[sflag:s30] =	ssyncset.done $0x0  }
0x232: {  	[sflag:s30] =	ssyncadd.s32 $0xFFFFE000  }
0x233: {  	s11 =	simm.s32 @p0 $0x7C;
	_ =	swait.ge [sflag:s31], $0x2000  }
0x234: {  	s18 =	sshll.u32 s11, $0x2;
	[sflag:s31] =	ssyncset.done $0x0  }
0x235: {  	s20 =	sand.u32 $0x1F8, s18;
	[sflag:s31] =	ssyncadd.s32 $0xFFFFE000  }
0x236: {  	v3 =	vld [tilespmem:s20+$0x200];
	_ =	sdelay $0x4  }
0x237: {  	(v2sf) =	vpush v3, $0x0;
	_ =	sdelay $0xe  }
0x238: {  	s20 =	spop (v2sf)  }
0x239: {  	s21 =	sand.u32 $0x7F, s20  }
0x23a: {  	s22 =	sshra.s32 s20, $0x1F;
	p1 =	slt.s32 s20, $0x1;
	p2 =	sne.s32 s21, $0x0  }
0x23b: {  	s22 =	sshrl.u32 s22, $0x19;
	p1 =	por !p1, !p2  }
0x23c: {  	s21 =	sadd.s32 s22, s20;
	s22 =	simm.s32 $0x1;
	p1 =	por !p1, !p1  }
0x23d: {  	s21 =	sshrl.u32 s21, $0x7;
	s22 =	simm.s32 @!p1 $0x0  }
0x23e: {  	s21 =	ssub.s32 s22, s21  }
0x23f: {  	s21 =	sshll.u32 s21, $0x7  }
0x240: {  	s20 =	sadd.s32 s20, s21  }
0x241: {  	(v2sf) =	vpush v3, $0x1;
	v4 =	vmov s20  }
0x242: {  	v4 =	vadd.s32 $0x800, v4  }
0x243: {  	v4 =	vbroadcast v4, $0x0;
	_ =	sdelay $0x1  }
0x244: {  	v5 =	vshll.u32 v4, $0x3  }
0x245: {  	v4 =	vand.u32 $0x7F, v4;
	v5 =	vand.u32 $0xFFFFFC00, v5  }
0x246: {  	v4 =	vor.u32 v4, v5  }
0x247: {  	v4 =	vadd.s32 v1, v4;
	_ =	sdelay $0x4  }
0x248: {  	v45 =	vld.idx.msk [tilespmem:v4+s19+$0x0], $0xffff;
	_ =	sdelay $0x2  }
0x249: {  	s20 =	spop (v2sf)  }
0x24a: {  	s21 =	sand.u32 $0x7F, s20  }
0x24b: {  	v6 =	vmov s18;
	s22 =	sshra.s32 s20, $0x1F;
	p5 =	slt.s32 s20, $0x1;
	p6 =	sne.s32 s21, $0x0;
	v5 =	vmul.f32 $5.000000000e-01, v45  }
0x24c: {  	v7 =	vshll.u32 v6, $0x3;
	s22 =	sshrl.u32 s22, $0x19;
	p1 =	por !p5, !p6  }
0x24d: {  	v6 =	vand.u32 $0x78, v6;
	v7 =	vand.u32 $0xC00, v7;
	s21 =	sadd.s32 s22, s20;
	s22 =	simm.s32 $0x1;
	p1 =	por !p1, !p1;
	v5 =	vmul.f32 $1.442695020e+00, v5  }
0x24e: {  	v6 =	vor.u32 v7, v6;
	s21 =	sshrl.u32 s21, $0x7;
	s22 =	simm.s32 @!p1 $0x0  }
0x24f: {  	v6 =	vor.u32 v2, v6;
	s21 =	ssub.s32 s22, s21;
	(erf) = vpow2.f32 v5  }
0x250: {  	s21 =	sshll.u32 s21, $0x7  }
0x251: {  	s20 =	sadd.s32 s20, s21  }
0x252: {  	(v2sf) =	vpush v3, $0x2;
	v46 =	vmov s20  }
0x253: {  	v5 =	vadd.s32 $0x880, v46  }
0x254: {  	v47 =	vld.idx.msk [tilespmem:v6+s15+$0x0], $0xffff;
	v5 =	vbroadcast v5, $0x0;
	_ =	sdelay $0x1  }
0x255: {  	v4 =	vld.idx.msk [tilespmem:v4+s17+$0x0], $0xffff;
	v8 =	vshll.u32 v5, $0x3  }
0x256: {  	v5 =	vand.u32 $0x7F, v5;
	v8 =	vand.u32 $0xFFFFFC00, v8  }
0x257: {  	v5 =	vor.u32 v5, v8;
	v48 =	vpop (erf)  }
0x258: {  	v5 =	vadd.s32 v1, v5;
	v7 =	vmul.f32 v48, v47;
	_ =	sdelay $0x1  }
0x259: {  	v4 =	vadd.f32 v7, v4;
	_ =	sdelay $0x1  }
0x25a: {  	[tilespmem:v6+s14+$0x0] =	vst.idx.msk $0xffff, v4  }
0x25b: {  	v4 =	vld.idx.msk [tilespmem:v5+s19+$0x0], $0xffff;
	_ =	sdelay $0x2  }
0x25c: {  	s20 =	spop (v2sf)  }
0x25d: {  	s21 =	sor.u32 $0x1, s18;
	s22 =	sand.u32 $0x7F, s20  }
0x25e: {  	v49 =	vmov s21;
	s21 =	sshra.s32 s20, $0x1F;
	p3 =	slt.s32 s20, $0x1;
	p4 =	sne.s32 s22, $0x0;
	v4 =	vmul.f32 $5.000000000e-01, v4  }
0x25f: {  	v50 =	vshll.u32 v49, $0x3;
	s21 =	sshrl.u32 s21, $0x19;
	p1 =	por !p3, !p4  }
0x260: {  	s22 =	simm.s32 $0x1;
	s21 =	sadd.s32 s21, s20;
	p1 =	por !p1, !p1;
	v7 =	vand.u32 $0xC00, v50;
	v6 =	vand.u32 $0x79, v49;
	v4 =	vmul.f32 $1.442695020e+00, v4  }
0x261: {  	s21 =	sshrl.u32 s21, $0x7;
	s22 =	simm.s32 @!p1 $0x0;
	v6 =	vor.u32 v7, v6  }
0x262: {  	s21 =	ssub.s32 s22, s21;
	v6 =	vor.u32 v2, v6;
	(erf) = vpow2.f32 v4  }
0x263: {  	s21 =	sshll.u32 s21, $0x7  }
0x264: {  	s20 =	sadd.s32 s20, s21  }
0x265: {  	(v2sf) =	vpush v3, $0x3;
	v51 =	vmov s20  }
0x266: {  	v3 =	vadd.s32 $0x900, v51  }
0x267: {  	v3 =	vbroadcast v3, $0x0;
	v52 =	vld.idx.msk [tilespmem:v6+s15+$0x0], $0xffff;
	_ =	sdelay $0x1  }
0x268: {  	v53 =	vshll.u32 v3, $0x3;
	v5 =	vld.idx.msk [tilespmem:v5+s17+$0x0], $0xffff  }
0x269: {  	v3 =	vand.u32 $0x7F, v3;
	v7 =	vand.u32 $0xFFFFFC00, v53  }
0x26a: {  	v3 =	vor.u32 v3, v7;
	v54 =	vpop (erf)  }
0x26b: {  	v3 =	vadd.s32 v1, v3;
	v4 =	vmul.f32 v54, v52;
	_ =	sdelay $0x1  }
0x26c: {  	v4 =	vadd.f32 v4, v5;
	_ =	sdelay $0x1  }
0x26d: {  	[tilespmem:v6+s14+$0x0] =	vst.idx.msk $0xffff, v4  }
0x26e: {  	v4 =	vld.idx.msk [tilespmem:v3+s19+$0x0], $0xffff;
	_ =	sdelay $0x2  }
0x26f: {  	s20 =	spop (v2sf)  }
0x270: {  	s18 =	sor.u32 $0x2, s18;
	s21 =	sand.u32 $0x7F, s20  }
0x271: {  	v55 =	vmov s18;
	s22 =	sshra.s32 s20, $0x1F;
	p5 =	slt.s32 s20, $0x1;
	p6 =	sne.s32 s21, $0x0;
	v4 =	vmul.f32 $5.000000000e-01, v4  }
0x272: {  	v56 =	vshll.u32 v55, $0x3;
	s18 =	sshrl.u32 s22, $0x19;
	p1 =	por !p5, !p6  }
0x273: {  	s21 =	simm.s32 $0x1;
	s18 =	sadd.s32 s18, s20;
	p1 =	por !p1, !p1;
	v5 =	vand.u32 $0x7A, v55;
	v6 =	vand.u32 $0xC00, v56;
	v4 =	vmul.f32 $1.442695020e+00, v4  }
0x274: {  	s18 =	sshrl.u32 s18, $0x7;
	s21 =	simm.s32 @!p1 $0x0;
	v5 =	vor.u32 v6, v5  }
0x275: {  	s18 =	ssub.s32 s21, s18;
	v5 =	vor.u32 v2, v5;
	(erf) = vpow2.f32 v4  }
0x276: {  	s18 =	sshll.u32 s18, $0x7  }
0x277: {  	s18 =	sadd.s32 s20, s18  }
0x278: {  	v57 =	vmov s18  }
0x279: {  	v4 =	vadd.s32 $0x980, v57  }
0x27a: {  	v58 =	vld.idx.msk [tilespmem:v5+s15+$0x0], $0xffff;
	v4 =	vbroadcast v4, $0x0;
	_ =	sdelay $0x1  }
0x27b: {  	v3 =	vld.idx.msk [tilespmem:v3+s17+$0x0], $0xffff;
	v59 =	vshll.u32 v4, $0x3  }
0x27c: {  	v4 =	vand.u32 $0x7F, v4;
	v7 =	vand.u32 $0xFFFFFC00, v59  }
0x27d: {  	v4 =	vor.u32 v4, v7;
	v60 =	vpop (erf)  }
0x27e: {  	v4 =	vadd.s32 v1, v4;
	v6 =	vmul.f32 v60, v58;
	_ =	sdelay $0x1  }
0x27f: {  	v3 =	vadd.f32 v6, v3;
	_ =	sdelay $0x1  }
0x280: {  	[tilespmem:v5+s14+$0x0] =	vst.idx.msk $0xffff, v3  }
0x281: {  	v3 =	vld.idx.msk [tilespmem:v4+s19+$0x0], $0xffff;
	_ =	sdelay $0x3  }
0x282: {  	s11 =	sshllo.u32 s11, $0x2  }
0x283: {  	v61 =	vmov s11;
	v3 =	vmul.f32 $5.000000000e-01, v3  }
0x284: {  	v62 =	vshll.u32 v61, $0x3  }
0x285: {  	v6 =	vand.u32 $0xC00, v62;
	v5 =	vand.u32 $0x7B, v61;
	v3 =	vmul.f32 $1.442695020e+00, v3  }
0x286: {  	v5 =	vor.u32 v6, v5  }
0x287: {  	v5 =	vor.u32 v2, v5;
	(erf) = vpow2.f32 v3;
	_ =	sdelay $0x4  }
0x288: {  	v3 =	vld.idx.msk [tilespmem:v5+s15+$0x0], $0xffff;
	_ =	sdelay $0x1  }
0x289: {  	v4 =	vld.idx.msk [tilespmem:v4+s17+$0x0], $0xffff;
	_ =	sdelay $0x1  }
0x28a: {  	v63 =	vpop (erf)  }
.Ltmp7:
0x28b: {  	v3 =	vmul.f32 v63, v3;
	(pc) =	sbr.rel @p0 .LBB2_9-.Ltmp7, $3  }
0x28c: {  	_ = 	snop  }
0x28d: {  	v3 =	vadd.f32 v3, v4;
	_ =	sdelay $0x1  }
0x28e: {  	s11 =	simm.s32 $0x7D;
	[tilespmem:v5+s14+$0x0] =	vst.idx.msk $0xffff, v3  }
.LBB2_8:
0x28f: {  	v3 =	vld [tilespmem:s10+$0xC];
	_ =	sdelay $0x4  }
0x290: {  	(v2sf) =	vpush v3, $0x0;
	_ =	sdelay $0xe  }
0x291: {  	s11 =	spop (v2sf);
	(v2sf) =	vpush v3, $0x1  }
0x292: {  	s18 =	sand.u32 $0x7F, s11  }
0x293: {  	s20 =	sshra.s32 s11, $0x1F;
	p2 =	slt.s32 s11, $0x1;
	p1 =	sne.s32 s18, $0x0  }
0x294: {  	s18 =	sshrl.u32 s20, $0x19;
	p1 =	por !p2, !p1  }
0x295: {  	s11 =	sadd.s32 s18, s11;
	s18 =	simm.s32 $0x1;
	p1 =	por !p1, !p1  }
0x296: {  	s11 =	sshrl.u32 s11, $0x7;
	s18 =	simm.s32 @!p1 $0x0  }
0x297: {  	s11 =	ssub.s32 s11, s18  }
0x298: {  	s11 =	sshll.u32 s11, $0x7  }
0x299: {  	s11 =	sand.u32 $0x1FFFFF80, s11  }
0x29a: {  	s20 =	simm.s32 $0x7480;
	s21 =	sadd.s32 s1, s11  }
0x29b: {  	[tilespmem:s20], [sflag:$0x5] =	stream.linear.gather [hbm4b:s21+s4], $0x400, $0x38;
	[tilespmem:$0x1C680] =	vst v63  }
0x29c: {  	s22 =	simm.s32 $0xD480;
	s18 =	sadd.s32 $0xF4280, s21  }
0x29d: {  	[tilespmem:s22], [sflag:$0x5] =	stream.linear.gather [hbm4b:s18+s4], $0x400, $0x38;
	[tilespmem:$0x1C680] =	vst v63  }
0x29e: {  	s11 =	sadd.s32 s2, s11;
	s20 =	simm.s32 $0x13480  }
0x29f: {  	[tilespmem:s20], [sflag:$0xB] =	stream.linear.gather [hbm4b:s11+s4], $0x400, $0x38;
	[tilespmem:$0x1C680] =	vst v63  }
0x2a0: {  	s21 =	simm.s32 $0x19480;
	s11 =	sadd.s32 $0xF4280, s11;
	s22 =	spop (v2sf)  }
0x2a1: {  	(v2sf) =	vpush v3, $0x2;
	[tilespmem:s21], [sflag:$0xB] =	stream.linear.gather [hbm4b:s11+s4], $0x400, $0x38;
	[tilespmem:$0x1C680] =	vst v63  }
0x2a2: {  	s20 =	sand.u32 $0x7F, s22  }
0x2a3: {  	s21 =	sshra.s32 s22, $0x1F;
	p6 =	slt.s32 s22, $0x1;
	p5 =	sne.s32 s20, $0x0  }
0x2a4: {  	s18 =	sshrl.u32 s21, $0x19;
	p1 =	por !p6, !p5  }
0x2a5: {  	s11 =	sadd.s32 s18, s22;
	s18 =	simm.s32 $0x1;
	p1 =	por !p1, !p1  }
0x2a6: {  	s11 =	sshrl.u32 s11, $0x7;
	s18 =	simm.s32 @!p1 $0x0  }
0x2a7: {  	s11 =	ssub.s32 s11, s18  }
0x2a8: {  	s11 =	sshll.u32 s11, $0x7  }
0x2a9: {  	s11 =	sand.u32 $0x1FFFFF80, s11  }
0x2aa: {  	s21 =	simm.s32 $0x7880;
	s22 =	sadd.s32 s1, s11  }
0x2ab: {  	[tilespmem:s21], [sflag:$0x5] =	stream.linear.gather [hbm4b:s22+s4], $0x400, $0x38;
	[tilespmem:$0x1C680] =	vst v63  }
0x2ac: {  	s18 =	sadd.s32 $0xF4280, s22;
	s22 =	simm.s32 $0xD880  }
0x2ad: {  	[tilespmem:s22], [sflag:$0x5] =	stream.linear.gather [hbm4b:s18+s4], $0x400, $0x38;
	[tilespmem:$0x1C680] =	vst v63  }
0x2ae: {  	s20 =	simm.s32 $0x13880;
	s11 =	sadd.s32 s2, s11  }
0x2af: {  	[tilespmem:s20], [sflag:$0xB] =	stream.linear.gather [hbm4b:s11+s4], $0x400, $0x38;
	[tilespmem:$0x1C680] =	vst v63  }
0x2b0: {  	s21 =	simm.s32 $0x19880;
	s11 =	sadd.s32 $0xF4280, s11;
	s22 =	spop (v2sf)  }
0x2b1: {  	(v2sf) =	vpush v3, $0x3;
	[tilespmem:s21], [sflag:$0xB] =	stream.linear.gather [hbm4b:s11+s4], $0x400, $0x38;
	[tilespmem:$0x1C680] =	vst v63  }
0x2b2: {  	s20 =	sand.u32 $0x7F, s22  }
0x2b3: {  	s21 =	sshra.s32 s22, $0x1F;
	p4 =	slt.s32 s22, $0x1;
	p3 =	sne.s32 s20, $0x0  }
0x2b4: {  	s18 =	sshrl.u32 s21, $0x19;
	p1 =	por !p4, !p3  }
0x2b5: {  	s11 =	sadd.s32 s18, s22;
	s18 =	simm.s32 $0x1;
	p1 =	por !p1, !p1  }
0x2b6: {  	s11 =	sshrl.u32 s11, $0x7;
	s18 =	simm.s32 @!p1 $0x0  }
0x2b7: {  	s11 =	ssub.s32 s11, s18  }
0x2b8: {  	s11 =	sshll.u32 s11, $0x7  }
0x2b9: {  	s11 =	sand.u32 $0x1FFFFF80, s11  }
0x2ba: {  	s21 =	simm.s32 $0x7C80;
	s22 =	sadd.s32 s1, s11  }
0x2bb: {  	[tilespmem:s21], [sflag:$0x5] =	stream.linear.gather [hbm4b:s22+s4], $0x400, $0x38;
	[tilespmem:$0x1C680] =	vst v63  }
0x2bc: {  	s18 =	sadd.s32 $0xF4280, s22;
	s22 =	simm.s32 $0xDC80  }
0x2bd: {  	[tilespmem:s22], [sflag:$0x5] =	stream.linear.gather [hbm4b:s18+s4], $0x400, $0x38;
	[tilespmem:$0x1C680] =	vst v63  }
0x2be: {  	s20 =	simm.s32 $0x13C80;
	s11 =	sadd.s32 s2, s11  }
0x2bf: {  	[tilespmem:s20], [sflag:$0xB] =	stream.linear.gather [hbm4b:s11+s4], $0x400, $0x38;
	[tilespmem:$0x1C680] =	vst v63  }
0x2c0: {  	s21 =	simm.s32 $0x19C80;
	s11 =	sadd.s32 $0xF4280, s11;
	s22 =	spop (v2sf)  }
0x2c1: {  	[tilespmem:s21], [sflag:$0xB] =	stream.linear.gather [hbm4b:s11+s4], $0x400, $0x38;
	[tilespmem:$0x1C680] =	vst v63  }
0x2c2: {  	s20 =	sand.u32 $0x7F, s22  }
0x2c3: {  	s21 =	sshra.s32 s22, $0x1F;
	p6 =	slt.s32 s22, $0x1;
	p5 =	sne.s32 s20, $0x0  }
0x2c4: {  	s18 =	sshrl.u32 s21, $0x19;
	p1 =	por !p6, !p5  }
0x2c5: {  	s11 =	sadd.s32 s18, s22;
	s18 =	simm.s32 $0x1;
	p1 =	por !p1, !p1  }
0x2c6: {  	s11 =	sshrl.u32 s11, $0x7;
	s18 =	simm.s32 @!p1 $0x0  }
0x2c7: {  	s11 =	ssub.s32 s11, s18  }
0x2c8: {  	s11 =	sshll.u32 s11, $0x7  }
0x2c9: {  	s11 =	sand.u32 $0x1FFFFF80, s11  }
0x2ca: {  	s21 =	simm.s32 $0x8080;
	s22 =	sadd.s32 s1, s11  }
0x2cb: {  	[tilespmem:s21], [sflag:$0x5] =	stream.linear.gather [hbm4b:s22+s4], $0x400, $0x38;
	[tilespmem:$0x1C680] =	vst v63  }
0x2cc: {  	s18 =	sadd.s32 $0xF4280, s22;
	s22 =	simm.s32 $0xE080  }
0x2cd: {  	[tilespmem:s22], [sflag:$0x5] =	stream.linear.gather [hbm4b:s18+s4], $0x400, $0x38;
	[tilespmem:$0x1C680] =	vst v63  }
0x2ce: {  	s11 =	sadd.s32 s2, s11;
	s21 =	simm.s32 $0x14080  }
0x2cf: {  	[tilespmem:s21], [sflag:$0xB] =	stream.linear.gather [hbm4b:s11+s4], $0x400, $0x38;
	[tilespmem:$0x1C680] =	vst v63  }
0x2d0: {  	s22 =	simm.s32 $0x1A080;
	s11 =	sadd.s32 $0xF4280, s11  }
0x2d1: {  	[tilespmem:s22], [sflag:$0xB] =	stream.linear.gather [hbm4b:s11+s4], $0x400, $0x38;
	[tilespmem:$0x1C680] =	vst v63  }
0x2d2: {  	s11 =	sadd.s32 $0x3, s16  }
0x2d3: {  	p1 =	sgt.u32 s11, $0x7F  }
.Ltmp8:
0x2d4: {  	_ = 	snop;
	(pc) =	sbr.rel @p1 .LBB2_10-.Ltmp8, $1  }
0x2d5: {  	_ =	sdelay $0x3  }
.LBB2_9:
0x2d6: {  	_ =	swait.ge [sflag:s0], $0x2000  }
0x2d7: {  	[sflag:s0] =	ssyncset.done $0x0  }
0x2d8: {  	[sflag:s0] =	ssyncadd.s32 $0xFFFFE000  }
0x2d9: {  	_ =	swait.ge [sflag:s3], $0x2000  }
0x2da: {  	s18 =	sshll.u32 s11, $0x2;
	[sflag:s3] =	ssyncset.done $0x0  }
0x2db: {  	s20 =	sand.u32 $0x1FC, s18;
	[sflag:s3] =	ssyncadd.s32 $0xFFFFE000  }
0x2dc: {  	v3 =	vld [tilespmem:s20+$0x200];
	_ =	sdelay $0x4  }
0x2dd: {  	(v2sf) =	vpush v3, $0x0;
	_ =	sdelay $0xe  }
0x2de: {  	s20 =	spop (v2sf)  }
0x2df: {  	s21 =	sand.u32 $0x7F, s20  }
0x2e0: {  	s22 =	sshra.s32 s20, $0x1F;
	p1 =	slt.s32 s20, $0x1;
	p2 =	sne.s32 s21, $0x0  }
0x2e1: {  	s22 =	sshrl.u32 s22, $0x19;
	p1 =	por !p1, !p2  }
0x2e2: {  	s21 =	sadd.s32 s22, s20;
	s22 =	simm.s32 $0x1;
	p1 =	por !p1, !p1  }
0x2e3: {  	s21 =	sshrl.u32 s21, $0x7;
	s22 =	simm.s32 @!p1 $0x0  }
0x2e4: {  	s21 =	ssub.s32 s22, s21  }
0x2e5: {  	s21 =	sshll.u32 s21, $0x7  }
0x2e6: {  	s20 =	sadd.s32 s20, s21  }
0x2e7: {  	(v2sf) =	vpush v3, $0x1;
	v4 =	vmov s20  }
0x2e8: {  	v4 =	vadd.s32 $0xA00, v4  }
0x2e9: {  	v4 =	vbroadcast v4, $0x0;
	_ =	sdelay $0x1  }
0x2ea: {  	v5 =	vshll.u32 v4, $0x3  }
0x2eb: {  	v4 =	vand.u32 $0x7F, v4;
	v5 =	vand.u32 $0xFFFFFC00, v5  }
0x2ec: {  	v4 =	vor.u32 v4, v5  }
0x2ed: {  	v4 =	vadd.s32 v1, v4;
	_ =	sdelay $0x4  }
0x2ee: {  	v45 =	vld.idx.msk [tilespmem:v4+s19+$0x0], $0xffff;
	_ =	sdelay $0x2  }
0x2ef: {  	s20 =	spop (v2sf)  }
0x2f0: {  	s21 =	sand.u32 $0x7F, s20  }
0x2f1: {  	v6 =	vmov s18;
	s22 =	sshra.s32 s20, $0x1F;
	p5 =	slt.s32 s20, $0x1;
	p6 =	sne.s32 s21, $0x0;
	v5 =	vmul.f32 $5.000000000e-01, v45  }
0x2f2: {  	v7 =	vshll.u32 v6, $0x3;
	s22 =	sshrl.u32 s22, $0x19;
	p1 =	por !p5, !p6  }
0x2f3: {  	v6 =	vand.u32 $0x7C, v6;
	v7 =	vand.u32 $0xC00, v7;
	s21 =	sadd.s32 s22, s20;
	s22 =	simm.s32 $0x1;
	p1 =	por !p1, !p1;
	v5 =	vmul.f32 $1.442695020e+00, v5  }
0x2f4: {  	v6 =	vor.u32 v7, v6;
	s21 =	sshrl.u32 s21, $0x7;
	s22 =	simm.s32 @!p1 $0x0  }
0x2f5: {  	v6 =	vor.u32 v2, v6;
	s21 =	ssub.s32 s22, s21;
	(erf) = vpow2.f32 v5  }
0x2f6: {  	s21 =	sshll.u32 s21, $0x7  }
0x2f7: {  	s20 =	sadd.s32 s20, s21  }
0x2f8: {  	(v2sf) =	vpush v3, $0x2;
	v46 =	vmov s20  }
0x2f9: {  	v5 =	vadd.s32 $0xA80, v46  }
0x2fa: {  	v47 =	vld.idx.msk [tilespmem:v6+s15+$0x0], $0xffff;
	v5 =	vbroadcast v5, $0x0;
	_ =	sdelay $0x1  }
0x2fb: {  	v4 =	vld.idx.msk [tilespmem:v4+s17+$0x0], $0xffff;
	v8 =	vshll.u32 v5, $0x3  }
0x2fc: {  	v5 =	vand.u32 $0x7F, v5;
	v8 =	vand.u32 $0xFFFFFC00, v8  }
0x2fd: {  	v5 =	vor.u32 v5, v8;
	v48 =	vpop (erf)  }
0x2fe: {  	v5 =	vadd.s32 v1, v5;
	v7 =	vmul.f32 v48, v47;
	_ =	sdelay $0x1  }
0x2ff: {  	v4 =	vadd.f32 v7, v4;
	_ =	sdelay $0x1  }
0x300: {  	[tilespmem:v6+s14+$0x0] =	vst.idx.msk $0xffff, v4  }
0x301: {  	v4 =	vld.idx.msk [tilespmem:v5+s19+$0x0], $0xffff;
	_ =	sdelay $0x2  }
0x302: {  	s20 =	spop (v2sf)  }
0x303: {  	s21 =	sor.u32 $0x1, s18;
	s22 =	sand.u32 $0x7F, s20  }
0x304: {  	v49 =	vmov s21;
	s21 =	sshra.s32 s20, $0x1F;
	p3 =	slt.s32 s20, $0x1;
	p4 =	sne.s32 s22, $0x0;
	v4 =	vmul.f32 $5.000000000e-01, v4  }
0x305: {  	v50 =	vshll.u32 v49, $0x3;
	s21 =	sshrl.u32 s21, $0x19;
	p1 =	por !p3, !p4  }
0x306: {  	s22 =	simm.s32 $0x1;
	s21 =	sadd.s32 s21, s20;
	p1 =	por !p1, !p1;
	v7 =	vand.u32 $0xC00, v50;
	v6 =	vand.u32 $0x7D, v49;
	v4 =	vmul.f32 $1.442695020e+00, v4  }
0x307: {  	s21 =	sshrl.u32 s21, $0x7;
	s22 =	simm.s32 @!p1 $0x0;
	v6 =	vor.u32 v7, v6  }
0x308: {  	s21 =	ssub.s32 s22, s21;
	v6 =	vor.u32 v2, v6;
	(erf) = vpow2.f32 v4  }
0x309: {  	s21 =	sshll.u32 s21, $0x7  }
0x30a: {  	s20 =	sadd.s32 s20, s21  }
0x30b: {  	(v2sf) =	vpush v3, $0x3;
	v51 =	vmov s20  }
0x30c: {  	v3 =	vadd.s32 $0xB00, v51  }
0x30d: {  	v3 =	vbroadcast v3, $0x0;
	v52 =	vld.idx.msk [tilespmem:v6+s15+$0x0], $0xffff;
	_ =	sdelay $0x1  }
0x30e: {  	v53 =	vshll.u32 v3, $0x3;
	v5 =	vld.idx.msk [tilespmem:v5+s17+$0x0], $0xffff  }
0x30f: {  	v3 =	vand.u32 $0x7F, v3;
	v7 =	vand.u32 $0xFFFFFC00, v53  }
0x310: {  	v3 =	vor.u32 v3, v7;
	v54 =	vpop (erf)  }
0x311: {  	v3 =	vadd.s32 v1, v3;
	v4 =	vmul.f32 v54, v52;
	_ =	sdelay $0x1  }
0x312: {  	v4 =	vadd.f32 v4, v5;
	_ =	sdelay $0x1  }
0x313: {  	[tilespmem:v6+s14+$0x0] =	vst.idx.msk $0xffff, v4  }
0x314: {  	v4 =	vld.idx.msk [tilespmem:v3+s19+$0x0], $0xffff;
	_ =	sdelay $0x2  }
0x315: {  	s20 =	spop (v2sf)  }
0x316: {  	s18 =	sor.u32 $0x2, s18;
	s21 =	sand.u32 $0x7F, s20  }
0x317: {  	v55 =	vmov s18;
	s22 =	sshra.s32 s20, $0x1F;
	p5 =	slt.s32 s20, $0x1;
	p6 =	sne.s32 s21, $0x0;
	v4 =	vmul.f32 $5.000000000e-01, v4  }
0x318: {  	v56 =	vshll.u32 v55, $0x3;
	s18 =	sshrl.u32 s22, $0x19;
	p1 =	por !p5, !p6  }
0x319: {  	s21 =	simm.s32 $0x1;
	s18 =	sadd.s32 s18, s20;
	p1 =	por !p1, !p1;
	v5 =	vand.u32 $0x7E, v55;
	v6 =	vand.u32 $0xC00, v56;
	v4 =	vmul.f32 $1.442695020e+00, v4  }
0x31a: {  	s18 =	sshrl.u32 s18, $0x7;
	s21 =	simm.s32 @!p1 $0x0;
	v5 =	vor.u32 v6, v5  }
0x31b: {  	s18 =	ssub.s32 s21, s18;
	v5 =	vor.u32 v2, v5;
	(erf) = vpow2.f32 v4  }
0x31c: {  	s18 =	sshll.u32 s18, $0x7  }
0x31d: {  	s18 =	sadd.s32 s20, s18  }
0x31e: {  	v57 =	vmov s18  }
0x31f: {  	v4 =	vadd.s32 $0xB80, v57  }
0x320: {  	v58 =	vld.idx.msk [tilespmem:v5+s15+$0x0], $0xffff;
	v4 =	vbroadcast v4, $0x0;
	_ =	sdelay $0x1  }
0x321: {  	v3 =	vld.idx.msk [tilespmem:v3+s17+$0x0], $0xffff;
	v59 =	vshll.u32 v4, $0x3  }
0x322: {  	v4 =	vand.u32 $0x7F, v4;
	v7 =	vand.u32 $0xFFFFFC00, v59  }
0x323: {  	v4 =	vor.u32 v4, v7;
	v60 =	vpop (erf)  }
0x324: {  	v4 =	vadd.s32 v1, v4;
	v6 =	vmul.f32 v60, v58;
	_ =	sdelay $0x1  }
0x325: {  	v3 =	vadd.f32 v6, v3;
	_ =	sdelay $0x1  }
0x326: {  	[tilespmem:v5+s14+$0x0] =	vst.idx.msk $0xffff, v3  }
0x327: {  	v3 =	vld.idx.msk [tilespmem:v4+s19+$0x0], $0xffff;
	_ =	sdelay $0x3  }
0x328: {  	s22 =	sshllo.u32 s11, $0x2  }
0x329: {  	v61 =	vmov s22;
	v3 =	vmul.f32 $5.000000000e-01, v3  }
0x32a: {  	v62 =	vshll.u32 v61, $0x3  }
0x32b: {  	v6 =	vand.u32 $0xC00, v62;
	v5 =	vand.u32 $0x7F, v61;
	v3 =	vmul.f32 $1.442695020e+00, v3  }
0x32c: {  	v5 =	vor.u32 v6, v5  }
0x32d: {  	v5 =	vor.u32 v2, v5;
	(erf) = vpow2.f32 v3;
	_ =	sdelay $0x4  }
0x32e: {  	v3 =	vld.idx.msk [tilespmem:v5+s15+$0x0], $0xffff;
	_ =	sdelay $0x1  }
0x32f: {  	v4 =	vld.idx.msk [tilespmem:v4+s17+$0x0], $0xffff;
	_ =	sdelay $0x1  }
0x330: {  	v63 =	vpop (erf)  }
.Ltmp9:
0x331: {  	v3 =	vmul.f32 v63, v3;
	(pc) =	sbr.rel @p0 .LBB2_11-.Ltmp9, $3  }
0x332: {  	_ = 	snop  }
0x333: {  	v3 =	vadd.f32 v3, v4;
	_ =	sdelay $0x1  }
0x334: {  	[tilespmem:v5+s14+$0x0] =	vst.idx.msk $0xffff, v3  }
.LBB2_10:
0x335: {  	v3 =	vld [tilespmem:s10+$0x10];
	_ =	sdelay $0x4  }
0x336: {  	(v2sf) =	vpush v3, $0x0;
	_ =	sdelay $0xe  }
0x337: {  	s11 =	spop (v2sf);
	(v2sf) =	vpush v3, $0x1  }
0x338: {  	s18 =	sand.u32 $0x7F, s11  }
0x339: {  	s20 =	sshra.s32 s11, $0x1F;
	p2 =	slt.s32 s11, $0x1;
	p1 =	sne.s32 s18, $0x0  }
0x33a: {  	s18 =	sshrl.u32 s20, $0x19;
	p1 =	por !p2, !p1  }
0x33b: {  	s11 =	sadd.s32 s18, s11;
	s18 =	simm.s32 $0x1;
	p1 =	por !p1, !p1  }
0x33c: {  	s11 =	sshrl.u32 s11, $0x7;
	s18 =	simm.s32 @!p1 $0x0  }
0x33d: {  	s11 =	ssub.s32 s11, s18  }
0x33e: {  	s11 =	sshll.u32 s11, $0x7  }
0x33f: {  	s11 =	sand.u32 $0x1FFFFF80, s11  }
0x340: {  	s20 =	simm.s32 $0x8480;
	s21 =	sadd.s32 s1, s11  }
0x341: {  	[tilespmem:s20], [sflag:$0x6] =	stream.linear.gather [hbm4b:s21+s4], $0x400, $0x38;
	[tilespmem:$0x1C680] =	vst v63  }
0x342: {  	s22 =	simm.s32 $0xE480;
	s18 =	sadd.s32 $0xF4280, s21  }
0x343: {  	[tilespmem:s22], [sflag:$0x6] =	stream.linear.gather [hbm4b:s18+s4], $0x400, $0x38;
	[tilespmem:$0x1C680] =	vst v63  }
0x344: {  	s11 =	sadd.s32 s2, s11;
	s20 =	simm.s32 $0x14480  }
0x345: {  	[tilespmem:s20], [sflag:$0xC] =	stream.linear.gather [hbm4b:s11+s4], $0x400, $0x38;
	[tilespmem:$0x1C680] =	vst v63  }
0x346: {  	s21 =	simm.s32 $0x1A480;
	s11 =	sadd.s32 $0xF4280, s11;
	s22 =	spop (v2sf)  }
0x347: {  	(v2sf) =	vpush v3, $0x2;
	[tilespmem:s21], [sflag:$0xC] =	stream.linear.gather [hbm4b:s11+s4], $0x400, $0x38;
	[tilespmem:$0x1C680] =	vst v63  }
0x348: {  	s20 =	sand.u32 $0x7F, s22  }
0x349: {  	s21 =	sshra.s32 s22, $0x1F;
	p6 =	slt.s32 s22, $0x1;
	p5 =	sne.s32 s20, $0x0  }
0x34a: {  	s18 =	sshrl.u32 s21, $0x19;
	p1 =	por !p6, !p5  }
0x34b: {  	s11 =	sadd.s32 s18, s22;
	s18 =	simm.s32 $0x1;
	p1 =	por !p1, !p1  }
0x34c: {  	s11 =	sshrl.u32 s11, $0x7;
	s18 =	simm.s32 @!p1 $0x0  }
0x34d: {  	s11 =	ssub.s32 s11, s18  }
0x34e: {  	s11 =	sshll.u32 s11, $0x7  }
0x34f: {  	s11 =	sand.u32 $0x1FFFFF80, s11  }
0x350: {  	s21 =	simm.s32 $0x8880;
	s22 =	sadd.s32 s1, s11  }
0x351: {  	[tilespmem:s21], [sflag:$0x6] =	stream.linear.gather [hbm4b:s22+s4], $0x400, $0x38;
	[tilespmem:$0x1C680] =	vst v63  }
0x352: {  	s18 =	sadd.s32 $0xF4280, s22;
	s22 =	simm.s32 $0xE880  }
0x353: {  	[tilespmem:s22], [sflag:$0x6] =	stream.linear.gather [hbm4b:s18+s4], $0x400, $0x38;
	[tilespmem:$0x1C680] =	vst v63  }
0x354: {  	s20 =	simm.s32 $0x14880;
	s11 =	sadd.s32 s2, s11  }
0x355: {  	[tilespmem:s20], [sflag:$0xC] =	stream.linear.gather [hbm4b:s11+s4], $0x400, $0x38;
	[tilespmem:$0x1C680] =	vst v63  }
0x356: {  	s21 =	simm.s32 $0x1A880;
	s11 =	sadd.s32 $0xF4280, s11;
	s22 =	spop (v2sf)  }
0x357: {  	(v2sf) =	vpush v3, $0x3;
	[tilespmem:s21], [sflag:$0xC] =	stream.linear.gather [hbm4b:s11+s4], $0x400, $0x38;
	[tilespmem:$0x1C680] =	vst v63  }
0x358: {  	s20 =	sand.u32 $0x7F, s22  }
0x359: {  	s21 =	sshra.s32 s22, $0x1F;
	p4 =	slt.s32 s22, $0x1;
	p3 =	sne.s32 s20, $0x0  }
0x35a: {  	s18 =	sshrl.u32 s21, $0x19;
	p1 =	por !p4, !p3  }
0x35b: {  	s11 =	sadd.s32 s18, s22;
	s18 =	simm.s32 $0x1;
	p1 =	por !p1, !p1  }
0x35c: {  	s11 =	sshrl.u32 s11, $0x7;
	s18 =	simm.s32 @!p1 $0x0  }
0x35d: {  	s11 =	ssub.s32 s11, s18  }
0x35e: {  	s11 =	sshll.u32 s11, $0x7  }
0x35f: {  	s11 =	sand.u32 $0x1FFFFF80, s11  }
0x360: {  	s21 =	simm.s32 $0x8C80;
	s22 =	sadd.s32 s1, s11  }
0x361: {  	[tilespmem:s21], [sflag:$0x6] =	stream.linear.gather [hbm4b:s22+s4], $0x400, $0x38;
	[tilespmem:$0x1C680] =	vst v63  }
0x362: {  	s18 =	sadd.s32 $0xF4280, s22;
	s22 =	simm.s32 $0xEC80  }
0x363: {  	[tilespmem:s22], [sflag:$0x6] =	stream.linear.gather [hbm4b:s18+s4], $0x400, $0x38;
	[tilespmem:$0x1C680] =	vst v63  }
0x364: {  	s20 =	simm.s32 $0x14C80;
	s11 =	sadd.s32 s2, s11  }
0x365: {  	[tilespmem:s20], [sflag:$0xC] =	stream.linear.gather [hbm4b:s11+s4], $0x400, $0x38;
	[tilespmem:$0x1C680] =	vst v63  }
0x366: {  	s21 =	simm.s32 $0x1AC80;
	s11 =	sadd.s32 $0xF4280, s11;
	s22 =	spop (v2sf)  }
0x367: {  	[tilespmem:s21], [sflag:$0xC] =	stream.linear.gather [hbm4b:s11+s4], $0x400, $0x38;
	[tilespmem:$0x1C680] =	vst v63  }
0x368: {  	s20 =	sand.u32 $0x7F, s22  }
0x369: {  	s21 =	sshra.s32 s22, $0x1F;
	p6 =	slt.s32 s22, $0x1;
	p5 =	sne.s32 s20, $0x0  }
0x36a: {  	s18 =	sshrl.u32 s21, $0x19;
	p1 =	por !p6, !p5  }
0x36b: {  	s11 =	sadd.s32 s18, s22;
	s18 =	simm.s32 $0x1;
	p1 =	por !p1, !p1  }
0x36c: {  	s11 =	sshrl.u32 s11, $0x7;
	s18 =	simm.s32 @!p1 $0x0  }
0x36d: {  	s11 =	ssub.s32 s11, s18  }
0x36e: {  	s11 =	sshll.u32 s11, $0x7  }
0x36f: {  	s11 =	sand.u32 $0x1FFFFF80, s11  }
0x370: {  	s21 =	simm.s32 $0x9080;
	s22 =	sadd.s32 s1, s11  }
0x371: {  	[tilespmem:s21], [sflag:$0x6] =	stream.linear.gather [hbm4b:s22+s4], $0x400, $0x38;
	[tilespmem:$0x1C680] =	vst v63  }
0x372: {  	s18 =	sadd.s32 $0xF4280, s22;
	s22 =	simm.s32 $0xF080  }
0x373: {  	[tilespmem:s22], [sflag:$0x6] =	stream.linear.gather [hbm4b:s18+s4], $0x400, $0x38;
	[tilespmem:$0x1C680] =	vst v63  }
0x374: {  	s11 =	sadd.s32 s2, s11;
	s21 =	simm.s32 $0x15080  }
0x375: {  	[tilespmem:s21], [sflag:$0xC] =	stream.linear.gather [hbm4b:s11+s4], $0x400, $0x38;
	[tilespmem:$0x1C680] =	vst v63  }
0x376: {  	s22 =	simm.s32 $0x1B080;
	s11 =	sadd.s32 $0xF4280, s11  }
0x377: {  	[tilespmem:s22], [sflag:$0xC] =	stream.linear.gather [hbm4b:s11+s4], $0x400, $0x38;
	[tilespmem:$0x1C680] =	vst v63  }
.LBB2_11:
0x378: {  	_ =	swait.ge [sflag:s5], $0x2000  }
0x379: {  	[sflag:s5] =	ssyncset.done $0x0  }
0x37a: {  	[sflag:s5] =	ssyncadd.s32 $0xFFFFE000  }
0x37b: {  	_ =	swait.ge [sflag:s7], $0x2000  }
0x37c: {  	[sflag:s7] =	ssyncset.done $0x0  }
0x37d: {  	[sflag:s7] =	ssyncadd.s32 $0xFFFFE000  }
0x37e: {  	v3 =	vld [tilespmem:s10+$0x0];
	_ =	sdelay $0x4  }
0x37f: {  	(v2sf) =	vpush v3, $0x0;
	_ =	sdelay $0xe  }
0x380: {  	s11 =	spop (v2sf)  }
0x381: {  	s18 =	sand.u32 $0x7F, s11  }
0x382: {  	s20 =	sshra.s32 s11, $0x1F;
	p1 =	slt.s32 s11, $0x1;
	p2 =	sne.s32 s18, $0x0  }
0x383: {  	s22 =	sshrl.u32 s20, $0x19;
	p1 =	por !p1, !p2  }
0x384: {  	s20 =	simm.s32 $0x1;
	s18 =	sadd.s32 s22, s11;
	p1 =	por !p1, !p1  }
0x385: {  	s18 =	sshrl.u32 s18, $0x7;
	s20 =	simm.s32 @!p1 $0x0  }
0x386: {  	(v2sf) =	vpush v3, $0x1;
	s18 =	ssub.s32 s20, s18  }
0x387: {  	s18 =	sshll.u32 s18, $0x7  }
0x388: {  	s11 =	sadd.s32 s11, s18  }
0x389: {  	v4 =	vmov s11  }
0x38a: {  	v5 =	vshll.u32 v4, $0x3  }
0x38b: {  	v4 =	vand.u32 $0x7F, v4;
	v5 =	vand.u32 $0xFFFFFC00, v5  }
0x38c: {  	v4 =	vor.u32 v4, v5  }
0x38d: {  	v4 =	vadd.s32 v1, v4;
	_ =	sdelay $0x4  }
0x38e: {  	v45 =	vld.idx.msk [tilespmem:v4+s19+$0x0], $0xffff;
	_ =	sdelay $0x2  }
0x38f: {  	s11 =	spop (v2sf)  }
0x390: {  	s20 =	sand.u32 $0x7F, s11  }
0x391: {  	v6 =	vmov s6;
	s21 =	sshra.s32 s11, $0x1F;
	p5 =	slt.s32 s11, $0x1;
	p6 =	sne.s32 s20, $0x0;
	v5 =	vmul.f32 $5.000000000e-01, v45  }
0x392: {  	v7 =	vshll.u32 v6, $0x3;
	s22 =	sshrl.u32 s21, $0x19;
	p1 =	por !p5, !p6  }
0x393: {  	v6 =	vand.u32 $0x78, v6;
	v7 =	vand.u32 $0x1C00, v7;
	s20 =	simm.s32 $0x1;
	s18 =	sadd.s32 s22, s11;
	p1 =	por !p1, !p1;
	v5 =	vmul.f32 $1.442695020e+00, v5  }
0x394: {  	v6 =	vor.u32 v6, v7;
	s18 =	sshrl.u32 s18, $0x7;
	s20 =	simm.s32 @!p1 $0x0  }
0x395: {  	v6 =	vadd.s32 v2, v6;
	s18 =	ssub.s32 s20, s18;
	(erf) = vpow2.f32 v5  }
0x396: {  	s18 =	sshll.u32 s18, $0x7  }
0x397: {  	s11 =	sadd.s32 s11, s18  }
0x398: {  	(v2sf) =	vpush v3, $0x2;
	v46 =	vmov s11  }
0x399: {  	v5 =	vadd.s32 $0x80, v46  }
0x39a: {  	v47 =	vld.idx.msk [tilespmem:v6+s15+$0x0], $0xffff;
	v5 =	vbroadcast v5, $0x0;
	_ =	sdelay $0x1  }
0x39b: {  	v4 =	vld.idx.msk [tilespmem:v4+s17+$0x0], $0xffff;
	v8 =	vshll.u32 v5, $0x3  }
0x39c: {  	v5 =	vand.u32 $0x7F, v5;
	v8 =	vand.u32 $0xFFFFFC00, v8  }
0x39d: {  	v5 =	vor.u32 v5, v8;
	v48 =	vpop (erf)  }
0x39e: {  	v5 =	vadd.s32 v1, v5;
	v7 =	vmul.f32 v48, v47;
	_ =	sdelay $0x1  }
0x39f: {  	v4 =	vadd.f32 v7, v4;
	_ =	sdelay $0x1  }
0x3a0: {  	[tilespmem:v6+s14+$0x0] =	vst.idx.msk $0xffff, v4  }
0x3a1: {  	v4 =	vld.idx.msk [tilespmem:v5+s19+$0x0], $0xffff;
	_ =	sdelay $0x2  }
0x3a2: {  	s11 =	spop (v2sf)  }
0x3a3: {  	s20 =	sadd.s32 $0x1, s6;
	s21 =	sand.u32 $0x7F, s11  }
0x3a4: {  	v49 =	vmov s20;
	s22 =	sshra.s32 s11, $0x1F;
	p3 =	slt.s32 s11, $0x1;
	p4 =	sne.s32 s21, $0x0;
	v4 =	vmul.f32 $5.000000000e-01, v4  }
0x3a5: {  	v50 =	vshll.u32 v49, $0x3;
	s18 =	sshrl.u32 s22, $0x19;
	p1 =	por !p3, !p4  }
0x3a6: {  	s20 =	simm.s32 $0x1;
	s18 =	sadd.s32 s18, s11;
	p1 =	por !p1, !p1;
	v7 =	vand.u32 $0x1C00, v50;
	v6 =	vand.u32 $0x79, v49;
	v4 =	vmul.f32 $1.442695020e+00, v4  }
0x3a7: {  	s18 =	sshrl.u32 s18, $0x7;
	s20 =	simm.s32 @!p1 $0x0;
	v6 =	vor.u32 v6, v7  }
0x3a8: {  	s18 =	ssub.s32 s20, s18;
	v6 =	vadd.s32 v2, v6;
	(erf) = vpow2.f32 v4  }
0x3a9: {  	s18 =	sshll.u32 s18, $0x7  }
0x3aa: {  	s11 =	sadd.s32 s11, s18  }
0x3ab: {  	(v2sf) =	vpush v3, $0x3;
	v51 =	vmov s11  }
0x3ac: {  	v3 =	vadd.s32 $0x100, v51  }
0x3ad: {  	v3 =	vbroadcast v3, $0x0;
	v52 =	vld.idx.msk [tilespmem:v6+s15+$0x0], $0xffff;
	_ =	sdelay $0x1  }
0x3ae: {  	v5 =	vld.idx.msk [tilespmem:v5+s17+$0x0], $0xffff;
	v53 =	vshll.u32 v3, $0x3  }
0x3af: {  	v3 =	vand.u32 $0x7F, v3;
	v7 =	vand.u32 $0xFFFFFC00, v53  }
0x3b0: {  	v3 =	vor.u32 v3, v7;
	v54 =	vpop (erf)  }
0x3b1: {  	v3 =	vadd.s32 v1, v3;
	v4 =	vmul.f32 v54, v52;
	_ =	sdelay $0x1  }
0x3b2: {  	v4 =	vadd.f32 v4, v5;
	_ =	sdelay $0x1  }
0x3b3: {  	[tilespmem:v6+s14+$0x0] =	vst.idx.msk $0xffff, v4  }
0x3b4: {  	v4 =	vld.idx.msk [tilespmem:v3+s19+$0x0], $0xffff;
	_ =	sdelay $0x2  }
0x3b5: {  	s11 =	spop (v2sf)  }
0x3b6: {  	s21 =	sadd.s32 $0x2, s6;
	s22 =	sand.u32 $0x7F, s11  }
0x3b7: {  	v55 =	vmov s21;
	s21 =	sshra.s32 s11, $0x1F;
	p5 =	slt.s32 s11, $0x1;
	p6 =	sne.s32 s22, $0x0;
	v4 =	vmul.f32 $5.000000000e-01, v4  }
0x3b8: {  	v56 =	vshll.u32 v55, $0x3;
	s18 =	sshrl.u32 s21, $0x19;
	p1 =	por !p5, !p6  }
0x3b9: {  	s20 =	simm.s32 $0x1;
	s18 =	sadd.s32 s18, s11;
	p1 =	por !p1, !p1;
	v5 =	vand.u32 $0x7A, v55;
	v6 =	vand.u32 $0x1C00, v56;
	v4 =	vmul.f32 $1.442695020e+00, v4  }
0x3ba: {  	s18 =	sshrl.u32 s18, $0x7;
	s20 =	simm.s32 @!p1 $0x0;
	v5 =	vor.u32 v5, v6  }
0x3bb: {  	s18 =	ssub.s32 s20, s18;
	v5 =	vadd.s32 v2, v5;
	(erf) = vpow2.f32 v4  }
0x3bc: {  	s18 =	sshll.u32 s18, $0x7  }
0x3bd: {  	s11 =	sadd.s32 s11, s18  }
0x3be: {  	v57 =	vmov s11  }
0x3bf: {  	v4 =	vadd.s32 $0x180, v57  }
0x3c0: {  	v58 =	vld.idx.msk [tilespmem:v5+s15+$0x0], $0xffff;
	v4 =	vbroadcast v4, $0x0;
	_ =	sdelay $0x1  }
0x3c1: {  	v3 =	vld.idx.msk [tilespmem:v3+s17+$0x0], $0xffff;
	v59 =	vshll.u32 v4, $0x3  }
0x3c2: {  	v4 =	vand.u32 $0x7F, v4;
	v7 =	vand.u32 $0xFFFFFC00, v59  }
0x3c3: {  	v4 =	vor.u32 v4, v7;
	v60 =	vpop (erf)  }
0x3c4: {  	v4 =	vadd.s32 v1, v4;
	v6 =	vmul.f32 v60, v58;
	_ =	sdelay $0x1  }
0x3c5: {  	v3 =	vadd.f32 v6, v3;
	_ =	sdelay $0x1  }
0x3c6: {  	[tilespmem:v5+s14+$0x0] =	vst.idx.msk $0xffff, v3  }
0x3c7: {  	v3 =	vld.idx.msk [tilespmem:v4+s19+$0x0], $0xffff;
	_ =	sdelay $0x3  }
0x3c8: {  	s22 =	sadd.s32 $0x3, s6  }
0x3c9: {  	v61 =	vmov s22;
	v3 =	vmul.f32 $5.000000000e-01, v3  }
0x3ca: {  	v62 =	vshll.u32 v61, $0x3  }
0x3cb: {  	v6 =	vand.u32 $0x1C00, v62;
	v5 =	vand.u32 $0x7B, v61;
	v3 =	vmul.f32 $1.442695020e+00, v3  }
0x3cc: {  	v5 =	vor.u32 v5, v6  }
0x3cd: {  	v5 =	vadd.s32 v2, v5;
	(erf) = vpow2.f32 v3;
	_ =	sdelay $0x4  }
0x3ce: {  	v3 =	vld.idx.msk [tilespmem:v5+s15+$0x0], $0xffff;
	_ =	sdelay $0x1  }
0x3cf: {  	v4 =	vld.idx.msk [tilespmem:v4+s17+$0x0], $0xffff;
	_ =	sdelay $0x1  }
0x3d0: {  	v63 =	vpop (erf)  }
.Ltmp10:
0x3d1: {  	v3 =	vmul.f32 v63, v3;
	(pc) =	sbr.rel @p0 .LBB2_13-.Ltmp10, $3  }
0x3d2: {  	_ = 	snop  }
0x3d3: {  	v3 =	vadd.f32 v3, v4;
	_ =	sdelay $0x1  }
0x3d4: {  	[tilespmem:v5+s14+$0x0] =	vst.idx.msk $0xffff, v3  }
0x3d5: {  	v3 =	vld [tilespmem:s10+$0x14];
	_ =	sdelay $0x4  }
0x3d6: {  	(v2sf) =	vpush v3, $0x0;
	_ =	sdelay $0xe  }
0x3d7: {  	s11 =	spop (v2sf);
	(v2sf) =	vpush v3, $0x1  }
0x3d8: {  	s18 =	sand.u32 $0x7F, s11  }
0x3d9: {  	s20 =	sshra.s32 s11, $0x1F;
	p1 =	slt.s32 s11, $0x1;
	p0 =	sne.s32 s18, $0x0  }
0x3da: {  	s18 =	sshrl.u32 s20, $0x19;
	p0 =	por !p1, !p0  }
0x3db: {  	s11 =	sadd.s32 s18, s11;
	s18 =	simm.s32 $0x1;
	p0 =	por !p0, !p0  }
0x3dc: {  	s11 =	sshrl.u32 s11, $0x7;
	s18 =	simm.s32 @!p0 $0x0  }
0x3dd: {  	s11 =	ssub.s32 s11, s18  }
0x3de: {  	s11 =	sshll.u32 s11, $0x7  }
0x3df: {  	s11 =	sand.u32 $0x1FFFFF80, s11  }
0x3e0: {  	s20 =	simm.s32 $0x9480;
	s21 =	sadd.s32 s1, s11  }
0x3e1: {  	[tilespmem:s20], [sflag:$0x7] =	stream.linear.gather [hbm4b:s21+s4], $0x400, $0x38;
	[tilespmem:$0x1C680] =	vst v63  }
0x3e2: {  	s22 =	simm.s32 $0xF480;
	s18 =	sadd.s32 $0xF4280, s21  }
0x3e3: {  	[tilespmem:s22], [sflag:$0x7] =	stream.linear.gather [hbm4b:s18+s4], $0x400, $0x38;
	[tilespmem:$0x1C680] =	vst v63  }
0x3e4: {  	s11 =	sadd.s32 s2, s11;
	s20 =	simm.s32 $0x15480  }
0x3e5: {  	[tilespmem:s20], [sflag:$0xD] =	stream.linear.gather [hbm4b:s11+s4], $0x400, $0x38;
	[tilespmem:$0x1C680] =	vst v63  }
0x3e6: {  	s21 =	simm.s32 $0x1B480;
	s11 =	sadd.s32 $0xF4280, s11;
	s22 =	spop (v2sf)  }
0x3e7: {  	(v2sf) =	vpush v3, $0x2;
	[tilespmem:s21], [sflag:$0xD] =	stream.linear.gather [hbm4b:s11+s4], $0x400, $0x38;
	[tilespmem:$0x1C680] =	vst v63  }
0x3e8: {  	s20 =	sand.u32 $0x7F, s22  }
0x3e9: {  	s21 =	sshra.s32 s22, $0x1F;
	p2 =	slt.s32 s22, $0x1;
	p1 =	sne.s32 s20, $0x0  }
0x3ea: {  	s18 =	sshrl.u32 s21, $0x19;
	p0 =	por !p2, !p1  }
0x3eb: {  	s11 =	sadd.s32 s18, s22;
	s18 =	simm.s32 $0x1;
	p0 =	por !p0, !p0  }
0x3ec: {  	s11 =	sshrl.u32 s11, $0x7;
	s18 =	simm.s32 @!p0 $0x0  }
0x3ed: {  	s11 =	ssub.s32 s11, s18  }
0x3ee: {  	s11 =	sshll.u32 s11, $0x7  }
0x3ef: {  	s11 =	sand.u32 $0x1FFFFF80, s11  }
0x3f0: {  	s21 =	simm.s32 $0x9880;
	s22 =	sadd.s32 s1, s11  }
0x3f1: {  	[tilespmem:s21], [sflag:$0x7] =	stream.linear.gather [hbm4b:s22+s4], $0x400, $0x38;
	[tilespmem:$0x1C680] =	vst v63  }
0x3f2: {  	s18 =	sadd.s32 $0xF4280, s22;
	s22 =	simm.s32 $0xF880  }
0x3f3: {  	[tilespmem:s22], [sflag:$0x7] =	stream.linear.gather [hbm4b:s18+s4], $0x400, $0x38;
	[tilespmem:$0x1C680] =	vst v63  }
0x3f4: {  	s20 =	simm.s32 $0x15880;
	s11 =	sadd.s32 s2, s11  }
0x3f5: {  	[tilespmem:s20], [sflag:$0xD] =	stream.linear.gather [hbm4b:s11+s4], $0x400, $0x38;
	[tilespmem:$0x1C680] =	vst v63  }
0x3f6: {  	s21 =	simm.s32 $0x1B880;
	s11 =	sadd.s32 $0xF4280, s11;
	s22 =	spop (v2sf)  }
0x3f7: {  	(v2sf) =	vpush v3, $0x3;
	[tilespmem:s21], [sflag:$0xD] =	stream.linear.gather [hbm4b:s11+s4], $0x400, $0x38;
	[tilespmem:$0x1C680] =	vst v63  }
0x3f8: {  	s20 =	sand.u32 $0x7F, s22  }
0x3f9: {  	s21 =	sshra.s32 s22, $0x1F;
	p4 =	slt.s32 s22, $0x1;
	p3 =	sne.s32 s20, $0x0  }
0x3fa: {  	s18 =	sshrl.u32 s21, $0x19;
	p0 =	por !p4, !p3  }
0x3fb: {  	s11 =	sadd.s32 s18, s22;
	s18 =	simm.s32 $0x1;
	p0 =	por !p0, !p0  }
0x3fc: {  	s11 =	sshrl.u32 s11, $0x7;
	s18 =	simm.s32 @!p0 $0x0  }
0x3fd: {  	s11 =	ssub.s32 s11, s18  }
0x3fe: {  	s11 =	sshll.u32 s11, $0x7  }
0x3ff: {  	s11 =	sand.u32 $0x1FFFFF80, s11  }
0x400: {  	s21 =	simm.s32 $0x9C80;
	s22 =	sadd.s32 s1, s11  }
0x401: {  	[tilespmem:s21], [sflag:$0x7] =	stream.linear.gather [hbm4b:s22+s4], $0x400, $0x38;
	[tilespmem:$0x1C680] =	vst v63  }
0x402: {  	s18 =	sadd.s32 $0xF4280, s22;
	s22 =	simm.s32 $0xFC80  }
0x403: {  	[tilespmem:s22], [sflag:$0x7] =	stream.linear.gather [hbm4b:s18+s4], $0x400, $0x38;
	[tilespmem:$0x1C680] =	vst v63  }
0x404: {  	s20 =	simm.s32 $0x15C80;
	s11 =	sadd.s32 s2, s11  }
0x405: {  	[tilespmem:s20], [sflag:$0xD] =	stream.linear.gather [hbm4b:s11+s4], $0x400, $0x38;
	[tilespmem:$0x1C680] =	vst v63  }
0x406: {  	s21 =	simm.s32 $0x1BC80;
	s11 =	sadd.s32 $0xF4280, s11;
	s22 =	spop (v2sf)  }
0x407: {  	[tilespmem:s21], [sflag:$0xD] =	stream.linear.gather [hbm4b:s11+s4], $0x400, $0x38;
	[tilespmem:$0x1C680] =	vst v63  }
0x408: {  	s20 =	sand.u32 $0x7F, s22  }
0x409: {  	s21 =	sshra.s32 s22, $0x1F;
	p6 =	slt.s32 s22, $0x1;
	p5 =	sne.s32 s20, $0x0  }
0x40a: {  	s18 =	sshrl.u32 s21, $0x19;
	p0 =	por !p6, !p5  }
0x40b: {  	s11 =	sadd.s32 s18, s22;
	s18 =	simm.s32 $0x1;
	p0 =	por !p0, !p0  }
0x40c: {  	s11 =	sshrl.u32 s11, $0x7;
	s18 =	simm.s32 @!p0 $0x0  }
0x40d: {  	s11 =	ssub.s32 s11, s18  }
0x40e: {  	s11 =	sshll.u32 s11, $0x7  }
0x40f: {  	s11 =	sand.u32 $0x1FFFFF80, s11  }
0x410: {  	s21 =	simm.s32 $0xA080;
	s22 =	sadd.s32 s1, s11  }
0x411: {  	[tilespmem:s21], [sflag:$0x7] =	stream.linear.gather [hbm4b:s22+s4], $0x400, $0x38;
	[tilespmem:$0x1C680] =	vst v63  }
0x412: {  	s18 =	sadd.s32 $0xF4280, s22;
	s22 =	simm.s32 $0x10080  }
0x413: {  	[tilespmem:s22], [sflag:$0x7] =	stream.linear.gather [hbm4b:s18+s4], $0x400, $0x38;
	[tilespmem:$0x1C680] =	vst v63  }
.Ltmp11:
0x414: {  	_ = 	snop;
	(pc) =	sbr.rel .LBB2_13-.Ltmp11, $4  }
0x415: {  	s11 =	sadd.s32 s2, s11;
	s21 =	simm.s32 $0x16080  }
0x416: {  	[tilespmem:s21], [sflag:$0xD] =	stream.linear.gather [hbm4b:s11+s4], $0x400, $0x38;
	[tilespmem:$0x1C680] =	vst v63  }
0x417: {  	s22 =	simm.s32 $0x1C080;
	s11 =	sadd.s32 $0xF4280, s11  }
0x418: {  	[tilespmem:s22], [sflag:$0xD] =	stream.linear.gather [hbm4b:s11+s4], $0x400, $0x38;
	[tilespmem:$0x1C680] =	vst v63  }
.LBB2_15:
0x419: {  	_ =	sfence.sel $0x180000  }
0x41a: {  	[bflag:$0x0] =	sbarrier.arrive $0xFFFF  }
0x41b: {  	_ =	strace $0x90000047  }
0x41c: {  	s0 =	stileid.u32;
	[bflag:$0x2] =	sbarrier.arrive $0xFFFF  }
0x41d: {  	p0 =	sne.s32 s0, $0x0;
	s0 =	rddreg [dreg:$0x7]  }
0x41e: {  	s0 =	sadd.s32 @!p0 $0x100000, s0  }
0x41f: {  	[sflag:s0] =	ssyncadd.tile.s32 @!p0 $0x1;
	_ =	shalt  }
.Lfunc_end2:
_tile_overlayer_lowered:
.L_overlay_start_2:
0x420: {  	(tag) =	ssettag $0x2  }
0x421: {  	s0 =	rddreg [dreg:$0x0];
	s2 =	stileid.u32  }
0x422: {  	s1 =	rddreg [dreg:$0x1];
	p0 =	sne.s32 s2, $0x0  }
0x423: {  	s3 =	rddreg [dreg:$0x2];
	[bflag:$0x3] =	sbarrier.arrive $0xFFFF;
	s2 =	simm.s32 @!p0 $0x1C0E  }
0x424: {  	[timem:s3], [sflag:s2] =	dma.local @!p0 [hbm:s0], s1  }
0x425: {  	s0 =	simm.s32 @!p0 $0xE  }
0x426: {  	_ =	swait.ge @!p0 [sflag:s0], s1  }
0x427: {  	s1 =	ssub.s32 @!p0 $0x0, s1;
	[sflag:s0] =	ssyncset.done @!p0 $0x0  }
0x428: {  	[sflag:s0] =	ssyncadd.s32 @!p0 s1  }
0x429: {  	[bflag:$0x3] =	sbarrier.arrive $0xFFFF  }
0x42a: {  	_ =	shalt  }

</sc_bundles>
